<compile_context>
chip_gen: v7x
topology: tpu7x:2x2x1
jax: 0.10.2.dev20260603
libtpu: 0.0.44.dev20260713+nightly
codegen_flags: <defaults>
</compile_context>

<pallas_src>
import functools

import jax
import jax.numpy as jnp
from jax import lax
from jax.experimental import pallas as pl
from jax.experimental.pallas import tpu as pltpu
from jax.experimental.pallas import tpu_sc as plsc

B, N, K, D = 4, 4096, 16, 128
BN = B * N
BNK = B * N * K
NW = 32
ROWS_PW = BNK // NW
CH2 = 128
NCH = ROWS_PW // CH2
NPAIR = NCH // 2
PB = 1024
SQRT_MAGIC = 0x1FBD1DF5


def _tc_body(xyz_ref, f_ref, w_ref, b_ref, t_ref, g0_ref):
    w = w_ref[...]
    wa = w[0:3] - w[6:9]
    wc = w[3:6] + w[6:9]
    bb = b_ref[...]
    zpad = jnp.zeros((13, D), jnp.float32)
    wa16 = jnp.concatenate([wa, zpad], axis=0)
    wc16 = jnp.concatenate([wc, zpad], axis=0)

    cen = xyz_ref[...]
    dn = (((1,), (0,)), ((), ()))
    g1 = lax.dot_general(cen, wc16, dn, precision=lax.Precision.HIGHEST)
    g0 = lax.dot_general(cen, wa16, dn, precision=lax.Precision.HIGHEST) + bb
    t_ref[:, 0:D] = g1
    t_ref[:, D:2 * D] = f_ref[...]
    g0_ref[...] = g0


def _tc_tables(xyz16, feat2d, W, b2d):
    grid = (BN // PB,)
    return pl.pallas_call(
        _tc_body,
        grid=grid,
        in_specs=[
            pl.BlockSpec((PB, 16), lambda i: (i, 0)),
            pl.BlockSpec((PB, D), lambda i: (i, 0)),
            pl.BlockSpec((10, D), lambda i: (0, 0)),
            pl.BlockSpec((1, D), lambda i: (0, 0)),
        ],
        out_specs=[
            pl.BlockSpec((PB, 2 * D), lambda i: (i, 0)),
            pl.BlockSpec((PB, D), lambda i: (i, 0)),
        ],
        out_shape=[
            jax.ShapeDtypeStruct((BN, 2 * D), jnp.float32),
            jax.ShapeDtypeStruct((BN, D), jnp.float32),
        ],
    )(xyz16, feat2d, W, b2d)


def _sqrt16(x):
    i = plsc.bitcast(x, jnp.int32)
    y = plsc.bitcast((i >> 1) + SQRT_MAGIC, jnp.float32)
    y = 0.5 * (y + x / y)
    y = 0.5 * (y + x / y)
    return y


def _sc_fuse_body(t_hbm, g0_hbm, w9_hbm, tx_hbm, ty_hbm, tz_hbm, gidx_hbm,
                  out_hbm,
                  txv, tyv, tzv, idxa, idxb, tba, tbb, g0b, nrmt, w9v,
                  sem_i, sem_ta, sem_tb, sem_oa, sem_ob):
    wid = lax.axis_index("s") * 2 + lax.axis_index("c")
    base0 = wid * ROWS_PW
    pltpu.sync_copy(tx_hbm, txv)
    pltpu.sync_copy(ty_hbm, tyv)
    pltpu.sync_copy(tz_hbm, tzv)
    pltpu.sync_copy(w9_hbm, w9v)
    w9r = [w9v[pl.ds(l * 16, 16)] for l in range(8)]

    def fuse_chunk(chunk_base, idxv, tbuf):
        g0_off = pl.multiple_of(chunk_base // K, CH2 // K)
        pltpu.sync_copy(g0_hbm.at[pl.ds(g0_off, CH2 // K)], g0b)

        def point(i, c):
            v = idxv[pl.ds(i * K, 16)]
            pxv = plsc.load_gather(txv, [v])
            pyv = plsc.load_gather(tyv, [v])
            pzv = plsc.load_gather(tzv, [v])
            csp = jnp.full((16,), g0_off + i, jnp.int32)
            cxv = plsc.load_gather(txv, [csp])
            cyv = plsc.load_gather(tyv, [csp])
            czv = plsc.load_gather(tzv, [csp])
            dx = pxv - cxv
            dy = pyv - cyv
            dz = pzv - czv
            norm16 = _sqrt16(dx * dx + dy * dy + dz * dz)
            g0r = [g0b[i, pl.ds(l * 16, 16)] for l in range(8)]
            for jj in range(K):
                r = i * K + jj
                nb = lax.gather(
                    norm16, jnp.full((16, 1), jj, jnp.int32),
                    lax.GatherDimensionNumbers(
                        offset_dims=(), collapsed_slice_dims=(0,),
                        start_index_map=(0,)),
                    (1,), mode=lax.GatherScatterMode.PROMISE_IN_BOUNDS)
                for l in range(8):
                    s = pl.ds(l * 16, 16)
                    val = tbuf[r, s] + g0r[l] + nb * w9r[l]
                    tbuf[r, s] = jnp.maximum(val, 0.0)
            return c

        lax.fori_loop(0, CH2 // K, point, 0)

    pltpu.async_copy(gidx_hbm.at[pl.ds(base0, CH2)], idxa, sem_i).wait()
    pltpu.async_copy(t_hbm.at[idxa], tba, sem_ta)
    pltpu.async_copy(gidx_hbm.at[pl.ds(base0 + CH2, CH2)], idxb, sem_i).wait()
    pltpu.async_copy(t_hbm.at[idxb], tbb, sem_tb)

    def pair(jj, carry):
        b0 = base0 + (2 * jj) * CH2
        b1 = b0 + CH2
        pltpu.make_async_copy(t_hbm.at[idxa], tba, sem_ta).wait()
        fuse_chunk(b0, idxa, tba)
        pltpu.async_copy(tba, out_hbm.at[pl.ds(b0, CH2)], sem_oa)
        pltpu.make_async_copy(t_hbm.at[idxb], tbb, sem_tb).wait()
        fuse_chunk(b1, idxb, tbb)
        pltpu.async_copy(tbb, out_hbm.at[pl.ds(b1, CH2)], sem_ob)

        @pl.when(jj + 1 < NPAIR)
        def _():
            b2 = b1 + CH2
            b3 = b2 + CH2
            pltpu.async_copy(gidx_hbm.at[pl.ds(b2, CH2)], idxa, sem_i).wait()
            pltpu.make_async_copy(tba, out_hbm.at[pl.ds(b0, CH2)],
                                  sem_oa).wait()
            pltpu.async_copy(t_hbm.at[idxa], tba, sem_ta)
            pltpu.async_copy(gidx_hbm.at[pl.ds(b3, CH2)], idxb, sem_i).wait()
            pltpu.make_async_copy(tbb, out_hbm.at[pl.ds(b1, CH2)],
                                  sem_ob).wait()
            pltpu.async_copy(t_hbm.at[idxb], tbb, sem_tb)

        return carry

    lax.fori_loop(0, NPAIR, pair, 0)
    pltpu.make_async_copy(tba, out_hbm.at[pl.ds(base0, CH2)], sem_oa).wait()
    pltpu.make_async_copy(tbb, out_hbm.at[pl.ds(base0, CH2)], sem_ob).wait()


def _sc_fuse(t_tab, g0_tab, w9, tx, ty, tz, gidx):
    mesh = plsc.VectorSubcoreMesh(core_axis_name="c", subcore_axis_name="s")
    fn = functools.partial(
        pl.kernel,
        mesh=mesh,
        compiler_params=pltpu.CompilerParams(needs_layout_passes=False),
        out_type=jax.ShapeDtypeStruct((BNK, 2 * D), jnp.float32),
        scratch_types=[
            pltpu.VMEM((BN,), jnp.float32),
            pltpu.VMEM((BN,), jnp.float32),
            pltpu.VMEM((BN,), jnp.float32),
            pltpu.VMEM((CH2,), jnp.int32),
            pltpu.VMEM((CH2,), jnp.int32),
            pltpu.VMEM((CH2, 2 * D), jnp.float32),
            pltpu.VMEM((CH2, 2 * D), jnp.float32),
            pltpu.VMEM((CH2 // K, D), jnp.float32),
            pltpu.VMEM((16,), jnp.float32),
            pltpu.VMEM((D,), jnp.float32),
            pltpu.SemaphoreType.DMA,
            pltpu.SemaphoreType.DMA,
            pltpu.SemaphoreType.DMA,
            pltpu.SemaphoreType.DMA,
            pltpu.SemaphoreType.DMA,
        ],
    )(_sc_fuse_body)
    return fn(t_tab, g0_tab, w9, tx, ty, tz, gidx)


def kernel(xyz, feat, idx, W, b):
    xyz2 = xyz.reshape(BN, 3)
    xyz16 = jnp.pad(xyz2, ((0, 0), (0, 13)))
    tx = xyz2[:, 0]
    ty = xyz2[:, 1]
    tz = xyz2[:, 2]
    feat2d = feat.reshape(BN, D)
    gidx = (idx + (jnp.arange(B, dtype=idx.dtype) * N)[:, None, None])
    gidx = gidx.reshape(BNK)
    t_tab, g0_tab = _tc_tables(xyz16, feat2d, W, b.reshape(1, D))
    out = _sc_fuse(t_tab, g0_tab, W[9], tx, ty, tz, gidx)
    return out.reshape(B, N, K, 2 * D)

# --- scband reference (transcript-rebuilt; emitter-appended) ---
"""Pipeline reference for scband-loc-se-26053271617606 (READ-ONLY COPY).

The authoritative reference and input builder live on the scoring server;
editing this copy changes nothing except your own understanding.
"""

import jax, jax.numpy as jnp
import numpy as np

B, N, K, D_IN = 4, 4096, 16, 128

def setup_inputs(seed: int = 0) -> dict:
    key = jax.random.key(seed)
    k1, k2, k3, k4 = jax.random.split(key, 4)
    xyz = jax.random.normal(k1, (B, N, 3), dtype=jnp.float32)
    feat = jax.random.normal(k2, (B, N, D_IN), dtype=jnp.float32)
    idx = jax.random.randint(k3, (B, N, K), 0, N)
    # SharedMLP(10, d_in) == 1x1 conv == linear 10 -> d_in
    W = jax.random.normal(k4, (10, D_IN), dtype=jnp.float32) * (1.0 / np.sqrt(10.0))
    b = jnp.zeros((D_IN,), dtype=jnp.float32)
    return {"xyz": xyz, "feat": feat, "idx": idx, "W": W, "b": b}

def reference(xyz, feat, idx, W, b):
    Bb, Nn, Kk = idx.shape
    d_in = feat.shape[-1]
    idx_flat = idx.reshape(Bb, Nn * Kk)
    # gather neighbor coordinates: (B, N, K, 3)
    p = jnp.take_along_axis(xyz, idx_flat[:, :, None], axis=1).reshape(Bb, Nn, Kk, 3)
    # gather neighbor features: (B, N, K, d_in)
    f = jnp.take_along_axis(feat, idx_flat[:, :, None], axis=1).reshape(Bb, Nn, Kk, d_in)
    # relative positional encoding (center, neighbor, diff, norm) -> 10 dims
    center = jnp.broadcast_to(xyz[:, :, None, :], p.shape)
    diff = p - center
    norm = jnp.linalg.norm(diff, axis=-1, keepdims=True)
    enc = jnp.concatenate([center, p, diff, norm], axis=-1)  # (B, N, K, 10)
    r = jax.nn.relu(jnp.einsum('bnkc,cd->bnkd', enc, W) + b)  # (B, N, K, d_in)
    F = jnp.concatenate([r, f], axis=3)  # (B, N, K, 2*d_in)
    return F

if __name__ == "__main__":
    import jax
    _d = setup_inputs()
    print(jax.jit(kernel)(*tuple(_d.values())))

</pallas_src>

<mosaic_0001>
#map = affine_map<(d0, d1) -> (0, 0)>
#map1 = affine_map<(d0, d1) -> (0)>
module attributes {stable_mosaic.version = 14 : i64} {
  func.func @_sc_fuse_body(%arg0: i32, %arg1: i32, %arg2: memref<16384x256xf32, #tpu.memory_space<hbm>>, %arg3: memref<16384x128xf32, #tpu.memory_space<hbm>>, %arg4: memref<128xf32, #tpu.memory_space<hbm>>, %arg5: memref<16384xf32, #tpu.memory_space<hbm>>, %arg6: memref<16384xf32, #tpu.memory_space<hbm>>, %arg7: memref<16384xf32, #tpu.memory_space<hbm>>, %arg8: memref<262144xi32, #tpu.memory_space<hbm>>, %arg9: memref<262144x256xf32, #tpu.memory_space<hbm>>, %arg10: memref<16384xf32, #tpu.memory_space<vmem>>, %arg11: memref<16384xf32, #tpu.memory_space<vmem>>, %arg12: memref<16384xf32, #tpu.memory_space<vmem>>, %arg13: memref<128xi32, #tpu.memory_space<vmem>>, %arg14: memref<128xi32, #tpu.memory_space<vmem>>, %arg15: memref<128x256xf32, #tpu.memory_space<vmem>>, %arg16: memref<128x256xf32, #tpu.memory_space<vmem>>, %arg17: memref<8x128xf32, #tpu.memory_space<vmem>>, %arg18: memref<16xf32, #tpu.memory_space<vmem>>, %arg19: memref<128xf32, #tpu.memory_space<vmem>>, %arg20: memref<!tpu.dma_semaphore, #tpu.memory_space<semaphore_mem>>, %arg21: memref<!tpu.dma_semaphore, #tpu.memory_space<semaphore_mem>>, %arg22: memref<!tpu.dma_semaphore, #tpu.memory_space<semaphore_mem>>, %arg23: memref<!tpu.dma_semaphore, #tpu.memory_space<semaphore_mem>>, %arg24: memref<!tpu.dma_semaphore, #tpu.memory_space<semaphore_mem>>) attributes {dimension_semantics = [#tpu.dimension_semantics<core_parallel>, #tpu.dimension_semantics<subcore_parallel>], iteration_bounds = array<i64: 2, 16>, scalar_prefetch = 0 : i64, scratch_operands = 15 : i64, tpu.core_type = #tpu.core_type<sc_vector_subcore>, window_params = [{transform_indices = #map}, {transform_indices = #map}, {transform_indices = #map1}, {transform_indices = #map1}, {transform_indices = #map1}, {transform_indices = #map1}, {transform_indices = #map1}, {transform_indices = #map}]} {
    %mul3A = arith.constant 2 : i32
    %mul3A_0 = arith.muli %arg1, %mul3A : i32
    %add3A = arith.addi %mul3A_0, %arg0 : i32
    %mul3A_1 = arith.constant 8192 : i32
    %mul3A_2 = arith.muli %add3A, %mul3A_1 : i32
    "tpu.region"() ({
      %run_scoped3A = tpu.sem_alloc : memref<!tpu.dma_semaphore, #tpu.memory_space<semaphore_mem>>
      tpu.enqueue_dma source(%arg5 : memref<16384xf32, #tpu.memory_space<hbm>>) target(%arg10 : memref<16384xf32, #tpu.memory_space<vmem>>) target_semaphore(%run_scoped3A : memref<!tpu.dma_semaphore, #tpu.memory_space<semaphore_mem>>)
      tpu.wait_dma2 semaphore(%run_scoped3A : memref<!tpu.dma_semaphore, #tpu.memory_space<semaphore_mem>>) src(%arg5 : memref<16384xf32, #tpu.memory_space<hbm>>) dst(%arg10 : memref<16384xf32, #tpu.memory_space<vmem>>)
      tpu.yield
    }) : () -> ()
    "tpu.region"() ({
      %run_scoped3A = tpu.sem_alloc : memref<!tpu.dma_semaphore, #tpu.memory_space<semaphore_mem>>
      tpu.enqueue_dma source(%arg6 : memref<16384xf32, #tpu.memory_space<hbm>>) target(%arg11 : memref<16384xf32, #tpu.memory_space<vmem>>) target_semaphore(%run_scoped3A : memref<!tpu.dma_semaphore, #tpu.memory_space<semaphore_mem>>)
      tpu.wait_dma2 semaphore(%run_scoped3A : memref<!tpu.dma_semaphore, #tpu.memory_space<semaphore_mem>>) src(%arg6 : memref<16384xf32, #tpu.memory_space<hbm>>) dst(%arg11 : memref<16384xf32, #tpu.memory_space<vmem>>)
      tpu.yield
    }) : () -> ()
    "tpu.region"() ({
      %run_scoped3A = tpu.sem_alloc : memref<!tpu.dma_semaphore, #tpu.memory_space<semaphore_mem>>
      tpu.enqueue_dma source(%arg7 : memref<16384xf32, #tpu.memory_space<hbm>>) target(%arg12 : memref<16384xf32, #tpu.memory_space<vmem>>) target_semaphore(%run_scoped3A : memref<!tpu.dma_semaphore, #tpu.memory_space<semaphore_mem>>)
      tpu.wait_dma2 semaphore(%run_scoped3A : memref<!tpu.dma_semaphore, #tpu.memory_space<semaphore_mem>>) src(%arg7 : memref<16384xf32, #tpu.memory_space<hbm>>) dst(%arg12 : memref<16384xf32, #tpu.memory_space<vmem>>)
      tpu.yield
    }) : () -> ()
    "tpu.region"() ({
      %run_scoped3A = tpu.sem_alloc : memref<!tpu.dma_semaphore, #tpu.memory_space<semaphore_mem>>
      tpu.enqueue_dma source(%arg4 : memref<128xf32, #tpu.memory_space<hbm>>) target(%arg19 : memref<128xf32, #tpu.memory_space<vmem>>) target_semaphore(%run_scoped3A : memref<!tpu.dma_semaphore, #tpu.memory_space<semaphore_mem>>)
      tpu.wait_dma2 semaphore(%run_scoped3A : memref<!tpu.dma_semaphore, #tpu.memory_space<semaphore_mem>>) src(%arg4 : memref<128xf32, #tpu.memory_space<hbm>>) dst(%arg19 : memref<128xf32, #tpu.memory_space<vmem>>)
      tpu.yield
    }) : () -> ()
    %get3A = arith.constant 0 : index
    %get3A_3 = tpu.vector_load %arg19[%get3A] {strides = array<i32>} : memref<128xf32, #tpu.memory_space<vmem>>, vector<16xf32>,
    %get3A_4 = arith.constant 16 : index
    %get3A_5 = tpu.vector_load %arg19[%get3A_4] {strides = array<i32>} : memref<128xf32, #tpu.memory_space<vmem>>, vector<16xf32>,
    %get3A_6 = arith.constant 32 : index
    %get3A_7 = tpu.vector_load %arg19[%get3A_6] {strides = array<i32>} : memref<128xf32, #tpu.memory_space<vmem>>, vector<16xf32>,
    %get3A_8 = arith.constant 48 : index
    %get3A_9 = tpu.vector_load %arg19[%get3A_8] {strides = array<i32>} : memref<128xf32, #tpu.memory_space<vmem>>, vector<16xf32>,
    %get3A_10 = arith.constant 64 : index
    %get3A_11 = tpu.vector_load %arg19[%get3A_10] {strides = array<i32>} : memref<128xf32, #tpu.memory_space<vmem>>, vector<16xf32>,
    %get3A_12 = arith.constant 80 : index
    %get3A_13 = tpu.vector_load %arg19[%get3A_12] {strides = array<i32>} : memref<128xf32, #tpu.memory_space<vmem>>, vector<16xf32>,
    %get3A_14 = arith.constant 96 : index
    %get3A_15 = tpu.vector_load %arg19[%get3A_14] {strides = array<i32>} : memref<128xf32, #tpu.memory_space<vmem>>, vector<16xf32>,
    %get3A_16 = arith.constant 112 : index
    %get3A_17 = tpu.vector_load %arg19[%get3A_16] {strides = array<i32>} : memref<128xf32, #tpu.memory_space<vmem>>, vector<16xf32>,
    %dma_start3A = tpu.memref_slice %arg8[%mul3A_2] : memref<262144xi32, #tpu.memory_space<hbm>> -> memref<128xi32, #tpu.memory_space<hbm>>
    %dma_start3A_18 = tpu.memref_slice %arg8[%mul3A_2] : memref<262144xi32, #tpu.memory_space<hbm>> -> memref<128xi32, #tpu.memory_space<hbm>>
    tpu.enqueue_dma source(%dma_start3A_18 : memref<128xi32, #tpu.memory_space<hbm>>) target(%arg13 : memref<128xi32, #tpu.memory_space<vmem>>) target_semaphore(%arg20 : memref<!tpu.dma_semaphore, #tpu.memory_space<semaphore_mem>>)
    %dma_wait3A = tpu.memref_slice %arg8[%mul3A_2] : memref<262144xi32, #tpu.memory_space<hbm>> -> memref<128xi32, #tpu.memory_space<hbm>>
    %dma_wait3A_19 = tpu.memref_slice %arg8[%mul3A_2] : memref<262144xi32, #tpu.memory_space<hbm>> -> memref<128xi32, #tpu.memory_space<hbm>>
    tpu.wait_dma2 semaphore(%arg20 : memref<!tpu.dma_semaphore, #tpu.memory_space<semaphore_mem>>) src(%dma_wait3A_19 : memref<128xi32, #tpu.memory_space<hbm>>) dst(%arg13 : memref<128xi32, #tpu.memory_space<vmem>>)
    %dma_start3A_20 = arith.constant 0 : i32
    %dma_start3A_21 = arith.constant 0 : i32
    %dma_start3A_22 = tpu.memref_slice %arg2[%dma_start3A_20, %dma_start3A_21] : memref<16384x256xf32, #tpu.memory_space<hbm>> -> memref<16384x256xf32, #tpu.memory_space<hbm>>
    tpu.enqueue_indirect_dma source(%dma_start3A_22 : memref<16384x256xf32, #tpu.memory_space<hbm>>) target(%arg15 : memref<128x256xf32, #tpu.memory_space<vmem>>) offsets(%arg13 : memref<128xi32, #tpu.memory_space<vmem>>) semaphore(%arg21 : memref<!tpu.dma_semaphore, #tpu.memory_space<semaphore_mem>>)
    %add3A_23 = arith.constant 128 : i32
    %add3A_24 = arith.addi %mul3A_2, %add3A_23 : i32
    %dma_start3A_25 = tpu.memref_slice %arg8[%add3A_24] : memref<262144xi32, #tpu.memory_space<hbm>> -> memref<128xi32, #tpu.memory_space<hbm>>
    %dma_start3A_26 = tpu.memref_slice %arg8[%add3A_24] : memref<262144xi32, #tpu.memory_space<hbm>> -> memref<128xi32, #tpu.memory_space<hbm>>
    tpu.enqueue_dma source(%dma_start3A_26 : memref<128xi32, #tpu.memory_space<hbm>>) target(%arg14 : memref<128xi32, #tpu.memory_space<vmem>>) target_semaphore(%arg20 : memref<!tpu.dma_semaphore, #tpu.memory_space<semaphore_mem>>)
    %dma_wait3A_27 = tpu.memref_slice %arg8[%add3A_24] : memref<262144xi32, #tpu.memory_space<hbm>> -> memref<128xi32, #tpu.memory_space<hbm>>
    %dma_wait3A_28 = tpu.memref_slice %arg8[%add3A_24] : memref<262144xi32, #tpu.memory_space<hbm>> -> memref<128xi32, #tpu.memory_space<hbm>>
    tpu.wait_dma2 semaphore(%arg20 : memref<!tpu.dma_semaphore, #tpu.memory_space<semaphore_mem>>) src(%dma_wait3A_28 : memref<128xi32, #tpu.memory_space<hbm>>) dst(%arg14 : memref<128xi32, #tpu.memory_space<vmem>>)
    %dma_start3A_29 = arith.constant 0 : i32
    %dma_start3A_30 = arith.constant 0 : i32
    %dma_start3A_31 = tpu.memref_slice %arg2[%dma_start3A_29, %dma_start3A_30] : memref<16384x256xf32, #tpu.memory_space<hbm>> -> memref<16384x256xf32, #tpu.memory_space<hbm>>
    tpu.enqueue_indirect_dma source(%dma_start3A_31 : memref<16384x256xf32, #tpu.memory_space<hbm>>) target(%arg16 : memref<128x256xf32, #tpu.memory_space<vmem>>) offsets(%arg14 : memref<128xi32, #tpu.memory_space<vmem>>) semaphore(%arg22 : memref<!tpu.dma_semaphore, #tpu.memory_space<semaphore_mem>>)
    %scan3A = arith.constant 0 : i32
    %scan3A_32 = arith.constant 0 : i32
    %scan3A_33 = arith.constant 32 : i32
    %scan3A_34 = arith.addi %scan3A_32, %scan3A_33 : i32
    %scan3A_35 = arith.constant 1 : i32
    scf.for %scan3A_45 = %scan3A_32 to %scan3A_34 step %scan3A_35  : i32 {
      %mul3A_46 = arith.constant 2 : i32
      %mul3A_47 = arith.muli %mul3A_46, %scan3A_45 : i32
      %mul3A_48 = arith.constant 128 : i32
      %mul3A_49 = arith.muli %mul3A_47, %mul3A_48 : i32
      %add3A_50 = arith.addi %mul3A_2, %mul3A_49 : i32
      %add3A_51 = arith.constant 128 : i32
      %add3A_52 = arith.addi %add3A_50, %add3A_51 : i32
      %dma_wait3A_53 = arith.constant 0 : i32
      %dma_wait3A_54 = arith.constant 0 : i32
      %dma_wait3A_55 = tpu.memref_slice %arg2[%dma_wait3A_53, %dma_wait3A_54] : memref<16384x256xf32, #tpu.memory_space<hbm>> -> memref<16384x256xf32, #tpu.memory_space<hbm>>
      tpu.wait_indirect_dma semaphore(%arg21 : memref<!tpu.dma_semaphore, #tpu.memory_space<semaphore_mem>>) src(%dma_wait3A_55 : memref<16384x256xf32, #tpu.memory_space<hbm>>) dst(%arg15 : memref<128x256xf32, #tpu.memory_space<vmem>>)
      %jit3A = arith.constant 16 : i32
      %div3A = arith.divsi %add3A_50, %jit3A : i32
      %sign3A = arith.constant 0 : i32
      %sign3A_56 = arith.cmpi sgt, %add3A_50, %sign3A : i32
      %sign3A_57 = arith.extui %sign3A_56 : i1 to i32
      %sign3A_58 = arith.constant 0 : i32
      %sign3A_59 = arith.cmpi slt, %add3A_50, %sign3A_58 : i32
      %sign3A_60 = arith.extui %sign3A_59 : i1 to i32
      %sign3A_61 = arith.subi %sign3A_57, %sign3A_60 : i32
      %sign3A_62 = arith.constant 0 : i32
      %sign3A_63 = arith.cmpi sgt, %jit3A, %sign3A_62 : i32
      %sign3A_64 = arith.extui %sign3A_63 : i1 to i32
      %sign3A_65 = arith.constant 0 : i32
      %sign3A_66 = arith.cmpi slt, %jit3A, %sign3A_65 : i32
      %sign3A_67 = arith.extui %sign3A_66 : i1 to i32
      %sign3A_68 = arith.subi %sign3A_64, %sign3A_67 : i32
      %ne3A = arith.cmpi ne, %sign3A_61, %sign3A_68 : i32
      %rem3A = arith.remsi %add3A_50, %jit3A : i32
      %ne3A_69 = arith.constant 0 : i32
      %ne3A_70 = arith.cmpi ne, %rem3A, %ne3A_69 : i32
      %and3A = arith.andi %ne3A, %ne3A_70 : i1
      %sub3A = arith.constant 1 : i32
      %sub3A_71 = arith.subi %div3A, %sub3A : i32
      %select_n3A = arith.select %and3A, %sub3A_71, %div3A : i32
      %multiple_of3A = tpu.assume_multiple %select_n3A, 8 : i32
      "tpu.region"() ({
        %run_scoped3A = tpu.sem_alloc : memref<!tpu.dma_semaphore, #tpu.memory_space<semaphore_mem>>
        %dma_start3A_124 = arith.constant 0 : i32
        %dma_start3A_125 = tpu.memref_slice %arg3[%multiple_of3A, %dma_start3A_124] : memref<16384x128xf32, #tpu.memory_space<hbm>> -> memref<8x128xf32, #tpu.memory_space<hbm>>
        %dma_start3A_126 = arith.constant 0 : i32
        %dma_start3A_127 = tpu.memref_slice %arg3[%multiple_of3A, %dma_start3A_126] : memref<16384x128xf32, #tpu.memory_space<hbm>> -> memref<8x128xf32, #tpu.memory_space<hbm>>
        tpu.enqueue_dma source(%dma_start3A_127 : memref<8x128xf32, #tpu.memory_space<hbm>>) target(%arg17 : memref<8x128xf32, #tpu.memory_space<vmem>>) target_semaphore(%run_scoped3A : memref<!tpu.dma_semaphore, #tpu.memory_space<semaphore_mem>>)
        %dma_wait3A_128 = arith.constant 0 : i32
        %dma_wait3A_129 = tpu.memref_slice %arg3[%multiple_of3A, %dma_wait3A_128] : memref<16384x128xf32, #tpu.memory_space<hbm>> -> memref<8x128xf32, #tpu.memory_space<hbm>>
        %dma_wait3A_130 = arith.constant 0 : i32
        %dma_wait3A_131 = tpu.memref_slice %arg3[%multiple_of3A, %dma_wait3A_130] : memref<16384x128xf32, #tpu.memory_space<hbm>> -> memref<8x128xf32, #tpu.memory_space<hbm>>
        tpu.wait_dma2 semaphore(%run_scoped3A : memref<!tpu.dma_semaphore, #tpu.memory_space<semaphore_mem>>) src(%dma_wait3A_131 : memref<8x128xf32, #tpu.memory_space<hbm>>) dst(%arg17 : memref<8x128xf32, #tpu.memory_space<vmem>>)
        tpu.yield
      }) : () -> ()
      %scan3A_72 = arith.constant 0 : i32
      %scan3A_73 = arith.constant 0 : i32
      %scan3A_74 = arith.constant 8 : i32
      %scan3A_75 = arith.addi %scan3A_73, %scan3A_74 : i32
      %scan3A_76 = arith.constant 1 : i32
      scf.for %scan3A_124 = %scan3A_73 to %scan3A_75 step %scan3A_76  : i32 {
        %mul3A_125 = arith.constant 16 : i32
        %mul3A_126 = arith.muli %scan3A_124, %mul3A_125 : i32
        %get3A_127 = arith.index_cast %mul3A_126 : i32 to index
        %get3A_128 = tpu.vector_load %arg13[%get3A_127] {strides = array<i32>} : memref<128xi32, #tpu.memory_space<vmem>>, vector<16xi32>,
        %gather3A = tpu.vector_load_idx %arg10[%get3A_128] : memref<16384xf32, #tpu.memory_space<vmem>>[vector<16xi32>], vector<16xf32>,
        %gather3A_129 = tpu.vector_load_idx %arg11[%get3A_128] : memref<16384xf32, #tpu.memory_space<vmem>>[vector<16xi32>], vector<16xf32>,
        %gather3A_130 = tpu.vector_load_idx %arg12[%get3A_128] : memref<16384xf32, #tpu.memory_space<vmem>>[vector<16xi32>], vector<16xf32>,
        %add3A_131 = arith.addi %multiple_of3A, %scan3A_124 : i32
        %broadcast_in_dim3A = vector.broadcast %add3A_131 : i32 to vector<16xi32>
        %gather3A_132 = tpu.vector_load_idx %arg10[%broadcast_in_dim3A] : memref<16384xf32, #tpu.memory_space<vmem>>[vector<16xi32>], vector<16xf32>,
        %gather3A_133 = tpu.vector_load_idx %arg11[%broadcast_in_dim3A] : memref<16384xf32, #tpu.memory_space<vmem>>[vector<16xi32>], vector<16xf32>,
        %gather3A_134 = tpu.vector_load_idx %arg12[%broadcast_in_dim3A] : memref<16384xf32, #tpu.memory_space<vmem>>[vector<16xi32>], vector<16xf32>,
        %sub3A_135 = arith.subf %gather3A, %gather3A_132 : vector<16xf32>
        %sub3A_136 = arith.subf %gather3A_129, %gather3A_133 : vector<16xf32>
        %sub3A_137 = arith.subf %gather3A_130, %gather3A_134 : vector<16xf32>
        %mul3A_138 = arith.mulf %sub3A_135, %sub3A_135 : vector<16xf32>
        %mul3A_139 = arith.mulf %sub3A_136, %sub3A_136 : vector<16xf32>
        %add3A_140 = arith.addf %mul3A_138, %mul3A_139 : vector<16xf32>
        %mul3A_141 = arith.mulf %sub3A_137, %sub3A_137 : vector<16xf32>
        %add3A_142 = arith.addf %add3A_140, %mul3A_141 : vector<16xf32>
        %bitcast3A = vector.bitcast %add3A_142 : vector<16xf32> to vector<16xi32>
        %shift_right_arithmetic3A = arith.constant 1 : i32
        %shift_right_arithmetic3A_143 = vector.broadcast %shift_right_arithmetic3A : i32 to vector<16xi32>
        %shift_right_arithmetic3A_144 = arith.shrsi %bitcast3A, %shift_right_arithmetic3A_143 : vector<16xi32>
        %add3A_145 = arith.constant 532487669 : i32
        %add3A_146 = vector.broadcast %add3A_145 : i32 to vector<16xi32>
        %add3A_147 = arith.addi %shift_right_arithmetic3A_144, %add3A_146 : vector<16xi32>
        %bitcast3A_148 = vector.bitcast %add3A_147 : vector<16xi32> to vector<16xf32>
        %div3A_149 = arith.divf %add3A_142, %bitcast3A_148 : vector<16xf32>
        %add3A_150 = arith.addf %bitcast3A_148, %div3A_149 : vector<16xf32>
        %mul3A_151 = arith.constant 5.000000e-01 : f32
        %mul3A_152 = vector.broadcast %mul3A_151 : f32 to vector<16xf32>
        %mul3A_153 = arith.mulf %mul3A_152, %add3A_150 : vector<16xf32>
        %div3A_154 = arith.divf %add3A_142, %mul3A_153 : vector<16xf32>
        %add3A_155 = arith.addf %mul3A_153, %div3A_154 : vector<16xf32>
        %mul3A_156 = arith.constant 5.000000e-01 : f32
        %mul3A_157 = vector.broadcast %mul3A_156 : f32 to vector<16xf32>
        %mul3A_158 = arith.mulf %mul3A_157, %add3A_155 : vector<16xf32>
        %get3A_159 = arith.index_cast %scan3A_124 : i32 to index
        %get3A_160 = arith.constant 0 : index
        %get3A_161 = tpu.vector_load %arg17[%get3A_159, %get3A_160] {strides = array<i32>} : memref<8x128xf32, #tpu.memory_space<vmem>>, vector<16xf32>,
        %get3A_162 = arith.index_cast %scan3A_124 : i32 to index
        %get3A_163 = arith.constant 16 : index
        %get3A_164 = tpu.vector_load %arg17[%get3A_162, %get3A_163] {strides = array<i32>} : memref<8x128xf32, #tpu.memory_space<vmem>>, vector<16xf32>,
        %get3A_165 = arith.index_cast %scan3A_124 : i32 to index
        %get3A_166 = arith.constant 32 : index
        %get3A_167 = tpu.vector_load %arg17[%get3A_165, %get3A_166] {strides = array<i32>} : memref<8x128xf32, #tpu.memory_space<vmem>>, vector<16xf32>,
        %get3A_168 = arith.index_cast %scan3A_124 : i32 to index
        %get3A_169 = arith.constant 48 : index
        %get3A_170 = tpu.vector_load %arg17[%get3A_168, %get3A_169] {strides = array<i32>} : memref<8x128xf32, #tpu.memory_space<vmem>>, vector<16xf32>,
        %get3A_171 = arith.index_cast %scan3A_124 : i32 to index
        %get3A_172 = arith.constant 64 : index
        %get3A_173 = tpu.vector_load %arg17[%get3A_171, %get3A_172] {strides = array<i32>} : memref<8x128xf32, #tpu.memory_space<vmem>>, vector<16xf32>,
        %get3A_174 = arith.index_cast %scan3A_124 : i32 to index
        %get3A_175 = arith.constant 80 : index
        %get3A_176 = tpu.vector_load %arg17[%get3A_174, %get3A_175] {strides = array<i32>} : memref<8x128xf32, #tpu.memory_space<vmem>>, vector<16xf32>,
        %get3A_177 = arith.index_cast %scan3A_124 : i32 to index
        %get3A_178 = arith.constant 96 : index
        %get3A_179 = tpu.vector_load %arg17[%get3A_177, %get3A_178] {strides = array<i32>} : memref<8x128xf32, #tpu.memory_space<vmem>>, vector<16xf32>,
        %get3A_180 = arith.index_cast %scan3A_124 : i32 to index
        %get3A_181 = arith.constant 112 : index
        %get3A_182 = tpu.vector_load %arg17[%get3A_180, %get3A_181] {strides = array<i32>} : memref<8x128xf32, #tpu.memory_space<vmem>>, vector<16xf32>,
        %mul3A_183 = arith.constant 16 : i32
        %mul3A_184 = arith.muli %scan3A_124, %mul3A_183 : i32
        %add3A_185 = arith.constant 0 : i32
        %add3A_186 = arith.addi %mul3A_184, %add3A_185 : i32
        %broadcast_in_dim3A_187 = arith.constant 0 : i32
        %broadcast_in_dim3A_188 = vector.broadcast %broadcast_in_dim3A_187 : i32 to vector<16x1xi32>
        %gather3A_189 = vector.shape_cast %broadcast_in_dim3A_188 : vector<16x1xi32> to vector<16xi32>
        %gather3A_190 = tpu.dynamic_gather %mul3A_158[%gather3A_189] in [0] : vector<16xf32>, vector<16xi32> -> vector<16xf32>
        %get3A_191 = arith.index_cast %add3A_186 : i32 to index
        %get3A_192 = arith.constant 0 : index
        %get3A_193 = tpu.vector_load %arg15[%get3A_191, %get3A_192] {strides = array<i32>} : memref<128x256xf32, #tpu.memory_space<vmem>>, vector<16xf32>,
        %add3A_194 = arith.addf %get3A_193, %get3A_161 : vector<16xf32>
        %mul3A_195 = arith.mulf %gather3A_190, %get3A_3 : vector<16xf32>
        %add3A_196 = arith.addf %add3A_194, %mul3A_195 : vector<16xf32>
        %max3A = arith.constant 0.000000e+00 : f32
        %max3A_197 = vector.broadcast %max3A : f32 to vector<16xf32>
        %max3A_198 = arith.maximumf %add3A_196, %max3A_197 : vector<16xf32>
        %swap3A = arith.index_cast %add3A_186 : i32 to index
        %swap3A_199 = arith.constant 0 : index
        %swap3A_200 = tpu.vector_load %arg15[%swap3A, %swap3A_199] {strides = array<i32>} : memref<128x256xf32, #tpu.memory_space<vmem>>, vector<16xf32>,
        tpu.vector_store %arg15[%swap3A, %swap3A_199], %max3A_198 {strides = array<i32>} : memref<128x256xf32, #tpu.memory_space<vmem>>, vector<16xf32>,
        %get3A_201 = arith.index_cast %add3A_186 : i32 to index
        %get3A_202 = arith.constant 16 : index
        %get3A_203 = tpu.vector_load %arg15[%get3A_201, %get3A_202] {strides = array<i32>} : memref<128x256xf32, #tpu.memory_space<vmem>>, vector<16xf32>,
        %add3A_204 = arith.addf %get3A_203, %get3A_164 : vector<16xf32>
        %mul3A_205 = arith.mulf %gather3A_190, %get3A_5 : vector<16xf32>
        %add3A_206 = arith.addf %add3A_204, %mul3A_205 : vector<16xf32>
        %max3A_207 = arith.constant 0.000000e+00 : f32
        %max3A_208 = vector.broadcast %max3A_207 : f32 to vector<16xf32>
        %max3A_209 = arith.maximumf %add3A_206, %max3A_208 : vector<16xf32>
        %swap3A_210 = arith.index_cast %add3A_186 : i32 to index
        %swap3A_211 = arith.constant 16 : index
        %swap3A_212 = tpu.vector_load %arg15[%swap3A_210, %swap3A_211] {strides = array<i32>} : memref<128x256xf32, #tpu.memory_space<vmem>>, vector<16xf32>,
        tpu.vector_store %arg15[%swap3A_210, %swap3A_211], %max3A_209 {strides = array<i32>} : memref<128x256xf32, #tpu.memory_space<vmem>>, vector<16xf32>,
        %get3A_213 = arith.index_cast %add3A_186 : i32 to index
        %get3A_214 = arith.constant 32 : index
        %get3A_215 = tpu.vector_load %arg15[%get3A_213, %get3A_214] {strides = array<i32>} : memref<128x256xf32, #tpu.memory_space<vmem>>, vector<16xf32>,
        %add3A_216 = arith.addf %get3A_215, %get3A_167 : vector<16xf32>
        %mul3A_217 = arith.mulf %gather3A_190, %get3A_7 : vector<16xf32>
        %add3A_218 = arith.addf %add3A_216, %mul3A_217 : vector<16xf32>
        %max3A_219 = arith.constant 0.000000e+00 : f32
        %max3A_220 = vector.broadcast %max3A_219 : f32 to vector<16xf32>
        %max3A_221 = arith.maximumf %add3A_218, %max3A_220 : vector<16xf32>
        %swap3A_222 = arith.index_cast %add3A_186 : i32 to index
        %swap3A_223 = arith.constant 32 : index
        %swap3A_224 = tpu.vector_load %arg15[%swap3A_222, %swap3A_223] {strides = array<i32>} : memref<128x256xf32, #tpu.memory_space<vmem>>, vector<16xf32>,
        tpu.vector_store %arg15[%swap3A_222, %swap3A_223], %max3A_221 {strides = array<i32>} : memref<128x256xf32, #tpu.memory_space<vmem>>, vector<16xf32>,
        %get3A_225 = arith.index_cast %add3A_186 : i32 to index
        %get3A_226 = arith.constant 48 : index
        %get3A_227 = tpu.vector_load %arg15[%get3A_225, %get3A_226] {strides = array<i32>} : memref<128x256xf32, #tpu.memory_space<vmem>>, vector<16xf32>,
        %add3A_228 = arith.addf %get3A_227, %get3A_170 : vector<16xf32>
        %mul3A_229 = arith.mulf %gather3A_190, %get3A_9 : vector<16xf32>
        %add3A_230 = arith.addf %add3A_228, %mul3A_229 : vector<16xf32>
        %max3A_231 = arith.constant 0.000000e+00 : f32
        %max3A_232 = vector.broadcast %max3A_231 : f32 to vector<16xf32>
        %max3A_233 = arith.maximumf %add3A_230, %max3A_232 : vector<16xf32>
        %swap3A_234 = arith.index_cast %add3A_186 : i32 to index
        %swap3A_235 = arith.constant 48 : index
        %swap3A_236 = tpu.vector_load %arg15[%swap3A_234, %swap3A_235] {strides = array<i32>} : memref<128x256xf32, #tpu.memory_space<vmem>>, vector<16xf32>,
        tpu.vector_store %arg15[%swap3A_234, %swap3A_235], %max3A_233 {strides = array<i32>} : memref<128x256xf32, #tpu.memory_space<vmem>>, vector<16xf32>,
        %get3A_237 = arith.index_cast %add3A_186 : i32 to index
        %get3A_238 = arith.constant 64 : index
        %get3A_239 = tpu.vector_load %arg15[%get3A_237, %get3A_238] {strides = array<i32>} : memref<128x256xf32, #tpu.memory_space<vmem>>, vector<16xf32>,
        %add3A_240 = arith.addf %get3A_239, %get3A_173 : vector<16xf32>
        %mul3A_241 = arith.mulf %gather3A_190, %get3A_11 : vector<16xf32>
        %add3A_242 = arith.addf %add3A_240, %mul3A_241 : vector<16xf32>
        %max3A_243 = arith.constant 0.000000e+00 : f32
        %max3A_244 = vector.broadcast %max3A_243 : f32 to vector<16xf32>
        %max3A_245 = arith.maximumf %add3A_242, %max3A_244 : vector<16xf32>
        %swap3A_246 = arith.index_cast %add3A_186 : i32 to index
        %swap3A_247 = arith.constant 64 : index
        %swap3A_248 = tpu.vector_load %arg15[%swap3A_246, %swap3A_247] {strides = array<i32>} : memref<128x256xf32, #tpu.memory_space<vmem>>, vector<16xf32>,
        tpu.vector_store %arg15[%swap3A_246, %swap3A_247], %max3A_245 {strides = array<i32>} : memref<128x256xf32, #tpu.memory_space<vmem>>, vector<16xf32>,
        %get3A_249 = arith.index_cast %add3A_186 : i32 to index
        %get3A_250 = arith.constant 80 : index
        %get3A_251 = tpu.vector_load %arg15[%get3A_249, %get3A_250] {strides = array<i32>} : memref<128x256xf32, #tpu.memory_space<vmem>>, vector<16xf32>,
        %add3A_252 = arith.addf %get3A_251, %get3A_176 : vector<16xf32>
        %mul3A_253 = arith.mulf %gather3A_190, %get3A_13 : vector<16xf32>
        %add3A_254 = arith.addf %add3A_252, %mul3A_253 : vector<16xf32>
        %max3A_255 = arith.constant 0.000000e+00 : f32
        %max3A_256 = vector.broadcast %max3A_255 : f32 to vector<16xf32>
        %max3A_257 = arith.maximumf %add3A_254, %max3A_256 : vector<16xf32>
        %swap3A_258 = arith.index_cast %add3A_186 : i32 to index
        %swap3A_259 = arith.constant 80 : index
        %swap3A_260 = tpu.vector_load %arg15[%swap3A_258, %swap3A_259] {strides = array<i32>} : memref<128x256xf32, #tpu.memory_space<vmem>>, vector<16xf32>,
        tpu.vector_store %arg15[%swap3A_258, %swap3A_259], %max3A_257 {strides = array<i32>} : memref<128x256xf32, #tpu.memory_space<vmem>>, vector<16xf32>,
        %get3A_261 = arith.index_cast %add3A_186 : i32 to index
        %get3A_262 = arith.constant 96 : index
        %get3A_263 = tpu.vector_load %arg15[%get3A_261, %get3A_262] {strides = array<i32>} : memref<128x256xf32, #tpu.memory_space<vmem>>, vector<16xf32>,
        %add3A_264 = arith.addf %get3A_263, %get3A_179 : vector<16xf32>
        %mul3A_265 = arith.mulf %gather3A_190, %get3A_15 : vector<16xf32>
        %add3A_266 = arith.addf %add3A_264, %mul3A_265 : vector<16xf32>
        %max3A_267 = arith.constant 0.000000e+00 : f32
        %max3A_268 = vector.broadcast %max3A_267 : f32 to vector<16xf32>
        %max3A_269 = arith.maximumf %add3A_266, %max3A_268 : vector<16xf32>
        %swap3A_270 = arith.index_cast %add3A_186 : i32 to index
        %swap3A_271 = arith.constant 96 : index
        %swap3A_272 = tpu.vector_load %arg15[%swap3A_270, %swap3A_271] {strides = array<i32>} : memref<128x256xf32, #tpu.memory_space<vmem>>, vector<16xf32>,
        tpu.vector_store %arg15[%swap3A_270, %swap3A_271], %max3A_269 {strides = array<i32>} : memref<128x256xf32, #tpu.memory_space<vmem>>, vector<16xf32>,
        %get3A_273 = arith.index_cast %add3A_186 : i32 to index
        %get3A_274 = arith.constant 112 : index
        %get3A_275 = tpu.vector_load %arg15[%get3A_273, %get3A_274] {strides = array<i32>} : memref<128x256xf32, #tpu.memory_space<vmem>>, vector<16xf32>,
        %add3A_276 = arith.addf %get3A_275, %get3A_182 : vector<16xf32>
        %mul3A_277 = arith.mulf %gather3A_190, %get3A_17 : vector<16xf32>
        %add3A_278 = arith.addf %add3A_276, %mul3A_277 : vector<16xf32>
        %max3A_279 = arith.constant 0.000000e+00 : f32
        %max3A_280 = vector.broadcast %max3A_279 : f32 to vector<16xf32>
        %max3A_281 = arith.maximumf %add3A_278, %max3A_280 : vector<16xf32>
        %swap3A_282 = arith.index_cast %add3A_186 : i32 to index
        %swap3A_283 = arith.constant 112 : index
        %swap3A_284 = tpu.vector_load %arg15[%swap3A_282, %swap3A_283] {strides = array<i32>} : memref<128x256xf32, #tpu.memory_space<vmem>>, vector<16xf32>,
        tpu.vector_store %arg15[%swap3A_282, %swap3A_283], %max3A_281 {strides = array<i32>} : memref<128x256xf32, #tpu.memory_space<vmem>>, vector<16xf32>,
        %mul3A_285 = arith.constant 16 : i32
        %mul3A_286 = arith.muli %scan3A_124, %mul3A_285 : i32
        %add3A_287 = arith.constant 1 : i32
        %add3A_288 = arith.addi %mul3A_286, %add3A_287 : i32
        %broadcast_in_dim3A_289 = arith.constant 1 : i32
        %broadcast_in_dim3A_290 = vector.broadcast %broadcast_in_dim3A_289 : i32 to vector<16x1xi32>
        %gather3A_291 = vector.shape_cast %broadcast_in_dim3A_290 : vector<16x1xi32> to vector<16xi32>
        %gather3A_292 = tpu.dynamic_gather %mul3A_158[%gather3A_291] in [0] : vector<16xf32>, vector<16xi32> -> vector<16xf32>
        %get3A_293 = arith.index_cast %add3A_288 : i32 to index
        %get3A_294 = arith.constant 0 : index
        %get3A_295 = tpu.vector_load %arg15[%get3A_293, %get3A_294] {strides = array<i32>} : memref<128x256xf32, #tpu.memory_space<vmem>>, vector<16xf32>,
        %add3A_296 = arith.addf %get3A_295, %get3A_161 : vector<16xf32>
        %mul3A_297 = arith.mulf %gather3A_292, %get3A_3 : vector<16xf32>
        %add3A_298 = arith.addf %add3A_296, %mul3A_297 : vector<16xf32>
        %max3A_299 = arith.constant 0.000000e+00 : f32
        %max3A_300 = vector.broadcast %max3A_299 : f32 to vector<16xf32>
        %max3A_301 = arith.maximumf %add3A_298, %max3A_300 : vector<16xf32>
        %swap3A_302 = arith.index_cast %add3A_288 : i32 to index
        %swap3A_303 = arith.constant 0 : index
        %swap3A_304 = tpu.vector_load %arg15[%swap3A_302, %swap3A_303] {strides = array<i32>} : memref<128x256xf32, #tpu.memory_space<vmem>>, vector<16xf32>,
        tpu.vector_store %arg15[%swap3A_302, %swap3A_303], %max3A_301 {strides = array<i32>} : memref<128x256xf32, #tpu.memory_space<vmem>>, vector<16xf32>,
        %get3A_305 = arith.index_cast %add3A_288 : i32 to index
        %get3A_306 = arith.constant 16 : index
        %get3A_307 = tpu.vector_load %arg15[%get3A_305, %get3A_306] {strides = array<i32>} : memref<128x256xf32, #tpu.memory_space<vmem>>, vector<16xf32>,
        %add3A_308 = arith.addf %get3A_307, %get3A_164 : vector<16xf32>
        %mul3A_309 = arith.mulf %gather3A_292, %get3A_5 : vector<16xf32>
        %add3A_310 = arith.addf %add3A_308, %mul3A_309 : vector<16xf32>
        %max3A_311 = arith.constant 0.000000e+00 : f32
        %max3A_312 = vector.broadcast %max3A_311 : f32 to vector<16xf32>
        %max3A_313 = arith.maximumf %add3A_310, %max3A_312 : vector<16xf32>
        %swap3A_314 = arith.index_cast %add3A_288 : i32 to index
        %swap3A_315 = arith.constant 16 : index
        %swap3A_316 = tpu.vector_load %arg15[%swap3A_314, %swap3A_315] {strides = array<i32>} : memref<128x256xf32, #tpu.memory_space<vmem>>, vector<16xf32>,
        tpu.vector_store %arg15[%swap3A_314, %swap3A_315], %max3A_313 {strides = array<i32>} : memref<128x256xf32, #tpu.memory_space<vmem>>, vector<16xf32>,
        %get3A_317 = arith.index_cast %add3A_288 : i32 to index
        %get3A_318 = arith.constant 32 : index
        %get3A_319 = tpu.vector_load %arg15[%get3A_317, %get3A_318] {strides = array<i32>} : memref<128x256xf32, #tpu.memory_space<vmem>>, vector<16xf32>,
        %add3A_320 = arith.addf %get3A_319, %get3A_167 : vector<16xf32>
        %mul3A_321 = arith.mulf %gather3A_292, %get3A_7 : vector<16xf32>
        %add3A_322 = arith.addf %add3A_320, %mul3A_321 : vector<16xf32>
        %max3A_323 = arith.constant 0.000000e+00 : f32
        %max3A_324 = vector.broadcast %max3A_323 : f32 to vector<16xf32>
        %max3A_325 = arith.maximumf %add3A_322, %max3A_324 : vector<16xf32>
        %swap3A_326 = arith.index_cast %add3A_288 : i32 to index
        %swap3A_327 = arith.constant 32 : index
        %swap3A_328 = tpu.vector_load %arg15[%swap3A_326, %swap3A_327] {strides = array<i32>} : memref<128x256xf32, #tpu.memory_space<vmem>>, vector<16xf32>,
        tpu.vector_store %arg15[%swap3A_326, %swap3A_327], %max3A_325 {strides = array<i32>} : memref<128x256xf32, #tpu.memory_space<vmem>>, vector<16xf32>,
        %get3A_329 = arith.index_cast %add3A_288 : i32 to index
        %get3A_330 = arith.constant 48 : index
        %get3A_331 = tpu.vector_load %arg15[%get3A_329, %get3A_330] {strides = array<i32>} : memref<128x256xf32, #tpu.memory_space<vmem>>, vector<16xf32>,
        %add3A_332 = arith.addf %get3A_331, %get3A_170 : vector<16xf32>
        %mul3A_333 = arith.mulf %gather3A_292, %get3A_9 : vector<16xf32>
        %add3A_334 = arith.addf %add3A_332, %mul3A_333 : vector<16xf32>
        %max3A_335 = arith.constant 0.000000e+00 : f32
        %max3A_336 = vector.broadcast %max3A_335 : f32 to vector<16xf32>
        %max3A_337 = arith.maximumf %add3A_334, %max3A_336 : vector<16xf32>
        %swap3A_338 = arith.index_cast %add3A_288 : i32 to index
        %swap3A_339 = arith.constant 48 : index
        %swap3A_340 = tpu.vector_load %arg15[%swap3A_338, %swap3A_339] {strides = array<i32>} : memref<128x256xf32, #tpu.memory_space<vmem>>, vector<16xf32>,
        tpu.vector_store %arg15[%swap3A_338, %swap3A_339], %max3A_337 {strides = array<i32>} : memref<128x256xf32, #tpu.memory_space<vmem>>, vector<16xf32>,
        %get3A_341 = arith.index_cast %add3A_288 : i32 to index
        %get3A_342 = arith.constant 64 : index
        %get3A_343 = tpu.vector_load %arg15[%get3A_341, %get3A_342] {strides = array<i32>} : memref<128x256xf32, #tpu.memory_space<vmem>>, vector<16xf32>,
        %add3A_344 = arith.addf %get3A_343, %get3A_173 : vector<16xf32>
        %mul3A_345 = arith.mulf %gather3A_292, %get3A_11 : vector<16xf32>
        %add3A_346 = arith.addf %add3A_344, %mul3A_345 : vector<16xf32>
        %max3A_347 = arith.constant 0.000000e+00 : f32
        %max3A_348 = vector.broadcast %max3A_347 : f32 to vector<16xf32>
        %max3A_349 = arith.maximumf %add3A_346, %max3A_348 : vector<16xf32>
        %swap3A_350 = arith.index_cast %add3A_288 : i32 to index
        %swap3A_351 = arith.constant 64 : index
        %swap3A_352 = tpu.vector_load %arg15[%swap3A_350, %swap3A_351] {strides = array<i32>} : memref<128x256xf32, #tpu.memory_space<vmem>>, vector<16xf32>,
        tpu.vector_store %arg15[%swap3A_350, %swap3A_351], %max3A_349 {strides = array<i32>} : memref<128x256xf32, #tpu.memory_space<vmem>>, vector<16xf32>,
        %get3A_353 = arith.index_cast %add3A_288 : i32 to index
        %get3A_354 = arith.constant 80 : index
        %get3A_355 = tpu.vector_load %arg15[%get3A_353, %get3A_354] {strides = array<i32>} : memref<128x256xf32, #tpu.memory_space<vmem>>, vector<16xf32>,
        %add3A_356 = arith.addf %get3A_355, %get3A_176 : vector<16xf32>
        %mul3A_357 = arith.mulf %gather3A_292, %get3A_13 : vector<16xf32>
        %add3A_358 = arith.addf %add3A_356, %mul3A_357 : vector<16xf32>
        %max3A_359 = arith.constant 0.000000e+00 : f32
        %max3A_360 = vector.broadcast %max3A_359 : f32 to vector<16xf32>
        %max3A_361 = arith.maximumf %add3A_358, %max3A_360 : vector<16xf32>
        %swap3A_362 = arith.index_cast %add3A_288 : i32 to index
        %swap3A_363 = arith.constant 80 : index
        %swap3A_364 = tpu.vector_load %arg15[%swap3A_362, %swap3A_363] {strides = array<i32>} : memref<128x256xf32, #tpu.memory_space<vmem>>, vector<16xf32>,
        tpu.vector_store %arg15[%swap3A_362, %swap3A_363], %max3A_361 {strides = array<i32>} : memref<128x256xf32, #tpu.memory_space<vmem>>, vector<16xf32>,
        %get3A_365 = arith.index_cast %add3A_288 : i32 to index
        %get3A_366 = arith.constant 96 : index
        %get3A_367 = tpu.vector_load %arg15[%get3A_365, %get3A_366] {strides = array<i32>} : memref<128x256xf32, #tpu.memory_space<vmem>>, vector<16xf32>,
        %add3A_368 = arith.addf %get3A_367, %get3A_179 : vector<16xf32>
        %mul3A_369 = arith.mulf %gather3A_292, %get3A_15 : vector<16xf32>
        %add3A_370 = arith.addf %add3A_368, %mul3A_369 : vector<16xf32>
        %max3A_371 = arith.constant 0.000000e+00 : f32
        %max3A_372 = vector.broadcast %max3A_371 : f32 to vector<16xf32>
        %max3A_373 = arith.maximumf %add3A_370, %max3A_372 : vector<16xf32>
        %swap3A_374 = arith.index_cast %add3A_288 : i32 to index
        %swap3A_375 = arith.constant 96 : index
        %swap3A_376 = tpu.vector_load %arg15[%swap3A_374, %swap3A_375] {strides = array<i32>} : memref<128x256xf32, #tpu.memory_space<vmem>>, vector<16xf32>,
        tpu.vector_store %arg15[%swap3A_374, %swap3A_375], %max3A_373 {strides = array<i32>} : memref<128x256xf32, #tpu.memory_space<vmem>>, vector<16xf32>,
        %get3A_377 = arith.index_cast %add3A_288 : i32 to index
        %get3A_378 = arith.constant 112 : index
        %get3A_379 = tpu.vector_load %arg15[%get3A_377, %get3A_378] {strides = array<i32>} : memref<128x256xf32, #tpu.memory_space<vmem>>, vector<16xf32>,
        %add3A_380 = arith.addf %get3A_379, %get3A_182 : vector<16xf32>
        %mul3A_381 = arith.mulf %gather3A_292, %get3A_17 : vector<16xf32>
        %add3A_382 = arith.addf %add3A_380, %mul3A_381 : vector<16xf32>
        %max3A_383 = arith.constant 0.000000e+00 : f32
        %max3A_384 = vector.broadcast %max3A_383 : f32 to vector<16xf32>
        %max3A_385 = arith.maximumf %add3A_382, %max3A_384 : vector<16xf32>
        %swap3A_386 = arith.index_cast %add3A_288 : i32 to index
        %swap3A_387 = arith.constant 112 : index
        %swap3A_388 = tpu.vector_load %arg15[%swap3A_386, %swap3A_387] {strides = array<i32>} : memref<128x256xf32, #tpu.memory_space<vmem>>, vector<16xf32>,
        tpu.vector_store %arg15[%swap3A_386, %swap3A_387], %max3A_385 {strides = array<i32>} : memref<128x256xf32, #tpu.memory_space<vmem>>, vector<16xf32>,
        %mul3A_389 = arith.constant 16 : i32
        %mul3A_390 = arith.muli %scan3A_124, %mul3A_389 : i32
        %add3A_391 = arith.constant 2 : i32
        %add3A_392 = arith.addi %mul3A_390, %add3A_391 : i32
        %broadcast_in_dim3A_393 = arith.constant 2 : i32
        %broadcast_in_dim3A_394 = vector.broadcast %broadcast_in_dim3A_393 : i32 to vector<16x1xi32>
        %gather3A_395 = vector.shape_cast %broadcast_in_dim3A_394 : vector<16x1xi32> to vector<16xi32>
        %gather3A_396 = tpu.dynamic_gather %mul3A_158[%gather3A_395] in [0] : vector<16xf32>, vector<16xi32> -> vector<16xf32>
        %get3A_397 = arith.index_cast %add3A_392 : i32 to index
        %get3A_398 = arith.constant 0 : index
        %get3A_399 = tpu.vector_load %arg15[%get3A_397, %get3A_398] {strides = array<i32>} : memref<128x256xf32, #tpu.memory_space<vmem>>, vector<16xf32>,
        %add3A_400 = arith.addf %get3A_399, %get3A_161 : vector<16xf32>
        %mul3A_401 = arith.mulf %gather3A_396, %get3A_3 : vector<16xf32>
        %add3A_402 = arith.addf %add3A_400, %mul3A_401 : vector<16xf32>
        %max3A_403 = arith.constant 0.000000e+00 : f32
        %max3A_404 = vector.broadcast %max3A_403 : f32 to vector<16xf32>
        %max3A_405 = arith.maximumf %add3A_402, %max3A_404 : vector<16xf32>
        %swap3A_406 = arith.index_cast %add3A_392 : i32 to index
        %swap3A_407 = arith.constant 0 : index
        %swap3A_408 = tpu.vector_load %arg15[%swap3A_406, %swap3A_407] {strides = array<i32>} : memref<128x256xf32, #tpu.memory_space<vmem>>, vector<16xf32>,
        tpu.vector_store %arg15[%swap3A_406, %swap3A_407], %max3A_405 {strides = array<i32>} : memref<128x256xf32, #tpu.memory_space<vmem>>, vector<16xf32>,
        %get3A_409 = arith.index_cast %add3A_392 : i32 to index
        %get3A_410 = arith.constant 16 : index
        %get3A_411 = tpu.vector_load %arg15[%get3A_409, %get3A_410] {strides = array<i32>} : memref<128x256xf32, #tpu.memory_space<vmem>>, vector<16xf32>,
        %add3A_412 = arith.addf %get3A_411, %get3A_164 : vector<16xf32>
        %mul3A_413 = arith.mulf %gather3A_396, %get3A_5 : vector<16xf32>
        %add3A_414 = arith.addf %add3A_412, %mul3A_413 : vector<16xf32>
        %max3A_415 = arith.constant 0.000000e+00 : f32
        %max3A_416 = vector.broadcast %max3A_415 : f32 to vector<16xf32>
        %max3A_417 = arith.maximumf %add3A_414, %max3A_416 : vector<16xf32>
        %swap3A_418 = arith.index_cast %add3A_392 : i32 to index
        %swap3A_419 = arith.constant 16 : index
        %swap3A_420 = tpu.vector_load %arg15[%swap3A_418, %swap3A_419] {strides = array<i32>} : memref<128x256xf32, #tpu.memory_space<vmem>>, vector<16xf32>,
        tpu.vector_store %arg15[%swap3A_418, %swap3A_419], %max3A_417 {strides = array<i32>} : memref<128x256xf32, #tpu.memory_space<vmem>>, vector<16xf32>,
        %get3A_421 = arith.index_cast %add3A_392 : i32 to index
        %get3A_422 = arith.constant 32 : index
        %get3A_423 = tpu.vector_load %arg15[%get3A_421, %get3A_422] {strides = array<i32>} : memref<128x256xf32, #tpu.memory_space<vmem>>, vector<16xf32>,
        %add3A_424 = arith.addf %get3A_423, %get3A_167 : vector<16xf32>
        %mul3A_425 = arith.mulf %gather3A_396, %get3A_7 : vector<16xf32>
        %add3A_426 = arith.addf %add3A_424, %mul3A_425 : vector<16xf32>
        %max3A_427 = arith.constant 0.000000e+00 : f32
        %max3A_428 = vector.broadcast %max3A_427 : f32 to vector<16xf32>
        %max3A_429 = arith.maximumf %add3A_426, %max3A_428 : vector<16xf32>
        %swap3A_430 = arith.index_cast %add3A_392 : i32 to index
        %swap3A_431 = arith.constant 32 : index
        %swap3A_432 = tpu.vector_load %arg15[%swap3A_430, %swap3A_431] {strides = array<i32>} : memref<128x256xf32, #tpu.memory_space<vmem>>, vector<16xf32>,
        tpu.vector_store %arg15[%swap3A_430, %swap3A_431], %max3A_429 {strides = array<i32>} : memref<128x256xf32, #tpu.memory_space<vmem>>, vector<16xf32>,
        %get3A_433 = arith.index_cast %add3A_392 : i32 to index
        %get3A_434 = arith.constant 48 : index
        %get3A_435 = tpu.vector_load %arg15[%get3A_433, %get3A_434] {strides = array<i32>} : memref<128x256xf32, #tpu.memory_space<vmem>>, vector<16xf32>,
        %add3A_436 = arith.addf %get3A_435, %get3A_170 : vector<16xf32>
        %mul3A_437 = arith.mulf %gather3A_396, %get3A_9 : vector<16xf32>
        %add3A_438 = arith.addf %add3A_436, %mul3A_437 : vector<16xf32>
        %max3A_439 = arith.constant 0.000000e+00 : f32
        %max3A_440 = vector.broadcast %max3A_439 : f32 to vector<16xf32>
        %max3A_441 = arith.maximumf %add3A_438, %max3A_440 : vector<16xf32>
        %swap3A_442 = arith.index_cast %add3A_392 : i32 to index
        %swap3A_443 = arith.constant 48 : index
        %swap3A_444 = tpu.vector_load %arg15[%swap3A_442, %swap3A_443] {strides = array<i32>} : memref<128x256xf32, #tpu.memory_space<vmem>>, vector<16xf32>,
        tpu.vector_store %arg15[%swap3A_442, %swap3A_443], %max3A_441 {strides = array<i32>} : memref<128x256xf32, #tpu.memory_space<vmem>>, vector<16xf32>,
        %get3A_445 = arith.index_cast %add3A_392 : i32 to index
        %get3A_446 = arith.constant 64 : index
        %get3A_447 = tpu.vector_load %arg15[%get3A_445, %get3A_446] {strides = array<i32>} : memref<128x256xf32, #tpu.memory_space<vmem>>, vector<16xf32>,
        %add3A_448 = arith.addf %get3A_447, %get3A_173 : vector<16xf32>
        %mul3A_449 = arith.mulf %gather3A_396, %get3A_11 : vector<16xf32>
        %add3A_450 = arith.addf %add3A_448, %mul3A_449 : vector<16xf32>
        %max3A_451 = arith.constant 0.000000e+00 : f32
        %max3A_452 = vector.broadcast %max3A_451 : f32 to vector<16xf32>
        %max3A_453 = arith.maximumf %add3A_450, %max3A_452 : vector<16xf32>
        %swap3A_454 = arith.index_cast %add3A_392 : i32 to index
        %swap3A_455 = arith.constant 64 : index
        %swap3A_456 = tpu.vector_load %arg15[%swap3A_454, %swap3A_455] {strides = array<i32>} : memref<128x256xf32, #tpu.memory_space<vmem>>, vector<16xf32>,
        tpu.vector_store %arg15[%swap3A_454, %swap3A_455], %max3A_453 {strides = array<i32>} : memref<128x256xf32, #tpu.memory_space<vmem>>, vector<16xf32>,
        %get3A_457 = arith.index_cast %add3A_392 : i32 to index
        %get3A_458 = arith.constant 80 : index
        %get3A_459 = tpu.vector_load %arg15[%get3A_457, %get3A_458] {strides = array<i32>} : memref<128x256xf32, #tpu.memory_space<vmem>>, vector<16xf32>,
        %add3A_460 = arith.addf %get3A_459, %get3A_176 : vector<16xf32>
        %mul3A_461 = arith.mulf %gather3A_396, %get3A_13 : vector<16xf32>
        %add3A_462 = arith.addf %add3A_460, %mul3A_461 : vector<16xf32>
        %max3A_463 = arith.constant 0.000000e+00 : f32
        %max3A_464 = vector.broadcast %max3A_463 : f32 to vector<16xf32>
        %max3A_465 = arith.maximumf %add3A_462, %max3A_464 : vector<16xf32>
        %swap3A_466 = arith.index_cast %add3A_392 : i32 to index
        %swap3A_467 = arith.constant 80 : index
        %swap3A_468 = tpu.vector_load %arg15[%swap3A_466, %swap3A_467] {strides = array<i32>} : memref<128x256xf32, #tpu.memory_space<vmem>>, vector<16xf32>,
        tpu.vector_store %arg15[%swap3A_466, %swap3A_467], %max3A_465 {strides = array<i32>} : memref<128x256xf32, #tpu.memory_space<vmem>>, vector<16xf32>,
        %get3A_469 = arith.index_cast %add3A_392 : i32 to index
        %get3A_470 = arith.constant 96 : index
        %get3A_471 = tpu.vector_load %arg15[%get3A_469, %get3A_470] {strides = array<i32>} : memref<128x256xf32, #tpu.memory_space<vmem>>, vector<16xf32>,
        %add3A_472 = arith.addf %get3A_471, %get3A_179 : vector<16xf32>
        %mul3A_473 = arith.mulf %gather3A_396, %get3A_15 : vector<16xf32>
        %add3A_474 = arith.addf %add3A_472, %mul3A_473 : vector<16xf32>
        %max3A_475 = arith.constant 0.000000e+00 : f32
        %max3A_476 = vector.broadcast %max3A_475 : f32 to vector<16xf32>
        %max3A_477 = arith.maximumf %add3A_474, %max3A_476 : vector<16xf32>
        %swap3A_478 = arith.index_cast %add3A_392 : i32 to index
        %swap3A_479 = arith.constant 96 : index
        %swap3A_480 = tpu.vector_load %arg15[%swap3A_478, %swap3A_479] {strides = array<i32>} : memref<128x256xf32, #tpu.memory_space<vmem>>, vector<16xf32>,
        tpu.vector_store %arg15[%swap3A_478, %swap3A_479], %max3A_477 {strides = array<i32>} : memref<128x256xf32, #tpu.memory_space<vmem>>, vector<16xf32>,
        %get3A_481 = arith.index_cast %add3A_392 : i32 to index
        %get3A_482 = arith.constant 112 : index
        %get3A_483 = tpu.vector_load %arg15[%get3A_481, %get3A_482] {strides = array<i32>} : memref<128x256xf32, #tpu.memory_space<vmem>>, vector<16xf32>,
        %add3A_484 = arith.addf %get3A_483, %get3A_182 : vector<16xf32>
        %mul3A_485 = arith.mulf %gather3A_396, %get3A_17 : vector<16xf32>
        %add3A_486 = arith.addf %add3A_484, %mul3A_485 : vector<16xf32>
        %max3A_487 = arith.constant 0.000000e+00 : f32
        %max3A_488 = vector.broadcast %max3A_487 : f32 to vector<16xf32>
        %max3A_489 = arith.maximumf %add3A_486, %max3A_488 : vector<16xf32>
        %swap3A_490 = arith.index_cast %add3A_392 : i32 to index
        %swap3A_491 = arith.constant 112 : index
        %swap3A_492 = tpu.vector_load %arg15[%swap3A_490, %swap3A_491] {strides = array<i32>} : memref<128x256xf32, #tpu.memory_space<vmem>>, vector<16xf32>,
        tpu.vector_store %arg15[%swap3A_490, %swap3A_491], %max3A_489 {strides = array<i32>} : memref<128x256xf32, #tpu.memory_space<vmem>>, vector<16xf32>,
        %mul3A_493 = arith.constant 16 : i32
        %mul3A_494 = arith.muli %scan3A_124, %mul3A_493 : i32
        %add3A_495 = arith.constant 3 : i32
        %add3A_496 = arith.addi %mul3A_494, %add3A_495 : i32
        %broadcast_in_dim3A_497 = arith.constant 3 : i32
        %broadcast_in_dim3A_498 = vector.broadcast %broadcast_in_dim3A_497 : i32 to vector<16x1xi32>
        %gather3A_499 = vector.shape_cast %broadcast_in_dim3A_498 : vector<16x1xi32> to vector<16xi32>
        %gather3A_500 = tpu.dynamic_gather %mul3A_158[%gather3A_499] in [0] : vector<16xf32>, vector<16xi32> -> vector<16xf32>
        %get3A_501 = arith.index_cast %add3A_496 : i32 to index
        %get3A_502 = arith.constant 0 : index
        %get3A_503 = tpu.vector_load %arg15[%get3A_501, %get3A_502] {strides = array<i32>} : memref<128x256xf32, #tpu.memory_space<vmem>>, vector<16xf32>,
        %add3A_504 = arith.addf %get3A_503, %get3A_161 : vector<16xf32>
        %mul3A_505 = arith.mulf %gather3A_500, %get3A_3 : vector<16xf32>
        %add3A_506 = arith.addf %add3A_504, %mul3A_505 : vector<16xf32>
        %max3A_507 = arith.constant 0.000000e+00 : f32
        %max3A_508 = vector.broadcast %max3A_507 : f32 to vector<16xf32>
        %max3A_509 = arith.maximumf %add3A_506, %max3A_508 : vector<16xf32>
        %swap3A_510 = arith.index_cast %add3A_496 : i32 to index
        %swap3A_511 = arith.constant 0 : index
        %swap3A_512 = tpu.vector_load %arg15[%swap3A_510, %swap3A_511] {strides = array<i32>} : memref<128x256xf32, #tpu.memory_space<vmem>>, vector<16xf32>,
        tpu.vector_store %arg15[%swap3A_510, %swap3A_511], %max3A_509 {strides = array<i32>} : memref<128x256xf32, #tpu.memory_space<vmem>>, vector<16xf32>,
        %get3A_513 = arith.index_cast %add3A_496 : i32 to index
        %get3A_514 = arith.constant 16 : index
        %get3A_515 = tpu.vector_load %arg15[%get3A_513, %get3A_514] {strides = array<i32>} : memref<128x256xf32, #tpu.memory_space<vmem>>, vector<16xf32>,
        %add3A_516 = arith.addf %get3A_515, %get3A_164 : vector<16xf32>
        %mul3A_517 = arith.mulf %gather3A_500, %get3A_5 : vector<16xf32>
        %add3A_518 = arith.addf %add3A_516, %mul3A_517 : vector<16xf32>
        %max3A_519 = arith.constant 0.000000e+00 : f32
        %max3A_520 = vector.broadcast %max3A_519 : f32 to vector<16xf32>
        %max3A_521 = arith.maximumf %add3A_518, %max3A_520 : vector<16xf32>
        %swap3A_522 = arith.index_cast %add3A_496 : i32 to index
        %swap3A_523 = arith.constant 16 : index
        %swap3A_524 = tpu.vector_load %arg15[%swap3A_522, %swap3A_523] {strides = array<i32>} : memref<128x256xf32, #tpu.memory_space<vmem>>, vector<16xf32>,
        tpu.vector_store %arg15[%swap3A_522, %swap3A_523], %max3A_521 {strides = array<i32>} : memref<128x256xf32, #tpu.memory_space<vmem>>, vector<16xf32>,
        %get3A_525 = arith.index_cast %add3A_496 : i32 to index
        %get3A_526 = arith.constant 32 : index
        %get3A_527 = tpu.vector_load %arg15[%get3A_525, %get3A_526] {strides = array<i32>} : memref<128x256xf32, #tpu.memory_space<vmem>>, vector<16xf32>,
        %add3A_528 = arith.addf %get3A_527, %get3A_167 : vector<16xf32>
        %mul3A_529 = arith.mulf %gather3A_500, %get3A_7 : vector<16xf32>
        %add3A_530 = arith.addf %add3A_528, %mul3A_529 : vector<16xf32>
        %max3A_531 = arith.constant 0.000000e+00 : f32
        %max3A_532 = vector.broadcast %max3A_531 : f32 to vector<16xf32>
        %max3A_533 = arith.maximumf %add3A_530, %max3A_532 : vector<16xf32>
        %swap3A_534 = arith.index_cast %add3A_496 : i32 to index
        %swap3A_535 = arith.constant 32 : index
        %swap3A_536 = tpu.vector_load %arg15[%swap3A_534, %swap3A_535] {strides = array<i32>} : memref<128x256xf32, #tpu.memory_space<vmem>>, vector<16xf32>,
        tpu.vector_store %arg15[%swap3A_534, %swap3A_535], %max3A_533 {strides = array<i32>} : memref<128x256xf32, #tpu.memory_space<vmem>>, vector<16xf32>,
        %get3A_537 = arith.index_cast %add3A_496 : i32 to index
        %get3A_538 = arith.constant 48 : index
        %get3A_539 = tpu.vector_load %arg15[%get3A_537, %get3A_538] {strides = array<i32>} : memref<128x256xf32, #tpu.memory_space<vmem>>, vector<16xf32>,
        %add3A_540 = arith.addf %get3A_539, %get3A_170 : vector<16xf32>
        %mul3A_541 = arith.mulf %gather3A_500, %get3A_9 : vector<16xf32>
        %add3A_542 = arith.addf %add3A_540, %mul3A_541 : vector<16xf32>
        %max3A_543 = arith.constant 0.000000e+00 : f32
        %max3A_544 = vector.broadcast %max3A_543 : f32 to vector<16xf32>
        %max3A_545 = arith.maximumf %add3A_542, %max3A_544 : vector<16xf32>
        %swap3A_546 = arith.index_cast %add3A_496 : i32 to index
        %swap3A_547 = arith.constant 48 : index
        %swap3A_548 = tpu.vector_load %arg15[%swap3A_546, %swap3A_547] {strides = array<i32>} : memref<128x256xf32, #tpu.memory_space<vmem>>, vector<16xf32>,
        tpu.vector_store %arg15[%swap3A_546, %swap3A_547], %max3A_545 {strides = array<i32>} : memref<128x256xf32, #tpu.memory_space<vmem>>, vector<16xf32>,
        %get3A_549 = arith.index_cast %add3A_496 : i32 to index
        %get3A_550 = arith.constant 64 : index
        %get3A_551 = tpu.vector_load %arg15[%get3A_549, %get3A_550] {strides = array<i32>} : memref<128x256xf32, #tpu.memory_space<vmem>>, vector<16xf32>,
        %add3A_552 = arith.addf %get3A_551, %get3A_173 : vector<16xf32>
        %mul3A_553 = arith.mulf %gather3A_500, %get3A_11 : vector<16xf32>
        %add3A_554 = arith.addf %add3A_552, %mul3A_553 : vector<16xf32>
        %max3A_555 = arith.constant 0.000000e+00 : f32
        %max3A_556 = vector.broadcast %max3A_555 : f32 to vector<16xf32>
        %max3A_557 = arith.maximumf %add3A_554, %max3A_556 : vector<16xf32>
        %swap3A_558 = arith.index_cast %add3A_496 : i32 to index
        %swap3A_559 = arith.constant 64 : index
        %swap3A_560 = tpu.vector_load %arg15[%swap3A_558, %swap3A_559] {strides = array<i32>} : memref<128x256xf32, #tpu.memory_space<vmem>>, vector<16xf32>,
        tpu.vector_store %arg15[%swap3A_558, %swap3A_559], %max3A_557 {strides = array<i32>} : memref<128x256xf32, #tpu.memory_space<vmem>>, vector<16xf32>,
        %get3A_561 = arith.index_cast %add3A_496 : i32 to index
        %get3A_562 = arith.constant 80 : index
        %get3A_563 = tpu.vector_load %arg15[%get3A_561, %get3A_562] {strides = array<i32>} : memref<128x256xf32, #tpu.memory_space<vmem>>, vector<16xf32>,
        %add3A_564 = arith.addf %get3A_563, %get3A_176 : vector<16xf32>
        %mul3A_565 = arith.mulf %gather3A_500, %get3A_13 : vector<16xf32>
        %add3A_566 = arith.addf %add3A_564, %mul3A_565 : vector<16xf32>
        %max3A_567 = arith.constant 0.000000e+00 : f32
        %max3A_568 = vector.broadcast %max3A_567 : f32 to vector<16xf32>
        %max3A_569 = arith.maximumf %add3A_566, %max3A_568 : vector<16xf32>
        %swap3A_570 = arith.index_cast %add3A_496 : i32 to index
        %swap3A_571 = arith.constant 80 : index
        %swap3A_572 = tpu.vector_load %arg15[%swap3A_570, %swap3A_571] {strides = array<i32>} : memref<128x256xf32, #tpu.memory_space<vmem>>, vector<16xf32>,
        tpu.vector_store %arg15[%swap3A_570, %swap3A_571], %max3A_569 {strides = array<i32>} : memref<128x256xf32, #tpu.memory_space<vmem>>, vector<16xf32>,
        %get3A_573 = arith.index_cast %add3A_496 : i32 to index
        %get3A_574 = arith.constant 96 : index
        %get3A_575 = tpu.vector_load %arg15[%get3A_573, %get3A_574] {strides = array<i32>} : memref<128x256xf32, #tpu.memory_space<vmem>>, vector<16xf32>,
        %add3A_576 = arith.addf %get3A_575, %get3A_179 : vector<16xf32>
        %mul3A_577 = arith.mulf %gather3A_500, %get3A_15 : vector<16xf32>
        %add3A_578 = arith.addf %add3A_576, %mul3A_577 : vector<16xf32>
        %max3A_579 = arith.constant 0.000000e+00 : f32
        %max3A_580 = vector.broadcast %max3A_579 : f32 to vector<16xf32>
        %max3A_581 = arith.maximumf %add3A_578, %max3A_580 : vector<16xf32>
        %swap3A_582 = arith.index_cast %add3A_496 : i32 to index
        %swap3A_583 = arith.constant 96 : index
        %swap3A_584 = tpu.vector_load %arg15[%swap3A_582, %swap3A_583] {strides = array<i32>} : memref<128x256xf32, #tpu.memory_space<vmem>>, vector<16xf32>,
        tpu.vector_store %arg15[%swap3A_582, %swap3A_583], %max3A_581 {strides = array<i32>} : memref<128x256xf32, #tpu.memory_space<vmem>>, vector<16xf32>,
        %get3A_585 = arith.index_cast %add3A_496 : i32 to index
        %get3A_586 = arith.constant 112 : index
        %get3A_587 = tpu.vector_load %arg15[%get3A_585, %get3A_586] {strides = array<i32>} : memref<128x256xf32, #tpu.memory_space<vmem>>, vector<16xf32>,
        %add3A_588 = arith.addf %get3A_587, %get3A_182 : vector<16xf32>
        %mul3A_589 = arith.mulf %gather3A_500, %get3A_17 : vector<16xf32>
        %add3A_590 = arith.addf %add3A_588, %mul3A_589 : vector<16xf32>
        %max3A_591 = arith.constant 0.000000e+00 : f32
        %max3A_592 = vector.broadcast %max3A_591 : f32 to vector<16xf32>
        %max3A_593 = arith.maximumf %add3A_590, %max3A_592 : vector<16xf32>
        %swap3A_594 = arith.index_cast %add3A_496 : i32 to index
        %swap3A_595 = arith.constant 112 : index
        %swap3A_596 = tpu.vector_load %arg15[%swap3A_594, %swap3A_595] {strides = array<i32>} : memref<128x256xf32, #tpu.memory_space<vmem>>, vector<16xf32>,
        tpu.vector_store %arg15[%swap3A_594, %swap3A_595], %max3A_593 {strides = array<i32>} : memref<128x256xf32, #tpu.memory_space<vmem>>, vector<16xf32>,
        %mul3A_597 = arith.constant 16 : i32
        %mul3A_598 = arith.muli %scan3A_124, %mul3A_597 : i32
        %add3A_599 = arith.constant 4 : i32
        %add3A_600 = arith.addi %mul3A_598, %add3A_599 : i32
        %broadcast_in_dim3A_601 = arith.constant 4 : i32
        %broadcast_in_dim3A_602 = vector.broadcast %broadcast_in_dim3A_601 : i32 to vector<16x1xi32>
        %gather3A_603 = vector.shape_cast %broadcast_in_dim3A_602 : vector<16x1xi32> to vector<16xi32>
        %gather3A_604 = tpu.dynamic_gather %mul3A_158[%gather3A_603] in [0] : vector<16xf32>, vector<16xi32> -> vector<16xf32>
        %get3A_605 = arith.index_cast %add3A_600 : i32 to index
        %get3A_606 = arith.constant 0 : index
        %get3A_607 = tpu.vector_load %arg15[%get3A_605, %get3A_606] {strides = array<i32>} : memref<128x256xf32, #tpu.memory_space<vmem>>, vector<16xf32>,
        %add3A_608 = arith.addf %get3A_607, %get3A_161 : vector<16xf32>
        %mul3A_609 = arith.mulf %gather3A_604, %get3A_3 : vector<16xf32>
        %add3A_610 = arith.addf %add3A_608, %mul3A_609 : vector<16xf32>
        %max3A_611 = arith.constant 0.000000e+00 : f32
        %max3A_612 = vector.broadcast %max3A_611 : f32 to vector<16xf32>
        %max3A_613 = arith.maximumf %add3A_610, %max3A_612 : vector<16xf32>
        %swap3A_614 = arith.index_cast %add3A_600 : i32 to index
        %swap3A_615 = arith.constant 0 : index
        %swap3A_616 = tpu.vector_load %arg15[%swap3A_614, %swap3A_615] {strides = array<i32>} : memref<128x256xf32, #tpu.memory_space<vmem>>, vector<16xf32>,
        tpu.vector_store %arg15[%swap3A_614, %swap3A_615], %max3A_613 {strides = array<i32>} : memref<128x256xf32, #tpu.memory_space<vmem>>, vector<16xf32>,
        %get3A_617 = arith.index_cast %add3A_600 : i32 to index
        %get3A_618 = arith.constant 16 : index
        %get3A_619 = tpu.vector_load %arg15[%get3A_617, %get3A_618] {strides = array<i32>} : memref<128x256xf32, #tpu.memory_space<vmem>>, vector<16xf32>,
        %add3A_620 = arith.addf %get3A_619, %get3A_164 : vector<16xf32>
        %mul3A_621 = arith.mulf %gather3A_604, %get3A_5 : vector<16xf32>
        %add3A_622 = arith.addf %add3A_620, %mul3A_621 : vector<16xf32>
        %max3A_623 = arith.constant 0.000000e+00 : f32
        %max3A_624 = vector.broadcast %max3A_623 : f32 to vector<16xf32>
        %max3A_625 = arith.maximumf %add3A_622, %max3A_624 : vector<16xf32>
        %swap3A_626 = arith.index_cast %add3A_600 : i32 to index
        %swap3A_627 = arith.constant 16 : index
        %swap3A_628 = tpu.vector_load %arg15[%swap3A_626, %swap3A_627] {strides = array<i32>} : memref<128x256xf32, #tpu.memory_space<vmem>>, vector<16xf32>,
        tpu.vector_store %arg15[%swap3A_626, %swap3A_627], %max3A_625 {strides = array<i32>} : memref<128x256xf32, #tpu.memory_space<vmem>>, vector<16xf32>,
        %get3A_629 = arith.index_cast %add3A_600 : i32 to index
        %get3A_630 = arith.constant 32 : index
        %get3A_631 = tpu.vector_load %arg15[%get3A_629, %get3A_630] {strides = array<i32>} : memref<128x256xf32, #tpu.memory_space<vmem>>, vector<16xf32>,
        %add3A_632 = arith.addf %get3A_631, %get3A_167 : vector<16xf32>
        %mul3A_633 = arith.mulf %gather3A_604, %get3A_7 : vector<16xf32>
        %add3A_634 = arith.addf %add3A_632, %mul3A_633 : vector<16xf32>
        %max3A_635 = arith.constant 0.000000e+00 : f32
        %max3A_636 = vector.broadcast %max3A_635 : f32 to vector<16xf32>
        %max3A_637 = arith.maximumf %add3A_634, %max3A_636 : vector<16xf32>
        %swap3A_638 = arith.index_cast %add3A_600 : i32 to index
        %swap3A_639 = arith.constant 32 : index
        %swap3A_640 = tpu.vector_load %arg15[%swap3A_638, %swap3A_639] {strides = array<i32>} : memref<128x256xf32, #tpu.memory_space<vmem>>, vector<16xf32>,
        tpu.vector_store %arg15[%swap3A_638, %swap3A_639], %max3A_637 {strides = array<i32>} : memref<128x256xf32, #tpu.memory_space<vmem>>, vector<16xf32>,
        %get3A_641 = arith.index_cast %add3A_600 : i32 to index
        %get3A_642 = arith.constant 48 : index
        %get3A_643 = tpu.vector_load %arg15[%get3A_641, %get3A_642] {strides = array<i32>} : memref<128x256xf32, #tpu.memory_space<vmem>>, vector<16xf32>,
        %add3A_644 = arith.addf %get3A_643, %get3A_170 : vector<16xf32>
        %mul3A_645 = arith.mulf %gather3A_604, %get3A_9 : vector<16xf32>
        %add3A_646 = arith.addf %add3A_644, %mul3A_645 : vector<16xf32>
        %max3A_647 = arith.constant 0.000000e+00 : f32
        %max3A_648 = vector.broadcast %max3A_647 : f32 to vector<16xf32>
        %max3A_649 = arith.maximumf %add3A_646, %max3A_648 : vector<16xf32>
        %swap3A_650 = arith.index_cast %add3A_600 : i32 to index
        %swap3A_651 = arith.constant 48 : index
        %swap3A_652 = tpu.vector_load %arg15[%swap3A_650, %swap3A_651] {strides = array<i32>} : memref<128x256xf32, #tpu.memory_space<vmem>>, vector<16xf32>,
        tpu.vector_store %arg15[%swap3A_650, %swap3A_651], %max3A_649 {strides = array<i32>} : memref<128x256xf32, #tpu.memory_space<vmem>>, vector<16xf32>,
        %get3A_653 = arith.index_cast %add3A_600 : i32 to index
        %get3A_654 = arith.constant 64 : index
        %get3A_655 = tpu.vector_load %arg15[%get3A_653, %get3A_654] {strides = array<i32>} : memref<128x256xf32, #tpu.memory_space<vmem>>, vector<16xf32>,
        %add3A_656 = arith.addf %get3A_655, %get3A_173 : vector<16xf32>
        %mul3A_657 = arith.mulf %gather3A_604, %get3A_11 : vector<16xf32>
        %add3A_658 = arith.addf %add3A_656, %mul3A_657 : vector<16xf32>
        %max3A_659 = arith.constant 0.000000e+00 : f32
        %max3A_660 = vector.broadcast %max3A_659 : f32 to vector<16xf32>
        %max3A_661 = arith.maximumf %add3A_658, %max3A_660 : vector<16xf32>
        %swap3A_662 = arith.index_cast %add3A_600 : i32 to index
        %swap3A_663 = arith.constant 64 : index
        %swap3A_664 = tpu.vector_load %arg15[%swap3A_662, %swap3A_663] {strides = array<i32>} : memref<128x256xf32, #tpu.memory_space<vmem>>, vector<16xf32>,
        tpu.vector_store %arg15[%swap3A_662, %swap3A_663], %max3A_661 {strides = array<i32>} : memref<128x256xf32, #tpu.memory_space<vmem>>, vector<16xf32>,
        %get3A_665 = arith.index_cast %add3A_600 : i32 to index
        %get3A_666 = arith.constant 80 : index
        %get3A_667 = tpu.vector_load %arg15[%get3A_665, %get3A_666] {strides = array<i32>} : memref<128x256xf32, #tpu.memory_space<vmem>>, vector<16xf32>,
        %add3A_668 = arith.addf %get3A_667, %get3A_176 : vector<16xf32>
        %mul3A_669 = arith.mulf %gather3A_604, %get3A_13 : vector<16xf32>
        %add3A_670 = arith.addf %add3A_668, %mul3A_669 : vector<16xf32>
        %max3A_671 = arith.constant 0.000000e+00 : f32
        %max3A_672 = vector.broadcast %max3A_671 : f32 to vector<16xf32>
        %max3A_673 = arith.maximumf %add3A_670, %max3A_672 : vector<16xf32>
        %swap3A_674 = arith.index_cast %add3A_600 : i32 to index
        %swap3A_675 = arith.constant 80 : index
        %swap3A_676 = tpu.vector_load %arg15[%swap3A_674, %swap3A_675] {strides = array<i32>} : memref<128x256xf32, #tpu.memory_space<vmem>>, vector<16xf32>,
        tpu.vector_store %arg15[%swap3A_674, %swap3A_675], %max3A_673 {strides = array<i32>} : memref<128x256xf32, #tpu.memory_space<vmem>>, vector<16xf32>,
        %get3A_677 = arith.index_cast %add3A_600 : i32 to index
        %get3A_678 = arith.constant 96 : index
        %get3A_679 = tpu.vector_load %arg15[%get3A_677, %get3A_678] {strides = array<i32>} : memref<128x256xf32, #tpu.memory_space<vmem>>, vector<16xf32>,
        %add3A_680 = arith.addf %get3A_679, %get3A_179 : vector<16xf32>
        %mul3A_681 = arith.mulf %gather3A_604, %get3A_15 : vector<16xf32>
        %add3A_682 = arith.addf %add3A_680, %mul3A_681 : vector<16xf32>
        %max3A_683 = arith.constant 0.000000e+00 : f32
        %max3A_684 = vector.broadcast %max3A_683 : f32 to vector<16xf32>
        %max3A_685 = arith.maximumf %add3A_682, %max3A_684 : vector<16xf32>
        %swap3A_686 = arith.index_cast %add3A_600 : i32 to index
        %swap3A_687 = arith.constant 96 : index
        %swap3A_688 = tpu.vector_load %arg15[%swap3A_686, %swap3A_687] {strides = array<i32>} : memref<128x256xf32, #tpu.memory_space<vmem>>, vector<16xf32>,
        tpu.vector_store %arg15[%swap3A_686, %swap3A_687], %max3A_685 {strides = array<i32>} : memref<128x256xf32, #tpu.memory_space<vmem>>, vector<16xf32>,
        %get3A_689 = arith.index_cast %add3A_600 : i32 to index
        %get3A_690 = arith.constant 112 : index
        %get3A_691 = tpu.vector_load %arg15[%get3A_689, %get3A_690] {strides = array<i32>} : memref<128x256xf32, #tpu.memory_space<vmem>>, vector<16xf32>,
        %add3A_692 = arith.addf %get3A_691, %get3A_182 : vector<16xf32>
        %mul3A_693 = arith.mulf %gather3A_604, %get3A_17 : vector<16xf32>
        %add3A_694 = arith.addf %add3A_692, %mul3A_693 : vector<16xf32>
        %max3A_695 = arith.constant 0.000000e+00 : f32
        %max3A_696 = vector.broadcast %max3A_695 : f32 to vector<16xf32>
        %max3A_697 = arith.maximumf %add3A_694, %max3A_696 : vector<16xf32>
        %swap3A_698 = arith.index_cast %add3A_600 : i32 to index
        %swap3A_699 = arith.constant 112 : index
        %swap3A_700 = tpu.vector_load %arg15[%swap3A_698, %swap3A_699] {strides = array<i32>} : memref<128x256xf32, #tpu.memory_space<vmem>>, vector<16xf32>,
        tpu.vector_store %arg15[%swap3A_698, %swap3A_699], %max3A_697 {strides = array<i32>} : memref<128x256xf32, #tpu.memory_space<vmem>>, vector<16xf32>,
        %mul3A_701 = arith.constant 16 : i32
        %mul3A_702 = arith.muli %scan3A_124, %mul3A_701 : i32
        %add3A_703 = arith.constant 5 : i32
        %add3A_704 = arith.addi %mul3A_702, %add3A_703 : i32
        %broadcast_in_dim3A_705 = arith.constant 5 : i32
        %broadcast_in_dim3A_706 = vector.broadcast %broadcast_in_dim3A_705 : i32 to vector<16x1xi32>
        %gather3A_707 = vector.shape_cast %broadcast_in_dim3A_706 : vector<16x1xi32> to vector<16xi32>
        %gather3A_708 = tpu.dynamic_gather %mul3A_158[%gather3A_707] in [0] : vector<16xf32>, vector<16xi32> -> vector<16xf32>
        %get3A_709 = arith.index_cast %add3A_704 : i32 to index
        %get3A_710 = arith.constant 0 : index
        %get3A_711 = tpu.vector_load %arg15[%get3A_709, %get3A_710] {strides = array<i32>} : memref<128x256xf32, #tpu.memory_space<vmem>>, vector<16xf32>,
        %add3A_712 = arith.addf %get3A_711, %get3A_161 : vector<16xf32>
        %mul3A_713 = arith.mulf %gather3A_708, %get3A_3 : vector<16xf32>
        %add3A_714 = arith.addf %add3A_712, %mul3A_713 : vector<16xf32>
        %max3A_715 = arith.constant 0.000000e+00 : f32
        %max3A_716 = vector.broadcast %max3A_715 : f32 to vector<16xf32>
        %max3A_717 = arith.maximumf %add3A_714, %max3A_716 : vector<16xf32>
        %swap3A_718 = arith.index_cast %add3A_704 : i32 to index
        %swap3A_719 = arith.constant 0 : index
        %swap3A_720 = tpu.vector_load %arg15[%swap3A_718, %swap3A_719] {strides = array<i32>} : memref<128x256xf32, #tpu.memory_space<vmem>>, vector<16xf32>,
        tpu.vector_store %arg15[%swap3A_718, %swap3A_719], %max3A_717 {strides = array<i32>} : memref<128x256xf32, #tpu.memory_space<vmem>>, vector<16xf32>,
        %get3A_721 = arith.index_cast %add3A_704 : i32 to index
        %get3A_722 = arith.constant 16 : index
        %get3A_723 = tpu.vector_load %arg15[%get3A_721, %get3A_722] {strides = array<i32>} : memref<128x256xf32, #tpu.memory_space<vmem>>, vector<16xf32>,
        %add3A_724 = arith.addf %get3A_723, %get3A_164 : vector<16xf32>
        %mul3A_725 = arith.mulf %gather3A_708, %get3A_5 : vector<16xf32>
        %add3A_726 = arith.addf %add3A_724, %mul3A_725 : vector<16xf32>
        %max3A_727 = arith.constant 0.000000e+00 : f32
        %max3A_728 = vector.broadcast %max3A_727 : f32 to vector<16xf32>
        %max3A_729 = arith.maximumf %add3A_726, %max3A_728 : vector<16xf32>
        %swap3A_730 = arith.index_cast %add3A_704 : i32 to index
        %swap3A_731 = arith.constant 16 : index
        %swap3A_732 = tpu.vector_load %arg15[%swap3A_730, %swap3A_731] {strides = array<i32>} : memref<128x256xf32, #tpu.memory_space<vmem>>, vector<16xf32>,
        tpu.vector_store %arg15[%swap3A_730, %swap3A_731], %max3A_729 {strides = array<i32>} : memref<128x256xf32, #tpu.memory_space<vmem>>, vector<16xf32>,
        %get3A_733 = arith.index_cast %add3A_704 : i32 to index
        %get3A_734 = arith.constant 32 : index
        %get3A_735 = tpu.vector_load %arg15[%get3A_733, %get3A_734] {strides = array<i32>} : memref<128x256xf32, #tpu.memory_space<vmem>>, vector<16xf32>,
        %add3A_736 = arith.addf %get3A_735, %get3A_167 : vector<16xf32>
        %mul3A_737 = arith.mulf %gather3A_708, %get3A_7 : vector<16xf32>
        %add3A_738 = arith.addf %add3A_736, %mul3A_737 : vector<16xf32>
        %max3A_739 = arith.constant 0.000000e+00 : f32
        %max3A_740 = vector.broadcast %max3A_739 : f32 to vector<16xf32>
        %max3A_741 = arith.maximumf %add3A_738, %max3A_740 : vector<16xf32>
        %swap3A_742 = arith.index_cast %add3A_704 : i32 to index
        %swap3A_743 = arith.constant 32 : index
        %swap3A_744 = tpu.vector_load %arg15[%swap3A_742, %swap3A_743] {strides = array<i32>} : memref<128x256xf32, #tpu.memory_space<vmem>>, vector<16xf32>,
        tpu.vector_store %arg15[%swap3A_742, %swap3A_743], %max3A_741 {strides = array<i32>} : memref<128x256xf32, #tpu.memory_space<vmem>>, vector<16xf32>,
        %get3A_745 = arith.index_cast %add3A_704 : i32 to index
        %get3A_746 = arith.constant 48 : index
        %get3A_747 = tpu.vector_load %arg15[%get3A_745, %get3A_746] {strides = array<i32>} : memref<128x256xf32, #tpu.memory_space<vmem>>, vector<16xf32>,
        %add3A_748 = arith.addf %get3A_747, %get3A_170 : vector<16xf32>
        %mul3A_749 = arith.mulf %gather3A_708, %get3A_9 : vector<16xf32>
        %add3A_750 = arith.addf %add3A_748, %mul3A_749 : vector<16xf32>
        %max3A_751 = arith.constant 0.000000e+00 : f32
        %max3A_752 = vector.broadcast %max3A_751 : f32 to vector<16xf32>
        %max3A_753 = arith.maximumf %add3A_750, %max3A_752 : vector<16xf32>
        %swap3A_754 = arith.index_cast %add3A_704 : i32 to index
        %swap3A_755 = arith.constant 48 : index
        %swap3A_756 = tpu.vector_load %arg15[%swap3A_754, %swap3A_755] {strides = array<i32>} : memref<128x256xf32, #tpu.memory_space<vmem>>, vector<16xf32>,
        tpu.vector_store %arg15[%swap3A_754, %swap3A_755], %max3A_753 {strides = array<i32>} : memref<128x256xf32, #tpu.memory_space<vmem>>, vector<16xf32>,
        %get3A_757 = arith.index_cast %add3A_704 : i32 to index
        %get3A_758 = arith.constant 64 : index
        %get3A_759 = tpu.vector_load %arg15[%get3A_757, %get3A_758] {strides = array<i32>} : memref<128x256xf32, #tpu.memory_space<vmem>>, vector<16xf32>,
        %add3A_760 = arith.addf %get3A_759, %get3A_173 : vector<16xf32>
        %mul3A_761 = arith.mulf %gather3A_708, %get3A_11 : vector<16xf32>
        %add3A_762 = arith.addf %add3A_760, %mul3A_761 : vector<16xf32>
        %max3A_763 = arith.constant 0.000000e+00 : f32
        %max3A_764 = vector.broadcast %max3A_763 : f32 to vector<16xf32>
        %max3A_765 = arith.maximumf %add3A_762, %max3A_764 : vector<16xf32>
        %swap3A_766 = arith.index_cast %add3A_704 : i32 to index
        %swap3A_767 = arith.constant 64 : index
        %swap3A_768 = tpu.vector_load %arg15[%swap3A_766, %swap3A_767] {strides = array<i32>} : memref<128x256xf32, #tpu.memory_space<vmem>>, vector<16xf32>,
        tpu.vector_store %arg15[%swap3A_766, %swap3A_767], %max3A_765 {strides = array<i32>} : memref<128x256xf32, #tpu.memory_space<vmem>>, vector<16xf32>,
        %get3A_769 = arith.index_cast %add3A_704 : i32 to index
        %get3A_770 = arith.constant 80 : index
        %get3A_771 = tpu.vector_load %arg15[%get3A_769, %get3A_770] {strides = array<i32>} : memref<128x256xf32, #tpu.memory_space<vmem>>, vector<16xf32>,
        %add3A_772 = arith.addf %get3A_771, %get3A_176 : vector<16xf32>
        %mul3A_773 = arith.mulf %gather3A_708, %get3A_13 : vector<16xf32>
        %add3A_774 = arith.addf %add3A_772, %mul3A_773 : vector<16xf32>
        %max3A_775 = arith.constant 0.000000e+00 : f32
        %max3A_776 = vector.broadcast %max3A_775 : f32 to vector<16xf32>
        %max3A_777 = arith.maximumf %add3A_774, %max3A_776 : vector<16xf32>
        %swap3A_778 = arith.index_cast %add3A_704 : i32 to index
        %swap3A_779 = arith.constant 80 : index
        %swap3A_780 = tpu.vector_load %arg15[%swap3A_778, %swap3A_779] {strides = array<i32>} : memref<128x256xf32, #tpu.memory_space<vmem>>, vector<16xf32>,
        tpu.vector_store %arg15[%swap3A_778, %swap3A_779], %max3A_777 {strides = array<i32>} : memref<128x256xf32, #tpu.memory_space<vmem>>, vector<16xf32>,
        %get3A_781 = arith.index_cast %add3A_704 : i32 to index
        %get3A_782 = arith.constant 96 : index
        %get3A_783 = tpu.vector_load %arg15[%get3A_781, %get3A_782] {strides = array<i32>} : memref<128x256xf32, #tpu.memory_space<vmem>>, vector<16xf32>,
        %add3A_784 = arith.addf %get3A_783, %get3A_179 : vector<16xf32>
        %mul3A_785 = arith.mulf %gather3A_708, %get3A_15 : vector<16xf32>
        %add3A_786 = arith.addf %add3A_784, %mul3A_785 : vector<16xf32>
        %max3A_787 = arith.constant 0.000000e+00 : f32
        %max3A_788 = vector.broadcast %max3A_787 : f32 to vector<16xf32>
        %max3A_789 = arith.maximumf %add3A_786, %max3A_788 : vector<16xf32>
        %swap3A_790 = arith.index_cast %add3A_704 : i32 to index
        %swap3A_791 = arith.constant 96 : index
        %swap3A_792 = tpu.vector_load %arg15[%swap3A_790, %swap3A_791] {strides = array<i32>} : memref<128x256xf32, #tpu.memory_space<vmem>>, vector<16xf32>,
        tpu.vector_store %arg15[%swap3A_790, %swap3A_791], %max3A_789 {strides = array<i32>} : memref<128x256xf32, #tpu.memory_space<vmem>>, vector<16xf32>,
        %get3A_793 = arith.index_cast %add3A_704 : i32 to index
        %get3A_794 = arith.constant 112 : index
        %get3A_795 = tpu.vector_load %arg15[%get3A_793, %get3A_794] {strides = array<i32>} : memref<128x256xf32, #tpu.memory_space<vmem>>, vector<16xf32>,
        %add3A_796 = arith.addf %get3A_795, %get3A_182 : vector<16xf32>
        %mul3A_797 = arith.mulf %gather3A_708, %get3A_17 : vector<16xf32>
        %add3A_798 = arith.addf %add3A_796, %mul3A_797 : vector<16xf32>
        %max3A_799 = arith.constant 0.000000e+00 : f32
        %max3A_800 = vector.broadcast %max3A_799 : f32 to vector<16xf32>
        %max3A_801 = arith.maximumf %add3A_798, %max3A_800 : vector<16xf32>
        %swap3A_802 = arith.index_cast %add3A_704 : i32 to index
        %swap3A_803 = arith.constant 112 : index
        %swap3A_804 = tpu.vector_load %arg15[%swap3A_802, %swap3A_803] {strides = array<i32>} : memref<128x256xf32, #tpu.memory_space<vmem>>, vector<16xf32>,
        tpu.vector_store %arg15[%swap3A_802, %swap3A_803], %max3A_801 {strides = array<i32>} : memref<128x256xf32, #tpu.memory_space<vmem>>, vector<16xf32>,
        %mul3A_805 = arith.constant 16 : i32
        %mul3A_806 = arith.muli %scan3A_124, %mul3A_805 : i32
        %add3A_807 = arith.constant 6 : i32
        %add3A_808 = arith.addi %mul3A_806, %add3A_807 : i32
        %broadcast_in_dim3A_809 = arith.constant 6 : i32
        %broadcast_in_dim3A_810 = vector.broadcast %broadcast_in_dim3A_809 : i32 to vector<16x1xi32>
        %gather3A_811 = vector.shape_cast %broadcast_in_dim3A_810 : vector<16x1xi32> to vector<16xi32>
        %gather3A_812 = tpu.dynamic_gather %mul3A_158[%gather3A_811] in [0] : vector<16xf32>, vector<16xi32> -> vector<16xf32>
        %get3A_813 = arith.index_cast %add3A_808 : i32 to index
        %get3A_814 = arith.constant 0 : index
        %get3A_815 = tpu.vector_load %arg15[%get3A_813, %get3A_814] {strides = array<i32>} : memref<128x256xf32, #tpu.memory_space<vmem>>, vector<16xf32>,
        %add3A_816 = arith.addf %get3A_815, %get3A_161 : vector<16xf32>
        %mul3A_817 = arith.mulf %gather3A_812, %get3A_3 : vector<16xf32>
        %add3A_818 = arith.addf %add3A_816, %mul3A_817 : vector<16xf32>
        %max3A_819 = arith.constant 0.000000e+00 : f32
        %max3A_820 = vector.broadcast %max3A_819 : f32 to vector<16xf32>
        %max3A_821 = arith.maximumf %add3A_818, %max3A_820 : vector<16xf32>
        %swap3A_822 = arith.index_cast %add3A_808 : i32 to index
        %swap3A_823 = arith.constant 0 : index
        %swap3A_824 = tpu.vector_load %arg15[%swap3A_822, %swap3A_823] {strides = array<i32>} : memref<128x256xf32, #tpu.memory_space<vmem>>, vector<16xf32>,
        tpu.vector_store %arg15[%swap3A_822, %swap3A_823], %max3A_821 {strides = array<i32>} : memref<128x256xf32, #tpu.memory_space<vmem>>, vector<16xf32>,
        %get3A_825 = arith.index_cast %add3A_808 : i32 to index
        %get3A_826 = arith.constant 16 : index
        %get3A_827 = tpu.vector_load %arg15[%get3A_825, %get3A_826] {strides = array<i32>} : memref<128x256xf32, #tpu.memory_space<vmem>>, vector<16xf32>,
        %add3A_828 = arith.addf %get3A_827, %get3A_164 : vector<16xf32>
        %mul3A_829 = arith.mulf %gather3A_812, %get3A_5 : vector<16xf32>
        %add3A_830 = arith.addf %add3A_828, %mul3A_829 : vector<16xf32>
        %max3A_831 = arith.constant 0.000000e+00 : f32
        %max3A_832 = vector.broadcast %max3A_831 : f32 to vector<16xf32>
        %max3A_833 = arith.maximumf %add3A_830, %max3A_832 : vector<16xf32>
        %swap3A_834 = arith.index_cast %add3A_808 : i32 to index
        %swap3A_835 = arith.constant 16 : index
        %swap3A_836 = tpu.vector_load %arg15[%swap3A_834, %swap3A_835] {strides = array<i32>} : memref<128x256xf32, #tpu.memory_space<vmem>>, vector<16xf32>,
        tpu.vector_store %arg15[%swap3A_834, %swap3A_835], %max3A_833 {strides = array<i32>} : memref<128x256xf32, #tpu.memory_space<vmem>>, vector<16xf32>,
        %get3A_837 = arith.index_cast %add3A_808 : i32 to index
        %get3A_838 = arith.constant 32 : index
        %get3A_839 = tpu.vector_load %arg15[%get3A_837, %get3A_838] {strides = array<i32>} : memref<128x256xf32, #tpu.memory_space<vmem>>, vector<16xf32>,
        %add3A_840 = arith.addf %get3A_839, %get3A_167 : vector<16xf32>
        %mul3A_841 = arith.mulf %gather3A_812, %get3A_7 : vector<16xf32>
        %add3A_842 = arith.addf %add3A_840, %mul3A_841 : vector<16xf32>
        %max3A_843 = arith.constant 0.000000e+00 : f32
        %max3A_844 = vector.broadcast %max3A_843 : f32 to vector<16xf32>
        %max3A_845 = arith.maximumf %add3A_842, %max3A_844 : vector<16xf32>
        %swap3A_846 = arith.index_cast %add3A_808 : i32 to index
        %swap3A_847 = arith.constant 32 : index
        %swap3A_848 = tpu.vector_load %arg15[%swap3A_846, %swap3A_847] {strides = array<i32>} : memref<128x256xf32, #tpu.memory_space<vmem>>, vector<16xf32>,
        tpu.vector_store %arg15[%swap3A_846, %swap3A_847], %max3A_845 {strides = array<i32>} : memref<128x256xf32, #tpu.memory_space<vmem>>, vector<16xf32>,
        %get3A_849 = arith.index_cast %add3A_808 : i32 to index
        %get3A_850 = arith.constant 48 : index
        %get3A_851 = tpu.vector_load %arg15[%get3A_849, %get3A_850] {strides = array<i32>} : memref<128x256xf32, #tpu.memory_space<vmem>>, vector<16xf32>,
        %add3A_852 = arith.addf %get3A_851, %get3A_170 : vector<16xf32>
        %mul3A_853 = arith.mulf %gather3A_812, %get3A_9 : vector<16xf32>
        %add3A_854 = arith.addf %add3A_852, %mul3A_853 : vector<16xf32>
        %max3A_855 = arith.constant 0.000000e+00 : f32
        %max3A_856 = vector.broadcast %max3A_855 : f32 to vector<16xf32>
        %max3A_857 = arith.maximumf %add3A_854, %max3A_856 : vector<16xf32>
        %swap3A_858 = arith.index_cast %add3A_808 : i32 to index
        %swap3A_859 = arith.constant 48 : index
        %swap3A_860 = tpu.vector_load %arg15[%swap3A_858, %swap3A_859] {strides = array<i32>} : memref<128x256xf32, #tpu.memory_space<vmem>>, vector<16xf32>,
        tpu.vector_store %arg15[%swap3A_858, %swap3A_859], %max3A_857 {strides = array<i32>} : memref<128x256xf32, #tpu.memory_space<vmem>>, vector<16xf32>,
        %get3A_861 = arith.index_cast %add3A_808 : i32 to index
        %get3A_862 = arith.constant 64 : index
        %get3A_863 = tpu.vector_load %arg15[%get3A_861, %get3A_862] {strides = array<i32>} : memref<128x256xf32, #tpu.memory_space<vmem>>, vector<16xf32>,
        %add3A_864 = arith.addf %get3A_863, %get3A_173 : vector<16xf32>
        %mul3A_865 = arith.mulf %gather3A_812, %get3A_11 : vector<16xf32>
        %add3A_866 = arith.addf %add3A_864, %mul3A_865 : vector<16xf32>
        %max3A_867 = arith.constant 0.000000e+00 : f32
        %max3A_868 = vector.broadcast %max3A_867 : f32 to vector<16xf32>
        %max3A_869 = arith.maximumf %add3A_866, %max3A_868 : vector<16xf32>
        %swap3A_870 = arith.index_cast %add3A_808 : i32 to index
        %swap3A_871 = arith.constant 64 : index
        %swap3A_872 = tpu.vector_load %arg15[%swap3A_870, %swap3A_871] {strides = array<i32>} : memref<128x256xf32, #tpu.memory_space<vmem>>, vector<16xf32>,
        tpu.vector_store %arg15[%swap3A_870, %swap3A_871], %max3A_869 {strides = array<i32>} : memref<128x256xf32, #tpu.memory_space<vmem>>, vector<16xf32>,
        %get3A_873 = arith.index_cast %add3A_808 : i32 to index
        %get3A_874 = arith.constant 80 : index
        %get3A_875 = tpu.vector_load %arg15[%get3A_873, %get3A_874] {strides = array<i32>} : memref<128x256xf32, #tpu.memory_space<vmem>>, vector<16xf32>,
        %add3A_876 = arith.addf %get3A_875, %get3A_176 : vector<16xf32>
        %mul3A_877 = arith.mulf %gather3A_812, %get3A_13 : vector<16xf32>
        %add3A_878 = arith.addf %add3A_876, %mul3A_877 : vector<16xf32>
        %max3A_879 = arith.constant 0.000000e+00 : f32
        %max3A_880 = vector.broadcast %max3A_879 : f32 to vector<16xf32>
        %max3A_881 = arith.maximumf %add3A_878, %max3A_880 : vector<16xf32>
        %swap3A_882 = arith.index_cast %add3A_808 : i32 to index
        %swap3A_883 = arith.constant 80 : index
        %swap3A_884 = tpu.vector_load %arg15[%swap3A_882, %swap3A_883] {strides = array<i32>} : memref<128x256xf32, #tpu.memory_space<vmem>>, vector<16xf32>,
        tpu.vector_store %arg15[%swap3A_882, %swap3A_883], %max3A_881 {strides = array<i32>} : memref<128x256xf32, #tpu.memory_space<vmem>>, vector<16xf32>,
        %get3A_885 = arith.index_cast %add3A_808 : i32 to index
        %get3A_886 = arith.constant 96 : index
        %get3A_887 = tpu.vector_load %arg15[%get3A_885, %get3A_886] {strides = array<i32>} : memref<128x256xf32, #tpu.memory_space<vmem>>, vector<16xf32>,
        %add3A_888 = arith.addf %get3A_887, %get3A_179 : vector<16xf32>
        %mul3A_889 = arith.mulf %gather3A_812, %get3A_15 : vector<16xf32>
        %add3A_890 = arith.addf %add3A_888, %mul3A_889 : vector<16xf32>
        %max3A_891 = arith.constant 0.000000e+00 : f32
        %max3A_892 = vector.broadcast %max3A_891 : f32 to vector<16xf32>
        %max3A_893 = arith.maximumf %add3A_890, %max3A_892 : vector<16xf32>
        %swap3A_894 = arith.index_cast %add3A_808 : i32 to index
        %swap3A_895 = arith.constant 96 : index
        %swap3A_896 = tpu.vector_load %arg15[%swap3A_894, %swap3A_895] {strides = array<i32>} : memref<128x256xf32, #tpu.memory_space<vmem>>, vector<16xf32>,
        tpu.vector_store %arg15[%swap3A_894, %swap3A_895], %max3A_893 {strides = array<i32>} : memref<128x256xf32, #tpu.memory_space<vmem>>, vector<16xf32>,
        %get3A_897 = arith.index_cast %add3A_808 : i32 to index
        %get3A_898 = arith.constant 112 : index
        %get3A_899 = tpu.vector_load %arg15[%get3A_897, %get3A_898] {strides = array<i32>} : memref<128x256xf32, #tpu.memory_space<vmem>>, vector<16xf32>,
        %add3A_900 = arith.addf %get3A_899, %get3A_182 : vector<16xf32>
        %mul3A_901 = arith.mulf %gather3A_812, %get3A_17 : vector<16xf32>
        %add3A_902 = arith.addf %add3A_900, %mul3A_901 : vector<16xf32>
        %max3A_903 = arith.constant 0.000000e+00 : f32
        %max3A_904 = vector.broadcast %max3A_903 : f32 to vector<16xf32>
        %max3A_905 = arith.maximumf %add3A_902, %max3A_904 : vector<16xf32>
        %swap3A_906 = arith.index_cast %add3A_808 : i32 to index
        %swap3A_907 = arith.constant 112 : index
        %swap3A_908 = tpu.vector_load %arg15[%swap3A_906, %swap3A_907] {strides = array<i32>} : memref<128x256xf32, #tpu.memory_space<vmem>>, vector<16xf32>,
        tpu.vector_store %arg15[%swap3A_906, %swap3A_907], %max3A_905 {strides = array<i32>} : memref<128x256xf32, #tpu.memory_space<vmem>>, vector<16xf32>,
        %mul3A_909 = arith.constant 16 : i32
        %mul3A_910 = arith.muli %scan3A_124, %mul3A_909 : i32
        %add3A_911 = arith.constant 7 : i32
        %add3A_912 = arith.addi %mul3A_910, %add3A_911 : i32
        %broadcast_in_dim3A_913 = arith.constant 7 : i32
        %broadcast_in_dim3A_914 = vector.broadcast %broadcast_in_dim3A_913 : i32 to vector<16x1xi32>
        %gather3A_915 = vector.shape_cast %broadcast_in_dim3A_914 : vector<16x1xi32> to vector<16xi32>
        %gather3A_916 = tpu.dynamic_gather %mul3A_158[%gather3A_915] in [0] : vector<16xf32>, vector<16xi32> -> vector<16xf32>
        %get3A_917 = arith.index_cast %add3A_912 : i32 to index
        %get3A_918 = arith.constant 0 : index
        %get3A_919 = tpu.vector_load %arg15[%get3A_917, %get3A_918] {strides = array<i32>} : memref<128x256xf32, #tpu.memory_space<vmem>>, vector<16xf32>,
        %add3A_920 = arith.addf %get3A_919, %get3A_161 : vector<16xf32>
        %mul3A_921 = arith.mulf %gather3A_916, %get3A_3 : vector<16xf32>
        %add3A_922 = arith.addf %add3A_920, %mul3A_921 : vector<16xf32>
        %max3A_923 = arith.constant 0.000000e+00 : f32
        %max3A_924 = vector.broadcast %max3A_923 : f32 to vector<16xf32>
        %max3A_925 = arith.maximumf %add3A_922, %max3A_924 : vector<16xf32>
        %swap3A_926 = arith.index_cast %add3A_912 : i32 to index
        %swap3A_927 = arith.constant 0 : index
        %swap3A_928 = tpu.vector_load %arg15[%swap3A_926, %swap3A_927] {strides = array<i32>} : memref<128x256xf32, #tpu.memory_space<vmem>>, vector<16xf32>,
        tpu.vector_store %arg15[%swap3A_926, %swap3A_927], %max3A_925 {strides = array<i32>} : memref<128x256xf32, #tpu.memory_space<vmem>>, vector<16xf32>,
        %get3A_929 = arith.index_cast %add3A_912 : i32 to index
        %get3A_930 = arith.constant 16 : index
        %get3A_931 = tpu.vector_load %arg15[%get3A_929, %get3A_930] {strides = array<i32>} : memref<128x256xf32, #tpu.memory_space<vmem>>, vector<16xf32>,
        %add3A_932 = arith.addf %get3A_931, %get3A_164 : vector<16xf32>
        %mul3A_933 = arith.mulf %gather3A_916, %get3A_5 : vector<16xf32>
        %add3A_934 = arith.addf %add3A_932, %mul3A_933 : vector<16xf32>
        %max3A_935 = arith.constant 0.000000e+00 : f32
        %max3A_936 = vector.broadcast %max3A_935 : f32 to vector<16xf32>
        %max3A_937 = arith.maximumf %add3A_934, %max3A_936 : vector<16xf32>
        %swap3A_938 = arith.index_cast %add3A_912 : i32 to index
        %swap3A_939 = arith.constant 16 : index
        %swap3A_940 = tpu.vector_load %arg15[%swap3A_938, %swap3A_939] {strides = array<i32>} : memref<128x256xf32, #tpu.memory_space<vmem>>, vector<16xf32>,
        tpu.vector_store %arg15[%swap3A_938, %swap3A_939], %max3A_937 {strides = array<i32>} : memref<128x256xf32, #tpu.memory_space<vmem>>, vector<16xf32>,
        %get3A_941 = arith.index_cast %add3A_912 : i32 to index
        %get3A_942 = arith.constant 32 : index
        %get3A_943 = tpu.vector_load %arg15[%get3A_941, %get3A_942] {strides = array<i32>} : memref<128x256xf32, #tpu.memory_space<vmem>>, vector<16xf32>,
        %add3A_944 = arith.addf %get3A_943, %get3A_167 : vector<16xf32>
        %mul3A_945 = arith.mulf %gather3A_916, %get3A_7 : vector<16xf32>
        %add3A_946 = arith.addf %add3A_944, %mul3A_945 : vector<16xf32>
        %max3A_947 = arith.constant 0.000000e+00 : f32
        %max3A_948 = vector.broadcast %max3A_947 : f32 to vector<16xf32>
        %max3A_949 = arith.maximumf %add3A_946, %max3A_948 : vector<16xf32>
        %swap3A_950 = arith.index_cast %add3A_912 : i32 to index
        %swap3A_951 = arith.constant 32 : index
        %swap3A_952 = tpu.vector_load %arg15[%swap3A_950, %swap3A_951] {strides = array<i32>} : memref<128x256xf32, #tpu.memory_space<vmem>>, vector<16xf32>,
        tpu.vector_store %arg15[%swap3A_950, %swap3A_951], %max3A_949 {strides = array<i32>} : memref<128x256xf32, #tpu.memory_space<vmem>>, vector<16xf32>,
        %get3A_953 = arith.index_cast %add3A_912 : i32 to index
        %get3A_954 = arith.constant 48 : index
        %get3A_955 = tpu.vector_load %arg15[%get3A_953, %get3A_954] {strides = array<i32>} : memref<128x256xf32, #tpu.memory_space<vmem>>, vector<16xf32>,
        %add3A_956 = arith.addf %get3A_955, %get3A_170 : vector<16xf32>
        %mul3A_957 = arith.mulf %gather3A_916, %get3A_9 : vector<16xf32>
        %add3A_958 = arith.addf %add3A_956, %mul3A_957 : vector<16xf32>
        %max3A_959 = arith.constant 0.000000e+00 : f32
        %max3A_960 = vector.broadcast %max3A_959 : f32 to vector<16xf32>
        %max3A_961 = arith.maximumf %add3A_958, %max3A_960 : vector<16xf32>
        %swap3A_962 = arith.index_cast %add3A_912 : i32 to index
        %swap3A_963 = arith.constant 48 : index
        %swap3A_964 = tpu.vector_load %arg15[%swap3A_962, %swap3A_963] {strides = array<i32>} : memref<128x256xf32, #tpu.memory_space<vmem>>, vector<16xf32>,
        tpu.vector_store %arg15[%swap3A_962, %swap3A_963], %max3A_961 {strides = array<i32>} : memref<128x256xf32, #tpu.memory_space<vmem>>, vector<16xf32>,
        %get3A_965 = arith.index_cast %add3A_912 : i32 to index
        %get3A_966 = arith.constant 64 : index
        %get3A_967 = tpu.vector_load %arg15[%get3A_965, %get3A_966] {strides = array<i32>} : memref<128x256xf32, #tpu.memory_space<vmem>>, vector<16xf32>,
        %add3A_968 = arith.addf %get3A_967, %get3A_173 : vector<16xf32>
        %mul3A_969 = arith.mulf %gather3A_916, %get3A_11 : vector<16xf32>
        %add3A_970 = arith.addf %add3A_968, %mul3A_969 : vector<16xf32>
        %max3A_971 = arith.constant 0.000000e+00 : f32
        %max3A_972 = vector.broadcast %max3A_971 : f32 to vector<16xf32>
        %max3A_973 = arith.maximumf %add3A_970, %max3A_972 : vector<16xf32>
        %swap3A_974 = arith.index_cast %add3A_912 : i32 to index
        %swap3A_975 = arith.constant 64 : index
        %swap3A_976 = tpu.vector_load %arg15[%swap3A_974, %swap3A_975] {strides = array<i32>} : memref<128x256xf32, #tpu.memory_space<vmem>>, vector<16xf32>,
        tpu.vector_store %arg15[%swap3A_974, %swap3A_975], %max3A_973 {strides = array<i32>} : memref<128x256xf32, #tpu.memory_space<vmem>>, vector<16xf32>,
        %get3A_977 = arith.index_cast %add3A_912 : i32 to index
        %get3A_978 = arith.constant 80 : index
        %get3A_979 = tpu.vector_load %arg15[%get3A_977, %get3A_978] {strides = array<i32>} : memref<128x256xf32, #tpu.memory_space<vmem>>, vector<16xf32>,
        %add3A_980 = arith.addf %get3A_979, %get3A_176 : vector<16xf32>
        %mul3A_981 = arith.mulf %gather3A_916, %get3A_13 : vector<16xf32>
        %add3A_982 = arith.addf %add3A_980, %mul3A_981 : vector<16xf32>
        %max3A_983 = arith.constant 0.000000e+00 : f32
        %max3A_984 = vector.broadcast %max3A_983 : f32 to vector<16xf32>
        %max3A_985 = arith.maximumf %add3A_982, %max3A_984 : vector<16xf32>
        %swap3A_986 = arith.index_cast %add3A_912 : i32 to index
        %swap3A_987 = arith.constant 80 : index
        %swap3A_988 = tpu.vector_load %arg15[%swap3A_986, %swap3A_987] {strides = array<i32>} : memref<128x256xf32, #tpu.memory_space<vmem>>, vector<16xf32>,
        tpu.vector_store %arg15[%swap3A_986, %swap3A_987], %max3A_985 {strides = array<i32>} : memref<128x256xf32, #tpu.memory_space<vmem>>, vector<16xf32>,
        %get3A_989 = arith.index_cast %add3A_912 : i32 to index
        %get3A_990 = arith.constant 96 : index
        %get3A_991 = tpu.vector_load %arg15[%get3A_989, %get3A_990] {strides = array<i32>} : memref<128x256xf32, #tpu.memory_space<vmem>>, vector<16xf32>,
        %add3A_992 = arith.addf %get3A_991, %get3A_179 : vector<16xf32>
        %mul3A_993 = arith.mulf %gather3A_916, %get3A_15 : vector<16xf32>
        %add3A_994 = arith.addf %add3A_992, %mul3A_993 : vector<16xf32>
        %max3A_995 = arith.constant 0.000000e+00 : f32
        %max3A_996 = vector.broadcast %max3A_995 : f32 to vector<16xf32>
        %max3A_997 = arith.maximumf %add3A_994, %max3A_996 : vector<16xf32>
        %swap3A_998 = arith.index_cast %add3A_912 : i32 to index
        %swap3A_999 = arith.constant 96 : index
        %swap3A_1000 = tpu.vector_load %arg15[%swap3A_998, %swap3A_999] {strides = array<i32>} : memref<128x256xf32, #tpu.memory_space<vmem>>, vector<16xf32>,
        tpu.vector_store %arg15[%swap3A_998, %swap3A_999], %max3A_997 {strides = array<i32>} : memref<128x256xf32, #tpu.memory_space<vmem>>, vector<16xf32>,
        %get3A_1001 = arith.index_cast %add3A_912 : i32 to index
        %get3A_1002 = arith.constant 112 : index
        %get3A_1003 = tpu.vector_load %arg15[%get3A_1001, %get3A_1002] {strides = array<i32>} : memref<128x256xf32, #tpu.memory_space<vmem>>, vector<16xf32>,
        %add3A_1004 = arith.addf %get3A_1003, %get3A_182 : vector<16xf32>
        %mul3A_1005 = arith.mulf %gather3A_916, %get3A_17 : vector<16xf32>
        %add3A_1006 = arith.addf %add3A_1004, %mul3A_1005 : vector<16xf32>
        %max3A_1007 = arith.constant 0.000000e+00 : f32
        %max3A_1008 = vector.broadcast %max3A_1007 : f32 to vector<16xf32>
        %max3A_1009 = arith.maximumf %add3A_1006, %max3A_1008 : vector<16xf32>
        %swap3A_1010 = arith.index_cast %add3A_912 : i32 to index
        %swap3A_1011 = arith.constant 112 : index
        %swap3A_1012 = tpu.vector_load %arg15[%swap3A_1010, %swap3A_1011] {strides = array<i32>} : memref<128x256xf32, #tpu.memory_space<vmem>>, vector<16xf32>,
        tpu.vector_store %arg15[%swap3A_1010, %swap3A_1011], %max3A_1009 {strides = array<i32>} : memref<128x256xf32, #tpu.memory_space<vmem>>, vector<16xf32>,
        %mul3A_1013 = arith.constant 16 : i32
        %mul3A_1014 = arith.muli %scan3A_124, %mul3A_1013 : i32
        %add3A_1015 = arith.constant 8 : i32
        %add3A_1016 = arith.addi %mul3A_1014, %add3A_1015 : i32
        %broadcast_in_dim3A_1017 = arith.constant 8 : i32
        %broadcast_in_dim3A_1018 = vector.broadcast %broadcast_in_dim3A_1017 : i32 to vector<16x1xi32>
        %gather3A_1019 = vector.shape_cast %broadcast_in_dim3A_1018 : vector<16x1xi32> to vector<16xi32>
        %gather3A_1020 = tpu.dynamic_gather %mul3A_158[%gather3A_1019] in [0] : vector<16xf32>, vector<16xi32> -> vector<16xf32>
        %get3A_1021 = arith.index_cast %add3A_1016 : i32 to index
        %get3A_1022 = arith.constant 0 : index
        %get3A_1023 = tpu.vector_load %arg15[%get3A_1021, %get3A_1022] {strides = array<i32>} : memref<128x256xf32, #tpu.memory_space<vmem>>, vector<16xf32>,
        %add3A_1024 = arith.addf %get3A_1023, %get3A_161 : vector<16xf32>
        %mul3A_1025 = arith.mulf %gather3A_1020, %get3A_3 : vector<16xf32>
        %add3A_1026 = arith.addf %add3A_1024, %mul3A_1025 : vector<16xf32>
        %max3A_1027 = arith.constant 0.000000e+00 : f32
        %max3A_1028 = vector.broadcast %max3A_1027 : f32 to vector<16xf32>
        %max3A_1029 = arith.maximumf %add3A_1026, %max3A_1028 : vector<16xf32>
        %swap3A_1030 = arith.index_cast %add3A_1016 : i32 to index
        %swap3A_1031 = arith.constant 0 : index
        %swap3A_1032 = tpu.vector_load %arg15[%swap3A_1030, %swap3A_1031] {strides = array<i32>} : memref<128x256xf32, #tpu.memory_space<vmem>>, vector<16xf32>,
        tpu.vector_store %arg15[%swap3A_1030, %swap3A_1031], %max3A_1029 {strides = array<i32>} : memref<128x256xf32, #tpu.memory_space<vmem>>, vector<16xf32>,
        %get3A_1033 = arith.index_cast %add3A_1016 : i32 to index
        %get3A_1034 = arith.constant 16 : index
        %get3A_1035 = tpu.vector_load %arg15[%get3A_1033, %get3A_1034] {strides = array<i32>} : memref<128x256xf32, #tpu.memory_space<vmem>>, vector<16xf32>,
        %add3A_1036 = arith.addf %get3A_1035, %get3A_164 : vector<16xf32>
        %mul3A_1037 = arith.mulf %gather3A_1020, %get3A_5 : vector<16xf32>
        %add3A_1038 = arith.addf %add3A_1036, %mul3A_1037 : vector<16xf32>
        %max3A_1039 = arith.constant 0.000000e+00 : f32
        %max3A_1040 = vector.broadcast %max3A_1039 : f32 to vector<16xf32>
        %max3A_1041 = arith.maximumf %add3A_1038, %max3A_1040 : vector<16xf32>
        %swap3A_1042 = arith.index_cast %add3A_1016 : i32 to index
        %swap3A_1043 = arith.constant 16 : index
        %swap3A_1044 = tpu.vector_load %arg15[%swap3A_1042, %swap3A_1043] {strides = array<i32>} : memref<128x256xf32, #tpu.memory_space<vmem>>, vector<16xf32>,
        tpu.vector_store %arg15[%swap3A_1042, %swap3A_1043], %max3A_1041 {strides = array<i32>} : memref<128x256xf32, #tpu.memory_space<vmem>>, vector<16xf32>,
        %get3A_1045 = arith.index_cast %add3A_1016 : i32 to index
        %get3A_1046 = arith.constant 32 : index
        %get3A_1047 = tpu.vector_load %arg15[%get3A_1045, %get3A_1046] {strides = array<i32>} : memref<128x256xf32, #tpu.memory_space<vmem>>, vector<16xf32>,
        %add3A_1048 = arith.addf %get3A_1047, %get3A_167 : vector<16xf32>
        %mul3A_1049 = arith.mulf %gather3A_1020, %get3A_7 : vector<16xf32>
        %add3A_1050 = arith.addf %add3A_1048, %mul3A_1049 : vector<16xf32>
        %max3A_1051 = arith.constant 0.000000e+00 : f32
        %max3A_1052 = vector.broadcast %max3A_1051 : f32 to vector<16xf32>
        %max3A_1053 = arith.maximumf %add3A_1050, %max3A_1052 : vector<16xf32>
        %swap3A_1054 = arith.index_cast %add3A_1016 : i32 to index
        %swap3A_1055 = arith.constant 32 : index
        %swap3A_1056 = tpu.vector_load %arg15[%swap3A_1054, %swap3A_1055] {strides = array<i32>} : memref<128x256xf32, #tpu.memory_space<vmem>>, vector<16xf32>,
        tpu.vector_store %arg15[%swap3A_1054, %swap3A_1055], %max3A_1053 {strides = array<i32>} : memref<128x256xf32, #tpu.memory_space<vmem>>, vector<16xf32>,
        %get3A_1057 = arith.index_cast %add3A_1016 : i32 to index
        %get3A_1058 = arith.constant 48 : index
        %get3A_1059 = tpu.vector_load %arg15[%get3A_1057, %get3A_1058] {strides = array<i32>} : memref<128x256xf32, #tpu.memory_space<vmem>>, vector<16xf32>,
        %add3A_1060 = arith.addf %get3A_1059, %get3A_170 : vector<16xf32>
        %mul3A_1061 = arith.mulf %gather3A_1020, %get3A_9 : vector<16xf32>
        %add3A_1062 = arith.addf %add3A_1060, %mul3A_1061 : vector<16xf32>
        %max3A_1063 = arith.constant 0.000000e+00 : f32
        %max3A_1064 = vector.broadcast %max3A_1063 : f32 to vector<16xf32>
        %max3A_1065 = arith.maximumf %add3A_1062, %max3A_1064 : vector<16xf32>
        %swap3A_1066 = arith.index_cast %add3A_1016 : i32 to index
        %swap3A_1067 = arith.constant 48 : index
        %swap3A_1068 = tpu.vector_load %arg15[%swap3A_1066, %swap3A_1067] {strides = array<i32>} : memref<128x256xf32, #tpu.memory_space<vmem>>, vector<16xf32>,
        tpu.vector_store %arg15[%swap3A_1066, %swap3A_1067], %max3A_1065 {strides = array<i32>} : memref<128x256xf32, #tpu.memory_space<vmem>>, vector<16xf32>,
        %get3A_1069 = arith.index_cast %add3A_1016 : i32 to index
        %get3A_1070 = arith.constant 64 : index
        %get3A_1071 = tpu.vector_load %arg15[%get3A_1069, %get3A_1070] {strides = array<i32>} : memref<128x256xf32, #tpu.memory_space<vmem>>, vector<16xf32>,
        %add3A_1072 = arith.addf %get3A_1071, %get3A_173 : vector<16xf32>
        %mul3A_1073 = arith.mulf %gather3A_1020, %get3A_11 : vector<16xf32>
        %add3A_1074 = arith.addf %add3A_1072, %mul3A_1073 : vector<16xf32>
        %max3A_1075 = arith.constant 0.000000e+00 : f32
        %max3A_1076 = vector.broadcast %max3A_1075 : f32 to vector<16xf32>
        %max3A_1077 = arith.maximumf %add3A_1074, %max3A_1076 : vector<16xf32>
        %swap3A_1078 = arith.index_cast %add3A_1016 : i32 to index
        %swap3A_1079 = arith.constant 64 : index
        %swap3A_1080 = tpu.vector_load %arg15[%swap3A_1078, %swap3A_1079] {strides = array<i32>} : memref<128x256xf32, #tpu.memory_space<vmem>>, vector<16xf32>,
        tpu.vector_store %arg15[%swap3A_1078, %swap3A_1079], %max3A_1077 {strides = array<i32>} : memref<128x256xf32, #tpu.memory_space<vmem>>, vector<16xf32>,
        %get3A_1081 = arith.index_cast %add3A_1016 : i32 to index
        %get3A_1082 = arith.constant 80 : index
        %get3A_1083 = tpu.vector_load %arg15[%get3A_1081, %get3A_1082] {strides = array<i32>} : memref<128x256xf32, #tpu.memory_space<vmem>>, vector<16xf32>,
        %add3A_1084 = arith.addf %get3A_1083, %get3A_176 : vector<16xf32>
        %mul3A_1085 = arith.mulf %gather3A_1020, %get3A_13 : vector<16xf32>
        %add3A_1086 = arith.addf %add3A_1084, %mul3A_1085 : vector<16xf32>
        %max3A_1087 = arith.constant 0.000000e+00 : f32
        %max3A_1088 = vector.broadcast %max3A_1087 : f32 to vector<16xf32>
        %max3A_1089 = arith.maximumf %add3A_1086, %max3A_1088 : vector<16xf32>
        %swap3A_1090 = arith.index_cast %add3A_1016 : i32 to index
        %swap3A_1091 = arith.constant 80 : index
        %swap3A_1092 = tpu.vector_load %arg15[%swap3A_1090, %swap3A_1091] {strides = array<i32>} : memref<128x256xf32, #tpu.memory_space<vmem>>, vector<16xf32>,
        tpu.vector_store %arg15[%swap3A_1090, %swap3A_1091], %max3A_1089 {strides = array<i32>} : memref<128x256xf32, #tpu.memory_space<vmem>>, vector<16xf32>,
        %get3A_1093 = arith.index_cast %add3A_1016 : i32 to index
        %get3A_1094 = arith.constant 96 : index
        %get3A_1095 = tpu.vector_load %arg15[%get3A_1093, %get3A_1094] {strides = array<i32>} : memref<128x256xf32, #tpu.memory_space<vmem>>, vector<16xf32>,
        %add3A_1096 = arith.addf %get3A_1095, %get3A_179 : vector<16xf32>
        %mul3A_1097 = arith.mulf %gather3A_1020, %get3A_15 : vector<16xf32>
        %add3A_1098 = arith.addf %add3A_1096, %mul3A_1097 : vector<16xf32>
        %max3A_1099 = arith.constant 0.000000e+00 : f32
        %max3A_1100 = vector.broadcast %max3A_1099 : f32 to vector<16xf32>
        %max3A_1101 = arith.maximumf %add3A_1098, %max3A_1100 : vector<16xf32>
        %swap3A_1102 = arith.index_cast %add3A_1016 : i32 to index
        %swap3A_1103 = arith.constant 96 : index
        %swap3A_1104 = tpu.vector_load %arg15[%swap3A_1102, %swap3A_1103] {strides = array<i32>} : memref<128x256xf32, #tpu.memory_space<vmem>>, vector<16xf32>,
        tpu.vector_store %arg15[%swap3A_1102, %swap3A_1103], %max3A_1101 {strides = array<i32>} : memref<128x256xf32, #tpu.memory_space<vmem>>, vector<16xf32>,
        %get3A_1105 = arith.index_cast %add3A_1016 : i32 to index
        %get3A_1106 = arith.constant 112 : index
        %get3A_1107 = tpu.vector_load %arg15[%get3A_1105, %get3A_1106] {strides = array<i32>} : memref<128x256xf32, #tpu.memory_space<vmem>>, vector<16xf32>,
        %add3A_1108 = arith.addf %get3A_1107, %get3A_182 : vector<16xf32>
        %mul3A_1109 = arith.mulf %gather3A_1020, %get3A_17 : vector<16xf32>
        %add3A_1110 = arith.addf %add3A_1108, %mul3A_1109 : vector<16xf32>
        %max3A_1111 = arith.constant 0.000000e+00 : f32
        %max3A_1112 = vector.broadcast %max3A_1111 : f32 to vector<16xf32>
        %max3A_1113 = arith.maximumf %add3A_1110, %max3A_1112 : vector<16xf32>
        %swap3A_1114 = arith.index_cast %add3A_1016 : i32 to index
        %swap3A_1115 = arith.constant 112 : index
        %swap3A_1116 = tpu.vector_load %arg15[%swap3A_1114, %swap3A_1115] {strides = array<i32>} : memref<128x256xf32, #tpu.memory_space<vmem>>, vector<16xf32>,
        tpu.vector_store %arg15[%swap3A_1114, %swap3A_1115], %max3A_1113 {strides = array<i32>} : memref<128x256xf32, #tpu.memory_space<vmem>>, vector<16xf32>,
        %mul3A_1117 = arith.constant 16 : i32
        %mul3A_1118 = arith.muli %scan3A_124, %mul3A_1117 : i32
        %add3A_1119 = arith.constant 9 : i32
        %add3A_1120 = arith.addi %mul3A_1118, %add3A_1119 : i32
        %broadcast_in_dim3A_1121 = arith.constant 9 : i32
        %broadcast_in_dim3A_1122 = vector.broadcast %broadcast_in_dim3A_1121 : i32 to vector<16x1xi32>
        %gather3A_1123 = vector.shape_cast %broadcast_in_dim3A_1122 : vector<16x1xi32> to vector<16xi32>
        %gather3A_1124 = tpu.dynamic_gather %mul3A_158[%gather3A_1123] in [0] : vector<16xf32>, vector<16xi32> -> vector<16xf32>
        %get3A_1125 = arith.index_cast %add3A_1120 : i32 to index
        %get3A_1126 = arith.constant 0 : index
        %get3A_1127 = tpu.vector_load %arg15[%get3A_1125, %get3A_1126] {strides = array<i32>} : memref<128x256xf32, #tpu.memory_space<vmem>>, vector<16xf32>,
        %add3A_1128 = arith.addf %get3A_1127, %get3A_161 : vector<16xf32>
        %mul3A_1129 = arith.mulf %gather3A_1124, %get3A_3 : vector<16xf32>
        %add3A_1130 = arith.addf %add3A_1128, %mul3A_1129 : vector<16xf32>
        %max3A_1131 = arith.constant 0.000000e+00 : f32
        %max3A_1132 = vector.broadcast %max3A_1131 : f32 to vector<16xf32>
        %max3A_1133 = arith.maximumf %add3A_1130, %max3A_1132 : vector<16xf32>
        %swap3A_1134 = arith.index_cast %add3A_1120 : i32 to index
        %swap3A_1135 = arith.constant 0 : index
        %swap3A_1136 = tpu.vector_load %arg15[%swap3A_1134, %swap3A_1135] {strides = array<i32>} : memref<128x256xf32, #tpu.memory_space<vmem>>, vector<16xf32>,
        tpu.vector_store %arg15[%swap3A_1134, %swap3A_1135], %max3A_1133 {strides = array<i32>} : memref<128x256xf32, #tpu.memory_space<vmem>>, vector<16xf32>,
        %get3A_1137 = arith.index_cast %add3A_1120 : i32 to index
        %get3A_1138 = arith.constant 16 : index
        %get3A_1139 = tpu.vector_load %arg15[%get3A_1137, %get3A_1138] {strides = array<i32>} : memref<128x256xf32, #tpu.memory_space<vmem>>, vector<16xf32>,
        %add3A_1140 = arith.addf %get3A_1139, %get3A_164 : vector<16xf32>
        %mul3A_1141 = arith.mulf %gather3A_1124, %get3A_5 : vector<16xf32>
        %add3A_1142 = arith.addf %add3A_1140, %mul3A_1141 : vector<16xf32>
        %max3A_1143 = arith.constant 0.000000e+00 : f32
        %max3A_1144 = vector.broadcast %max3A_1143 : f32 to vector<16xf32>
        %max3A_1145 = arith.maximumf %add3A_1142, %max3A_1144 : vector<16xf32>
        %swap3A_1146 = arith.index_cast %add3A_1120 : i32 to index
        %swap3A_1147 = arith.constant 16 : index
        %swap3A_1148 = tpu.vector_load %arg15[%swap3A_1146, %swap3A_1147] {strides = array<i32>} : memref<128x256xf32, #tpu.memory_space<vmem>>, vector<16xf32>,
        tpu.vector_store %arg15[%swap3A_1146, %swap3A_1147], %max3A_1145 {strides = array<i32>} : memref<128x256xf32, #tpu.memory_space<vmem>>, vector<16xf32>,
        %get3A_1149 = arith.index_cast %add3A_1120 : i32 to index
        %get3A_1150 = arith.constant 32 : index
        %get3A_1151 = tpu.vector_load %arg15[%get3A_1149, %get3A_1150] {strides = array<i32>} : memref<128x256xf32, #tpu.memory_space<vmem>>, vector<16xf32>,
        %add3A_1152 = arith.addf %get3A_1151, %get3A_167 : vector<16xf32>
        %mul3A_1153 = arith.mulf %gather3A_1124, %get3A_7 : vector<16xf32>
        %add3A_1154 = arith.addf %add3A_1152, %mul3A_1153 : vector<16xf32>
        %max3A_1155 = arith.constant 0.000000e+00 : f32
        %max3A_1156 = vector.broadcast %max3A_1155 : f32 to vector<16xf32>
        %max3A_1157 = arith.maximumf %add3A_1154, %max3A_1156 : vector<16xf32>
        %swap3A_1158 = arith.index_cast %add3A_1120 : i32 to index
        %swap3A_1159 = arith.constant 32 : index
        %swap3A_1160 = tpu.vector_load %arg15[%swap3A_1158, %swap3A_1159] {strides = array<i32>} : memref<128x256xf32, #tpu.memory_space<vmem>>, vector<16xf32>,
        tpu.vector_store %arg15[%swap3A_1158, %swap3A_1159], %max3A_1157 {strides = array<i32>} : memref<128x256xf32, #tpu.memory_space<vmem>>, vector<16xf32>,
        %get3A_1161 = arith.index_cast %add3A_1120 : i32 to index
        %get3A_1162 = arith.constant 48 : index
        %get3A_1163 = tpu.vector_load %arg15[%get3A_1161, %get3A_1162] {strides = array<i32>} : memref<128x256xf32, #tpu.memory_space<vmem>>, vector<16xf32>,
        %add3A_1164 = arith.addf %get3A_1163, %get3A_170 : vector<16xf32>
        %mul3A_1165 = arith.mulf %gather3A_1124, %get3A_9 : vector<16xf32>
        %add3A_1166 = arith.addf %add3A_1164, %mul3A_1165 : vector<16xf32>
        %max3A_1167 = arith.constant 0.000000e+00 : f32
        %max3A_1168 = vector.broadcast %max3A_1167 : f32 to vector<16xf32>
        %max3A_1169 = arith.maximumf %add3A_1166, %max3A_1168 : vector<16xf32>
        %swap3A_1170 = arith.index_cast %add3A_1120 : i32 to index
        %swap3A_1171 = arith.constant 48 : index
        %swap3A_1172 = tpu.vector_load %arg15[%swap3A_1170, %swap3A_1171] {strides = array<i32>} : memref<128x256xf32, #tpu.memory_space<vmem>>, vector<16xf32>,
        tpu.vector_store %arg15[%swap3A_1170, %swap3A_1171], %max3A_1169 {strides = array<i32>} : memref<128x256xf32, #tpu.memory_space<vmem>>, vector<16xf32>,
        %get3A_1173 = arith.index_cast %add3A_1120 : i32 to index
        %get3A_1174 = arith.constant 64 : index
        %get3A_1175 = tpu.vector_load %arg15[%get3A_1173, %get3A_1174] {strides = array<i32>} : memref<128x256xf32, #tpu.memory_space<vmem>>, vector<16xf32>,
        %add3A_1176 = arith.addf %get3A_1175, %get3A_173 : vector<16xf32>
        %mul3A_1177 = arith.mulf %gather3A_1124, %get3A_11 : vector<16xf32>
        %add3A_1178 = arith.addf %add3A_1176, %mul3A_1177 : vector<16xf32>
        %max3A_1179 = arith.constant 0.000000e+00 : f32
        %max3A_1180 = vector.broadcast %max3A_1179 : f32 to vector<16xf32>
        %max3A_1181 = arith.maximumf %add3A_1178, %max3A_1180 : vector<16xf32>
        %swap3A_1182 = arith.index_cast %add3A_1120 : i32 to index
        %swap3A_1183 = arith.constant 64 : index
        %swap3A_1184 = tpu.vector_load %arg15[%swap3A_1182, %swap3A_1183] {strides = array<i32>} : memref<128x256xf32, #tpu.memory_space<vmem>>, vector<16xf32>,
        tpu.vector_store %arg15[%swap3A_1182, %swap3A_1183], %max3A_1181 {strides = array<i32>} : memref<128x256xf32, #tpu.memory_space<vmem>>, vector<16xf32>,
        %get3A_1185 = arith.index_cast %add3A_1120 : i32 to index
        %get3A_1186 = arith.constant 80 : index
        %get3A_1187 = tpu.vector_load %arg15[%get3A_1185, %get3A_1186] {strides = array<i32>} : memref<128x256xf32, #tpu.memory_space<vmem>>, vector<16xf32>,
        %add3A_1188 = arith.addf %get3A_1187, %get3A_176 : vector<16xf32>
        %mul3A_1189 = arith.mulf %gather3A_1124, %get3A_13 : vector<16xf32>
        %add3A_1190 = arith.addf %add3A_1188, %mul3A_1189 : vector<16xf32>
        %max3A_1191 = arith.constant 0.000000e+00 : f32
        %max3A_1192 = vector.broadcast %max3A_1191 : f32 to vector<16xf32>
        %max3A_1193 = arith.maximumf %add3A_1190, %max3A_1192 : vector<16xf32>
        %swap3A_1194 = arith.index_cast %add3A_1120 : i32 to index
        %swap3A_1195 = arith.constant 80 : index
        %swap3A_1196 = tpu.vector_load %arg15[%swap3A_1194, %swap3A_1195] {strides = array<i32>} : memref<128x256xf32, #tpu.memory_space<vmem>>, vector<16xf32>,
        tpu.vector_store %arg15[%swap3A_1194, %swap3A_1195], %max3A_1193 {strides = array<i32>} : memref<128x256xf32, #tpu.memory_space<vmem>>, vector<16xf32>,
        %get3A_1197 = arith.index_cast %add3A_1120 : i32 to index
        %get3A_1198 = arith.constant 96 : index
        %get3A_1199 = tpu.vector_load %arg15[%get3A_1197, %get3A_1198] {strides = array<i32>} : memref<128x256xf32, #tpu.memory_space<vmem>>, vector<16xf32>,
        %add3A_1200 = arith.addf %get3A_1199, %get3A_179 : vector<16xf32>
        %mul3A_1201 = arith.mulf %gather3A_1124, %get3A_15 : vector<16xf32>
        %add3A_1202 = arith.addf %add3A_1200, %mul3A_1201 : vector<16xf32>
        %max3A_1203 = arith.constant 0.000000e+00 : f32
        %max3A_1204 = vector.broadcast %max3A_1203 : f32 to vector<16xf32>
        %max3A_1205 = arith.maximumf %add3A_1202, %max3A_1204 : vector<16xf32>
        %swap3A_1206 = arith.index_cast %add3A_1120 : i32 to index
        %swap3A_1207 = arith.constant 96 : index
        %swap3A_1208 = tpu.vector_load %arg15[%swap3A_1206, %swap3A_1207] {strides = array<i32>} : memref<128x256xf32, #tpu.memory_space<vmem>>, vector<16xf32>,
        tpu.vector_store %arg15[%swap3A_1206, %swap3A_1207], %max3A_1205 {strides = array<i32>} : memref<128x256xf32, #tpu.memory_space<vmem>>, vector<16xf32>,
        %get3A_1209 = arith.index_cast %add3A_1120 : i32 to index
        %get3A_1210 = arith.constant 112 : index
        %get3A_1211 = tpu.vector_load %arg15[%get3A_1209, %get3A_1210] {strides = array<i32>} : memref<128x256xf32, #tpu.memory_space<vmem>>, vector<16xf32>,
        %add3A_1212 = arith.addf %get3A_1211, %get3A_182 : vector<16xf32>
        %mul3A_1213 = arith.mulf %gather3A_1124, %get3A_17 : vector<16xf32>
        %add3A_1214 = arith.addf %add3A_1212, %mul3A_1213 : vector<16xf32>
        %max3A_1215 = arith.constant 0.000000e+00 : f32
        %max3A_1216 = vector.broadcast %max3A_1215 : f32 to vector<16xf32>
        %max3A_1217 = arith.maximumf %add3A_1214, %max3A_1216 : vector<16xf32>
        %swap3A_1218 = arith.index_cast %add3A_1120 : i32 to index
        %swap3A_1219 = arith.constant 112 : index
        %swap3A_1220 = tpu.vector_load %arg15[%swap3A_1218, %swap3A_1219] {strides = array<i32>} : memref<128x256xf32, #tpu.memory_space<vmem>>, vector<16xf32>,
        tpu.vector_store %arg15[%swap3A_1218, %swap3A_1219], %max3A_1217 {strides = array<i32>} : memref<128x256xf32, #tpu.memory_space<vmem>>, vector<16xf32>,
        %mul3A_1221 = arith.constant 16 : i32
        %mul3A_1222 = arith.muli %scan3A_124, %mul3A_1221 : i32
        %add3A_1223 = arith.constant 10 : i32
        %add3A_1224 = arith.addi %mul3A_1222, %add3A_1223 : i32
        %broadcast_in_dim3A_1225 = arith.constant 10 : i32
        %broadcast_in_dim3A_1226 = vector.broadcast %broadcast_in_dim3A_1225 : i32 to vector<16x1xi32>
        %gather3A_1227 = vector.shape_cast %broadcast_in_dim3A_1226 : vector<16x1xi32> to vector<16xi32>
        %gather3A_1228 = tpu.dynamic_gather %mul3A_158[%gather3A_1227] in [0] : vector<16xf32>, vector<16xi32> -> vector<16xf32>
        %get3A_1229 = arith.index_cast %add3A_1224 : i32 to index
        %get3A_1230 = arith.constant 0 : index
        %get3A_1231 = tpu.vector_load %arg15[%get3A_1229, %get3A_1230] {strides = array<i32>} : memref<128x256xf32, #tpu.memory_space<vmem>>, vector<16xf32>,
        %add3A_1232 = arith.addf %get3A_1231, %get3A_161 : vector<16xf32>
        %mul3A_1233 = arith.mulf %gather3A_1228, %get3A_3 : vector<16xf32>
        %add3A_1234 = arith.addf %add3A_1232, %mul3A_1233 : vector<16xf32>
        %max3A_1235 = arith.constant 0.000000e+00 : f32
        %max3A_1236 = vector.broadcast %max3A_1235 : f32 to vector<16xf32>
        %max3A_1237 = arith.maximumf %add3A_1234, %max3A_1236 : vector<16xf32>
        %swap3A_1238 = arith.index_cast %add3A_1224 : i32 to index
        %swap3A_1239 = arith.constant 0 : index
        %swap3A_1240 = tpu.vector_load %arg15[%swap3A_1238, %swap3A_1239] {strides = array<i32>} : memref<128x256xf32, #tpu.memory_space<vmem>>, vector<16xf32>,
        tpu.vector_store %arg15[%swap3A_1238, %swap3A_1239], %max3A_1237 {strides = array<i32>} : memref<128x256xf32, #tpu.memory_space<vmem>>, vector<16xf32>,
        %get3A_1241 = arith.index_cast %add3A_1224 : i32 to index
        %get3A_1242 = arith.constant 16 : index
        %get3A_1243 = tpu.vector_load %arg15[%get3A_1241, %get3A_1242] {strides = array<i32>} : memref<128x256xf32, #tpu.memory_space<vmem>>, vector<16xf32>,
        %add3A_1244 = arith.addf %get3A_1243, %get3A_164 : vector<16xf32>
        %mul3A_1245 = arith.mulf %gather3A_1228, %get3A_5 : vector<16xf32>
        %add3A_1246 = arith.addf %add3A_1244, %mul3A_1245 : vector<16xf32>
        %max3A_1247 = arith.constant 0.000000e+00 : f32
        %max3A_1248 = vector.broadcast %max3A_1247 : f32 to vector<16xf32>
        %max3A_1249 = arith.maximumf %add3A_1246, %max3A_1248 : vector<16xf32>
        %swap3A_1250 = arith.index_cast %add3A_1224 : i32 to index
        %swap3A_1251 = arith.constant 16 : index
        %swap3A_1252 = tpu.vector_load %arg15[%swap3A_1250, %swap3A_1251] {strides = array<i32>} : memref<128x256xf32, #tpu.memory_space<vmem>>, vector<16xf32>,
        tpu.vector_store %arg15[%swap3A_1250, %swap3A_1251], %max3A_1249 {strides = array<i32>} : memref<128x256xf32, #tpu.memory_space<vmem>>, vector<16xf32>,
        %get3A_1253 = arith.index_cast %add3A_1224 : i32 to index
        %get3A_1254 = arith.constant 32 : index
        %get3A_1255 = tpu.vector_load %arg15[%get3A_1253, %get3A_1254] {strides = array<i32>} : memref<128x256xf32, #tpu.memory_space<vmem>>, vector<16xf32>,
        %add3A_1256 = arith.addf %get3A_1255, %get3A_167 : vector<16xf32>
        %mul3A_1257 = arith.mulf %gather3A_1228, %get3A_7 : vector<16xf32>
        %add3A_1258 = arith.addf %add3A_1256, %mul3A_1257 : vector<16xf32>
        %max3A_1259 = arith.constant 0.000000e+00 : f32
        %max3A_1260 = vector.broadcast %max3A_1259 : f32 to vector<16xf32>
        %max3A_1261 = arith.maximumf %add3A_1258, %max3A_1260 : vector<16xf32>
        %swap3A_1262 = arith.index_cast %add3A_1224 : i32 to index
        %swap3A_1263 = arith.constant 32 : index
        %swap3A_1264 = tpu.vector_load %arg15[%swap3A_1262, %swap3A_1263] {strides = array<i32>} : memref<128x256xf32, #tpu.memory_space<vmem>>, vector<16xf32>,
        tpu.vector_store %arg15[%swap3A_1262, %swap3A_1263], %max3A_1261 {strides = array<i32>} : memref<128x256xf32, #tpu.memory_space<vmem>>, vector<16xf32>,
        %get3A_1265 = arith.index_cast %add3A_1224 : i32 to index
        %get3A_1266 = arith.constant 48 : index
        %get3A_1267 = tpu.vector_load %arg15[%get3A_1265, %get3A_1266] {strides = array<i32>} : memref<128x256xf32, #tpu.memory_space<vmem>>, vector<16xf32>,
        %add3A_1268 = arith.addf %get3A_1267, %get3A_170 : vector<16xf32>
        %mul3A_1269 = arith.mulf %gather3A_1228, %get3A_9 : vector<16xf32>
        %add3A_1270 = arith.addf %add3A_1268, %mul3A_1269 : vector<16xf32>
        %max3A_1271 = arith.constant 0.000000e+00 : f32
        %max3A_1272 = vector.broadcast %max3A_1271 : f32 to vector<16xf32>
        %max3A_1273 = arith.maximumf %add3A_1270, %max3A_1272 : vector<16xf32>
        %swap3A_1274 = arith.index_cast %add3A_1224 : i32 to index
        %swap3A_1275 = arith.constant 48 : index
        %swap3A_1276 = tpu.vector_load %arg15[%swap3A_1274, %swap3A_1275] {strides = array<i32>} : memref<128x256xf32, #tpu.memory_space<vmem>>, vector<16xf32>,
        tpu.vector_store %arg15[%swap3A_1274, %swap3A_1275], %max3A_1273 {strides = array<i32>} : memref<128x256xf32, #tpu.memory_space<vmem>>, vector<16xf32>,
        %get3A_1277 = arith.index_cast %add3A_1224 : i32 to index
        %get3A_1278 = arith.constant 64 : index
        %get3A_1279 = tpu.vector_load %arg15[%get3A_1277, %get3A_1278] {strides = array<i32>} : memref<128x256xf32, #tpu.memory_space<vmem>>, vector<16xf32>,
        %add3A_1280 = arith.addf %get3A_1279, %get3A_173 : vector<16xf32>
        %mul3A_1281 = arith.mulf %gather3A_1228, %get3A_11 : vector<16xf32>
        %add3A_1282 = arith.addf %add3A_1280, %mul3A_1281 : vector<16xf32>
        %max3A_1283 = arith.constant 0.000000e+00 : f32
        %max3A_1284 = vector.broadcast %max3A_1283 : f32 to vector<16xf32>
        %max3A_1285 = arith.maximumf %add3A_1282, %max3A_1284 : vector<16xf32>
        %swap3A_1286 = arith.index_cast %add3A_1224 : i32 to index
        %swap3A_1287 = arith.constant 64 : index
        %swap3A_1288 = tpu.vector_load %arg15[%swap3A_1286, %swap3A_1287] {strides = array<i32>} : memref<128x256xf32, #tpu.memory_space<vmem>>, vector<16xf32>,
        tpu.vector_store %arg15[%swap3A_1286, %swap3A_1287], %max3A_1285 {strides = array<i32>} : memref<128x256xf32, #tpu.memory_space<vmem>>, vector<16xf32>,
        %get3A_1289 = arith.index_cast %add3A_1224 : i32 to index
        %get3A_1290 = arith.constant 80 : index
        %get3A_1291 = tpu.vector_load %arg15[%get3A_1289, %get3A_1290] {strides = array<i32>} : memref<128x256xf32, #tpu.memory_space<vmem>>, vector<16xf32>,
        %add3A_1292 = arith.addf %get3A_1291, %get3A_176 : vector<16xf32>
        %mul3A_1293 = arith.mulf %gather3A_1228, %get3A_13 : vector<16xf32>
        %add3A_1294 = arith.addf %add3A_1292, %mul3A_1293 : vector<16xf32>
        %max3A_1295 = arith.constant 0.000000e+00 : f32
        %max3A_1296 = vector.broadcast %max3A_1295 : f32 to vector<16xf32>
        %max3A_1297 = arith.maximumf %add3A_1294, %max3A_1296 : vector<16xf32>
        %swap3A_1298 = arith.index_cast %add3A_1224 : i32 to index
        %swap3A_1299 = arith.constant 80 : index
        %swap3A_1300 = tpu.vector_load %arg15[%swap3A_1298, %swap3A_1299] {strides = array<i32>} : memref<128x256xf32, #tpu.memory_space<vmem>>, vector<16xf32>,
        tpu.vector_store %arg15[%swap3A_1298, %swap3A_1299], %max3A_1297 {strides = array<i32>} : memref<128x256xf32, #tpu.memory_space<vmem>>, vector<16xf32>,
        %get3A_1301 = arith.index_cast %add3A_1224 : i32 to index
        %get3A_1302 = arith.constant 96 : index
        %get3A_1303 = tpu.vector_load %arg15[%get3A_1301, %get3A_1302] {strides = array<i32>} : memref<128x256xf32, #tpu.memory_space<vmem>>, vector<16xf32>,
        %add3A_1304 = arith.addf %get3A_1303, %get3A_179 : vector<16xf32>
        %mul3A_1305 = arith.mulf %gather3A_1228, %get3A_15 : vector<16xf32>
        %add3A_1306 = arith.addf %add3A_1304, %mul3A_1305 : vector<16xf32>
        %max3A_1307 = arith.constant 0.000000e+00 : f32
        %max3A_1308 = vector.broadcast %max3A_1307 : f32 to vector<16xf32>
        %max3A_1309 = arith.maximumf %add3A_1306, %max3A_1308 : vector<16xf32>
        %swap3A_1310 = arith.index_cast %add3A_1224 : i32 to index
        %swap3A_1311 = arith.constant 96 : index
        %swap3A_1312 = tpu.vector_load %arg15[%swap3A_1310, %swap3A_1311] {strides = array<i32>} : memref<128x256xf32, #tpu.memory_space<vmem>>, vector<16xf32>,
        tpu.vector_store %arg15[%swap3A_1310, %swap3A_1311], %max3A_1309 {strides = array<i32>} : memref<128x256xf32, #tpu.memory_space<vmem>>, vector<16xf32>,
        %get3A_1313 = arith.index_cast %add3A_1224 : i32 to index
        %get3A_1314 = arith.constant 112 : index
        %get3A_1315 = tpu.vector_load %arg15[%get3A_1313, %get3A_1314] {strides = array<i32>} : memref<128x256xf32, #tpu.memory_space<vmem>>, vector<16xf32>,
        %add3A_1316 = arith.addf %get3A_1315, %get3A_182 : vector<16xf32>
        %mul3A_1317 = arith.mulf %gather3A_1228, %get3A_17 : vector<16xf32>
        %add3A_1318 = arith.addf %add3A_1316, %mul3A_1317 : vector<16xf32>
        %max3A_1319 = arith.constant 0.000000e+00 : f32
        %max3A_1320 = vector.broadcast %max3A_1319 : f32 to vector<16xf32>
        %max3A_1321 = arith.maximumf %add3A_1318, %max3A_1320 : vector<16xf32>
        %swap3A_1322 = arith.index_cast %add3A_1224 : i32 to index
        %swap3A_1323 = arith.constant 112 : index
        %swap3A_1324 = tpu.vector_load %arg15[%swap3A_1322, %swap3A_1323] {strides = array<i32>} : memref<128x256xf32, #tpu.memory_space<vmem>>, vector<16xf32>,
        tpu.vector_store %arg15[%swap3A_1322, %swap3A_1323], %max3A_1321 {strides = array<i32>} : memref<128x256xf32, #tpu.memory_space<vmem>>, vector<16xf32>,
        %mul3A_1325 = arith.constant 16 : i32
        %mul3A_1326 = arith.muli %scan3A_124, %mul3A_1325 : i32
        %add3A_1327 = arith.constant 11 : i32
        %add3A_1328 = arith.addi %mul3A_1326, %add3A_1327 : i32
        %broadcast_in_dim3A_1329 = arith.constant 11 : i32
        %broadcast_in_dim3A_1330 = vector.broadcast %broadcast_in_dim3A_1329 : i32 to vector<16x1xi32>
        %gather3A_1331 = vector.shape_cast %broadcast_in_dim3A_1330 : vector<16x1xi32> to vector<16xi32>
        %gather3A_1332 = tpu.dynamic_gather %mul3A_158[%gather3A_1331] in [0] : vector<16xf32>, vector<16xi32> -> vector<16xf32>
        %get3A_1333 = arith.index_cast %add3A_1328 : i32 to index
        %get3A_1334 = arith.constant 0 : index
        %get3A_1335 = tpu.vector_load %arg15[%get3A_1333, %get3A_1334] {strides = array<i32>} : memref<128x256xf32, #tpu.memory_space<vmem>>, vector<16xf32>,
        %add3A_1336 = arith.addf %get3A_1335, %get3A_161 : vector<16xf32>
        %mul3A_1337 = arith.mulf %gather3A_1332, %get3A_3 : vector<16xf32>
        %add3A_1338 = arith.addf %add3A_1336, %mul3A_1337 : vector<16xf32>
        %max3A_1339 = arith.constant 0.000000e+00 : f32
        %max3A_1340 = vector.broadcast %max3A_1339 : f32 to vector<16xf32>
        %max3A_1341 = arith.maximumf %add3A_1338, %max3A_1340 : vector<16xf32>
        %swap3A_1342 = arith.index_cast %add3A_1328 : i32 to index
        %swap3A_1343 = arith.constant 0 : index
        %swap3A_1344 = tpu.vector_load %arg15[%swap3A_1342, %swap3A_1343] {strides = array<i32>} : memref<128x256xf32, #tpu.memory_space<vmem>>, vector<16xf32>,
        tpu.vector_store %arg15[%swap3A_1342, %swap3A_1343], %max3A_1341 {strides = array<i32>} : memref<128x256xf32, #tpu.memory_space<vmem>>, vector<16xf32>,
        %get3A_1345 = arith.index_cast %add3A_1328 : i32 to index
        %get3A_1346 = arith.constant 16 : index
        %get3A_1347 = tpu.vector_load %arg15[%get3A_1345, %get3A_1346] {strides = array<i32>} : memref<128x256xf32, #tpu.memory_space<vmem>>, vector<16xf32>,
        %add3A_1348 = arith.addf %get3A_1347, %get3A_164 : vector<16xf32>
        %mul3A_1349 = arith.mulf %gather3A_1332, %get3A_5 : vector<16xf32>
        %add3A_1350 = arith.addf %add3A_1348, %mul3A_1349 : vector<16xf32>
        %max3A_1351 = arith.constant 0.000000e+00 : f32
        %max3A_1352 = vector.broadcast %max3A_1351 : f32 to vector<16xf32>
        %max3A_1353 = arith.maximumf %add3A_1350, %max3A_1352 : vector<16xf32>
        %swap3A_1354 = arith.index_cast %add3A_1328 : i32 to index
        %swap3A_1355 = arith.constant 16 : index
        %swap3A_1356 = tpu.vector_load %arg15[%swap3A_1354, %swap3A_1355] {strides = array<i32>} : memref<128x256xf32, #tpu.memory_space<vmem>>, vector<16xf32>,
        tpu.vector_store %arg15[%swap3A_1354, %swap3A_1355], %max3A_1353 {strides = array<i32>} : memref<128x256xf32, #tpu.memory_space<vmem>>, vector<16xf32>,
        %get3A_1357 = arith.index_cast %add3A_1328 : i32 to index
        %get3A_1358 = arith.constant 32 : index
        %get3A_1359 = tpu.vector_load %arg15[%get3A_1357, %get3A_1358] {strides = array<i32>} : memref<128x256xf32, #tpu.memory_space<vmem>>, vector<16xf32>,
        %add3A_1360 = arith.addf %get3A_1359, %get3A_167 : vector<16xf32>
        %mul3A_1361 = arith.mulf %gather3A_1332, %get3A_7 : vector<16xf32>
        %add3A_1362 = arith.addf %add3A_1360, %mul3A_1361 : vector<16xf32>
        %max3A_1363 = arith.constant 0.000000e+00 : f32
        %max3A_1364 = vector.broadcast %max3A_1363 : f32 to vector<16xf32>
        %max3A_1365 = arith.maximumf %add3A_1362, %max3A_1364 : vector<16xf32>
        %swap3A_1366 = arith.index_cast %add3A_1328 : i32 to index
        %swap3A_1367 = arith.constant 32 : index
        %swap3A_1368 = tpu.vector_load %arg15[%swap3A_1366, %swap3A_1367] {strides = array<i32>} : memref<128x256xf32, #tpu.memory_space<vmem>>, vector<16xf32>,
        tpu.vector_store %arg15[%swap3A_1366, %swap3A_1367], %max3A_1365 {strides = array<i32>} : memref<128x256xf32, #tpu.memory_space<vmem>>, vector<16xf32>,
        %get3A_1369 = arith.index_cast %add3A_1328 : i32 to index
        %get3A_1370 = arith.constant 48 : index
        %get3A_1371 = tpu.vector_load %arg15[%get3A_1369, %get3A_1370] {strides = array<i32>} : memref<128x256xf32, #tpu.memory_space<vmem>>, vector<16xf32>,
        %add3A_1372 = arith.addf %get3A_1371, %get3A_170 : vector<16xf32>
        %mul3A_1373 = arith.mulf %gather3A_1332, %get3A_9 : vector<16xf32>
        %add3A_1374 = arith.addf %add3A_1372, %mul3A_1373 : vector<16xf32>
        %max3A_1375 = arith.constant 0.000000e+00 : f32
        %max3A_1376 = vector.broadcast %max3A_1375 : f32 to vector<16xf32>
        %max3A_1377 = arith.maximumf %add3A_1374, %max3A_1376 : vector<16xf32>
        %swap3A_1378 = arith.index_cast %add3A_1328 : i32 to index
        %swap3A_1379 = arith.constant 48 : index
        %swap3A_1380 = tpu.vector_load %arg15[%swap3A_1378, %swap3A_1379] {strides = array<i32>} : memref<128x256xf32, #tpu.memory_space<vmem>>, vector<16xf32>,
        tpu.vector_store %arg15[%swap3A_1378, %swap3A_1379], %max3A_1377 {strides = array<i32>} : memref<128x256xf32, #tpu.memory_space<vmem>>, vector<16xf32>,
        %get3A_1381 = arith.index_cast %add3A_1328 : i32 to index
        %get3A_1382 = arith.constant 64 : index
        %get3A_1383 = tpu.vector_load %arg15[%get3A_1381, %get3A_1382] {strides = array<i32>} : memref<128x256xf32, #tpu.memory_space<vmem>>, vector<16xf32>,
        %add3A_1384 = arith.addf %get3A_1383, %get3A_173 : vector<16xf32>
        %mul3A_1385 = arith.mulf %gather3A_1332, %get3A_11 : vector<16xf32>
        %add3A_1386 = arith.addf %add3A_1384, %mul3A_1385 : vector<16xf32>
        %max3A_1387 = arith.constant 0.000000e+00 : f32
        %max3A_1388 = vector.broadcast %max3A_1387 : f32 to vector<16xf32>
        %max3A_1389 = arith.maximumf %add3A_1386, %max3A_1388 : vector<16xf32>
        %swap3A_1390 = arith.index_cast %add3A_1328 : i32 to index
        %swap3A_1391 = arith.constant 64 : index
        %swap3A_1392 = tpu.vector_load %arg15[%swap3A_1390, %swap3A_1391] {strides = array<i32>} : memref<128x256xf32, #tpu.memory_space<vmem>>, vector<16xf32>,
        tpu.vector_store %arg15[%swap3A_1390, %swap3A_1391], %max3A_1389 {strides = array<i32>} : memref<128x256xf32, #tpu.memory_space<vmem>>, vector<16xf32>,
        %get3A_1393 = arith.index_cast %add3A_1328 : i32 to index
        %get3A_1394 = arith.constant 80 : index
        %get3A_1395 = tpu.vector_load %arg15[%get3A_1393, %get3A_1394] {strides = array<i32>} : memref<128x256xf32, #tpu.memory_space<vmem>>, vector<16xf32>,
        %add3A_1396 = arith.addf %get3A_1395, %get3A_176 : vector<16xf32>
        %mul3A_1397 = arith.mulf %gather3A_1332, %get3A_13 : vector<16xf32>
        %add3A_1398 = arith.addf %add3A_1396, %mul3A_1397 : vector<16xf32>
        %max3A_1399 = arith.constant 0.000000e+00 : f32
        %max3A_1400 = vector.broadcast %max3A_1399 : f32 to vector<16xf32>
        %max3A_1401 = arith.maximumf %add3A_1398, %max3A_1400 : vector<16xf32>
        %swap3A_1402 = arith.index_cast %add3A_1328 : i32 to index
        %swap3A_1403 = arith.constant 80 : index
        %swap3A_1404 = tpu.vector_load %arg15[%swap3A_1402, %swap3A_1403] {strides = array<i32>} : memref<128x256xf32, #tpu.memory_space<vmem>>, vector<16xf32>,
        tpu.vector_store %arg15[%swap3A_1402, %swap3A_1403], %max3A_1401 {strides = array<i32>} : memref<128x256xf32, #tpu.memory_space<vmem>>, vector<16xf32>,
        %get3A_1405 = arith.index_cast %add3A_1328 : i32 to index
        %get3A_1406 = arith.constant 96 : index
        %get3A_1407 = tpu.vector_load %arg15[%get3A_1405, %get3A_1406] {strides = array<i32>} : memref<128x256xf32, #tpu.memory_space<vmem>>, vector<16xf32>,
        %add3A_1408 = arith.addf %get3A_1407, %get3A_179 : vector<16xf32>
        %mul3A_1409 = arith.mulf %gather3A_1332, %get3A_15 : vector<16xf32>
        %add3A_1410 = arith.addf %add3A_1408, %mul3A_1409 : vector<16xf32>
        %max3A_1411 = arith.constant 0.000000e+00 : f32
        %max3A_1412 = vector.broadcast %max3A_1411 : f32 to vector<16xf32>
        %max3A_1413 = arith.maximumf %add3A_1410, %max3A_1412 : vector<16xf32>
        %swap3A_1414 = arith.index_cast %add3A_1328 : i32 to index
        %swap3A_1415 = arith.constant 96 : index
        %swap3A_1416 = tpu.vector_load %arg15[%swap3A_1414, %swap3A_1415] {strides = array<i32>} : memref<128x256xf32, #tpu.memory_space<vmem>>, vector<16xf32>,
        tpu.vector_store %arg15[%swap3A_1414, %swap3A_1415], %max3A_1413 {strides = array<i32>} : memref<128x256xf32, #tpu.memory_space<vmem>>, vector<16xf32>,
        %get3A_1417 = arith.index_cast %add3A_1328 : i32 to index
        %get3A_1418 = arith.constant 112 : index
        %get3A_1419 = tpu.vector_load %arg15[%get3A_1417, %get3A_1418] {strides = array<i32>} : memref<128x256xf32, #tpu.memory_space<vmem>>, vector<16xf32>,
        %add3A_1420 = arith.addf %get3A_1419, %get3A_182 : vector<16xf32>
        %mul3A_1421 = arith.mulf %gather3A_1332, %get3A_17 : vector<16xf32>
        %add3A_1422 = arith.addf %add3A_1420, %mul3A_1421 : vector<16xf32>
        %max3A_1423 = arith.constant 0.000000e+00 : f32
        %max3A_1424 = vector.broadcast %max3A_1423 : f32 to vector<16xf32>
        %max3A_1425 = arith.maximumf %add3A_1422, %max3A_1424 : vector<16xf32>
        %swap3A_1426 = arith.index_cast %add3A_1328 : i32 to index
        %swap3A_1427 = arith.constant 112 : index
        %swap3A_1428 = tpu.vector_load %arg15[%swap3A_1426, %swap3A_1427] {strides = array<i32>} : memref<128x256xf32, #tpu.memory_space<vmem>>, vector<16xf32>,
        tpu.vector_store %arg15[%swap3A_1426, %swap3A_1427], %max3A_1425 {strides = array<i32>} : memref<128x256xf32, #tpu.memory_space<vmem>>, vector<16xf32>,
        %mul3A_1429 = arith.constant 16 : i32
        %mul3A_1430 = arith.muli %scan3A_124, %mul3A_1429 : i32
        %add3A_1431 = arith.constant 12 : i32
        %add3A_1432 = arith.addi %mul3A_1430, %add3A_1431 : i32
        %broadcast_in_dim3A_1433 = arith.constant 12 : i32
        %broadcast_in_dim3A_1434 = vector.broadcast %broadcast_in_dim3A_1433 : i32 to vector<16x1xi32>
        %gather3A_1435 = vector.shape_cast %broadcast_in_dim3A_1434 : vector<16x1xi32> to vector<16xi32>
        %gather3A_1436 = tpu.dynamic_gather %mul3A_158[%gather3A_1435] in [0] : vector<16xf32>, vector<16xi32> -> vector<16xf32>
        %get3A_1437 = arith.index_cast %add3A_1432 : i32 to index
        %get3A_1438 = arith.constant 0 : index
        %get3A_1439 = tpu.vector_load %arg15[%get3A_1437, %get3A_1438] {strides = array<i32>} : memref<128x256xf32, #tpu.memory_space<vmem>>, vector<16xf32>,
        %add3A_1440 = arith.addf %get3A_1439, %get3A_161 : vector<16xf32>
        %mul3A_1441 = arith.mulf %gather3A_1436, %get3A_3 : vector<16xf32>
        %add3A_1442 = arith.addf %add3A_1440, %mul3A_1441 : vector<16xf32>
        %max3A_1443 = arith.constant 0.000000e+00 : f32
        %max3A_1444 = vector.broadcast %max3A_1443 : f32 to vector<16xf32>
        %max3A_1445 = arith.maximumf %add3A_1442, %max3A_1444 : vector<16xf32>
        %swap3A_1446 = arith.index_cast %add3A_1432 : i32 to index
        %swap3A_1447 = arith.constant 0 : index
        %swap3A_1448 = tpu.vector_load %arg15[%swap3A_1446, %swap3A_1447] {strides = array<i32>} : memref<128x256xf32, #tpu.memory_space<vmem>>, vector<16xf32>,
        tpu.vector_store %arg15[%swap3A_1446, %swap3A_1447], %max3A_1445 {strides = array<i32>} : memref<128x256xf32, #tpu.memory_space<vmem>>, vector<16xf32>,
        %get3A_1449 = arith.index_cast %add3A_1432 : i32 to index
        %get3A_1450 = arith.constant 16 : index
        %get3A_1451 = tpu.vector_load %arg15[%get3A_1449, %get3A_1450] {strides = array<i32>} : memref<128x256xf32, #tpu.memory_space<vmem>>, vector<16xf32>,
        %add3A_1452 = arith.addf %get3A_1451, %get3A_164 : vector<16xf32>
        %mul3A_1453 = arith.mulf %gather3A_1436, %get3A_5 : vector<16xf32>
        %add3A_1454 = arith.addf %add3A_1452, %mul3A_1453 : vector<16xf32>
        %max3A_1455 = arith.constant 0.000000e+00 : f32
        %max3A_1456 = vector.broadcast %max3A_1455 : f32 to vector<16xf32>
        %max3A_1457 = arith.maximumf %add3A_1454, %max3A_1456 : vector<16xf32>
        %swap3A_1458 = arith.index_cast %add3A_1432 : i32 to index
        %swap3A_1459 = arith.constant 16 : index
        %swap3A_1460 = tpu.vector_load %arg15[%swap3A_1458, %swap3A_1459] {strides = array<i32>} : memref<128x256xf32, #tpu.memory_space<vmem>>, vector<16xf32>,
        tpu.vector_store %arg15[%swap3A_1458, %swap3A_1459], %max3A_1457 {strides = array<i32>} : memref<128x256xf32, #tpu.memory_space<vmem>>, vector<16xf32>,
        %get3A_1461 = arith.index_cast %add3A_1432 : i32 to index
        %get3A_1462 = arith.constant 32 : index
        %get3A_1463 = tpu.vector_load %arg15[%get3A_1461, %get3A_1462] {strides = array<i32>} : memref<128x256xf32, #tpu.memory_space<vmem>>, vector<16xf32>,
        %add3A_1464 = arith.addf %get3A_1463, %get3A_167 : vector<16xf32>
        %mul3A_1465 = arith.mulf %gather3A_1436, %get3A_7 : vector<16xf32>
        %add3A_1466 = arith.addf %add3A_1464, %mul3A_1465 : vector<16xf32>
        %max3A_1467 = arith.constant 0.000000e+00 : f32
        %max3A_1468 = vector.broadcast %max3A_1467 : f32 to vector<16xf32>
        %max3A_1469 = arith.maximumf %add3A_1466, %max3A_1468 : vector<16xf32>
        %swap3A_1470 = arith.index_cast %add3A_1432 : i32 to index
        %swap3A_1471 = arith.constant 32 : index
        %swap3A_1472 = tpu.vector_load %arg15[%swap3A_1470, %swap3A_1471] {strides = array<i32>} : memref<128x256xf32, #tpu.memory_space<vmem>>, vector<16xf32>,
        tpu.vector_store %arg15[%swap3A_1470, %swap3A_1471], %max3A_1469 {strides = array<i32>} : memref<128x256xf32, #tpu.memory_space<vmem>>, vector<16xf32>,
        %get3A_1473 = arith.index_cast %add3A_1432 : i32 to index
        %get3A_1474 = arith.constant 48 : index
        %get3A_1475 = tpu.vector_load %arg15[%get3A_1473, %get3A_1474] {strides = array<i32>} : memref<128x256xf32, #tpu.memory_space<vmem>>, vector<16xf32>,
        %add3A_1476 = arith.addf %get3A_1475, %get3A_170 : vector<16xf32>
        %mul3A_1477 = arith.mulf %gather3A_1436, %get3A_9 : vector<16xf32>
        %add3A_1478 = arith.addf %add3A_1476, %mul3A_1477 : vector<16xf32>
        %max3A_1479 = arith.constant 0.000000e+00 : f32
        %max3A_1480 = vector.broadcast %max3A_1479 : f32 to vector<16xf32>
        %max3A_1481 = arith.maximumf %add3A_1478, %max3A_1480 : vector<16xf32>
        %swap3A_1482 = arith.index_cast %add3A_1432 : i32 to index
        %swap3A_1483 = arith.constant 48 : index
        %swap3A_1484 = tpu.vector_load %arg15[%swap3A_1482, %swap3A_1483] {strides = array<i32>} : memref<128x256xf32, #tpu.memory_space<vmem>>, vector<16xf32>,
        tpu.vector_store %arg15[%swap3A_1482, %swap3A_1483], %max3A_1481 {strides = array<i32>} : memref<128x256xf32, #tpu.memory_space<vmem>>, vector<16xf32>,
        %get3A_1485 = arith.index_cast %add3A_1432 : i32 to index
        %get3A_1486 = arith.constant 64 : index
        %get3A_1487 = tpu.vector_load %arg15[%get3A_1485, %get3A_1486] {strides = array<i32>} : memref<128x256xf32, #tpu.memory_space<vmem>>, vector<16xf32>,
        %add3A_1488 = arith.addf %get3A_1487, %get3A_173 : vector<16xf32>
        %mul3A_1489 = arith.mulf %gather3A_1436, %get3A_11 : vector<16xf32>
        %add3A_1490 = arith.addf %add3A_1488, %mul3A_1489 : vector<16xf32>
        %max3A_1491 = arith.constant 0.000000e+00 : f32
        %max3A_1492 = vector.broadcast %max3A_1491 : f32 to vector<16xf32>
        %max3A_1493 = arith.maximumf %add3A_1490, %max3A_1492 : vector<16xf32>
        %swap3A_1494 = arith.index_cast %add3A_1432 : i32 to index
        %swap3A_1495 = arith.constant 64 : index
        %swap3A_1496 = tpu.vector_load %arg15[%swap3A_1494, %swap3A_1495] {strides = array<i32>} : memref<128x256xf32, #tpu.memory_space<vmem>>, vector<16xf32>,
        tpu.vector_store %arg15[%swap3A_1494, %swap3A_1495], %max3A_1493 {strides = array<i32>} : memref<128x256xf32, #tpu.memory_space<vmem>>, vector<16xf32>,
        %get3A_1497 = arith.index_cast %add3A_1432 : i32 to index
        %get3A_1498 = arith.constant 80 : index
        %get3A_1499 = tpu.vector_load %arg15[%get3A_1497, %get3A_1498] {strides = array<i32>} : memref<128x256xf32, #tpu.memory_space<vmem>>, vector<16xf32>,
        %add3A_1500 = arith.addf %get3A_1499, %get3A_176 : vector<16xf32>
        %mul3A_1501 = arith.mulf %gather3A_1436, %get3A_13 : vector<16xf32>
        %add3A_1502 = arith.addf %add3A_1500, %mul3A_1501 : vector<16xf32>
        %max3A_1503 = arith.constant 0.000000e+00 : f32
        %max3A_1504 = vector.broadcast %max3A_1503 : f32 to vector<16xf32>
        %max3A_1505 = arith.maximumf %add3A_1502, %max3A_1504 : vector<16xf32>
        %swap3A_1506 = arith.index_cast %add3A_1432 : i32 to index
        %swap3A_1507 = arith.constant 80 : index
        %swap3A_1508 = tpu.vector_load %arg15[%swap3A_1506, %swap3A_1507] {strides = array<i32>} : memref<128x256xf32, #tpu.memory_space<vmem>>, vector<16xf32>,
        tpu.vector_store %arg15[%swap3A_1506, %swap3A_1507], %max3A_1505 {strides = array<i32>} : memref<128x256xf32, #tpu.memory_space<vmem>>, vector<16xf32>,
        %get3A_1509 = arith.index_cast %add3A_1432 : i32 to index
        %get3A_1510 = arith.constant 96 : index
        %get3A_1511 = tpu.vector_load %arg15[%get3A_1509, %get3A_1510] {strides = array<i32>} : memref<128x256xf32, #tpu.memory_space<vmem>>, vector<16xf32>,
        %add3A_1512 = arith.addf %get3A_1511, %get3A_179 : vector<16xf32>
        %mul3A_1513 = arith.mulf %gather3A_1436, %get3A_15 : vector<16xf32>
        %add3A_1514 = arith.addf %add3A_1512, %mul3A_1513 : vector<16xf32>
        %max3A_1515 = arith.constant 0.000000e+00 : f32
        %max3A_1516 = vector.broadcast %max3A_1515 : f32 to vector<16xf32>
        %max3A_1517 = arith.maximumf %add3A_1514, %max3A_1516 : vector<16xf32>
        %swap3A_1518 = arith.index_cast %add3A_1432 : i32 to index
        %swap3A_1519 = arith.constant 96 : index
        %swap3A_1520 = tpu.vector_load %arg15[%swap3A_1518, %swap3A_1519] {strides = array<i32>} : memref<128x256xf32, #tpu.memory_space<vmem>>, vector<16xf32>,
        tpu.vector_store %arg15[%swap3A_1518, %swap3A_1519], %max3A_1517 {strides = array<i32>} : memref<128x256xf32, #tpu.memory_space<vmem>>, vector<16xf32>,
        %get3A_1521 = arith.index_cast %add3A_1432 : i32 to index
        %get3A_1522 = arith.constant 112 : index
        %get3A_1523 = tpu.vector_load %arg15[%get3A_1521, %get3A_1522] {strides = array<i32>} : memref<128x256xf32, #tpu.memory_space<vmem>>, vector<16xf32>,
        %add3A_1524 = arith.addf %get3A_1523, %get3A_182 : vector<16xf32>
        %mul3A_1525 = arith.mulf %gather3A_1436, %get3A_17 : vector<16xf32>
        %add3A_1526 = arith.addf %add3A_1524, %mul3A_1525 : vector<16xf32>
        %max3A_1527 = arith.constant 0.000000e+00 : f32
        %max3A_1528 = vector.broadcast %max3A_1527 : f32 to vector<16xf32>
        %max3A_1529 = arith.maximumf %add3A_1526, %max3A_1528 : vector<16xf32>
        %swap3A_1530 = arith.index_cast %add3A_1432 : i32 to index
        %swap3A_1531 = arith.constant 112 : index
        %swap3A_1532 = tpu.vector_load %arg15[%swap3A_1530, %swap3A_1531] {strides = array<i32>} : memref<128x256xf32, #tpu.memory_space<vmem>>, vector<16xf32>,
        tpu.vector_store %arg15[%swap3A_1530, %swap3A_1531], %max3A_1529 {strides = array<i32>} : memref<128x256xf32, #tpu.memory_space<vmem>>, vector<16xf32>,
        %mul3A_1533 = arith.constant 16 : i32
        %mul3A_1534 = arith.muli %scan3A_124, %mul3A_1533 : i32
        %add3A_1535 = arith.constant 13 : i32
        %add3A_1536 = arith.addi %mul3A_1534, %add3A_1535 : i32
        %broadcast_in_dim3A_1537 = arith.constant 13 : i32
        %broadcast_in_dim3A_1538 = vector.broadcast %broadcast_in_dim3A_1537 : i32 to vector<16x1xi32>
        %gather3A_1539 = vector.shape_cast %broadcast_in_dim3A_1538 : vector<16x1xi32> to vector<16xi32>
        %gather3A_1540 = tpu.dynamic_gather %mul3A_158[%gather3A_1539] in [0] : vector<16xf32>, vector<16xi32> -> vector<16xf32>
        %get3A_1541 = arith.index_cast %add3A_1536 : i32 to index
        %get3A_1542 = arith.constant 0 : index
        %get3A_1543 = tpu.vector_load %arg15[%get3A_1541, %get3A_1542] {strides = array<i32>} : memref<128x256xf32, #tpu.memory_space<vmem>>, vector<16xf32>,
        %add3A_1544 = arith.addf %get3A_1543, %get3A_161 : vector<16xf32>
        %mul3A_1545 = arith.mulf %gather3A_1540, %get3A_3 : vector<16xf32>
        %add3A_1546 = arith.addf %add3A_1544, %mul3A_1545 : vector<16xf32>
        %max3A_1547 = arith.constant 0.000000e+00 : f32
        %max3A_1548 = vector.broadcast %max3A_1547 : f32 to vector<16xf32>
        %max3A_1549 = arith.maximumf %add3A_1546, %max3A_1548 : vector<16xf32>
        %swap3A_1550 = arith.index_cast %add3A_1536 : i32 to index
        %swap3A_1551 = arith.constant 0 : index
        %swap3A_1552 = tpu.vector_load %arg15[%swap3A_1550, %swap3A_1551] {strides = array<i32>} : memref<128x256xf32, #tpu.memory_space<vmem>>, vector<16xf32>,
        tpu.vector_store %arg15[%swap3A_1550, %swap3A_1551], %max3A_1549 {strides = array<i32>} : memref<128x256xf32, #tpu.memory_space<vmem>>, vector<16xf32>,
        %get3A_1553 = arith.index_cast %add3A_1536 : i32 to index
        %get3A_1554 = arith.constant 16 : index
        %get3A_1555 = tpu.vector_load %arg15[%get3A_1553, %get3A_1554] {strides = array<i32>} : memref<128x256xf32, #tpu.memory_space<vmem>>, vector<16xf32>,
        %add3A_1556 = arith.addf %get3A_1555, %get3A_164 : vector<16xf32>
        %mul3A_1557 = arith.mulf %gather3A_1540, %get3A_5 : vector<16xf32>
        %add3A_1558 = arith.addf %add3A_1556, %mul3A_1557 : vector<16xf32>
        %max3A_1559 = arith.constant 0.000000e+00 : f32
        %max3A_1560 = vector.broadcast %max3A_1559 : f32 to vector<16xf32>
        %max3A_1561 = arith.maximumf %add3A_1558, %max3A_1560 : vector<16xf32>
        %swap3A_1562 = arith.index_cast %add3A_1536 : i32 to index
        %swap3A_1563 = arith.constant 16 : index
        %swap3A_1564 = tpu.vector_load %arg15[%swap3A_1562, %swap3A_1563] {strides = array<i32>} : memref<128x256xf32, #tpu.memory_space<vmem>>, vector<16xf32>,
        tpu.vector_store %arg15[%swap3A_1562, %swap3A_1563], %max3A_1561 {strides = array<i32>} : memref<128x256xf32, #tpu.memory_space<vmem>>, vector<16xf32>,
        %get3A_1565 = arith.index_cast %add3A_1536 : i32 to index
        %get3A_1566 = arith.constant 32 : index
        %get3A_1567 = tpu.vector_load %arg15[%get3A_1565, %get3A_1566] {strides = array<i32>} : memref<128x256xf32, #tpu.memory_space<vmem>>, vector<16xf32>,
        %add3A_1568 = arith.addf %get3A_1567, %get3A_167 : vector<16xf32>
        %mul3A_1569 = arith.mulf %gather3A_1540, %get3A_7 : vector<16xf32>
        %add3A_1570 = arith.addf %add3A_1568, %mul3A_1569 : vector<16xf32>
        %max3A_1571 = arith.constant 0.000000e+00 : f32
        %max3A_1572 = vector.broadcast %max3A_1571 : f32 to vector<16xf32>
        %max3A_1573 = arith.maximumf %add3A_1570, %max3A_1572 : vector<16xf32>
        %swap3A_1574 = arith.index_cast %add3A_1536 : i32 to index
        %swap3A_1575 = arith.constant 32 : index
        %swap3A_1576 = tpu.vector_load %arg15[%swap3A_1574, %swap3A_1575] {strides = array<i32>} : memref<128x256xf32, #tpu.memory_space<vmem>>, vector<16xf32>,
        tpu.vector_store %arg15[%swap3A_1574, %swap3A_1575], %max3A_1573 {strides = array<i32>} : memref<128x256xf32, #tpu.memory_space<vmem>>, vector<16xf32>,
        %get3A_1577 = arith.index_cast %add3A_1536 : i32 to index
        %get3A_1578 = arith.constant 48 : index
        %get3A_1579 = tpu.vector_load %arg15[%get3A_1577, %get3A_1578] {strides = array<i32>} : memref<128x256xf32, #tpu.memory_space<vmem>>, vector<16xf32>,
        %add3A_1580 = arith.addf %get3A_1579, %get3A_170 : vector<16xf32>
        %mul3A_1581 = arith.mulf %gather3A_1540, %get3A_9 : vector<16xf32>
        %add3A_1582 = arith.addf %add3A_1580, %mul3A_1581 : vector<16xf32>
        %max3A_1583 = arith.constant 0.000000e+00 : f32
        %max3A_1584 = vector.broadcast %max3A_1583 : f32 to vector<16xf32>
        %max3A_1585 = arith.maximumf %add3A_1582, %max3A_1584 : vector<16xf32>
        %swap3A_1586 = arith.index_cast %add3A_1536 : i32 to index
        %swap3A_1587 = arith.constant 48 : index
        %swap3A_1588 = tpu.vector_load %arg15[%swap3A_1586, %swap3A_1587] {strides = array<i32>} : memref<128x256xf32, #tpu.memory_space<vmem>>, vector<16xf32>,
        tpu.vector_store %arg15[%swap3A_1586, %swap3A_1587], %max3A_1585 {strides = array<i32>} : memref<128x256xf32, #tpu.memory_space<vmem>>, vector<16xf32>,
        %get3A_1589 = arith.index_cast %add3A_1536 : i32 to index
        %get3A_1590 = arith.constant 64 : index
        %get3A_1591 = tpu.vector_load %arg15[%get3A_1589, %get3A_1590] {strides = array<i32>} : memref<128x256xf32, #tpu.memory_space<vmem>>, vector<16xf32>,
        %add3A_1592 = arith.addf %get3A_1591, %get3A_173 : vector<16xf32>
        %mul3A_1593 = arith.mulf %gather3A_1540, %get3A_11 : vector<16xf32>
        %add3A_1594 = arith.addf %add3A_1592, %mul3A_1593 : vector<16xf32>
        %max3A_1595 = arith.constant 0.000000e+00 : f32
        %max3A_1596 = vector.broadcast %max3A_1595 : f32 to vector<16xf32>
        %max3A_1597 = arith.maximumf %add3A_1594, %max3A_1596 : vector<16xf32>
        %swap3A_1598 = arith.index_cast %add3A_1536 : i32 to index
        %swap3A_1599 = arith.constant 64 : index
        %swap3A_1600 = tpu.vector_load %arg15[%swap3A_1598, %swap3A_1599] {strides = array<i32>} : memref<128x256xf32, #tpu.memory_space<vmem>>, vector<16xf32>,
        tpu.vector_store %arg15[%swap3A_1598, %swap3A_1599], %max3A_1597 {strides = array<i32>} : memref<128x256xf32, #tpu.memory_space<vmem>>, vector<16xf32>,
        %get3A_1601 = arith.index_cast %add3A_1536 : i32 to index
        %get3A_1602 = arith.constant 80 : index
        %get3A_1603 = tpu.vector_load %arg15[%get3A_1601, %get3A_1602] {strides = array<i32>} : memref<128x256xf32, #tpu.memory_space<vmem>>, vector<16xf32>,
        %add3A_1604 = arith.addf %get3A_1603, %get3A_176 : vector<16xf32>
        %mul3A_1605 = arith.mulf %gather3A_1540, %get3A_13 : vector<16xf32>
        %add3A_1606 = arith.addf %add3A_1604, %mul3A_1605 : vector<16xf32>
        %max3A_1607 = arith.constant 0.000000e+00 : f32
        %max3A_1608 = vector.broadcast %max3A_1607 : f32 to vector<16xf32>
        %max3A_1609 = arith.maximumf %add3A_1606, %max3A_1608 : vector<16xf32>
        %swap3A_1610 = arith.index_cast %add3A_1536 : i32 to index
        %swap3A_1611 = arith.constant 80 : index
        %swap3A_1612 = tpu.vector_load %arg15[%swap3A_1610, %swap3A_1611] {strides = array<i32>} : memref<128x256xf32, #tpu.memory_space<vmem>>, vector<16xf32>,
        tpu.vector_store %arg15[%swap3A_1610, %swap3A_1611], %max3A_1609 {strides = array<i32>} : memref<128x256xf32, #tpu.memory_space<vmem>>, vector<16xf32>,
        %get3A_1613 = arith.index_cast %add3A_1536 : i32 to index
        %get3A_1614 = arith.constant 96 : index
        %get3A_1615 = tpu.vector_load %arg15[%get3A_1613, %get3A_1614] {strides = array<i32>} : memref<128x256xf32, #tpu.memory_space<vmem>>, vector<16xf32>,
        %add3A_1616 = arith.addf %get3A_1615, %get3A_179 : vector<16xf32>
        %mul3A_1617 = arith.mulf %gather3A_1540, %get3A_15 : vector<16xf32>
        %add3A_1618 = arith.addf %add3A_1616, %mul3A_1617 : vector<16xf32>
        %max3A_1619 = arith.constant 0.000000e+00 : f32
        %max3A_1620 = vector.broadcast %max3A_1619 : f32 to vector<16xf32>
        %max3A_1621 = arith.maximumf %add3A_1618, %max3A_1620 : vector<16xf32>
        %swap3A_1622 = arith.index_cast %add3A_1536 : i32 to index
        %swap3A_1623 = arith.constant 96 : index
        %swap3A_1624 = tpu.vector_load %arg15[%swap3A_1622, %swap3A_1623] {strides = array<i32>} : memref<128x256xf32, #tpu.memory_space<vmem>>, vector<16xf32>,
        tpu.vector_store %arg15[%swap3A_1622, %swap3A_1623], %max3A_1621 {strides = array<i32>} : memref<128x256xf32, #tpu.memory_space<vmem>>, vector<16xf32>,
        %get3A_1625 = arith.index_cast %add3A_1536 : i32 to index
        %get3A_1626 = arith.constant 112 : index
        %get3A_1627 = tpu.vector_load %arg15[%get3A_1625, %get3A_1626] {strides = array<i32>} : memref<128x256xf32, #tpu.memory_space<vmem>>, vector<16xf32>,
        %add3A_1628 = arith.addf %get3A_1627, %get3A_182 : vector<16xf32>
        %mul3A_1629 = arith.mulf %gather3A_1540, %get3A_17 : vector<16xf32>
        %add3A_1630 = arith.addf %add3A_1628, %mul3A_1629 : vector<16xf32>
        %max3A_1631 = arith.constant 0.000000e+00 : f32
        %max3A_1632 = vector.broadcast %max3A_1631 : f32 to vector<16xf32>
        %max3A_1633 = arith.maximumf %add3A_1630, %max3A_1632 : vector<16xf32>
        %swap3A_1634 = arith.index_cast %add3A_1536 : i32 to index
        %swap3A_1635 = arith.constant 112 : index
        %swap3A_1636 = tpu.vector_load %arg15[%swap3A_1634, %swap3A_1635] {strides = array<i32>} : memref<128x256xf32, #tpu.memory_space<vmem>>, vector<16xf32>,
        tpu.vector_store %arg15[%swap3A_1634, %swap3A_1635], %max3A_1633 {strides = array<i32>} : memref<128x256xf32, #tpu.memory_space<vmem>>, vector<16xf32>,
        %mul3A_1637 = arith.constant 16 : i32
        %mul3A_1638 = arith.muli %scan3A_124, %mul3A_1637 : i32
        %add3A_1639 = arith.constant 14 : i32
        %add3A_1640 = arith.addi %mul3A_1638, %add3A_1639 : i32
        %broadcast_in_dim3A_1641 = arith.constant 14 : i32
        %broadcast_in_dim3A_1642 = vector.broadcast %broadcast_in_dim3A_1641 : i32 to vector<16x1xi32>
        %gather3A_1643 = vector.shape_cast %broadcast_in_dim3A_1642 : vector<16x1xi32> to vector<16xi32>
        %gather3A_1644 = tpu.dynamic_gather %mul3A_158[%gather3A_1643] in [0] : vector<16xf32>, vector<16xi32> -> vector<16xf32>
        %get3A_1645 = arith.index_cast %add3A_1640 : i32 to index
        %get3A_1646 = arith.constant 0 : index
        %get3A_1647 = tpu.vector_load %arg15[%get3A_1645, %get3A_1646] {strides = array<i32>} : memref<128x256xf32, #tpu.memory_space<vmem>>, vector<16xf32>,
        %add3A_1648 = arith.addf %get3A_1647, %get3A_161 : vector<16xf32>
        %mul3A_1649 = arith.mulf %gather3A_1644, %get3A_3 : vector<16xf32>
        %add3A_1650 = arith.addf %add3A_1648, %mul3A_1649 : vector<16xf32>
        %max3A_1651 = arith.constant 0.000000e+00 : f32
        %max3A_1652 = vector.broadcast %max3A_1651 : f32 to vector<16xf32>
        %max3A_1653 = arith.maximumf %add3A_1650, %max3A_1652 : vector<16xf32>
        %swap3A_1654 = arith.index_cast %add3A_1640 : i32 to index
        %swap3A_1655 = arith.constant 0 : index
        %swap3A_1656 = tpu.vector_load %arg15[%swap3A_1654, %swap3A_1655] {strides = array<i32>} : memref<128x256xf32, #tpu.memory_space<vmem>>, vector<16xf32>,
        tpu.vector_store %arg15[%swap3A_1654, %swap3A_1655], %max3A_1653 {strides = array<i32>} : memref<128x256xf32, #tpu.memory_space<vmem>>, vector<16xf32>,
        %get3A_1657 = arith.index_cast %add3A_1640 : i32 to index
        %get3A_1658 = arith.constant 16 : index
        %get3A_1659 = tpu.vector_load %arg15[%get3A_1657, %get3A_1658] {strides = array<i32>} : memref<128x256xf32, #tpu.memory_space<vmem>>, vector<16xf32>,
        %add3A_1660 = arith.addf %get3A_1659, %get3A_164 : vector<16xf32>
        %mul3A_1661 = arith.mulf %gather3A_1644, %get3A_5 : vector<16xf32>
        %add3A_1662 = arith.addf %add3A_1660, %mul3A_1661 : vector<16xf32>
        %max3A_1663 = arith.constant 0.000000e+00 : f32
        %max3A_1664 = vector.broadcast %max3A_1663 : f32 to vector<16xf32>
        %max3A_1665 = arith.maximumf %add3A_1662, %max3A_1664 : vector<16xf32>
        %swap3A_1666 = arith.index_cast %add3A_1640 : i32 to index
        %swap3A_1667 = arith.constant 16 : index
        %swap3A_1668 = tpu.vector_load %arg15[%swap3A_1666, %swap3A_1667] {strides = array<i32>} : memref<128x256xf32, #tpu.memory_space<vmem>>, vector<16xf32>,
        tpu.vector_store %arg15[%swap3A_1666, %swap3A_1667], %max3A_1665 {strides = array<i32>} : memref<128x256xf32, #tpu.memory_space<vmem>>, vector<16xf32>,
        %get3A_1669 = arith.index_cast %add3A_1640 : i32 to index
        %get3A_1670 = arith.constant 32 : index
        %get3A_1671 = tpu.vector_load %arg15[%get3A_1669, %get3A_1670] {strides = array<i32>} : memref<128x256xf32, #tpu.memory_space<vmem>>, vector<16xf32>,
        %add3A_1672 = arith.addf %get3A_1671, %get3A_167 : vector<16xf32>
        %mul3A_1673 = arith.mulf %gather3A_1644, %get3A_7 : vector<16xf32>
        %add3A_1674 = arith.addf %add3A_1672, %mul3A_1673 : vector<16xf32>
        %max3A_1675 = arith.constant 0.000000e+00 : f32
        %max3A_1676 = vector.broadcast %max3A_1675 : f32 to vector<16xf32>
        %max3A_1677 = arith.maximumf %add3A_1674, %max3A_1676 : vector<16xf32>
        %swap3A_1678 = arith.index_cast %add3A_1640 : i32 to index
        %swap3A_1679 = arith.constant 32 : index
        %swap3A_1680 = tpu.vector_load %arg15[%swap3A_1678, %swap3A_1679] {strides = array<i32>} : memref<128x256xf32, #tpu.memory_space<vmem>>, vector<16xf32>,
        tpu.vector_store %arg15[%swap3A_1678, %swap3A_1679], %max3A_1677 {strides = array<i32>} : memref<128x256xf32, #tpu.memory_space<vmem>>, vector<16xf32>,
        %get3A_1681 = arith.index_cast %add3A_1640 : i32 to index
        %get3A_1682 = arith.constant 48 : index
        %get3A_1683 = tpu.vector_load %arg15[%get3A_1681, %get3A_1682] {strides = array<i32>} : memref<128x256xf32, #tpu.memory_space<vmem>>, vector<16xf32>,
        %add3A_1684 = arith.addf %get3A_1683, %get3A_170 : vector<16xf32>
        %mul3A_1685 = arith.mulf %gather3A_1644, %get3A_9 : vector<16xf32>
        %add3A_1686 = arith.addf %add3A_1684, %mul3A_1685 : vector<16xf32>
        %max3A_1687 = arith.constant 0.000000e+00 : f32
        %max3A_1688 = vector.broadcast %max3A_1687 : f32 to vector<16xf32>
        %max3A_1689 = arith.maximumf %add3A_1686, %max3A_1688 : vector<16xf32>
        %swap3A_1690 = arith.index_cast %add3A_1640 : i32 to index
        %swap3A_1691 = arith.constant 48 : index
        %swap3A_1692 = tpu.vector_load %arg15[%swap3A_1690, %swap3A_1691] {strides = array<i32>} : memref<128x256xf32, #tpu.memory_space<vmem>>, vector<16xf32>,
        tpu.vector_store %arg15[%swap3A_1690, %swap3A_1691], %max3A_1689 {strides = array<i32>} : memref<128x256xf32, #tpu.memory_space<vmem>>, vector<16xf32>,
        %get3A_1693 = arith.index_cast %add3A_1640 : i32 to index
        %get3A_1694 = arith.constant 64 : index
        %get3A_1695 = tpu.vector_load %arg15[%get3A_1693, %get3A_1694] {strides = array<i32>} : memref<128x256xf32, #tpu.memory_space<vmem>>, vector<16xf32>,
        %add3A_1696 = arith.addf %get3A_1695, %get3A_173 : vector<16xf32>
        %mul3A_1697 = arith.mulf %gather3A_1644, %get3A_11 : vector<16xf32>
        %add3A_1698 = arith.addf %add3A_1696, %mul3A_1697 : vector<16xf32>
        %max3A_1699 = arith.constant 0.000000e+00 : f32
        %max3A_1700 = vector.broadcast %max3A_1699 : f32 to vector<16xf32>
        %max3A_1701 = arith.maximumf %add3A_1698, %max3A_1700 : vector<16xf32>
        %swap3A_1702 = arith.index_cast %add3A_1640 : i32 to index
        %swap3A_1703 = arith.constant 64 : index
        %swap3A_1704 = tpu.vector_load %arg15[%swap3A_1702, %swap3A_1703] {strides = array<i32>} : memref<128x256xf32, #tpu.memory_space<vmem>>, vector<16xf32>,
        tpu.vector_store %arg15[%swap3A_1702, %swap3A_1703], %max3A_1701 {strides = array<i32>} : memref<128x256xf32, #tpu.memory_space<vmem>>, vector<16xf32>,
        %get3A_1705 = arith.index_cast %add3A_1640 : i32 to index
        %get3A_1706 = arith.constant 80 : index
        %get3A_1707 = tpu.vector_load %arg15[%get3A_1705, %get3A_1706] {strides = array<i32>} : memref<128x256xf32, #tpu.memory_space<vmem>>, vector<16xf32>,
        %add3A_1708 = arith.addf %get3A_1707, %get3A_176 : vector<16xf32>
        %mul3A_1709 = arith.mulf %gather3A_1644, %get3A_13 : vector<16xf32>
        %add3A_1710 = arith.addf %add3A_1708, %mul3A_1709 : vector<16xf32>
        %max3A_1711 = arith.constant 0.000000e+00 : f32
        %max3A_1712 = vector.broadcast %max3A_1711 : f32 to vector<16xf32>
        %max3A_1713 = arith.maximumf %add3A_1710, %max3A_1712 : vector<16xf32>
        %swap3A_1714 = arith.index_cast %add3A_1640 : i32 to index
        %swap3A_1715 = arith.constant 80 : index
        %swap3A_1716 = tpu.vector_load %arg15[%swap3A_1714, %swap3A_1715] {strides = array<i32>} : memref<128x256xf32, #tpu.memory_space<vmem>>, vector<16xf32>,
        tpu.vector_store %arg15[%swap3A_1714, %swap3A_1715], %max3A_1713 {strides = array<i32>} : memref<128x256xf32, #tpu.memory_space<vmem>>, vector<16xf32>,
        %get3A_1717 = arith.index_cast %add3A_1640 : i32 to index
        %get3A_1718 = arith.constant 96 : index
        %get3A_1719 = tpu.vector_load %arg15[%get3A_1717, %get3A_1718] {strides = array<i32>} : memref<128x256xf32, #tpu.memory_space<vmem>>, vector<16xf32>,
        %add3A_1720 = arith.addf %get3A_1719, %get3A_179 : vector<16xf32>
        %mul3A_1721 = arith.mulf %gather3A_1644, %get3A_15 : vector<16xf32>
        %add3A_1722 = arith.addf %add3A_1720, %mul3A_1721 : vector<16xf32>
        %max3A_1723 = arith.constant 0.000000e+00 : f32
        %max3A_1724 = vector.broadcast %max3A_1723 : f32 to vector<16xf32>
        %max3A_1725 = arith.maximumf %add3A_1722, %max3A_1724 : vector<16xf32>
        %swap3A_1726 = arith.index_cast %add3A_1640 : i32 to index
        %swap3A_1727 = arith.constant 96 : index
        %swap3A_1728 = tpu.vector_load %arg15[%swap3A_1726, %swap3A_1727] {strides = array<i32>} : memref<128x256xf32, #tpu.memory_space<vmem>>, vector<16xf32>,
        tpu.vector_store %arg15[%swap3A_1726, %swap3A_1727], %max3A_1725 {strides = array<i32>} : memref<128x256xf32, #tpu.memory_space<vmem>>, vector<16xf32>,
        %get3A_1729 = arith.index_cast %add3A_1640 : i32 to index
        %get3A_1730 = arith.constant 112 : index
        %get3A_1731 = tpu.vector_load %arg15[%get3A_1729, %get3A_1730] {strides = array<i32>} : memref<128x256xf32, #tpu.memory_space<vmem>>, vector<16xf32>,
        %add3A_1732 = arith.addf %get3A_1731, %get3A_182 : vector<16xf32>
        %mul3A_1733 = arith.mulf %gather3A_1644, %get3A_17 : vector<16xf32>
        %add3A_1734 = arith.addf %add3A_1732, %mul3A_1733 : vector<16xf32>
        %max3A_1735 = arith.constant 0.000000e+00 : f32
        %max3A_1736 = vector.broadcast %max3A_1735 : f32 to vector<16xf32>
        %max3A_1737 = arith.maximumf %add3A_1734, %max3A_1736 : vector<16xf32>
        %swap3A_1738 = arith.index_cast %add3A_1640 : i32 to index
        %swap3A_1739 = arith.constant 112 : index
        %swap3A_1740 = tpu.vector_load %arg15[%swap3A_1738, %swap3A_1739] {strides = array<i32>} : memref<128x256xf32, #tpu.memory_space<vmem>>, vector<16xf32>,
        tpu.vector_store %arg15[%swap3A_1738, %swap3A_1739], %max3A_1737 {strides = array<i32>} : memref<128x256xf32, #tpu.memory_space<vmem>>, vector<16xf32>,
        %mul3A_1741 = arith.constant 16 : i32
        %mul3A_1742 = arith.muli %scan3A_124, %mul3A_1741 : i32
        %add3A_1743 = arith.constant 15 : i32
        %add3A_1744 = arith.addi %mul3A_1742, %add3A_1743 : i32
        %broadcast_in_dim3A_1745 = arith.constant 15 : i32
        %broadcast_in_dim3A_1746 = vector.broadcast %broadcast_in_dim3A_1745 : i32 to vector<16x1xi32>
        %gather3A_1747 = vector.shape_cast %broadcast_in_dim3A_1746 : vector<16x1xi32> to vector<16xi32>
        %gather3A_1748 = tpu.dynamic_gather %mul3A_158[%gather3A_1747] in [0] : vector<16xf32>, vector<16xi32> -> vector<16xf32>
        %get3A_1749 = arith.index_cast %add3A_1744 : i32 to index
        %get3A_1750 = arith.constant 0 : index
        %get3A_1751 = tpu.vector_load %arg15[%get3A_1749, %get3A_1750] {strides = array<i32>} : memref<128x256xf32, #tpu.memory_space<vmem>>, vector<16xf32>,
        %add3A_1752 = arith.addf %get3A_1751, %get3A_161 : vector<16xf32>
        %mul3A_1753 = arith.mulf %gather3A_1748, %get3A_3 : vector<16xf32>
        %add3A_1754 = arith.addf %add3A_1752, %mul3A_1753 : vector<16xf32>
        %max3A_1755 = arith.constant 0.000000e+00 : f32
        %max3A_1756 = vector.broadcast %max3A_1755 : f32 to vector<16xf32>
        %max3A_1757 = arith.maximumf %add3A_1754, %max3A_1756 : vector<16xf32>
        %swap3A_1758 = arith.index_cast %add3A_1744 : i32 to index
        %swap3A_1759 = arith.constant 0 : index
        %swap3A_1760 = tpu.vector_load %arg15[%swap3A_1758, %swap3A_1759] {strides = array<i32>} : memref<128x256xf32, #tpu.memory_space<vmem>>, vector<16xf32>,
        tpu.vector_store %arg15[%swap3A_1758, %swap3A_1759], %max3A_1757 {strides = array<i32>} : memref<128x256xf32, #tpu.memory_space<vmem>>, vector<16xf32>,
        %get3A_1761 = arith.index_cast %add3A_1744 : i32 to index
        %get3A_1762 = arith.constant 16 : index
        %get3A_1763 = tpu.vector_load %arg15[%get3A_1761, %get3A_1762] {strides = array<i32>} : memref<128x256xf32, #tpu.memory_space<vmem>>, vector<16xf32>,
        %add3A_1764 = arith.addf %get3A_1763, %get3A_164 : vector<16xf32>
        %mul3A_1765 = arith.mulf %gather3A_1748, %get3A_5 : vector<16xf32>
        %add3A_1766 = arith.addf %add3A_1764, %mul3A_1765 : vector<16xf32>
        %max3A_1767 = arith.constant 0.000000e+00 : f32
        %max3A_1768 = vector.broadcast %max3A_1767 : f32 to vector<16xf32>
        %max3A_1769 = arith.maximumf %add3A_1766, %max3A_1768 : vector<16xf32>
        %swap3A_1770 = arith.index_cast %add3A_1744 : i32 to index
        %swap3A_1771 = arith.constant 16 : index
        %swap3A_1772 = tpu.vector_load %arg15[%swap3A_1770, %swap3A_1771] {strides = array<i32>} : memref<128x256xf32, #tpu.memory_space<vmem>>, vector<16xf32>,
        tpu.vector_store %arg15[%swap3A_1770, %swap3A_1771], %max3A_1769 {strides = array<i32>} : memref<128x256xf32, #tpu.memory_space<vmem>>, vector<16xf32>,
        %get3A_1773 = arith.index_cast %add3A_1744 : i32 to index
        %get3A_1774 = arith.constant 32 : index
        %get3A_1775 = tpu.vector_load %arg15[%get3A_1773, %get3A_1774] {strides = array<i32>} : memref<128x256xf32, #tpu.memory_space<vmem>>, vector<16xf32>,
        %add3A_1776 = arith.addf %get3A_1775, %get3A_167 : vector<16xf32>
        %mul3A_1777 = arith.mulf %gather3A_1748, %get3A_7 : vector<16xf32>
        %add3A_1778 = arith.addf %add3A_1776, %mul3A_1777 : vector<16xf32>
        %max3A_1779 = arith.constant 0.000000e+00 : f32
        %max3A_1780 = vector.broadcast %max3A_1779 : f32 to vector<16xf32>
        %max3A_1781 = arith.maximumf %add3A_1778, %max3A_1780 : vector<16xf32>
        %swap3A_1782 = arith.index_cast %add3A_1744 : i32 to index
        %swap3A_1783 = arith.constant 32 : index
        %swap3A_1784 = tpu.vector_load %arg15[%swap3A_1782, %swap3A_1783] {strides = array<i32>} : memref<128x256xf32, #tpu.memory_space<vmem>>, vector<16xf32>,
        tpu.vector_store %arg15[%swap3A_1782, %swap3A_1783], %max3A_1781 {strides = array<i32>} : memref<128x256xf32, #tpu.memory_space<vmem>>, vector<16xf32>,
        %get3A_1785 = arith.index_cast %add3A_1744 : i32 to index
        %get3A_1786 = arith.constant 48 : index
        %get3A_1787 = tpu.vector_load %arg15[%get3A_1785, %get3A_1786] {strides = array<i32>} : memref<128x256xf32, #tpu.memory_space<vmem>>, vector<16xf32>,
        %add3A_1788 = arith.addf %get3A_1787, %get3A_170 : vector<16xf32>
        %mul3A_1789 = arith.mulf %gather3A_1748, %get3A_9 : vector<16xf32>
        %add3A_1790 = arith.addf %add3A_1788, %mul3A_1789 : vector<16xf32>
        %max3A_1791 = arith.constant 0.000000e+00 : f32
        %max3A_1792 = vector.broadcast %max3A_1791 : f32 to vector<16xf32>
        %max3A_1793 = arith.maximumf %add3A_1790, %max3A_1792 : vector<16xf32>
        %swap3A_1794 = arith.index_cast %add3A_1744 : i32 to index
        %swap3A_1795 = arith.constant 48 : index
        %swap3A_1796 = tpu.vector_load %arg15[%swap3A_1794, %swap3A_1795] {strides = array<i32>} : memref<128x256xf32, #tpu.memory_space<vmem>>, vector<16xf32>,
        tpu.vector_store %arg15[%swap3A_1794, %swap3A_1795], %max3A_1793 {strides = array<i32>} : memref<128x256xf32, #tpu.memory_space<vmem>>, vector<16xf32>,
        %get3A_1797 = arith.index_cast %add3A_1744 : i32 to index
        %get3A_1798 = arith.constant 64 : index
        %get3A_1799 = tpu.vector_load %arg15[%get3A_1797, %get3A_1798] {strides = array<i32>} : memref<128x256xf32, #tpu.memory_space<vmem>>, vector<16xf32>,
        %add3A_1800 = arith.addf %get3A_1799, %get3A_173 : vector<16xf32>
        %mul3A_1801 = arith.mulf %gather3A_1748, %get3A_11 : vector<16xf32>
        %add3A_1802 = arith.addf %add3A_1800, %mul3A_1801 : vector<16xf32>
        %max3A_1803 = arith.constant 0.000000e+00 : f32
        %max3A_1804 = vector.broadcast %max3A_1803 : f32 to vector<16xf32>
        %max3A_1805 = arith.maximumf %add3A_1802, %max3A_1804 : vector<16xf32>
        %swap3A_1806 = arith.index_cast %add3A_1744 : i32 to index
        %swap3A_1807 = arith.constant 64 : index
        %swap3A_1808 = tpu.vector_load %arg15[%swap3A_1806, %swap3A_1807] {strides = array<i32>} : memref<128x256xf32, #tpu.memory_space<vmem>>, vector<16xf32>,
        tpu.vector_store %arg15[%swap3A_1806, %swap3A_1807], %max3A_1805 {strides = array<i32>} : memref<128x256xf32, #tpu.memory_space<vmem>>, vector<16xf32>,
        %get3A_1809 = arith.index_cast %add3A_1744 : i32 to index
        %get3A_1810 = arith.constant 80 : index
        %get3A_1811 = tpu.vector_load %arg15[%get3A_1809, %get3A_1810] {strides = array<i32>} : memref<128x256xf32, #tpu.memory_space<vmem>>, vector<16xf32>,
        %add3A_1812 = arith.addf %get3A_1811, %get3A_176 : vector<16xf32>
        %mul3A_1813 = arith.mulf %gather3A_1748, %get3A_13 : vector<16xf32>
        %add3A_1814 = arith.addf %add3A_1812, %mul3A_1813 : vector<16xf32>
        %max3A_1815 = arith.constant 0.000000e+00 : f32
        %max3A_1816 = vector.broadcast %max3A_1815 : f32 to vector<16xf32>
        %max3A_1817 = arith.maximumf %add3A_1814, %max3A_1816 : vector<16xf32>
        %swap3A_1818 = arith.index_cast %add3A_1744 : i32 to index
        %swap3A_1819 = arith.constant 80 : index
        %swap3A_1820 = tpu.vector_load %arg15[%swap3A_1818, %swap3A_1819] {strides = array<i32>} : memref<128x256xf32, #tpu.memory_space<vmem>>, vector<16xf32>,
        tpu.vector_store %arg15[%swap3A_1818, %swap3A_1819], %max3A_1817 {strides = array<i32>} : memref<128x256xf32, #tpu.memory_space<vmem>>, vector<16xf32>,
        %get3A_1821 = arith.index_cast %add3A_1744 : i32 to index
        %get3A_1822 = arith.constant 96 : index
        %get3A_1823 = tpu.vector_load %arg15[%get3A_1821, %get3A_1822] {strides = array<i32>} : memref<128x256xf32, #tpu.memory_space<vmem>>, vector<16xf32>,
        %add3A_1824 = arith.addf %get3A_1823, %get3A_179 : vector<16xf32>
        %mul3A_1825 = arith.mulf %gather3A_1748, %get3A_15 : vector<16xf32>
        %add3A_1826 = arith.addf %add3A_1824, %mul3A_1825 : vector<16xf32>
        %max3A_1827 = arith.constant 0.000000e+00 : f32
        %max3A_1828 = vector.broadcast %max3A_1827 : f32 to vector<16xf32>
        %max3A_1829 = arith.maximumf %add3A_1826, %max3A_1828 : vector<16xf32>
        %swap3A_1830 = arith.index_cast %add3A_1744 : i32 to index
        %swap3A_1831 = arith.constant 96 : index
        %swap3A_1832 = tpu.vector_load %arg15[%swap3A_1830, %swap3A_1831] {strides = array<i32>} : memref<128x256xf32, #tpu.memory_space<vmem>>, vector<16xf32>,
        tpu.vector_store %arg15[%swap3A_1830, %swap3A_1831], %max3A_1829 {strides = array<i32>} : memref<128x256xf32, #tpu.memory_space<vmem>>, vector<16xf32>,
        %get3A_1833 = arith.index_cast %add3A_1744 : i32 to index
        %get3A_1834 = arith.constant 112 : index
        %get3A_1835 = tpu.vector_load %arg15[%get3A_1833, %get3A_1834] {strides = array<i32>} : memref<128x256xf32, #tpu.memory_space<vmem>>, vector<16xf32>,
        %add3A_1836 = arith.addf %get3A_1835, %get3A_182 : vector<16xf32>
        %mul3A_1837 = arith.mulf %gather3A_1748, %get3A_17 : vector<16xf32>
        %add3A_1838 = arith.addf %add3A_1836, %mul3A_1837 : vector<16xf32>
        %max3A_1839 = arith.constant 0.000000e+00 : f32
        %max3A_1840 = vector.broadcast %max3A_1839 : f32 to vector<16xf32>
        %max3A_1841 = arith.maximumf %add3A_1838, %max3A_1840 : vector<16xf32>
        %swap3A_1842 = arith.index_cast %add3A_1744 : i32 to index
        %swap3A_1843 = arith.constant 112 : index
        %swap3A_1844 = tpu.vector_load %arg15[%swap3A_1842, %swap3A_1843] {strides = array<i32>} : memref<128x256xf32, #tpu.memory_space<vmem>>, vector<16xf32>,
        tpu.vector_store %arg15[%swap3A_1842, %swap3A_1843], %max3A_1841 {strides = array<i32>} : memref<128x256xf32, #tpu.memory_space<vmem>>, vector<16xf32>,
      }
      %scan3A_77 = arith.constant 8 : i32
      %dma_start3A_78 = arith.constant 0 : i32
      %dma_start3A_79 = tpu.memref_slice %arg9[%add3A_50, %dma_start3A_78] : memref<262144x256xf32, #tpu.memory_space<hbm>> -> memref<128x256xf32, #tpu.memory_space<hbm>>
      %dma_start3A_80 = arith.constant 0 : i32
      %dma_start3A_81 = tpu.memref_slice %arg9[%add3A_50, %dma_start3A_80] : memref<262144x256xf32, #tpu.memory_space<hbm>> -> memref<128x256xf32, #tpu.memory_space<hbm>>
      tpu.enqueue_dma source(%arg15 : memref<128x256xf32, #tpu.memory_space<vmem>>) target(%dma_start3A_81 : memref<128x256xf32, #tpu.memory_space<hbm>>) target_semaphore(%arg23 : memref<!tpu.dma_semaphore, #tpu.memory_space<semaphore_mem>>)
      %dma_wait3A_82 = arith.constant 0 : i32
      %dma_wait3A_83 = arith.constant 0 : i32
      %dma_wait3A_84 = tpu.memref_slice %arg2[%dma_wait3A_82, %dma_wait3A_83] : memref<16384x256xf32, #tpu.memory_space<hbm>> -> memref<16384x256xf32, #tpu.memory_space<hbm>>
      tpu.wait_indirect_dma semaphore(%arg22 : memref<!tpu.dma_semaphore, #tpu.memory_space<semaphore_mem>>) src(%dma_wait3A_84 : memref<16384x256xf32, #tpu.memory_space<hbm>>) dst(%arg16 : memref<128x256xf32, #tpu.memory_space<vmem>>)
      %jit3A_85 = arith.constant 16 : i32
      %div3A_86 = arith.divsi %add3A_52, %jit3A_85 : i32
      %sign3A_87 = arith.constant 0 : i32
      %sign3A_88 = arith.cmpi sgt, %add3A_52, %sign3A_87 : i32
      %sign3A_89 = arith.extui %sign3A_88 : i1 to i32
      %sign3A_90 = arith.constant 0 : i32
      %sign3A_91 = arith.cmpi slt, %add3A_52, %sign3A_90 : i32
      %sign3A_92 = arith.extui %sign3A_91 : i1 to i32
      %sign3A_93 = arith.subi %sign3A_89, %sign3A_92 : i32
      %sign3A_94 = arith.constant 0 : i32
      %sign3A_95 = arith.cmpi sgt, %jit3A_85, %sign3A_94 : i32
      %sign3A_96 = arith.extui %sign3A_95 : i1 to i32
      %sign3A_97 = arith.constant 0 : i32
      %sign3A_98 = arith.cmpi slt, %jit3A_85, %sign3A_97 : i32
      %sign3A_99 = arith.extui %sign3A_98 : i1 to i32
      %sign3A_100 = arith.subi %sign3A_96, %sign3A_99 : i32
      %ne3A_101 = arith.cmpi ne, %sign3A_93, %sign3A_100 : i32
      %rem3A_102 = arith.remsi %add3A_52, %jit3A_85 : i32
      %ne3A_103 = arith.constant 0 : i32
      %ne3A_104 = arith.cmpi ne, %rem3A_102, %ne3A_103 : i32
      %and3A_105 = arith.andi %ne3A_101, %ne3A_104 : i1
      %sub3A_106 = arith.constant 1 : i32
      %sub3A_107 = arith.subi %div3A_86, %sub3A_106 : i32
      %select_n3A_108 = arith.select %and3A_105, %sub3A_107, %div3A_86 : i32
      %multiple_of3A_109 = tpu.assume_multiple %select_n3A_108, 8 : i32
      "tpu.region"() ({
        %run_scoped3A = tpu.sem_alloc : memref<!tpu.dma_semaphore, #tpu.memory_space<semaphore_mem>>
        %dma_start3A_124 = arith.constant 0 : i32
        %dma_start3A_125 = tpu.memref_slice %arg3[%multiple_of3A_109, %dma_start3A_124] : memref<16384x128xf32, #tpu.memory_space<hbm>> -> memref<8x128xf32, #tpu.memory_space<hbm>>
        %dma_start3A_126 = arith.constant 0 : i32
        %dma_start3A_127 = tpu.memref_slice %arg3[%multiple_of3A_109, %dma_start3A_126] : memref<16384x128xf32, #tpu.memory_space<hbm>> -> memref<8x128xf32, #tpu.memory_space<hbm>>
        tpu.enqueue_dma source(%dma_start3A_127 : memref<8x128xf32, #tpu.memory_space<hbm>>) target(%arg17 : memref<8x128xf32, #tpu.memory_space<vmem>>) target_semaphore(%run_scoped3A : memref<!tpu.dma_semaphore, #tpu.memory_space<semaphore_mem>>)
        %dma_wait3A_128 = arith.constant 0 : i32
        %dma_wait3A_129 = tpu.memref_slice %arg3[%multiple_of3A_109, %dma_wait3A_128] : memref<16384x128xf32, #tpu.memory_space<hbm>> -> memref<8x128xf32, #tpu.memory_space<hbm>>
        %dma_wait3A_130 = arith.constant 0 : i32
        %dma_wait3A_131 = tpu.memref_slice %arg3[%multiple_of3A_109, %dma_wait3A_130] : memref<16384x128xf32, #tpu.memory_space<hbm>> -> memref<8x128xf32, #tpu.memory_space<hbm>>
        tpu.wait_dma2 semaphore(%run_scoped3A : memref<!tpu.dma_semaphore, #tpu.memory_space<semaphore_mem>>) src(%dma_wait3A_131 : memref<8x128xf32, #tpu.memory_space<hbm>>) dst(%arg17 : memref<8x128xf32, #tpu.memory_space<vmem>>)
        tpu.yield
      }) : () -> ()
      %scan3A_110 = arith.constant 0 : i32
      %scan3A_111 = arith.constant 0 : i32
      %scan3A_112 = arith.constant 8 : i32
      %scan3A_113 = arith.addi %scan3A_111, %scan3A_112 : i32
      %scan3A_114 = arith.constant 1 : i32
      scf.for %scan3A_124 = %scan3A_111 to %scan3A_113 step %scan3A_114  : i32 {
        %mul3A_125 = arith.constant 16 : i32
        %mul3A_126 = arith.muli %scan3A_124, %mul3A_125 : i32
        %get3A_127 = arith.index_cast %mul3A_126 : i32 to index
        %get3A_128 = tpu.vector_load %arg14[%get3A_127] {strides = array<i32>} : memref<128xi32, #tpu.memory_space<vmem>>, vector<16xi32>,
        %gather3A = tpu.vector_load_idx %arg10[%get3A_128] : memref<16384xf32, #tpu.memory_space<vmem>>[vector<16xi32>], vector<16xf32>,
        %gather3A_129 = tpu.vector_load_idx %arg11[%get3A_128] : memref<16384xf32, #tpu.memory_space<vmem>>[vector<16xi32>], vector<16xf32>,
        %gather3A_130 = tpu.vector_load_idx %arg12[%get3A_128] : memref<16384xf32, #tpu.memory_space<vmem>>[vector<16xi32>], vector<16xf32>,
        %add3A_131 = arith.addi %multiple_of3A_109, %scan3A_124 : i32
        %broadcast_in_dim3A = vector.broadcast %add3A_131 : i32 to vector<16xi32>
        %gather3A_132 = tpu.vector_load_idx %arg10[%broadcast_in_dim3A] : memref<16384xf32, #tpu.memory_space<vmem>>[vector<16xi32>], vector<16xf32>,
        %gather3A_133 = tpu.vector_load_idx %arg11[%broadcast_in_dim3A] : memref<16384xf32, #tpu.memory_space<vmem>>[vector<16xi32>], vector<16xf32>,
        %gather3A_134 = tpu.vector_load_idx %arg12[%broadcast_in_dim3A] : memref<16384xf32, #tpu.memory_space<vmem>>[vector<16xi32>], vector<16xf32>,
        %sub3A_135 = arith.subf %gather3A, %gather3A_132 : vector<16xf32>
        %sub3A_136 = arith.subf %gather3A_129, %gather3A_133 : vector<16xf32>
        %sub3A_137 = arith.subf %gather3A_130, %gather3A_134 : vector<16xf32>
        %mul3A_138 = arith.mulf %sub3A_135, %sub3A_135 : vector<16xf32>
        %mul3A_139 = arith.mulf %sub3A_136, %sub3A_136 : vector<16xf32>
        %add3A_140 = arith.addf %mul3A_138, %mul3A_139 : vector<16xf32>
        %mul3A_141 = arith.mulf %sub3A_137, %sub3A_137 : vector<16xf32>
        %add3A_142 = arith.addf %add3A_140, %mul3A_141 : vector<16xf32>
        %bitcast3A = vector.bitcast %add3A_142 : vector<16xf32> to vector<16xi32>
        %shift_right_arithmetic3A = arith.constant 1 : i32
        %shift_right_arithmetic3A_143 = vector.broadcast %shift_right_arithmetic3A : i32 to vector<16xi32>
        %shift_right_arithmetic3A_144 = arith.shrsi %bitcast3A, %shift_right_arithmetic3A_143 : vector<16xi32>
        %add3A_145 = arith.constant 532487669 : i32
        %add3A_146 = vector.broadcast %add3A_145 : i32 to vector<16xi32>
        %add3A_147 = arith.addi %shift_right_arithmetic3A_144, %add3A_146 : vector<16xi32>
        %bitcast3A_148 = vector.bitcast %add3A_147 : vector<16xi32> to vector<16xf32>
        %div3A_149 = arith.divf %add3A_142, %bitcast3A_148 : vector<16xf32>
        %add3A_150 = arith.addf %bitcast3A_148, %div3A_149 : vector<16xf32>
        %mul3A_151 = arith.constant 5.000000e-01 : f32
        %mul3A_152 = vector.broadcast %mul3A_151 : f32 to vector<16xf32>
        %mul3A_153 = arith.mulf %mul3A_152, %add3A_150 : vector<16xf32>
        %div3A_154 = arith.divf %add3A_142, %mul3A_153 : vector<16xf32>
        %add3A_155 = arith.addf %mul3A_153, %div3A_154 : vector<16xf32>
        %mul3A_156 = arith.constant 5.000000e-01 : f32
        %mul3A_157 = vector.broadcast %mul3A_156 : f32 to vector<16xf32>
        %mul3A_158 = arith.mulf %mul3A_157, %add3A_155 : vector<16xf32>
        %get3A_159 = arith.index_cast %scan3A_124 : i32 to index
        %get3A_160 = arith.constant 0 : index
        %get3A_161 = tpu.vector_load %arg17[%get3A_159, %get3A_160] {strides = array<i32>} : memref<8x128xf32, #tpu.memory_space<vmem>>, vector<16xf32>,
        %get3A_162 = arith.index_cast %scan3A_124 : i32 to index
        %get3A_163 = arith.constant 16 : index
        %get3A_164 = tpu.vector_load %arg17[%get3A_162, %get3A_163] {strides = array<i32>} : memref<8x128xf32, #tpu.memory_space<vmem>>, vector<16xf32>,
        %get3A_165 = arith.index_cast %scan3A_124 : i32 to index
        %get3A_166 = arith.constant 32 : index
        %get3A_167 = tpu.vector_load %arg17[%get3A_165, %get3A_166] {strides = array<i32>} : memref<8x128xf32, #tpu.memory_space<vmem>>, vector<16xf32>,
        %get3A_168 = arith.index_cast %scan3A_124 : i32 to index
        %get3A_169 = arith.constant 48 : index
        %get3A_170 = tpu.vector_load %arg17[%get3A_168, %get3A_169] {strides = array<i32>} : memref<8x128xf32, #tpu.memory_space<vmem>>, vector<16xf32>,
        %get3A_171 = arith.index_cast %scan3A_124 : i32 to index
        %get3A_172 = arith.constant 64 : index
        %get3A_173 = tpu.vector_load %arg17[%get3A_171, %get3A_172] {strides = array<i32>} : memref<8x128xf32, #tpu.memory_space<vmem>>, vector<16xf32>,
        %get3A_174 = arith.index_cast %scan3A_124 : i32 to index
        %get3A_175 = arith.constant 80 : index
        %get3A_176 = tpu.vector_load %arg17[%get3A_174, %get3A_175] {strides = array<i32>} : memref<8x128xf32, #tpu.memory_space<vmem>>, vector<16xf32>,
        %get3A_177 = arith.index_cast %scan3A_124 : i32 to index
        %get3A_178 = arith.constant 96 : index
        %get3A_179 = tpu.vector_load %arg17[%get3A_177, %get3A_178] {strides = array<i32>} : memref<8x128xf32, #tpu.memory_space<vmem>>, vector<16xf32>,
        %get3A_180 = arith.index_cast %scan3A_124 : i32 to index
        %get3A_181 = arith.constant 112 : index
        %get3A_182 = tpu.vector_load %arg17[%get3A_180, %get3A_181] {strides = array<i32>} : memref<8x128xf32, #tpu.memory_space<vmem>>, vector<16xf32>,
        %mul3A_183 = arith.constant 16 : i32
        %mul3A_184 = arith.muli %scan3A_124, %mul3A_183 : i32
        %add3A_185 = arith.constant 0 : i32
        %add3A_186 = arith.addi %mul3A_184, %add3A_185 : i32
        %broadcast_in_dim3A_187 = arith.constant 0 : i32
        %broadcast_in_dim3A_188 = vector.broadcast %broadcast_in_dim3A_187 : i32 to vector<16x1xi32>
        %gather3A_189 = vector.shape_cast %broadcast_in_dim3A_188 : vector<16x1xi32> to vector<16xi32>
        %gather3A_190 = tpu.dynamic_gather %mul3A_158[%gather3A_189] in [0] : vector<16xf32>, vector<16xi32> -> vector<16xf32>
        %get3A_191 = arith.index_cast %add3A_186 : i32 to index
        %get3A_192 = arith.constant 0 : index
        %get3A_193 = tpu.vector_load %arg16[%get3A_191, %get3A_192] {strides = array<i32>} : memref<128x256xf32, #tpu.memory_space<vmem>>, vector<16xf32>,
        %add3A_194 = arith.addf %get3A_193, %get3A_161 : vector<16xf32>
        %mul3A_195 = arith.mulf %gather3A_190, %get3A_3 : vector<16xf32>
        %add3A_196 = arith.addf %add3A_194, %mul3A_195 : vector<16xf32>
        %max3A = arith.constant 0.000000e+00 : f32
        %max3A_197 = vector.broadcast %max3A : f32 to vector<16xf32>
        %max3A_198 = arith.maximumf %add3A_196, %max3A_197 : vector<16xf32>
        %swap3A = arith.index_cast %add3A_186 : i32 to index
        %swap3A_199 = arith.constant 0 : index
        %swap3A_200 = tpu.vector_load %arg16[%swap3A, %swap3A_199] {strides = array<i32>} : memref<128x256xf32, #tpu.memory_space<vmem>>, vector<16xf32>,
        tpu.vector_store %arg16[%swap3A, %swap3A_199], %max3A_198 {strides = array<i32>} : memref<128x256xf32, #tpu.memory_space<vmem>>, vector<16xf32>,
        %get3A_201 = arith.index_cast %add3A_186 : i32 to index
        %get3A_202 = arith.constant 16 : index
        %get3A_203 = tpu.vector_load %arg16[%get3A_201, %get3A_202] {strides = array<i32>} : memref<128x256xf32, #tpu.memory_space<vmem>>, vector<16xf32>,
        %add3A_204 = arith.addf %get3A_203, %get3A_164 : vector<16xf32>
        %mul3A_205 = arith.mulf %gather3A_190, %get3A_5 : vector<16xf32>
        %add3A_206 = arith.addf %add3A_204, %mul3A_205 : vector<16xf32>
        %max3A_207 = arith.constant 0.000000e+00 : f32
        %max3A_208 = vector.broadcast %max3A_207 : f32 to vector<16xf32>
        %max3A_209 = arith.maximumf %add3A_206, %max3A_208 : vector<16xf32>
        %swap3A_210 = arith.index_cast %add3A_186 : i32 to index
        %swap3A_211 = arith.constant 16 : index
        %swap3A_212 = tpu.vector_load %arg16[%swap3A_210, %swap3A_211] {strides = array<i32>} : memref<128x256xf32, #tpu.memory_space<vmem>>, vector<16xf32>,
        tpu.vector_store %arg16[%swap3A_210, %swap3A_211], %max3A_209 {strides = array<i32>} : memref<128x256xf32, #tpu.memory_space<vmem>>, vector<16xf32>,
        %get3A_213 = arith.index_cast %add3A_186 : i32 to index
        %get3A_214 = arith.constant 32 : index
        %get3A_215 = tpu.vector_load %arg16[%get3A_213, %get3A_214] {strides = array<i32>} : memref<128x256xf32, #tpu.memory_space<vmem>>, vector<16xf32>,
        %add3A_216 = arith.addf %get3A_215, %get3A_167 : vector<16xf32>
        %mul3A_217 = arith.mulf %gather3A_190, %get3A_7 : vector<16xf32>
        %add3A_218 = arith.addf %add3A_216, %mul3A_217 : vector<16xf32>
        %max3A_219 = arith.constant 0.000000e+00 : f32
        %max3A_220 = vector.broadcast %max3A_219 : f32 to vector<16xf32>
        %max3A_221 = arith.maximumf %add3A_218, %max3A_220 : vector<16xf32>
        %swap3A_222 = arith.index_cast %add3A_186 : i32 to index
        %swap3A_223 = arith.constant 32 : index
        %swap3A_224 = tpu.vector_load %arg16[%swap3A_222, %swap3A_223] {strides = array<i32>} : memref<128x256xf32, #tpu.memory_space<vmem>>, vector<16xf32>,
        tpu.vector_store %arg16[%swap3A_222, %swap3A_223], %max3A_221 {strides = array<i32>} : memref<128x256xf32, #tpu.memory_space<vmem>>, vector<16xf32>,
        %get3A_225 = arith.index_cast %add3A_186 : i32 to index
        %get3A_226 = arith.constant 48 : index
        %get3A_227 = tpu.vector_load %arg16[%get3A_225, %get3A_226] {strides = array<i32>} : memref<128x256xf32, #tpu.memory_space<vmem>>, vector<16xf32>,
        %add3A_228 = arith.addf %get3A_227, %get3A_170 : vector<16xf32>
        %mul3A_229 = arith.mulf %gather3A_190, %get3A_9 : vector<16xf32>
        %add3A_230 = arith.addf %add3A_228, %mul3A_229 : vector<16xf32>
        %max3A_231 = arith.constant 0.000000e+00 : f32
        %max3A_232 = vector.broadcast %max3A_231 : f32 to vector<16xf32>
        %max3A_233 = arith.maximumf %add3A_230, %max3A_232 : vector<16xf32>
        %swap3A_234 = arith.index_cast %add3A_186 : i32 to index
        %swap3A_235 = arith.constant 48 : index
        %swap3A_236 = tpu.vector_load %arg16[%swap3A_234, %swap3A_235] {strides = array<i32>} : memref<128x256xf32, #tpu.memory_space<vmem>>, vector<16xf32>,
        tpu.vector_store %arg16[%swap3A_234, %swap3A_235], %max3A_233 {strides = array<i32>} : memref<128x256xf32, #tpu.memory_space<vmem>>, vector<16xf32>,
        %get3A_237 = arith.index_cast %add3A_186 : i32 to index
        %get3A_238 = arith.constant 64 : index
        %get3A_239 = tpu.vector_load %arg16[%get3A_237, %get3A_238] {strides = array<i32>} : memref<128x256xf32, #tpu.memory_space<vmem>>, vector<16xf32>,
        %add3A_240 = arith.addf %get3A_239, %get3A_173 : vector<16xf32>
        %mul3A_241 = arith.mulf %gather3A_190, %get3A_11 : vector<16xf32>
        %add3A_242 = arith.addf %add3A_240, %mul3A_241 : vector<16xf32>
        %max3A_243 = arith.constant 0.000000e+00 : f32
        %max3A_244 = vector.broadcast %max3A_243 : f32 to vector<16xf32>
        %max3A_245 = arith.maximumf %add3A_242, %max3A_244 : vector<16xf32>
        %swap3A_246 = arith.index_cast %add3A_186 : i32 to index
        %swap3A_247 = arith.constant 64 : index
        %swap3A_248 = tpu.vector_load %arg16[%swap3A_246, %swap3A_247] {strides = array<i32>} : memref<128x256xf32, #tpu.memory_space<vmem>>, vector<16xf32>,
        tpu.vector_store %arg16[%swap3A_246, %swap3A_247], %max3A_245 {strides = array<i32>} : memref<128x256xf32, #tpu.memory_space<vmem>>, vector<16xf32>,
        %get3A_249 = arith.index_cast %add3A_186 : i32 to index
        %get3A_250 = arith.constant 80 : index
        %get3A_251 = tpu.vector_load %arg16[%get3A_249, %get3A_250] {strides = array<i32>} : memref<128x256xf32, #tpu.memory_space<vmem>>, vector<16xf32>,
        %add3A_252 = arith.addf %get3A_251, %get3A_176 : vector<16xf32>
        %mul3A_253 = arith.mulf %gather3A_190, %get3A_13 : vector<16xf32>
        %add3A_254 = arith.addf %add3A_252, %mul3A_253 : vector<16xf32>
        %max3A_255 = arith.constant 0.000000e+00 : f32
        %max3A_256 = vector.broadcast %max3A_255 : f32 to vector<16xf32>
        %max3A_257 = arith.maximumf %add3A_254, %max3A_256 : vector<16xf32>
        %swap3A_258 = arith.index_cast %add3A_186 : i32 to index
        %swap3A_259 = arith.constant 80 : index
        %swap3A_260 = tpu.vector_load %arg16[%swap3A_258, %swap3A_259] {strides = array<i32>} : memref<128x256xf32, #tpu.memory_space<vmem>>, vector<16xf32>,
        tpu.vector_store %arg16[%swap3A_258, %swap3A_259], %max3A_257 {strides = array<i32>} : memref<128x256xf32, #tpu.memory_space<vmem>>, vector<16xf32>,
        %get3A_261 = arith.index_cast %add3A_186 : i32 to index
        %get3A_262 = arith.constant 96 : index
        %get3A_263 = tpu.vector_load %arg16[%get3A_261, %get3A_262] {strides = array<i32>} : memref<128x256xf32, #tpu.memory_space<vmem>>, vector<16xf32>,
        %add3A_264 = arith.addf %get3A_263, %get3A_179 : vector<16xf32>
        %mul3A_265 = arith.mulf %gather3A_190, %get3A_15 : vector<16xf32>
        %add3A_266 = arith.addf %add3A_264, %mul3A_265 : vector<16xf32>
        %max3A_267 = arith.constant 0.000000e+00 : f32
        %max3A_268 = vector.broadcast %max3A_267 : f32 to vector<16xf32>
        %max3A_269 = arith.maximumf %add3A_266, %max3A_268 : vector<16xf32>
        %swap3A_270 = arith.index_cast %add3A_186 : i32 to index
        %swap3A_271 = arith.constant 96 : index
        %swap3A_272 = tpu.vector_load %arg16[%swap3A_270, %swap3A_271] {strides = array<i32>} : memref<128x256xf32, #tpu.memory_space<vmem>>, vector<16xf32>,
        tpu.vector_store %arg16[%swap3A_270, %swap3A_271], %max3A_269 {strides = array<i32>} : memref<128x256xf32, #tpu.memory_space<vmem>>, vector<16xf32>,
        %get3A_273 = arith.index_cast %add3A_186 : i32 to index
        %get3A_274 = arith.constant 112 : index
        %get3A_275 = tpu.vector_load %arg16[%get3A_273, %get3A_274] {strides = array<i32>} : memref<128x256xf32, #tpu.memory_space<vmem>>, vector<16xf32>,
        %add3A_276 = arith.addf %get3A_275, %get3A_182 : vector<16xf32>
        %mul3A_277 = arith.mulf %gather3A_190, %get3A_17 : vector<16xf32>
        %add3A_278 = arith.addf %add3A_276, %mul3A_277 : vector<16xf32>
        %max3A_279 = arith.constant 0.000000e+00 : f32
        %max3A_280 = vector.broadcast %max3A_279 : f32 to vector<16xf32>
        %max3A_281 = arith.maximumf %add3A_278, %max3A_280 : vector<16xf32>
        %swap3A_282 = arith.index_cast %add3A_186 : i32 to index
        %swap3A_283 = arith.constant 112 : index
        %swap3A_284 = tpu.vector_load %arg16[%swap3A_282, %swap3A_283] {strides = array<i32>} : memref<128x256xf32, #tpu.memory_space<vmem>>, vector<16xf32>,
        tpu.vector_store %arg16[%swap3A_282, %swap3A_283], %max3A_281 {strides = array<i32>} : memref<128x256xf32, #tpu.memory_space<vmem>>, vector<16xf32>,
        %mul3A_285 = arith.constant 16 : i32
        %mul3A_286 = arith.muli %scan3A_124, %mul3A_285 : i32
        %add3A_287 = arith.constant 1 : i32
        %add3A_288 = arith.addi %mul3A_286, %add3A_287 : i32
        %broadcast_in_dim3A_289 = arith.constant 1 : i32
        %broadcast_in_dim3A_290 = vector.broadcast %broadcast_in_dim3A_289 : i32 to vector<16x1xi32>
        %gather3A_291 = vector.shape_cast %broadcast_in_dim3A_290 : vector<16x1xi32> to vector<16xi32>
        %gather3A_292 = tpu.dynamic_gather %mul3A_158[%gather3A_291] in [0] : vector<16xf32>, vector<16xi32> -> vector<16xf32>
        %get3A_293 = arith.index_cast %add3A_288 : i32 to index
        %get3A_294 = arith.constant 0 : index
        %get3A_295 = tpu.vector_load %arg16[%get3A_293, %get3A_294] {strides = array<i32>} : memref<128x256xf32, #tpu.memory_space<vmem>>, vector<16xf32>,
        %add3A_296 = arith.addf %get3A_295, %get3A_161 : vector<16xf32>
        %mul3A_297 = arith.mulf %gather3A_292, %get3A_3 : vector<16xf32>
        %add3A_298 = arith.addf %add3A_296, %mul3A_297 : vector<16xf32>
        %max3A_299 = arith.constant 0.000000e+00 : f32
        %max3A_300 = vector.broadcast %max3A_299 : f32 to vector<16xf32>
        %max3A_301 = arith.maximumf %add3A_298, %max3A_300 : vector<16xf32>
        %swap3A_302 = arith.index_cast %add3A_288 : i32 to index
        %swap3A_303 = arith.constant 0 : index
        %swap3A_304 = tpu.vector_load %arg16[%swap3A_302, %swap3A_303] {strides = array<i32>} : memref<128x256xf32, #tpu.memory_space<vmem>>, vector<16xf32>,
        tpu.vector_store %arg16[%swap3A_302, %swap3A_303], %max3A_301 {strides = array<i32>} : memref<128x256xf32, #tpu.memory_space<vmem>>, vector<16xf32>,
        %get3A_305 = arith.index_cast %add3A_288 : i32 to index
        %get3A_306 = arith.constant 16 : index
        %get3A_307 = tpu.vector_load %arg16[%get3A_305, %get3A_306] {strides = array<i32>} : memref<128x256xf32, #tpu.memory_space<vmem>>, vector<16xf32>,
        %add3A_308 = arith.addf %get3A_307, %get3A_164 : vector<16xf32>
        %mul3A_309 = arith.mulf %gather3A_292, %get3A_5 : vector<16xf32>
        %add3A_310 = arith.addf %add3A_308, %mul3A_309 : vector<16xf32>
        %max3A_311 = arith.constant 0.000000e+00 : f32
        %max3A_312 = vector.broadcast %max3A_311 : f32 to vector<16xf32>
        %max3A_313 = arith.maximumf %add3A_310, %max3A_312 : vector<16xf32>
        %swap3A_314 = arith.index_cast %add3A_288 : i32 to index
        %swap3A_315 = arith.constant 16 : index
        %swap3A_316 = tpu.vector_load %arg16[%swap3A_314, %swap3A_315] {strides = array<i32>} : memref<128x256xf32, #tpu.memory_space<vmem>>, vector<16xf32>,
        tpu.vector_store %arg16[%swap3A_314, %swap3A_315], %max3A_313 {strides = array<i32>} : memref<128x256xf32, #tpu.memory_space<vmem>>, vector<16xf32>,
        %get3A_317 = arith.index_cast %add3A_288 : i32 to index
        %get3A_318 = arith.constant 32 : index
        %get3A_319 = tpu.vector_load %arg16[%get3A_317, %get3A_318] {strides = array<i32>} : memref<128x256xf32, #tpu.memory_space<vmem>>, vector<16xf32>,
        %add3A_320 = arith.addf %get3A_319, %get3A_167 : vector<16xf32>
        %mul3A_321 = arith.mulf %gather3A_292, %get3A_7 : vector<16xf32>
        %add3A_322 = arith.addf %add3A_320, %mul3A_321 : vector<16xf32>
        %max3A_323 = arith.constant 0.000000e+00 : f32
        %max3A_324 = vector.broadcast %max3A_323 : f32 to vector<16xf32>
        %max3A_325 = arith.maximumf %add3A_322, %max3A_324 : vector<16xf32>
        %swap3A_326 = arith.index_cast %add3A_288 : i32 to index
        %swap3A_327 = arith.constant 32 : index
        %swap3A_328 = tpu.vector_load %arg16[%swap3A_326, %swap3A_327] {strides = array<i32>} : memref<128x256xf32, #tpu.memory_space<vmem>>, vector<16xf32>,
        tpu.vector_store %arg16[%swap3A_326, %swap3A_327], %max3A_325 {strides = array<i32>} : memref<128x256xf32, #tpu.memory_space<vmem>>, vector<16xf32>,
        %get3A_329 = arith.index_cast %add3A_288 : i32 to index
        %get3A_330 = arith.constant 48 : index
        %get3A_331 = tpu.vector_load %arg16[%get3A_329, %get3A_330] {strides = array<i32>} : memref<128x256xf32, #tpu.memory_space<vmem>>, vector<16xf32>,
        %add3A_332 = arith.addf %get3A_331, %get3A_170 : vector<16xf32>
        %mul3A_333 = arith.mulf %gather3A_292, %get3A_9 : vector<16xf32>
        %add3A_334 = arith.addf %add3A_332, %mul3A_333 : vector<16xf32>
        %max3A_335 = arith.constant 0.000000e+00 : f32
        %max3A_336 = vector.broadcast %max3A_335 : f32 to vector<16xf32>
        %max3A_337 = arith.maximumf %add3A_334, %max3A_336 : vector<16xf32>
        %swap3A_338 = arith.index_cast %add3A_288 : i32 to index
        %swap3A_339 = arith.constant 48 : index
        %swap3A_340 = tpu.vector_load %arg16[%swap3A_338, %swap3A_339] {strides = array<i32>} : memref<128x256xf32, #tpu.memory_space<vmem>>, vector<16xf32>,
        tpu.vector_store %arg16[%swap3A_338, %swap3A_339], %max3A_337 {strides = array<i32>} : memref<128x256xf32, #tpu.memory_space<vmem>>, vector<16xf32>,
        %get3A_341 = arith.index_cast %add3A_288 : i32 to index
        %get3A_342 = arith.constant 64 : index
        %get3A_343 = tpu.vector_load %arg16[%get3A_341, %get3A_342] {strides = array<i32>} : memref<128x256xf32, #tpu.memory_space<vmem>>, vector<16xf32>,
        %add3A_344 = arith.addf %get3A_343, %get3A_173 : vector<16xf32>
        %mul3A_345 = arith.mulf %gather3A_292, %get3A_11 : vector<16xf32>
        %add3A_346 = arith.addf %add3A_344, %mul3A_345 : vector<16xf32>
        %max3A_347 = arith.constant 0.000000e+00 : f32
        %max3A_348 = vector.broadcast %max3A_347 : f32 to vector<16xf32>
        %max3A_349 = arith.maximumf %add3A_346, %max3A_348 : vector<16xf32>
        %swap3A_350 = arith.index_cast %add3A_288 : i32 to index
        %swap3A_351 = arith.constant 64 : index
        %swap3A_352 = tpu.vector_load %arg16[%swap3A_350, %swap3A_351] {strides = array<i32>} : memref<128x256xf32, #tpu.memory_space<vmem>>, vector<16xf32>,
        tpu.vector_store %arg16[%swap3A_350, %swap3A_351], %max3A_349 {strides = array<i32>} : memref<128x256xf32, #tpu.memory_space<vmem>>, vector<16xf32>,
        %get3A_353 = arith.index_cast %add3A_288 : i32 to index
        %get3A_354 = arith.constant 80 : index
        %get3A_355 = tpu.vector_load %arg16[%get3A_353, %get3A_354] {strides = array<i32>} : memref<128x256xf32, #tpu.memory_space<vmem>>, vector<16xf32>,
        %add3A_356 = arith.addf %get3A_355, %get3A_176 : vector<16xf32>
        %mul3A_357 = arith.mulf %gather3A_292, %get3A_13 : vector<16xf32>
        %add3A_358 = arith.addf %add3A_356, %mul3A_357 : vector<16xf32>
        %max3A_359 = arith.constant 0.000000e+00 : f32
        %max3A_360 = vector.broadcast %max3A_359 : f32 to vector<16xf32>
        %max3A_361 = arith.maximumf %add3A_358, %max3A_360 : vector<16xf32>
        %swap3A_362 = arith.index_cast %add3A_288 : i32 to index
        %swap3A_363 = arith.constant 80 : index
        %swap3A_364 = tpu.vector_load %arg16[%swap3A_362, %swap3A_363] {strides = array<i32>} : memref<128x256xf32, #tpu.memory_space<vmem>>, vector<16xf32>,
        tpu.vector_store %arg16[%swap3A_362, %swap3A_363], %max3A_361 {strides = array<i32>} : memref<128x256xf32, #tpu.memory_space<vmem>>, vector<16xf32>,
        %get3A_365 = arith.index_cast %add3A_288 : i32 to index
        %get3A_366 = arith.constant 96 : index
        %get3A_367 = tpu.vector_load %arg16[%get3A_365, %get3A_366] {strides = array<i32>} : memref<128x256xf32, #tpu.memory_space<vmem>>, vector<16xf32>,
        %add3A_368 = arith.addf %get3A_367, %get3A_179 : vector<16xf32>
        %mul3A_369 = arith.mulf %gather3A_292, %get3A_15 : vector<16xf32>
        %add3A_370 = arith.addf %add3A_368, %mul3A_369 : vector<16xf32>
        %max3A_371 = arith.constant 0.000000e+00 : f32
        %max3A_372 = vector.broadcast %max3A_371 : f32 to vector<16xf32>
        %max3A_373 = arith.maximumf %add3A_370, %max3A_372 : vector<16xf32>
        %swap3A_374 = arith.index_cast %add3A_288 : i32 to index
        %swap3A_375 = arith.constant 96 : index
        %swap3A_376 = tpu.vector_load %arg16[%swap3A_374, %swap3A_375] {strides = array<i32>} : memref<128x256xf32, #tpu.memory_space<vmem>>, vector<16xf32>,
        tpu.vector_store %arg16[%swap3A_374, %swap3A_375], %max3A_373 {strides = array<i32>} : memref<128x256xf32, #tpu.memory_space<vmem>>, vector<16xf32>,
        %get3A_377 = arith.index_cast %add3A_288 : i32 to index
        %get3A_378 = arith.constant 112 : index
        %get3A_379 = tpu.vector_load %arg16[%get3A_377, %get3A_378] {strides = array<i32>} : memref<128x256xf32, #tpu.memory_space<vmem>>, vector<16xf32>,
        %add3A_380 = arith.addf %get3A_379, %get3A_182 : vector<16xf32>
        %mul3A_381 = arith.mulf %gather3A_292, %get3A_17 : vector<16xf32>
        %add3A_382 = arith.addf %add3A_380, %mul3A_381 : vector<16xf32>
        %max3A_383 = arith.constant 0.000000e+00 : f32
        %max3A_384 = vector.broadcast %max3A_383 : f32 to vector<16xf32>
        %max3A_385 = arith.maximumf %add3A_382, %max3A_384 : vector<16xf32>
        %swap3A_386 = arith.index_cast %add3A_288 : i32 to index
        %swap3A_387 = arith.constant 112 : index
        %swap3A_388 = tpu.vector_load %arg16[%swap3A_386, %swap3A_387] {strides = array<i32>} : memref<128x256xf32, #tpu.memory_space<vmem>>, vector<16xf32>,
        tpu.vector_store %arg16[%swap3A_386, %swap3A_387], %max3A_385 {strides = array<i32>} : memref<128x256xf32, #tpu.memory_space<vmem>>, vector<16xf32>,
        %mul3A_389 = arith.constant 16 : i32
        %mul3A_390 = arith.muli %scan3A_124, %mul3A_389 : i32
        %add3A_391 = arith.constant 2 : i32
        %add3A_392 = arith.addi %mul3A_390, %add3A_391 : i32
        %broadcast_in_dim3A_393 = arith.constant 2 : i32
        %broadcast_in_dim3A_394 = vector.broadcast %broadcast_in_dim3A_393 : i32 to vector<16x1xi32>
        %gather3A_395 = vector.shape_cast %broadcast_in_dim3A_394 : vector<16x1xi32> to vector<16xi32>
        %gather3A_396 = tpu.dynamic_gather %mul3A_158[%gather3A_395] in [0] : vector<16xf32>, vector<16xi32> -> vector<16xf32>
        %get3A_397 = arith.index_cast %add3A_392 : i32 to index
        %get3A_398 = arith.constant 0 : index
        %get3A_399 = tpu.vector_load %arg16[%get3A_397, %get3A_398] {strides = array<i32>} : memref<128x256xf32, #tpu.memory_space<vmem>>, vector<16xf32>,
        %add3A_400 = arith.addf %get3A_399, %get3A_161 : vector<16xf32>
        %mul3A_401 = arith.mulf %gather3A_396, %get3A_3 : vector<16xf32>
        %add3A_402 = arith.addf %add3A_400, %mul3A_401 : vector<16xf32>
        %max3A_403 = arith.constant 0.000000e+00 : f32
        %max3A_404 = vector.broadcast %max3A_403 : f32 to vector<16xf32>
        %max3A_405 = arith.maximumf %add3A_402, %max3A_404 : vector<16xf32>
        %swap3A_406 = arith.index_cast %add3A_392 : i32 to index
        %swap3A_407 = arith.constant 0 : index
        %swap3A_408 = tpu.vector_load %arg16[%swap3A_406, %swap3A_407] {strides = array<i32>} : memref<128x256xf32, #tpu.memory_space<vmem>>, vector<16xf32>,
        tpu.vector_store %arg16[%swap3A_406, %swap3A_407], %max3A_405 {strides = array<i32>} : memref<128x256xf32, #tpu.memory_space<vmem>>, vector<16xf32>,
        %get3A_409 = arith.index_cast %add3A_392 : i32 to index
        %get3A_410 = arith.constant 16 : index
        %get3A_411 = tpu.vector_load %arg16[%get3A_409, %get3A_410] {strides = array<i32>} : memref<128x256xf32, #tpu.memory_space<vmem>>, vector<16xf32>,
        %add3A_412 = arith.addf %get3A_411, %get3A_164 : vector<16xf32>
        %mul3A_413 = arith.mulf %gather3A_396, %get3A_5 : vector<16xf32>
        %add3A_414 = arith.addf %add3A_412, %mul3A_413 : vector<16xf32>
        %max3A_415 = arith.constant 0.000000e+00 : f32
        %max3A_416 = vector.broadcast %max3A_415 : f32 to vector<16xf32>
        %max3A_417 = arith.maximumf %add3A_414, %max3A_416 : vector<16xf32>
        %swap3A_418 = arith.index_cast %add3A_392 : i32 to index
        %swap3A_419 = arith.constant 16 : index
        %swap3A_420 = tpu.vector_load %arg16[%swap3A_418, %swap3A_419] {strides = array<i32>} : memref<128x256xf32, #tpu.memory_space<vmem>>, vector<16xf32>,
        tpu.vector_store %arg16[%swap3A_418, %swap3A_419], %max3A_417 {strides = array<i32>} : memref<128x256xf32, #tpu.memory_space<vmem>>, vector<16xf32>,
        %get3A_421 = arith.index_cast %add3A_392 : i32 to index
        %get3A_422 = arith.constant 32 : index
        %get3A_423 = tpu.vector_load %arg16[%get3A_421, %get3A_422] {strides = array<i32>} : memref<128x256xf32, #tpu.memory_space<vmem>>, vector<16xf32>,
        %add3A_424 = arith.addf %get3A_423, %get3A_167 : vector<16xf32>
        %mul3A_425 = arith.mulf %gather3A_396, %get3A_7 : vector<16xf32>
        %add3A_426 = arith.addf %add3A_424, %mul3A_425 : vector<16xf32>
        %max3A_427 = arith.constant 0.000000e+00 : f32
        %max3A_428 = vector.broadcast %max3A_427 : f32 to vector<16xf32>
        %max3A_429 = arith.maximumf %add3A_426, %max3A_428 : vector<16xf32>
        %swap3A_430 = arith.index_cast %add3A_392 : i32 to index
        %swap3A_431 = arith.constant 32 : index
        %swap3A_432 = tpu.vector_load %arg16[%swap3A_430, %swap3A_431] {strides = array<i32>} : memref<128x256xf32, #tpu.memory_space<vmem>>, vector<16xf32>,
        tpu.vector_store %arg16[%swap3A_430, %swap3A_431], %max3A_429 {strides = array<i32>} : memref<128x256xf32, #tpu.memory_space<vmem>>, vector<16xf32>,
        %get3A_433 = arith.index_cast %add3A_392 : i32 to index
        %get3A_434 = arith.constant 48 : index
        %get3A_435 = tpu.vector_load %arg16[%get3A_433, %get3A_434] {strides = array<i32>} : memref<128x256xf32, #tpu.memory_space<vmem>>, vector<16xf32>,
        %add3A_436 = arith.addf %get3A_435, %get3A_170 : vector<16xf32>
        %mul3A_437 = arith.mulf %gather3A_396, %get3A_9 : vector<16xf32>
        %add3A_438 = arith.addf %add3A_436, %mul3A_437 : vector<16xf32>
        %max3A_439 = arith.constant 0.000000e+00 : f32
        %max3A_440 = vector.broadcast %max3A_439 : f32 to vector<16xf32>
        %max3A_441 = arith.maximumf %add3A_438, %max3A_440 : vector<16xf32>
        %swap3A_442 = arith.index_cast %add3A_392 : i32 to index
        %swap3A_443 = arith.constant 48 : index
        %swap3A_444 = tpu.vector_load %arg16[%swap3A_442, %swap3A_443] {strides = array<i32>} : memref<128x256xf32, #tpu.memory_space<vmem>>, vector<16xf32>,
        tpu.vector_store %arg16[%swap3A_442, %swap3A_443], %max3A_441 {strides = array<i32>} : memref<128x256xf32, #tpu.memory_space<vmem>>, vector<16xf32>,
        %get3A_445 = arith.index_cast %add3A_392 : i32 to index
        %get3A_446 = arith.constant 64 : index
        %get3A_447 = tpu.vector_load %arg16[%get3A_445, %get3A_446] {strides = array<i32>} : memref<128x256xf32, #tpu.memory_space<vmem>>, vector<16xf32>,
        %add3A_448 = arith.addf %get3A_447, %get3A_173 : vector<16xf32>
        %mul3A_449 = arith.mulf %gather3A_396, %get3A_11 : vector<16xf32>
        %add3A_450 = arith.addf %add3A_448, %mul3A_449 : vector<16xf32>
        %max3A_451 = arith.constant 0.000000e+00 : f32
        %max3A_452 = vector.broadcast %max3A_451 : f32 to vector<16xf32>
        %max3A_453 = arith.maximumf %add3A_450, %max3A_452 : vector<16xf32>
        %swap3A_454 = arith.index_cast %add3A_392 : i32 to index
        %swap3A_455 = arith.constant 64 : index
        %swap3A_456 = tpu.vector_load %arg16[%swap3A_454, %swap3A_455] {strides = array<i32>} : memref<128x256xf32, #tpu.memory_space<vmem>>, vector<16xf32>,
        tpu.vector_store %arg16[%swap3A_454, %swap3A_455], %max3A_453 {strides = array<i32>} : memref<128x256xf32, #tpu.memory_space<vmem>>, vector<16xf32>,
        %get3A_457 = arith.index_cast %add3A_392 : i32 to index
        %get3A_458 = arith.constant 80 : index
        %get3A_459 = tpu.vector_load %arg16[%get3A_457, %get3A_458] {strides = array<i32>} : memref<128x256xf32, #tpu.memory_space<vmem>>, vector<16xf32>,
        %add3A_460 = arith.addf %get3A_459, %get3A_176 : vector<16xf32>
        %mul3A_461 = arith.mulf %gather3A_396, %get3A_13 : vector<16xf32>
        %add3A_462 = arith.addf %add3A_460, %mul3A_461 : vector<16xf32>
        %max3A_463 = arith.constant 0.000000e+00 : f32
        %max3A_464 = vector.broadcast %max3A_463 : f32 to vector<16xf32>
        %max3A_465 = arith.maximumf %add3A_462, %max3A_464 : vector<16xf32>
        %swap3A_466 = arith.index_cast %add3A_392 : i32 to index
        %swap3A_467 = arith.constant 80 : index
        %swap3A_468 = tpu.vector_load %arg16[%swap3A_466, %swap3A_467] {strides = array<i32>} : memref<128x256xf32, #tpu.memory_space<vmem>>, vector<16xf32>,
        tpu.vector_store %arg16[%swap3A_466, %swap3A_467], %max3A_465 {strides = array<i32>} : memref<128x256xf32, #tpu.memory_space<vmem>>, vector<16xf32>,
        %get3A_469 = arith.index_cast %add3A_392 : i32 to index
        %get3A_470 = arith.constant 96 : index
        %get3A_471 = tpu.vector_load %arg16[%get3A_469, %get3A_470] {strides = array<i32>} : memref<128x256xf32, #tpu.memory_space<vmem>>, vector<16xf32>,
        %add3A_472 = arith.addf %get3A_471, %get3A_179 : vector<16xf32>
        %mul3A_473 = arith.mulf %gather3A_396, %get3A_15 : vector<16xf32>
        %add3A_474 = arith.addf %add3A_472, %mul3A_473 : vector<16xf32>
        %max3A_475 = arith.constant 0.000000e+00 : f32
        %max3A_476 = vector.broadcast %max3A_475 : f32 to vector<16xf32>
        %max3A_477 = arith.maximumf %add3A_474, %max3A_476 : vector<16xf32>
        %swap3A_478 = arith.index_cast %add3A_392 : i32 to index
        %swap3A_479 = arith.constant 96 : index
        %swap3A_480 = tpu.vector_load %arg16[%swap3A_478, %swap3A_479] {strides = array<i32>} : memref<128x256xf32, #tpu.memory_space<vmem>>, vector<16xf32>,
        tpu.vector_store %arg16[%swap3A_478, %swap3A_479], %max3A_477 {strides = array<i32>} : memref<128x256xf32, #tpu.memory_space<vmem>>, vector<16xf32>,
        %get3A_481 = arith.index_cast %add3A_392 : i32 to index
        %get3A_482 = arith.constant 112 : index
        %get3A_483 = tpu.vector_load %arg16[%get3A_481, %get3A_482] {strides = array<i32>} : memref<128x256xf32, #tpu.memory_space<vmem>>, vector<16xf32>,
        %add3A_484 = arith.addf %get3A_483, %get3A_182 : vector<16xf32>
        %mul3A_485 = arith.mulf %gather3A_396, %get3A_17 : vector<16xf32>
        %add3A_486 = arith.addf %add3A_484, %mul3A_485 : vector<16xf32>
        %max3A_487 = arith.constant 0.000000e+00 : f32
        %max3A_488 = vector.broadcast %max3A_487 : f32 to vector<16xf32>
        %max3A_489 = arith.maximumf %add3A_486, %max3A_488 : vector<16xf32>
        %swap3A_490 = arith.index_cast %add3A_392 : i32 to index
        %swap3A_491 = arith.constant 112 : index
        %swap3A_492 = tpu.vector_load %arg16[%swap3A_490, %swap3A_491] {strides = array<i32>} : memref<128x256xf32, #tpu.memory_space<vmem>>, vector<16xf32>,
        tpu.vector_store %arg16[%swap3A_490, %swap3A_491], %max3A_489 {strides = array<i32>} : memref<128x256xf32, #tpu.memory_space<vmem>>, vector<16xf32>,
        %mul3A_493 = arith.constant 16 : i32
        %mul3A_494 = arith.muli %scan3A_124, %mul3A_493 : i32
        %add3A_495 = arith.constant 3 : i32
        %add3A_496 = arith.addi %mul3A_494, %add3A_495 : i32
        %broadcast_in_dim3A_497 = arith.constant 3 : i32
        %broadcast_in_dim3A_498 = vector.broadcast %broadcast_in_dim3A_497 : i32 to vector<16x1xi32>
        %gather3A_499 = vector.shape_cast %broadcast_in_dim3A_498 : vector<16x1xi32> to vector<16xi32>
        %gather3A_500 = tpu.dynamic_gather %mul3A_158[%gather3A_499] in [0] : vector<16xf32>, vector<16xi32> -> vector<16xf32>
        %get3A_501 = arith.index_cast %add3A_496 : i32 to index
        %get3A_502 = arith.constant 0 : index
        %get3A_503 = tpu.vector_load %arg16[%get3A_501, %get3A_502] {strides = array<i32>} : memref<128x256xf32, #tpu.memory_space<vmem>>, vector<16xf32>,
        %add3A_504 = arith.addf %get3A_503, %get3A_161 : vector<16xf32>
        %mul3A_505 = arith.mulf %gather3A_500, %get3A_3 : vector<16xf32>
        %add3A_506 = arith.addf %add3A_504, %mul3A_505 : vector<16xf32>
        %max3A_507 = arith.constant 0.000000e+00 : f32
        %max3A_508 = vector.broadcast %max3A_507 : f32 to vector<16xf32>
        %max3A_509 = arith.maximumf %add3A_506, %max3A_508 : vector<16xf32>
        %swap3A_510 = arith.index_cast %add3A_496 : i32 to index
        %swap3A_511 = arith.constant 0 : index
        %swap3A_512 = tpu.vector_load %arg16[%swap3A_510, %swap3A_511] {strides = array<i32>} : memref<128x256xf32, #tpu.memory_space<vmem>>, vector<16xf32>,
        tpu.vector_store %arg16[%swap3A_510, %swap3A_511], %max3A_509 {strides = array<i32>} : memref<128x256xf32, #tpu.memory_space<vmem>>, vector<16xf32>,
        %get3A_513 = arith.index_cast %add3A_496 : i32 to index
        %get3A_514 = arith.constant 16 : index
        %get3A_515 = tpu.vector_load %arg16[%get3A_513, %get3A_514] {strides = array<i32>} : memref<128x256xf32, #tpu.memory_space<vmem>>, vector<16xf32>,
        %add3A_516 = arith.addf %get3A_515, %get3A_164 : vector<16xf32>
        %mul3A_517 = arith.mulf %gather3A_500, %get3A_5 : vector<16xf32>
        %add3A_518 = arith.addf %add3A_516, %mul3A_517 : vector<16xf32>
        %max3A_519 = arith.constant 0.000000e+00 : f32
        %max3A_520 = vector.broadcast %max3A_519 : f32 to vector<16xf32>
        %max3A_521 = arith.maximumf %add3A_518, %max3A_520 : vector<16xf32>
        %swap3A_522 = arith.index_cast %add3A_496 : i32 to index
        %swap3A_523 = arith.constant 16 : index
        %swap3A_524 = tpu.vector_load %arg16[%swap3A_522, %swap3A_523] {strides = array<i32>} : memref<128x256xf32, #tpu.memory_space<vmem>>, vector<16xf32>,
        tpu.vector_store %arg16[%swap3A_522, %swap3A_523], %max3A_521 {strides = array<i32>} : memref<128x256xf32, #tpu.memory_space<vmem>>, vector<16xf32>,
        %get3A_525 = arith.index_cast %add3A_496 : i32 to index
        %get3A_526 = arith.constant 32 : index
        %get3A_527 = tpu.vector_load %arg16[%get3A_525, %get3A_526] {strides = array<i32>} : memref<128x256xf32, #tpu.memory_space<vmem>>, vector<16xf32>,
        %add3A_528 = arith.addf %get3A_527, %get3A_167 : vector<16xf32>
        %mul3A_529 = arith.mulf %gather3A_500, %get3A_7 : vector<16xf32>
        %add3A_530 = arith.addf %add3A_528, %mul3A_529 : vector<16xf32>
        %max3A_531 = arith.constant 0.000000e+00 : f32
        %max3A_532 = vector.broadcast %max3A_531 : f32 to vector<16xf32>
        %max3A_533 = arith.maximumf %add3A_530, %max3A_532 : vector<16xf32>
        %swap3A_534 = arith.index_cast %add3A_496 : i32 to index
        %swap3A_535 = arith.constant 32 : index
        %swap3A_536 = tpu.vector_load %arg16[%swap3A_534, %swap3A_535] {strides = array<i32>} : memref<128x256xf32, #tpu.memory_space<vmem>>, vector<16xf32>,
        tpu.vector_store %arg16[%swap3A_534, %swap3A_535], %max3A_533 {strides = array<i32>} : memref<128x256xf32, #tpu.memory_space<vmem>>, vector<16xf32>,
        %get3A_537 = arith.index_cast %add3A_496 : i32 to index
        %get3A_538 = arith.constant 48 : index
        %get3A_539 = tpu.vector_load %arg16[%get3A_537, %get3A_538] {strides = array<i32>} : memref<128x256xf32, #tpu.memory_space<vmem>>, vector<16xf32>,
        %add3A_540 = arith.addf %get3A_539, %get3A_170 : vector<16xf32>
        %mul3A_541 = arith.mulf %gather3A_500, %get3A_9 : vector<16xf32>
        %add3A_542 = arith.addf %add3A_540, %mul3A_541 : vector<16xf32>
        %max3A_543 = arith.constant 0.000000e+00 : f32
        %max3A_544 = vector.broadcast %max3A_543 : f32 to vector<16xf32>
        %max3A_545 = arith.maximumf %add3A_542, %max3A_544 : vector<16xf32>
        %swap3A_546 = arith.index_cast %add3A_496 : i32 to index
        %swap3A_547 = arith.constant 48 : index
        %swap3A_548 = tpu.vector_load %arg16[%swap3A_546, %swap3A_547] {strides = array<i32>} : memref<128x256xf32, #tpu.memory_space<vmem>>, vector<16xf32>,
        tpu.vector_store %arg16[%swap3A_546, %swap3A_547], %max3A_545 {strides = array<i32>} : memref<128x256xf32, #tpu.memory_space<vmem>>, vector<16xf32>,
        %get3A_549 = arith.index_cast %add3A_496 : i32 to index
        %get3A_550 = arith.constant 64 : index
        %get3A_551 = tpu.vector_load %arg16[%get3A_549, %get3A_550] {strides = array<i32>} : memref<128x256xf32, #tpu.memory_space<vmem>>, vector<16xf32>,
        %add3A_552 = arith.addf %get3A_551, %get3A_173 : vector<16xf32>
        %mul3A_553 = arith.mulf %gather3A_500, %get3A_11 : vector<16xf32>
        %add3A_554 = arith.addf %add3A_552, %mul3A_553 : vector<16xf32>
        %max3A_555 = arith.constant 0.000000e+00 : f32
        %max3A_556 = vector.broadcast %max3A_555 : f32 to vector<16xf32>
        %max3A_557 = arith.maximumf %add3A_554, %max3A_556 : vector<16xf32>
        %swap3A_558 = arith.index_cast %add3A_496 : i32 to index
        %swap3A_559 = arith.constant 64 : index
        %swap3A_560 = tpu.vector_load %arg16[%swap3A_558, %swap3A_559] {strides = array<i32>} : memref<128x256xf32, #tpu.memory_space<vmem>>, vector<16xf32>,
        tpu.vector_store %arg16[%swap3A_558, %swap3A_559], %max3A_557 {strides = array<i32>} : memref<128x256xf32, #tpu.memory_space<vmem>>, vector<16xf32>,
        %get3A_561 = arith.index_cast %add3A_496 : i32 to index
        %get3A_562 = arith.constant 80 : index
        %get3A_563 = tpu.vector_load %arg16[%get3A_561, %get3A_562] {strides = array<i32>} : memref<128x256xf32, #tpu.memory_space<vmem>>, vector<16xf32>,
        %add3A_564 = arith.addf %get3A_563, %get3A_176 : vector<16xf32>
        %mul3A_565 = arith.mulf %gather3A_500, %get3A_13 : vector<16xf32>
        %add3A_566 = arith.addf %add3A_564, %mul3A_565 : vector<16xf32>
        %max3A_567 = arith.constant 0.000000e+00 : f32
        %max3A_568 = vector.broadcast %max3A_567 : f32 to vector<16xf32>
        %max3A_569 = arith.maximumf %add3A_566, %max3A_568 : vector<16xf32>
        %swap3A_570 = arith.index_cast %add3A_496 : i32 to index
        %swap3A_571 = arith.constant 80 : index
        %swap3A_572 = tpu.vector_load %arg16[%swap3A_570, %swap3A_571] {strides = array<i32>} : memref<128x256xf32, #tpu.memory_space<vmem>>, vector<16xf32>,
        tpu.vector_store %arg16[%swap3A_570, %swap3A_571], %max3A_569 {strides = array<i32>} : memref<128x256xf32, #tpu.memory_space<vmem>>, vector<16xf32>,
        %get3A_573 = arith.index_cast %add3A_496 : i32 to index
        %get3A_574 = arith.constant 96 : index
        %get3A_575 = tpu.vector_load %arg16[%get3A_573, %get3A_574] {strides = array<i32>} : memref<128x256xf32, #tpu.memory_space<vmem>>, vector<16xf32>,
        %add3A_576 = arith.addf %get3A_575, %get3A_179 : vector<16xf32>
        %mul3A_577 = arith.mulf %gather3A_500, %get3A_15 : vector<16xf32>
        %add3A_578 = arith.addf %add3A_576, %mul3A_577 : vector<16xf32>
        %max3A_579 = arith.constant 0.000000e+00 : f32
        %max3A_580 = vector.broadcast %max3A_579 : f32 to vector<16xf32>
        %max3A_581 = arith.maximumf %add3A_578, %max3A_580 : vector<16xf32>
        %swap3A_582 = arith.index_cast %add3A_496 : i32 to index
        %swap3A_583 = arith.constant 96 : index
        %swap3A_584 = tpu.vector_load %arg16[%swap3A_582, %swap3A_583] {strides = array<i32>} : memref<128x256xf32, #tpu.memory_space<vmem>>, vector<16xf32>,
        tpu.vector_store %arg16[%swap3A_582, %swap3A_583], %max3A_581 {strides = array<i32>} : memref<128x256xf32, #tpu.memory_space<vmem>>, vector<16xf32>,
        %get3A_585 = arith.index_cast %add3A_496 : i32 to index
        %get3A_586 = arith.constant 112 : index
        %get3A_587 = tpu.vector_load %arg16[%get3A_585, %get3A_586] {strides = array<i32>} : memref<128x256xf32, #tpu.memory_space<vmem>>, vector<16xf32>,
        %add3A_588 = arith.addf %get3A_587, %get3A_182 : vector<16xf32>
        %mul3A_589 = arith.mulf %gather3A_500, %get3A_17 : vector<16xf32>
        %add3A_590 = arith.addf %add3A_588, %mul3A_589 : vector<16xf32>
        %max3A_591 = arith.constant 0.000000e+00 : f32
        %max3A_592 = vector.broadcast %max3A_591 : f32 to vector<16xf32>
        %max3A_593 = arith.maximumf %add3A_590, %max3A_592 : vector<16xf32>
        %swap3A_594 = arith.index_cast %add3A_496 : i32 to index
        %swap3A_595 = arith.constant 112 : index
        %swap3A_596 = tpu.vector_load %arg16[%swap3A_594, %swap3A_595] {strides = array<i32>} : memref<128x256xf32, #tpu.memory_space<vmem>>, vector<16xf32>,
        tpu.vector_store %arg16[%swap3A_594, %swap3A_595], %max3A_593 {strides = array<i32>} : memref<128x256xf32, #tpu.memory_space<vmem>>, vector<16xf32>,
        %mul3A_597 = arith.constant 16 : i32
        %mul3A_598 = arith.muli %scan3A_124, %mul3A_597 : i32
        %add3A_599 = arith.constant 4 : i32
        %add3A_600 = arith.addi %mul3A_598, %add3A_599 : i32
        %broadcast_in_dim3A_601 = arith.constant 4 : i32
        %broadcast_in_dim3A_602 = vector.broadcast %broadcast_in_dim3A_601 : i32 to vector<16x1xi32>
        %gather3A_603 = vector.shape_cast %broadcast_in_dim3A_602 : vector<16x1xi32> to vector<16xi32>
        %gather3A_604 = tpu.dynamic_gather %mul3A_158[%gather3A_603] in [0] : vector<16xf32>, vector<16xi32> -> vector<16xf32>
        %get3A_605 = arith.index_cast %add3A_600 : i32 to index
        %get3A_606 = arith.constant 0 : index
        %get3A_607 = tpu.vector_load %arg16[%get3A_605, %get3A_606] {strides = array<i32>} : memref<128x256xf32, #tpu.memory_space<vmem>>, vector<16xf32>,
        %add3A_608 = arith.addf %get3A_607, %get3A_161 : vector<16xf32>
        %mul3A_609 = arith.mulf %gather3A_604, %get3A_3 : vector<16xf32>
        %add3A_610 = arith.addf %add3A_608, %mul3A_609 : vector<16xf32>
        %max3A_611 = arith.constant 0.000000e+00 : f32
        %max3A_612 = vector.broadcast %max3A_611 : f32 to vector<16xf32>
        %max3A_613 = arith.maximumf %add3A_610, %max3A_612 : vector<16xf32>
        %swap3A_614 = arith.index_cast %add3A_600 : i32 to index
        %swap3A_615 = arith.constant 0 : index
        %swap3A_616 = tpu.vector_load %arg16[%swap3A_614, %swap3A_615] {strides = array<i32>} : memref<128x256xf32, #tpu.memory_space<vmem>>, vector<16xf32>,
        tpu.vector_store %arg16[%swap3A_614, %swap3A_615], %max3A_613 {strides = array<i32>} : memref<128x256xf32, #tpu.memory_space<vmem>>, vector<16xf32>,
        %get3A_617 = arith.index_cast %add3A_600 : i32 to index
        %get3A_618 = arith.constant 16 : index
        %get3A_619 = tpu.vector_load %arg16[%get3A_617, %get3A_618] {strides = array<i32>} : memref<128x256xf32, #tpu.memory_space<vmem>>, vector<16xf32>,
        %add3A_620 = arith.addf %get3A_619, %get3A_164 : vector<16xf32>
        %mul3A_621 = arith.mulf %gather3A_604, %get3A_5 : vector<16xf32>
        %add3A_622 = arith.addf %add3A_620, %mul3A_621 : vector<16xf32>
        %max3A_623 = arith.constant 0.000000e+00 : f32
        %max3A_624 = vector.broadcast %max3A_623 : f32 to vector<16xf32>
        %max3A_625 = arith.maximumf %add3A_622, %max3A_624 : vector<16xf32>
        %swap3A_626 = arith.index_cast %add3A_600 : i32 to index
        %swap3A_627 = arith.constant 16 : index
        %swap3A_628 = tpu.vector_load %arg16[%swap3A_626, %swap3A_627] {strides = array<i32>} : memref<128x256xf32, #tpu.memory_space<vmem>>, vector<16xf32>,
        tpu.vector_store %arg16[%swap3A_626, %swap3A_627], %max3A_625 {strides = array<i32>} : memref<128x256xf32, #tpu.memory_space<vmem>>, vector<16xf32>,
        %get3A_629 = arith.index_cast %add3A_600 : i32 to index
        %get3A_630 = arith.constant 32 : index
        %get3A_631 = tpu.vector_load %arg16[%get3A_629, %get3A_630] {strides = array<i32>} : memref<128x256xf32, #tpu.memory_space<vmem>>, vector<16xf32>,
        %add3A_632 = arith.addf %get3A_631, %get3A_167 : vector<16xf32>
        %mul3A_633 = arith.mulf %gather3A_604, %get3A_7 : vector<16xf32>
        %add3A_634 = arith.addf %add3A_632, %mul3A_633 : vector<16xf32>
        %max3A_635 = arith.constant 0.000000e+00 : f32
        %max3A_636 = vector.broadcast %max3A_635 : f32 to vector<16xf32>
        %max3A_637 = arith.maximumf %add3A_634, %max3A_636 : vector<16xf32>
        %swap3A_638 = arith.index_cast %add3A_600 : i32 to index
        %swap3A_639 = arith.constant 32 : index
        %swap3A_640 = tpu.vector_load %arg16[%swap3A_638, %swap3A_639] {strides = array<i32>} : memref<128x256xf32, #tpu.memory_space<vmem>>, vector<16xf32>,
        tpu.vector_store %arg16[%swap3A_638, %swap3A_639], %max3A_637 {strides = array<i32>} : memref<128x256xf32, #tpu.memory_space<vmem>>, vector<16xf32>,
        %get3A_641 = arith.index_cast %add3A_600 : i32 to index
        %get3A_642 = arith.constant 48 : index
        %get3A_643 = tpu.vector_load %arg16[%get3A_641, %get3A_642] {strides = array<i32>} : memref<128x256xf32, #tpu.memory_space<vmem>>, vector<16xf32>,
        %add3A_644 = arith.addf %get3A_643, %get3A_170 : vector<16xf32>
        %mul3A_645 = arith.mulf %gather3A_604, %get3A_9 : vector<16xf32>
        %add3A_646 = arith.addf %add3A_644, %mul3A_645 : vector<16xf32>
        %max3A_647 = arith.constant 0.000000e+00 : f32
        %max3A_648 = vector.broadcast %max3A_647 : f32 to vector<16xf32>
        %max3A_649 = arith.maximumf %add3A_646, %max3A_648 : vector<16xf32>
        %swap3A_650 = arith.index_cast %add3A_600 : i32 to index
        %swap3A_651 = arith.constant 48 : index
        %swap3A_652 = tpu.vector_load %arg16[%swap3A_650, %swap3A_651] {strides = array<i32>} : memref<128x256xf32, #tpu.memory_space<vmem>>, vector<16xf32>,
        tpu.vector_store %arg16[%swap3A_650, %swap3A_651], %max3A_649 {strides = array<i32>} : memref<128x256xf32, #tpu.memory_space<vmem>>, vector<16xf32>,
        %get3A_653 = arith.index_cast %add3A_600 : i32 to index
        %get3A_654 = arith.constant 64 : index
        %get3A_655 = tpu.vector_load %arg16[%get3A_653, %get3A_654] {strides = array<i32>} : memref<128x256xf32, #tpu.memory_space<vmem>>, vector<16xf32>,
        %add3A_656 = arith.addf %get3A_655, %get3A_173 : vector<16xf32>
        %mul3A_657 = arith.mulf %gather3A_604, %get3A_11 : vector<16xf32>
        %add3A_658 = arith.addf %add3A_656, %mul3A_657 : vector<16xf32>
        %max3A_659 = arith.constant 0.000000e+00 : f32
        %max3A_660 = vector.broadcast %max3A_659 : f32 to vector<16xf32>
        %max3A_661 = arith.maximumf %add3A_658, %max3A_660 : vector<16xf32>
        %swap3A_662 = arith.index_cast %add3A_600 : i32 to index
        %swap3A_663 = arith.constant 64 : index
        %swap3A_664 = tpu.vector_load %arg16[%swap3A_662, %swap3A_663] {strides = array<i32>} : memref<128x256xf32, #tpu.memory_space<vmem>>, vector<16xf32>,
        tpu.vector_store %arg16[%swap3A_662, %swap3A_663], %max3A_661 {strides = array<i32>} : memref<128x256xf32, #tpu.memory_space<vmem>>, vector<16xf32>,
        %get3A_665 = arith.index_cast %add3A_600 : i32 to index
        %get3A_666 = arith.constant 80 : index
        %get3A_667 = tpu.vector_load %arg16[%get3A_665, %get3A_666] {strides = array<i32>} : memref<128x256xf32, #tpu.memory_space<vmem>>, vector<16xf32>,
        %add3A_668 = arith.addf %get3A_667, %get3A_176 : vector<16xf32>
        %mul3A_669 = arith.mulf %gather3A_604, %get3A_13 : vector<16xf32>
        %add3A_670 = arith.addf %add3A_668, %mul3A_669 : vector<16xf32>
        %max3A_671 = arith.constant 0.000000e+00 : f32
        %max3A_672 = vector.broadcast %max3A_671 : f32 to vector<16xf32>
        %max3A_673 = arith.maximumf %add3A_670, %max3A_672 : vector<16xf32>
        %swap3A_674 = arith.index_cast %add3A_600 : i32 to index
        %swap3A_675 = arith.constant 80 : index
        %swap3A_676 = tpu.vector_load %arg16[%swap3A_674, %swap3A_675] {strides = array<i32>} : memref<128x256xf32, #tpu.memory_space<vmem>>, vector<16xf32>,
        tpu.vector_store %arg16[%swap3A_674, %swap3A_675], %max3A_673 {strides = array<i32>} : memref<128x256xf32, #tpu.memory_space<vmem>>, vector<16xf32>,
        %get3A_677 = arith.index_cast %add3A_600 : i32 to index
        %get3A_678 = arith.constant 96 : index
        %get3A_679 = tpu.vector_load %arg16[%get3A_677, %get3A_678] {strides = array<i32>} : memref<128x256xf32, #tpu.memory_space<vmem>>, vector<16xf32>,
        %add3A_680 = arith.addf %get3A_679, %get3A_179 : vector<16xf32>
        %mul3A_681 = arith.mulf %gather3A_604, %get3A_15 : vector<16xf32>
        %add3A_682 = arith.addf %add3A_680, %mul3A_681 : vector<16xf32>
        %max3A_683 = arith.constant 0.000000e+00 : f32
        %max3A_684 = vector.broadcast %max3A_683 : f32 to vector<16xf32>
        %max3A_685 = arith.maximumf %add3A_682, %max3A_684 : vector<16xf32>
        %swap3A_686 = arith.index_cast %add3A_600 : i32 to index
        %swap3A_687 = arith.constant 96 : index
        %swap3A_688 = tpu.vector_load %arg16[%swap3A_686, %swap3A_687] {strides = array<i32>} : memref<128x256xf32, #tpu.memory_space<vmem>>, vector<16xf32>,
        tpu.vector_store %arg16[%swap3A_686, %swap3A_687], %max3A_685 {strides = array<i32>} : memref<128x256xf32, #tpu.memory_space<vmem>>, vector<16xf32>,
        %get3A_689 = arith.index_cast %add3A_600 : i32 to index
        %get3A_690 = arith.constant 112 : index
        %get3A_691 = tpu.vector_load %arg16[%get3A_689, %get3A_690] {strides = array<i32>} : memref<128x256xf32, #tpu.memory_space<vmem>>, vector<16xf32>,
        %add3A_692 = arith.addf %get3A_691, %get3A_182 : vector<16xf32>
        %mul3A_693 = arith.mulf %gather3A_604, %get3A_17 : vector<16xf32>
        %add3A_694 = arith.addf %add3A_692, %mul3A_693 : vector<16xf32>
        %max3A_695 = arith.constant 0.000000e+00 : f32
        %max3A_696 = vector.broadcast %max3A_695 : f32 to vector<16xf32>
        %max3A_697 = arith.maximumf %add3A_694, %max3A_696 : vector<16xf32>
        %swap3A_698 = arith.index_cast %add3A_600 : i32 to index
        %swap3A_699 = arith.constant 112 : index
        %swap3A_700 = tpu.vector_load %arg16[%swap3A_698, %swap3A_699] {strides = array<i32>} : memref<128x256xf32, #tpu.memory_space<vmem>>, vector<16xf32>,
        tpu.vector_store %arg16[%swap3A_698, %swap3A_699], %max3A_697 {strides = array<i32>} : memref<128x256xf32, #tpu.memory_space<vmem>>, vector<16xf32>,
        %mul3A_701 = arith.constant 16 : i32
        %mul3A_702 = arith.muli %scan3A_124, %mul3A_701 : i32
        %add3A_703 = arith.constant 5 : i32
        %add3A_704 = arith.addi %mul3A_702, %add3A_703 : i32
        %broadcast_in_dim3A_705 = arith.constant 5 : i32
        %broadcast_in_dim3A_706 = vector.broadcast %broadcast_in_dim3A_705 : i32 to vector<16x1xi32>
        %gather3A_707 = vector.shape_cast %broadcast_in_dim3A_706 : vector<16x1xi32> to vector<16xi32>
        %gather3A_708 = tpu.dynamic_gather %mul3A_158[%gather3A_707] in [0] : vector<16xf32>, vector<16xi32> -> vector<16xf32>
        %get3A_709 = arith.index_cast %add3A_704 : i32 to index
        %get3A_710 = arith.constant 0 : index
        %get3A_711 = tpu.vector_load %arg16[%get3A_709, %get3A_710] {strides = array<i32>} : memref<128x256xf32, #tpu.memory_space<vmem>>, vector<16xf32>,
        %add3A_712 = arith.addf %get3A_711, %get3A_161 : vector<16xf32>
        %mul3A_713 = arith.mulf %gather3A_708, %get3A_3 : vector<16xf32>
        %add3A_714 = arith.addf %add3A_712, %mul3A_713 : vector<16xf32>
        %max3A_715 = arith.constant 0.000000e+00 : f32
        %max3A_716 = vector.broadcast %max3A_715 : f32 to vector<16xf32>
        %max3A_717 = arith.maximumf %add3A_714, %max3A_716 : vector<16xf32>
        %swap3A_718 = arith.index_cast %add3A_704 : i32 to index
        %swap3A_719 = arith.constant 0 : index
        %swap3A_720 = tpu.vector_load %arg16[%swap3A_718, %swap3A_719] {strides = array<i32>} : memref<128x256xf32, #tpu.memory_space<vmem>>, vector<16xf32>,
        tpu.vector_store %arg16[%swap3A_718, %swap3A_719], %max3A_717 {strides = array<i32>} : memref<128x256xf32, #tpu.memory_space<vmem>>, vector<16xf32>,
        %get3A_721 = arith.index_cast %add3A_704 : i32 to index
        %get3A_722 = arith.constant 16 : index
        %get3A_723 = tpu.vector_load %arg16[%get3A_721, %get3A_722] {strides = array<i32>} : memref<128x256xf32, #tpu.memory_space<vmem>>, vector<16xf32>,
        %add3A_724 = arith.addf %get3A_723, %get3A_164 : vector<16xf32>
        %mul3A_725 = arith.mulf %gather3A_708, %get3A_5 : vector<16xf32>
        %add3A_726 = arith.addf %add3A_724, %mul3A_725 : vector<16xf32>
        %max3A_727 = arith.constant 0.000000e+00 : f32
        %max3A_728 = vector.broadcast %max3A_727 : f32 to vector<16xf32>
        %max3A_729 = arith.maximumf %add3A_726, %max3A_728 : vector<16xf32>
        %swap3A_730 = arith.index_cast %add3A_704 : i32 to index
        %swap3A_731 = arith.constant 16 : index
        %swap3A_732 = tpu.vector_load %arg16[%swap3A_730, %swap3A_731] {strides = array<i32>} : memref<128x256xf32, #tpu.memory_space<vmem>>, vector<16xf32>,
        tpu.vector_store %arg16[%swap3A_730, %swap3A_731], %max3A_729 {strides = array<i32>} : memref<128x256xf32, #tpu.memory_space<vmem>>, vector<16xf32>,
        %get3A_733 = arith.index_cast %add3A_704 : i32 to index
        %get3A_734 = arith.constant 32 : index
        %get3A_735 = tpu.vector_load %arg16[%get3A_733, %get3A_734] {strides = array<i32>} : memref<128x256xf32, #tpu.memory_space<vmem>>, vector<16xf32>,
        %add3A_736 = arith.addf %get3A_735, %get3A_167 : vector<16xf32>
        %mul3A_737 = arith.mulf %gather3A_708, %get3A_7 : vector<16xf32>
        %add3A_738 = arith.addf %add3A_736, %mul3A_737 : vector<16xf32>
        %max3A_739 = arith.constant 0.000000e+00 : f32
        %max3A_740 = vector.broadcast %max3A_739 : f32 to vector<16xf32>
        %max3A_741 = arith.maximumf %add3A_738, %max3A_740 : vector<16xf32>
        %swap3A_742 = arith.index_cast %add3A_704 : i32 to index
        %swap3A_743 = arith.constant 32 : index
        %swap3A_744 = tpu.vector_load %arg16[%swap3A_742, %swap3A_743] {strides = array<i32>} : memref<128x256xf32, #tpu.memory_space<vmem>>, vector<16xf32>,
        tpu.vector_store %arg16[%swap3A_742, %swap3A_743], %max3A_741 {strides = array<i32>} : memref<128x256xf32, #tpu.memory_space<vmem>>, vector<16xf32>,
        %get3A_745 = arith.index_cast %add3A_704 : i32 to index
        %get3A_746 = arith.constant 48 : index
        %get3A_747 = tpu.vector_load %arg16[%get3A_745, %get3A_746] {strides = array<i32>} : memref<128x256xf32, #tpu.memory_space<vmem>>, vector<16xf32>,
        %add3A_748 = arith.addf %get3A_747, %get3A_170 : vector<16xf32>
        %mul3A_749 = arith.mulf %gather3A_708, %get3A_9 : vector<16xf32>
        %add3A_750 = arith.addf %add3A_748, %mul3A_749 : vector<16xf32>
        %max3A_751 = arith.constant 0.000000e+00 : f32
        %max3A_752 = vector.broadcast %max3A_751 : f32 to vector<16xf32>
        %max3A_753 = arith.maximumf %add3A_750, %max3A_752 : vector<16xf32>
        %swap3A_754 = arith.index_cast %add3A_704 : i32 to index
        %swap3A_755 = arith.constant 48 : index
        %swap3A_756 = tpu.vector_load %arg16[%swap3A_754, %swap3A_755] {strides = array<i32>} : memref<128x256xf32, #tpu.memory_space<vmem>>, vector<16xf32>,
        tpu.vector_store %arg16[%swap3A_754, %swap3A_755], %max3A_753 {strides = array<i32>} : memref<128x256xf32, #tpu.memory_space<vmem>>, vector<16xf32>,
        %get3A_757 = arith.index_cast %add3A_704 : i32 to index
        %get3A_758 = arith.constant 64 : index
        %get3A_759 = tpu.vector_load %arg16[%get3A_757, %get3A_758] {strides = array<i32>} : memref<128x256xf32, #tpu.memory_space<vmem>>, vector<16xf32>,
        %add3A_760 = arith.addf %get3A_759, %get3A_173 : vector<16xf32>
        %mul3A_761 = arith.mulf %gather3A_708, %get3A_11 : vector<16xf32>
        %add3A_762 = arith.addf %add3A_760, %mul3A_761 : vector<16xf32>
        %max3A_763 = arith.constant 0.000000e+00 : f32
        %max3A_764 = vector.broadcast %max3A_763 : f32 to vector<16xf32>
        %max3A_765 = arith.maximumf %add3A_762, %max3A_764 : vector<16xf32>
        %swap3A_766 = arith.index_cast %add3A_704 : i32 to index
        %swap3A_767 = arith.constant 64 : index
        %swap3A_768 = tpu.vector_load %arg16[%swap3A_766, %swap3A_767] {strides = array<i32>} : memref<128x256xf32, #tpu.memory_space<vmem>>, vector<16xf32>,
        tpu.vector_store %arg16[%swap3A_766, %swap3A_767], %max3A_765 {strides = array<i32>} : memref<128x256xf32, #tpu.memory_space<vmem>>, vector<16xf32>,
        %get3A_769 = arith.index_cast %add3A_704 : i32 to index
        %get3A_770 = arith.constant 80 : index
        %get3A_771 = tpu.vector_load %arg16[%get3A_769, %get3A_770] {strides = array<i32>} : memref<128x256xf32, #tpu.memory_space<vmem>>, vector<16xf32>,
        %add3A_772 = arith.addf %get3A_771, %get3A_176 : vector<16xf32>
        %mul3A_773 = arith.mulf %gather3A_708, %get3A_13 : vector<16xf32>
        %add3A_774 = arith.addf %add3A_772, %mul3A_773 : vector<16xf32>
        %max3A_775 = arith.constant 0.000000e+00 : f32
        %max3A_776 = vector.broadcast %max3A_775 : f32 to vector<16xf32>
        %max3A_777 = arith.maximumf %add3A_774, %max3A_776 : vector<16xf32>
        %swap3A_778 = arith.index_cast %add3A_704 : i32 to index
        %swap3A_779 = arith.constant 80 : index
        %swap3A_780 = tpu.vector_load %arg16[%swap3A_778, %swap3A_779] {strides = array<i32>} : memref<128x256xf32, #tpu.memory_space<vmem>>, vector<16xf32>,
        tpu.vector_store %arg16[%swap3A_778, %swap3A_779], %max3A_777 {strides = array<i32>} : memref<128x256xf32, #tpu.memory_space<vmem>>, vector<16xf32>,
        %get3A_781 = arith.index_cast %add3A_704 : i32 to index
        %get3A_782 = arith.constant 96 : index
        %get3A_783 = tpu.vector_load %arg16[%get3A_781, %get3A_782] {strides = array<i32>} : memref<128x256xf32, #tpu.memory_space<vmem>>, vector<16xf32>,
        %add3A_784 = arith.addf %get3A_783, %get3A_179 : vector<16xf32>
        %mul3A_785 = arith.mulf %gather3A_708, %get3A_15 : vector<16xf32>
        %add3A_786 = arith.addf %add3A_784, %mul3A_785 : vector<16xf32>
        %max3A_787 = arith.constant 0.000000e+00 : f32
        %max3A_788 = vector.broadcast %max3A_787 : f32 to vector<16xf32>
        %max3A_789 = arith.maximumf %add3A_786, %max3A_788 : vector<16xf32>
        %swap3A_790 = arith.index_cast %add3A_704 : i32 to index
        %swap3A_791 = arith.constant 96 : index
        %swap3A_792 = tpu.vector_load %arg16[%swap3A_790, %swap3A_791] {strides = array<i32>} : memref<128x256xf32, #tpu.memory_space<vmem>>, vector<16xf32>,
        tpu.vector_store %arg16[%swap3A_790, %swap3A_791], %max3A_789 {strides = array<i32>} : memref<128x256xf32, #tpu.memory_space<vmem>>, vector<16xf32>,
        %get3A_793 = arith.index_cast %add3A_704 : i32 to index
        %get3A_794 = arith.constant 112 : index
        %get3A_795 = tpu.vector_load %arg16[%get3A_793, %get3A_794] {strides = array<i32>} : memref<128x256xf32, #tpu.memory_space<vmem>>, vector<16xf32>,
        %add3A_796 = arith.addf %get3A_795, %get3A_182 : vector<16xf32>
        %mul3A_797 = arith.mulf %gather3A_708, %get3A_17 : vector<16xf32>
        %add3A_798 = arith.addf %add3A_796, %mul3A_797 : vector<16xf32>
        %max3A_799 = arith.constant 0.000000e+00 : f32
        %max3A_800 = vector.broadcast %max3A_799 : f32 to vector<16xf32>
        %max3A_801 = arith.maximumf %add3A_798, %max3A_800 : vector<16xf32>
        %swap3A_802 = arith.index_cast %add3A_704 : i32 to index
        %swap3A_803 = arith.constant 112 : index
        %swap3A_804 = tpu.vector_load %arg16[%swap3A_802, %swap3A_803] {strides = array<i32>} : memref<128x256xf32, #tpu.memory_space<vmem>>, vector<16xf32>,
        tpu.vector_store %arg16[%swap3A_802, %swap3A_803], %max3A_801 {strides = array<i32>} : memref<128x256xf32, #tpu.memory_space<vmem>>, vector<16xf32>,
        %mul3A_805 = arith.constant 16 : i32
        %mul3A_806 = arith.muli %scan3A_124, %mul3A_805 : i32
        %add3A_807 = arith.constant 6 : i32
        %add3A_808 = arith.addi %mul3A_806, %add3A_807 : i32
        %broadcast_in_dim3A_809 = arith.constant 6 : i32
        %broadcast_in_dim3A_810 = vector.broadcast %broadcast_in_dim3A_809 : i32 to vector<16x1xi32>
        %gather3A_811 = vector.shape_cast %broadcast_in_dim3A_810 : vector<16x1xi32> to vector<16xi32>
        %gather3A_812 = tpu.dynamic_gather %mul3A_158[%gather3A_811] in [0] : vector<16xf32>, vector<16xi32> -> vector<16xf32>
        %get3A_813 = arith.index_cast %add3A_808 : i32 to index
        %get3A_814 = arith.constant 0 : index
        %get3A_815 = tpu.vector_load %arg16[%get3A_813, %get3A_814] {strides = array<i32>} : memref<128x256xf32, #tpu.memory_space<vmem>>, vector<16xf32>,
        %add3A_816 = arith.addf %get3A_815, %get3A_161 : vector<16xf32>
        %mul3A_817 = arith.mulf %gather3A_812, %get3A_3 : vector<16xf32>
        %add3A_818 = arith.addf %add3A_816, %mul3A_817 : vector<16xf32>
        %max3A_819 = arith.constant 0.000000e+00 : f32
        %max3A_820 = vector.broadcast %max3A_819 : f32 to vector<16xf32>
        %max3A_821 = arith.maximumf %add3A_818, %max3A_820 : vector<16xf32>
        %swap3A_822 = arith.index_cast %add3A_808 : i32 to index
        %swap3A_823 = arith.constant 0 : index
        %swap3A_824 = tpu.vector_load %arg16[%swap3A_822, %swap3A_823] {strides = array<i32>} : memref<128x256xf32, #tpu.memory_space<vmem>>, vector<16xf32>,
        tpu.vector_store %arg16[%swap3A_822, %swap3A_823], %max3A_821 {strides = array<i32>} : memref<128x256xf32, #tpu.memory_space<vmem>>, vector<16xf32>,
        %get3A_825 = arith.index_cast %add3A_808 : i32 to index
        %get3A_826 = arith.constant 16 : index
        %get3A_827 = tpu.vector_load %arg16[%get3A_825, %get3A_826] {strides = array<i32>} : memref<128x256xf32, #tpu.memory_space<vmem>>, vector<16xf32>,
        %add3A_828 = arith.addf %get3A_827, %get3A_164 : vector<16xf32>
        %mul3A_829 = arith.mulf %gather3A_812, %get3A_5 : vector<16xf32>
        %add3A_830 = arith.addf %add3A_828, %mul3A_829 : vector<16xf32>
        %max3A_831 = arith.constant 0.000000e+00 : f32
        %max3A_832 = vector.broadcast %max3A_831 : f32 to vector<16xf32>
        %max3A_833 = arith.maximumf %add3A_830, %max3A_832 : vector<16xf32>
        %swap3A_834 = arith.index_cast %add3A_808 : i32 to index
        %swap3A_835 = arith.constant 16 : index
        %swap3A_836 = tpu.vector_load %arg16[%swap3A_834, %swap3A_835] {strides = array<i32>} : memref<128x256xf32, #tpu.memory_space<vmem>>, vector<16xf32>,
        tpu.vector_store %arg16[%swap3A_834, %swap3A_835], %max3A_833 {strides = array<i32>} : memref<128x256xf32, #tpu.memory_space<vmem>>, vector<16xf32>,
        %get3A_837 = arith.index_cast %add3A_808 : i32 to index
        %get3A_838 = arith.constant 32 : index
        %get3A_839 = tpu.vector_load %arg16[%get3A_837, %get3A_838] {strides = array<i32>} : memref<128x256xf32, #tpu.memory_space<vmem>>, vector<16xf32>,
        %add3A_840 = arith.addf %get3A_839, %get3A_167 : vector<16xf32>
        %mul3A_841 = arith.mulf %gather3A_812, %get3A_7 : vector<16xf32>
        %add3A_842 = arith.addf %add3A_840, %mul3A_841 : vector<16xf32>
        %max3A_843 = arith.constant 0.000000e+00 : f32
        %max3A_844 = vector.broadcast %max3A_843 : f32 to vector<16xf32>
        %max3A_845 = arith.maximumf %add3A_842, %max3A_844 : vector<16xf32>
        %swap3A_846 = arith.index_cast %add3A_808 : i32 to index
        %swap3A_847 = arith.constant 32 : index
        %swap3A_848 = tpu.vector_load %arg16[%swap3A_846, %swap3A_847] {strides = array<i32>} : memref<128x256xf32, #tpu.memory_space<vmem>>, vector<16xf32>,
        tpu.vector_store %arg16[%swap3A_846, %swap3A_847], %max3A_845 {strides = array<i32>} : memref<128x256xf32, #tpu.memory_space<vmem>>, vector<16xf32>,
        %get3A_849 = arith.index_cast %add3A_808 : i32 to index
        %get3A_850 = arith.constant 48 : index
        %get3A_851 = tpu.vector_load %arg16[%get3A_849, %get3A_850] {strides = array<i32>} : memref<128x256xf32, #tpu.memory_space<vmem>>, vector<16xf32>,
        %add3A_852 = arith.addf %get3A_851, %get3A_170 : vector<16xf32>
        %mul3A_853 = arith.mulf %gather3A_812, %get3A_9 : vector<16xf32>
        %add3A_854 = arith.addf %add3A_852, %mul3A_853 : vector<16xf32>
        %max3A_855 = arith.constant 0.000000e+00 : f32
        %max3A_856 = vector.broadcast %max3A_855 : f32 to vector<16xf32>
        %max3A_857 = arith.maximumf %add3A_854, %max3A_856 : vector<16xf32>
        %swap3A_858 = arith.index_cast %add3A_808 : i32 to index
        %swap3A_859 = arith.constant 48 : index
        %swap3A_860 = tpu.vector_load %arg16[%swap3A_858, %swap3A_859] {strides = array<i32>} : memref<128x256xf32, #tpu.memory_space<vmem>>, vector<16xf32>,
        tpu.vector_store %arg16[%swap3A_858, %swap3A_859], %max3A_857 {strides = array<i32>} : memref<128x256xf32, #tpu.memory_space<vmem>>, vector<16xf32>,
        %get3A_861 = arith.index_cast %add3A_808 : i32 to index
        %get3A_862 = arith.constant 64 : index
        %get3A_863 = tpu.vector_load %arg16[%get3A_861, %get3A_862] {strides = array<i32>} : memref<128x256xf32, #tpu.memory_space<vmem>>, vector<16xf32>,
        %add3A_864 = arith.addf %get3A_863, %get3A_173 : vector<16xf32>
        %mul3A_865 = arith.mulf %gather3A_812, %get3A_11 : vector<16xf32>
        %add3A_866 = arith.addf %add3A_864, %mul3A_865 : vector<16xf32>
        %max3A_867 = arith.constant 0.000000e+00 : f32
        %max3A_868 = vector.broadcast %max3A_867 : f32 to vector<16xf32>
        %max3A_869 = arith.maximumf %add3A_866, %max3A_868 : vector<16xf32>
        %swap3A_870 = arith.index_cast %add3A_808 : i32 to index
        %swap3A_871 = arith.constant 64 : index
        %swap3A_872 = tpu.vector_load %arg16[%swap3A_870, %swap3A_871] {strides = array<i32>} : memref<128x256xf32, #tpu.memory_space<vmem>>, vector<16xf32>,
        tpu.vector_store %arg16[%swap3A_870, %swap3A_871], %max3A_869 {strides = array<i32>} : memref<128x256xf32, #tpu.memory_space<vmem>>, vector<16xf32>,
        %get3A_873 = arith.index_cast %add3A_808 : i32 to index
        %get3A_874 = arith.constant 80 : index
        %get3A_875 = tpu.vector_load %arg16[%get3A_873, %get3A_874] {strides = array<i32>} : memref<128x256xf32, #tpu.memory_space<vmem>>, vector<16xf32>,
        %add3A_876 = arith.addf %get3A_875, %get3A_176 : vector<16xf32>
        %mul3A_877 = arith.mulf %gather3A_812, %get3A_13 : vector<16xf32>
        %add3A_878 = arith.addf %add3A_876, %mul3A_877 : vector<16xf32>
        %max3A_879 = arith.constant 0.000000e+00 : f32
        %max3A_880 = vector.broadcast %max3A_879 : f32 to vector<16xf32>
        %max3A_881 = arith.maximumf %add3A_878, %max3A_880 : vector<16xf32>
        %swap3A_882 = arith.index_cast %add3A_808 : i32 to index
        %swap3A_883 = arith.constant 80 : index
        %swap3A_884 = tpu.vector_load %arg16[%swap3A_882, %swap3A_883] {strides = array<i32>} : memref<128x256xf32, #tpu.memory_space<vmem>>, vector<16xf32>,
        tpu.vector_store %arg16[%swap3A_882, %swap3A_883], %max3A_881 {strides = array<i32>} : memref<128x256xf32, #tpu.memory_space<vmem>>, vector<16xf32>,
        %get3A_885 = arith.index_cast %add3A_808 : i32 to index
        %get3A_886 = arith.constant 96 : index
        %get3A_887 = tpu.vector_load %arg16[%get3A_885, %get3A_886] {strides = array<i32>} : memref<128x256xf32, #tpu.memory_space<vmem>>, vector<16xf32>,
        %add3A_888 = arith.addf %get3A_887, %get3A_179 : vector<16xf32>
        %mul3A_889 = arith.mulf %gather3A_812, %get3A_15 : vector<16xf32>
        %add3A_890 = arith.addf %add3A_888, %mul3A_889 : vector<16xf32>
        %max3A_891 = arith.constant 0.000000e+00 : f32
        %max3A_892 = vector.broadcast %max3A_891 : f32 to vector<16xf32>
        %max3A_893 = arith.maximumf %add3A_890, %max3A_892 : vector<16xf32>
        %swap3A_894 = arith.index_cast %add3A_808 : i32 to index
        %swap3A_895 = arith.constant 96 : index
        %swap3A_896 = tpu.vector_load %arg16[%swap3A_894, %swap3A_895] {strides = array<i32>} : memref<128x256xf32, #tpu.memory_space<vmem>>, vector<16xf32>,
        tpu.vector_store %arg16[%swap3A_894, %swap3A_895], %max3A_893 {strides = array<i32>} : memref<128x256xf32, #tpu.memory_space<vmem>>, vector<16xf32>,
        %get3A_897 = arith.index_cast %add3A_808 : i32 to index
        %get3A_898 = arith.constant 112 : index
        %get3A_899 = tpu.vector_load %arg16[%get3A_897, %get3A_898] {strides = array<i32>} : memref<128x256xf32, #tpu.memory_space<vmem>>, vector<16xf32>,
        %add3A_900 = arith.addf %get3A_899, %get3A_182 : vector<16xf32>
        %mul3A_901 = arith.mulf %gather3A_812, %get3A_17 : vector<16xf32>
        %add3A_902 = arith.addf %add3A_900, %mul3A_901 : vector<16xf32>
        %max3A_903 = arith.constant 0.000000e+00 : f32
        %max3A_904 = vector.broadcast %max3A_903 : f32 to vector<16xf32>
        %max3A_905 = arith.maximumf %add3A_902, %max3A_904 : vector<16xf32>
        %swap3A_906 = arith.index_cast %add3A_808 : i32 to index
        %swap3A_907 = arith.constant 112 : index
        %swap3A_908 = tpu.vector_load %arg16[%swap3A_906, %swap3A_907] {strides = array<i32>} : memref<128x256xf32, #tpu.memory_space<vmem>>, vector<16xf32>,
        tpu.vector_store %arg16[%swap3A_906, %swap3A_907], %max3A_905 {strides = array<i32>} : memref<128x256xf32, #tpu.memory_space<vmem>>, vector<16xf32>,
        %mul3A_909 = arith.constant 16 : i32
        %mul3A_910 = arith.muli %scan3A_124, %mul3A_909 : i32
        %add3A_911 = arith.constant 7 : i32
        %add3A_912 = arith.addi %mul3A_910, %add3A_911 : i32
        %broadcast_in_dim3A_913 = arith.constant 7 : i32
        %broadcast_in_dim3A_914 = vector.broadcast %broadcast_in_dim3A_913 : i32 to vector<16x1xi32>
        %gather3A_915 = vector.shape_cast %broadcast_in_dim3A_914 : vector<16x1xi32> to vector<16xi32>
        %gather3A_916 = tpu.dynamic_gather %mul3A_158[%gather3A_915] in [0] : vector<16xf32>, vector<16xi32> -> vector<16xf32>
        %get3A_917 = arith.index_cast %add3A_912 : i32 to index
        %get3A_918 = arith.constant 0 : index
        %get3A_919 = tpu.vector_load %arg16[%get3A_917, %get3A_918] {strides = array<i32>} : memref<128x256xf32, #tpu.memory_space<vmem>>, vector<16xf32>,
        %add3A_920 = arith.addf %get3A_919, %get3A_161 : vector<16xf32>
        %mul3A_921 = arith.mulf %gather3A_916, %get3A_3 : vector<16xf32>
        %add3A_922 = arith.addf %add3A_920, %mul3A_921 : vector<16xf32>
        %max3A_923 = arith.constant 0.000000e+00 : f32
        %max3A_924 = vector.broadcast %max3A_923 : f32 to vector<16xf32>
        %max3A_925 = arith.maximumf %add3A_922, %max3A_924 : vector<16xf32>
        %swap3A_926 = arith.index_cast %add3A_912 : i32 to index
        %swap3A_927 = arith.constant 0 : index
        %swap3A_928 = tpu.vector_load %arg16[%swap3A_926, %swap3A_927] {strides = array<i32>} : memref<128x256xf32, #tpu.memory_space<vmem>>, vector<16xf32>,
        tpu.vector_store %arg16[%swap3A_926, %swap3A_927], %max3A_925 {strides = array<i32>} : memref<128x256xf32, #tpu.memory_space<vmem>>, vector<16xf32>,
        %get3A_929 = arith.index_cast %add3A_912 : i32 to index
        %get3A_930 = arith.constant 16 : index
        %get3A_931 = tpu.vector_load %arg16[%get3A_929, %get3A_930] {strides = array<i32>} : memref<128x256xf32, #tpu.memory_space<vmem>>, vector<16xf32>,
        %add3A_932 = arith.addf %get3A_931, %get3A_164 : vector<16xf32>
        %mul3A_933 = arith.mulf %gather3A_916, %get3A_5 : vector<16xf32>
        %add3A_934 = arith.addf %add3A_932, %mul3A_933 : vector<16xf32>
        %max3A_935 = arith.constant 0.000000e+00 : f32
        %max3A_936 = vector.broadcast %max3A_935 : f32 to vector<16xf32>
        %max3A_937 = arith.maximumf %add3A_934, %max3A_936 : vector<16xf32>
        %swap3A_938 = arith.index_cast %add3A_912 : i32 to index
        %swap3A_939 = arith.constant 16 : index
        %swap3A_940 = tpu.vector_load %arg16[%swap3A_938, %swap3A_939] {strides = array<i32>} : memref<128x256xf32, #tpu.memory_space<vmem>>, vector<16xf32>,
        tpu.vector_store %arg16[%swap3A_938, %swap3A_939], %max3A_937 {strides = array<i32>} : memref<128x256xf32, #tpu.memory_space<vmem>>, vector<16xf32>,
        %get3A_941 = arith.index_cast %add3A_912 : i32 to index
        %get3A_942 = arith.constant 32 : index
        %get3A_943 = tpu.vector_load %arg16[%get3A_941, %get3A_942] {strides = array<i32>} : memref<128x256xf32, #tpu.memory_space<vmem>>, vector<16xf32>,
        %add3A_944 = arith.addf %get3A_943, %get3A_167 : vector<16xf32>
        %mul3A_945 = arith.mulf %gather3A_916, %get3A_7 : vector<16xf32>
        %add3A_946 = arith.addf %add3A_944, %mul3A_945 : vector<16xf32>
        %max3A_947 = arith.constant 0.000000e+00 : f32
        %max3A_948 = vector.broadcast %max3A_947 : f32 to vector<16xf32>
        %max3A_949 = arith.maximumf %add3A_946, %max3A_948 : vector<16xf32>
        %swap3A_950 = arith.index_cast %add3A_912 : i32 to index
        %swap3A_951 = arith.constant 32 : index
        %swap3A_952 = tpu.vector_load %arg16[%swap3A_950, %swap3A_951] {strides = array<i32>} : memref<128x256xf32, #tpu.memory_space<vmem>>, vector<16xf32>,
        tpu.vector_store %arg16[%swap3A_950, %swap3A_951], %max3A_949 {strides = array<i32>} : memref<128x256xf32, #tpu.memory_space<vmem>>, vector<16xf32>,
        %get3A_953 = arith.index_cast %add3A_912 : i32 to index
        %get3A_954 = arith.constant 48 : index
        %get3A_955 = tpu.vector_load %arg16[%get3A_953, %get3A_954] {strides = array<i32>} : memref<128x256xf32, #tpu.memory_space<vmem>>, vector<16xf32>,
        %add3A_956 = arith.addf %get3A_955, %get3A_170 : vector<16xf32>
        %mul3A_957 = arith.mulf %gather3A_916, %get3A_9 : vector<16xf32>
        %add3A_958 = arith.addf %add3A_956, %mul3A_957 : vector<16xf32>
        %max3A_959 = arith.constant 0.000000e+00 : f32
        %max3A_960 = vector.broadcast %max3A_959 : f32 to vector<16xf32>
        %max3A_961 = arith.maximumf %add3A_958, %max3A_960 : vector<16xf32>
        %swap3A_962 = arith.index_cast %add3A_912 : i32 to index
        %swap3A_963 = arith.constant 48 : index
        %swap3A_964 = tpu.vector_load %arg16[%swap3A_962, %swap3A_963] {strides = array<i32>} : memref<128x256xf32, #tpu.memory_space<vmem>>, vector<16xf32>,
        tpu.vector_store %arg16[%swap3A_962, %swap3A_963], %max3A_961 {strides = array<i32>} : memref<128x256xf32, #tpu.memory_space<vmem>>, vector<16xf32>,
        %get3A_965 = arith.index_cast %add3A_912 : i32 to index
        %get3A_966 = arith.constant 64 : index
        %get3A_967 = tpu.vector_load %arg16[%get3A_965, %get3A_966] {strides = array<i32>} : memref<128x256xf32, #tpu.memory_space<vmem>>, vector<16xf32>,
        %add3A_968 = arith.addf %get3A_967, %get3A_173 : vector<16xf32>
        %mul3A_969 = arith.mulf %gather3A_916, %get3A_11 : vector<16xf32>
        %add3A_970 = arith.addf %add3A_968, %mul3A_969 : vector<16xf32>
        %max3A_971 = arith.constant 0.000000e+00 : f32
        %max3A_972 = vector.broadcast %max3A_971 : f32 to vector<16xf32>
        %max3A_973 = arith.maximumf %add3A_970, %max3A_972 : vector<16xf32>
        %swap3A_974 = arith.index_cast %add3A_912 : i32 to index
        %swap3A_975 = arith.constant 64 : index
        %swap3A_976 = tpu.vector_load %arg16[%swap3A_974, %swap3A_975] {strides = array<i32>} : memref<128x256xf32, #tpu.memory_space<vmem>>, vector<16xf32>,
        tpu.vector_store %arg16[%swap3A_974, %swap3A_975], %max3A_973 {strides = array<i32>} : memref<128x256xf32, #tpu.memory_space<vmem>>, vector<16xf32>,
        %get3A_977 = arith.index_cast %add3A_912 : i32 to index
        %get3A_978 = arith.constant 80 : index
        %get3A_979 = tpu.vector_load %arg16[%get3A_977, %get3A_978] {strides = array<i32>} : memref<128x256xf32, #tpu.memory_space<vmem>>, vector<16xf32>,
        %add3A_980 = arith.addf %get3A_979, %get3A_176 : vector<16xf32>
        %mul3A_981 = arith.mulf %gather3A_916, %get3A_13 : vector<16xf32>
        %add3A_982 = arith.addf %add3A_980, %mul3A_981 : vector<16xf32>
        %max3A_983 = arith.constant 0.000000e+00 : f32
        %max3A_984 = vector.broadcast %max3A_983 : f32 to vector<16xf32>
        %max3A_985 = arith.maximumf %add3A_982, %max3A_984 : vector<16xf32>
        %swap3A_986 = arith.index_cast %add3A_912 : i32 to index
        %swap3A_987 = arith.constant 80 : index
        %swap3A_988 = tpu.vector_load %arg16[%swap3A_986, %swap3A_987] {strides = array<i32>} : memref<128x256xf32, #tpu.memory_space<vmem>>, vector<16xf32>,
        tpu.vector_store %arg16[%swap3A_986, %swap3A_987], %max3A_985 {strides = array<i32>} : memref<128x256xf32, #tpu.memory_space<vmem>>, vector<16xf32>,
        %get3A_989 = arith.index_cast %add3A_912 : i32 to index
        %get3A_990 = arith.constant 96 : index
        %get3A_991 = tpu.vector_load %arg16[%get3A_989, %get3A_990] {strides = array<i32>} : memref<128x256xf32, #tpu.memory_space<vmem>>, vector<16xf32>,
        %add3A_992 = arith.addf %get3A_991, %get3A_179 : vector<16xf32>
        %mul3A_993 = arith.mulf %gather3A_916, %get3A_15 : vector<16xf32>
        %add3A_994 = arith.addf %add3A_992, %mul3A_993 : vector<16xf32>
        %max3A_995 = arith.constant 0.000000e+00 : f32
        %max3A_996 = vector.broadcast %max3A_995 : f32 to vector<16xf32>
        %max3A_997 = arith.maximumf %add3A_994, %max3A_996 : vector<16xf32>
        %swap3A_998 = arith.index_cast %add3A_912 : i32 to index
        %swap3A_999 = arith.constant 96 : index
        %swap3A_1000 = tpu.vector_load %arg16[%swap3A_998, %swap3A_999] {strides = array<i32>} : memref<128x256xf32, #tpu.memory_space<vmem>>, vector<16xf32>,
        tpu.vector_store %arg16[%swap3A_998, %swap3A_999], %max3A_997 {strides = array<i32>} : memref<128x256xf32, #tpu.memory_space<vmem>>, vector<16xf32>,
        %get3A_1001 = arith.index_cast %add3A_912 : i32 to index
        %get3A_1002 = arith.constant 112 : index
        %get3A_1003 = tpu.vector_load %arg16[%get3A_1001, %get3A_1002] {strides = array<i32>} : memref<128x256xf32, #tpu.memory_space<vmem>>, vector<16xf32>,
        %add3A_1004 = arith.addf %get3A_1003, %get3A_182 : vector<16xf32>
        %mul3A_1005 = arith.mulf %gather3A_916, %get3A_17 : vector<16xf32>
        %add3A_1006 = arith.addf %add3A_1004, %mul3A_1005 : vector<16xf32>
        %max3A_1007 = arith.constant 0.000000e+00 : f32
        %max3A_1008 = vector.broadcast %max3A_1007 : f32 to vector<16xf32>
        %max3A_1009 = arith.maximumf %add3A_1006, %max3A_1008 : vector<16xf32>
        %swap3A_1010 = arith.index_cast %add3A_912 : i32 to index
        %swap3A_1011 = arith.constant 112 : index
        %swap3A_1012 = tpu.vector_load %arg16[%swap3A_1010, %swap3A_1011] {strides = array<i32>} : memref<128x256xf32, #tpu.memory_space<vmem>>, vector<16xf32>,
        tpu.vector_store %arg16[%swap3A_1010, %swap3A_1011], %max3A_1009 {strides = array<i32>} : memref<128x256xf32, #tpu.memory_space<vmem>>, vector<16xf32>,
        %mul3A_1013 = arith.constant 16 : i32
        %mul3A_1014 = arith.muli %scan3A_124, %mul3A_1013 : i32
        %add3A_1015 = arith.constant 8 : i32
        %add3A_1016 = arith.addi %mul3A_1014, %add3A_1015 : i32
        %broadcast_in_dim3A_1017 = arith.constant 8 : i32
        %broadcast_in_dim3A_1018 = vector.broadcast %broadcast_in_dim3A_1017 : i32 to vector<16x1xi32>
        %gather3A_1019 = vector.shape_cast %broadcast_in_dim3A_1018 : vector<16x1xi32> to vector<16xi32>
        %gather3A_1020 = tpu.dynamic_gather %mul3A_158[%gather3A_1019] in [0] : vector<16xf32>, vector<16xi32> -> vector<16xf32>
        %get3A_1021 = arith.index_cast %add3A_1016 : i32 to index
        %get3A_1022 = arith.constant 0 : index
        %get3A_1023 = tpu.vector_load %arg16[%get3A_1021, %get3A_1022] {strides = array<i32>} : memref<128x256xf32, #tpu.memory_space<vmem>>, vector<16xf32>,
        %add3A_1024 = arith.addf %get3A_1023, %get3A_161 : vector<16xf32>
        %mul3A_1025 = arith.mulf %gather3A_1020, %get3A_3 : vector<16xf32>
        %add3A_1026 = arith.addf %add3A_1024, %mul3A_1025 : vector<16xf32>
        %max3A_1027 = arith.constant 0.000000e+00 : f32
        %max3A_1028 = vector.broadcast %max3A_1027 : f32 to vector<16xf32>
        %max3A_1029 = arith.maximumf %add3A_1026, %max3A_1028 : vector<16xf32>
        %swap3A_1030 = arith.index_cast %add3A_1016 : i32 to index
        %swap3A_1031 = arith.constant 0 : index
        %swap3A_1032 = tpu.vector_load %arg16[%swap3A_1030, %swap3A_1031] {strides = array<i32>} : memref<128x256xf32, #tpu.memory_space<vmem>>, vector<16xf32>,
        tpu.vector_store %arg16[%swap3A_1030, %swap3A_1031], %max3A_1029 {strides = array<i32>} : memref<128x256xf32, #tpu.memory_space<vmem>>, vector<16xf32>,
        %get3A_1033 = arith.index_cast %add3A_1016 : i32 to index
        %get3A_1034 = arith.constant 16 : index
        %get3A_1035 = tpu.vector_load %arg16[%get3A_1033, %get3A_1034] {strides = array<i32>} : memref<128x256xf32, #tpu.memory_space<vmem>>, vector<16xf32>,
        %add3A_1036 = arith.addf %get3A_1035, %get3A_164 : vector<16xf32>
        %mul3A_1037 = arith.mulf %gather3A_1020, %get3A_5 : vector<16xf32>
        %add3A_1038 = arith.addf %add3A_1036, %mul3A_1037 : vector<16xf32>
        %max3A_1039 = arith.constant 0.000000e+00 : f32
        %max3A_1040 = vector.broadcast %max3A_1039 : f32 to vector<16xf32>
        %max3A_1041 = arith.maximumf %add3A_1038, %max3A_1040 : vector<16xf32>
        %swap3A_1042 = arith.index_cast %add3A_1016 : i32 to index
        %swap3A_1043 = arith.constant 16 : index
        %swap3A_1044 = tpu.vector_load %arg16[%swap3A_1042, %swap3A_1043] {strides = array<i32>} : memref<128x256xf32, #tpu.memory_space<vmem>>, vector<16xf32>,
        tpu.vector_store %arg16[%swap3A_1042, %swap3A_1043], %max3A_1041 {strides = array<i32>} : memref<128x256xf32, #tpu.memory_space<vmem>>, vector<16xf32>,
        %get3A_1045 = arith.index_cast %add3A_1016 : i32 to index
        %get3A_1046 = arith.constant 32 : index
        %get3A_1047 = tpu.vector_load %arg16[%get3A_1045, %get3A_1046] {strides = array<i32>} : memref<128x256xf32, #tpu.memory_space<vmem>>, vector<16xf32>,
        %add3A_1048 = arith.addf %get3A_1047, %get3A_167 : vector<16xf32>
        %mul3A_1049 = arith.mulf %gather3A_1020, %get3A_7 : vector<16xf32>
        %add3A_1050 = arith.addf %add3A_1048, %mul3A_1049 : vector<16xf32>
        %max3A_1051 = arith.constant 0.000000e+00 : f32
        %max3A_1052 = vector.broadcast %max3A_1051 : f32 to vector<16xf32>
        %max3A_1053 = arith.maximumf %add3A_1050, %max3A_1052 : vector<16xf32>
        %swap3A_1054 = arith.index_cast %add3A_1016 : i32 to index
        %swap3A_1055 = arith.constant 32 : index
        %swap3A_1056 = tpu.vector_load %arg16[%swap3A_1054, %swap3A_1055] {strides = array<i32>} : memref<128x256xf32, #tpu.memory_space<vmem>>, vector<16xf32>,
        tpu.vector_store %arg16[%swap3A_1054, %swap3A_1055], %max3A_1053 {strides = array<i32>} : memref<128x256xf32, #tpu.memory_space<vmem>>, vector<16xf32>,
        %get3A_1057 = arith.index_cast %add3A_1016 : i32 to index
        %get3A_1058 = arith.constant 48 : index
        %get3A_1059 = tpu.vector_load %arg16[%get3A_1057, %get3A_1058] {strides = array<i32>} : memref<128x256xf32, #tpu.memory_space<vmem>>, vector<16xf32>,
        %add3A_1060 = arith.addf %get3A_1059, %get3A_170 : vector<16xf32>
        %mul3A_1061 = arith.mulf %gather3A_1020, %get3A_9 : vector<16xf32>
        %add3A_1062 = arith.addf %add3A_1060, %mul3A_1061 : vector<16xf32>
        %max3A_1063 = arith.constant 0.000000e+00 : f32
        %max3A_1064 = vector.broadcast %max3A_1063 : f32 to vector<16xf32>
        %max3A_1065 = arith.maximumf %add3A_1062, %max3A_1064 : vector<16xf32>
        %swap3A_1066 = arith.index_cast %add3A_1016 : i32 to index
        %swap3A_1067 = arith.constant 48 : index
        %swap3A_1068 = tpu.vector_load %arg16[%swap3A_1066, %swap3A_1067] {strides = array<i32>} : memref<128x256xf32, #tpu.memory_space<vmem>>, vector<16xf32>,
        tpu.vector_store %arg16[%swap3A_1066, %swap3A_1067], %max3A_1065 {strides = array<i32>} : memref<128x256xf32, #tpu.memory_space<vmem>>, vector<16xf32>,
        %get3A_1069 = arith.index_cast %add3A_1016 : i32 to index
        %get3A_1070 = arith.constant 64 : index
        %get3A_1071 = tpu.vector_load %arg16[%get3A_1069, %get3A_1070] {strides = array<i32>} : memref<128x256xf32, #tpu.memory_space<vmem>>, vector<16xf32>,
        %add3A_1072 = arith.addf %get3A_1071, %get3A_173 : vector<16xf32>
        %mul3A_1073 = arith.mulf %gather3A_1020, %get3A_11 : vector<16xf32>
        %add3A_1074 = arith.addf %add3A_1072, %mul3A_1073 : vector<16xf32>
        %max3A_1075 = arith.constant 0.000000e+00 : f32
        %max3A_1076 = vector.broadcast %max3A_1075 : f32 to vector<16xf32>
        %max3A_1077 = arith.maximumf %add3A_1074, %max3A_1076 : vector<16xf32>
        %swap3A_1078 = arith.index_cast %add3A_1016 : i32 to index
        %swap3A_1079 = arith.constant 64 : index
        %swap3A_1080 = tpu.vector_load %arg16[%swap3A_1078, %swap3A_1079] {strides = array<i32>} : memref<128x256xf32, #tpu.memory_space<vmem>>, vector<16xf32>,
        tpu.vector_store %arg16[%swap3A_1078, %swap3A_1079], %max3A_1077 {strides = array<i32>} : memref<128x256xf32, #tpu.memory_space<vmem>>, vector<16xf32>,
        %get3A_1081 = arith.index_cast %add3A_1016 : i32 to index
        %get3A_1082 = arith.constant 80 : index
        %get3A_1083 = tpu.vector_load %arg16[%get3A_1081, %get3A_1082] {strides = array<i32>} : memref<128x256xf32, #tpu.memory_space<vmem>>, vector<16xf32>,
        %add3A_1084 = arith.addf %get3A_1083, %get3A_176 : vector<16xf32>
        %mul3A_1085 = arith.mulf %gather3A_1020, %get3A_13 : vector<16xf32>
        %add3A_1086 = arith.addf %add3A_1084, %mul3A_1085 : vector<16xf32>
        %max3A_1087 = arith.constant 0.000000e+00 : f32
        %max3A_1088 = vector.broadcast %max3A_1087 : f32 to vector<16xf32>
        %max3A_1089 = arith.maximumf %add3A_1086, %max3A_1088 : vector<16xf32>
        %swap3A_1090 = arith.index_cast %add3A_1016 : i32 to index
        %swap3A_1091 = arith.constant 80 : index
        %swap3A_1092 = tpu.vector_load %arg16[%swap3A_1090, %swap3A_1091] {strides = array<i32>} : memref<128x256xf32, #tpu.memory_space<vmem>>, vector<16xf32>,
        tpu.vector_store %arg16[%swap3A_1090, %swap3A_1091], %max3A_1089 {strides = array<i32>} : memref<128x256xf32, #tpu.memory_space<vmem>>, vector<16xf32>,
        %get3A_1093 = arith.index_cast %add3A_1016 : i32 to index
        %get3A_1094 = arith.constant 96 : index
        %get3A_1095 = tpu.vector_load %arg16[%get3A_1093, %get3A_1094] {strides = array<i32>} : memref<128x256xf32, #tpu.memory_space<vmem>>, vector<16xf32>,
        %add3A_1096 = arith.addf %get3A_1095, %get3A_179 : vector<16xf32>
        %mul3A_1097 = arith.mulf %gather3A_1020, %get3A_15 : vector<16xf32>
        %add3A_1098 = arith.addf %add3A_1096, %mul3A_1097 : vector<16xf32>
        %max3A_1099 = arith.constant 0.000000e+00 : f32
        %max3A_1100 = vector.broadcast %max3A_1099 : f32 to vector<16xf32>
        %max3A_1101 = arith.maximumf %add3A_1098, %max3A_1100 : vector<16xf32>
        %swap3A_1102 = arith.index_cast %add3A_1016 : i32 to index
        %swap3A_1103 = arith.constant 96 : index
        %swap3A_1104 = tpu.vector_load %arg16[%swap3A_1102, %swap3A_1103] {strides = array<i32>} : memref<128x256xf32, #tpu.memory_space<vmem>>, vector<16xf32>,
        tpu.vector_store %arg16[%swap3A_1102, %swap3A_1103], %max3A_1101 {strides = array<i32>} : memref<128x256xf32, #tpu.memory_space<vmem>>, vector<16xf32>,
        %get3A_1105 = arith.index_cast %add3A_1016 : i32 to index
        %get3A_1106 = arith.constant 112 : index
        %get3A_1107 = tpu.vector_load %arg16[%get3A_1105, %get3A_1106] {strides = array<i32>} : memref<128x256xf32, #tpu.memory_space<vmem>>, vector<16xf32>,
        %add3A_1108 = arith.addf %get3A_1107, %get3A_182 : vector<16xf32>
        %mul3A_1109 = arith.mulf %gather3A_1020, %get3A_17 : vector<16xf32>
        %add3A_1110 = arith.addf %add3A_1108, %mul3A_1109 : vector<16xf32>
        %max3A_1111 = arith.constant 0.000000e+00 : f32
        %max3A_1112 = vector.broadcast %max3A_1111 : f32 to vector<16xf32>
        %max3A_1113 = arith.maximumf %add3A_1110, %max3A_1112 : vector<16xf32>
        %swap3A_1114 = arith.index_cast %add3A_1016 : i32 to index
        %swap3A_1115 = arith.constant 112 : index
        %swap3A_1116 = tpu.vector_load %arg16[%swap3A_1114, %swap3A_1115] {strides = array<i32>} : memref<128x256xf32, #tpu.memory_space<vmem>>, vector<16xf32>,
        tpu.vector_store %arg16[%swap3A_1114, %swap3A_1115], %max3A_1113 {strides = array<i32>} : memref<128x256xf32, #tpu.memory_space<vmem>>, vector<16xf32>,
        %mul3A_1117 = arith.constant 16 : i32
        %mul3A_1118 = arith.muli %scan3A_124, %mul3A_1117 : i32
        %add3A_1119 = arith.constant 9 : i32
        %add3A_1120 = arith.addi %mul3A_1118, %add3A_1119 : i32
        %broadcast_in_dim3A_1121 = arith.constant 9 : i32
        %broadcast_in_dim3A_1122 = vector.broadcast %broadcast_in_dim3A_1121 : i32 to vector<16x1xi32>
        %gather3A_1123 = vector.shape_cast %broadcast_in_dim3A_1122 : vector<16x1xi32> to vector<16xi32>
        %gather3A_1124 = tpu.dynamic_gather %mul3A_158[%gather3A_1123] in [0] : vector<16xf32>, vector<16xi32> -> vector<16xf32>
        %get3A_1125 = arith.index_cast %add3A_1120 : i32 to index
        %get3A_1126 = arith.constant 0 : index
        %get3A_1127 = tpu.vector_load %arg16[%get3A_1125, %get3A_1126] {strides = array<i32>} : memref<128x256xf32, #tpu.memory_space<vmem>>, vector<16xf32>,
        %add3A_1128 = arith.addf %get3A_1127, %get3A_161 : vector<16xf32>
        %mul3A_1129 = arith.mulf %gather3A_1124, %get3A_3 : vector<16xf32>
        %add3A_1130 = arith.addf %add3A_1128, %mul3A_1129 : vector<16xf32>
        %max3A_1131 = arith.constant 0.000000e+00 : f32
        %max3A_1132 = vector.broadcast %max3A_1131 : f32 to vector<16xf32>
        %max3A_1133 = arith.maximumf %add3A_1130, %max3A_1132 : vector<16xf32>
        %swap3A_1134 = arith.index_cast %add3A_1120 : i32 to index
        %swap3A_1135 = arith.constant 0 : index
        %swap3A_1136 = tpu.vector_load %arg16[%swap3A_1134, %swap3A_1135] {strides = array<i32>} : memref<128x256xf32, #tpu.memory_space<vmem>>, vector<16xf32>,
        tpu.vector_store %arg16[%swap3A_1134, %swap3A_1135], %max3A_1133 {strides = array<i32>} : memref<128x256xf32, #tpu.memory_space<vmem>>, vector<16xf32>,
        %get3A_1137 = arith.index_cast %add3A_1120 : i32 to index
        %get3A_1138 = arith.constant 16 : index
        %get3A_1139 = tpu.vector_load %arg16[%get3A_1137, %get3A_1138] {strides = array<i32>} : memref<128x256xf32, #tpu.memory_space<vmem>>, vector<16xf32>,
        %add3A_1140 = arith.addf %get3A_1139, %get3A_164 : vector<16xf32>
        %mul3A_1141 = arith.mulf %gather3A_1124, %get3A_5 : vector<16xf32>
        %add3A_1142 = arith.addf %add3A_1140, %mul3A_1141 : vector<16xf32>
        %max3A_1143 = arith.constant 0.000000e+00 : f32
        %max3A_1144 = vector.broadcast %max3A_1143 : f32 to vector<16xf32>
        %max3A_1145 = arith.maximumf %add3A_1142, %max3A_1144 : vector<16xf32>
        %swap3A_1146 = arith.index_cast %add3A_1120 : i32 to index
        %swap3A_1147 = arith.constant 16 : index
        %swap3A_1148 = tpu.vector_load %arg16[%swap3A_1146, %swap3A_1147] {strides = array<i32>} : memref<128x256xf32, #tpu.memory_space<vmem>>, vector<16xf32>,
        tpu.vector_store %arg16[%swap3A_1146, %swap3A_1147], %max3A_1145 {strides = array<i32>} : memref<128x256xf32, #tpu.memory_space<vmem>>, vector<16xf32>,
        %get3A_1149 = arith.index_cast %add3A_1120 : i32 to index
        %get3A_1150 = arith.constant 32 : index
        %get3A_1151 = tpu.vector_load %arg16[%get3A_1149, %get3A_1150] {strides = array<i32>} : memref<128x256xf32, #tpu.memory_space<vmem>>, vector<16xf32>,
        %add3A_1152 = arith.addf %get3A_1151, %get3A_167 : vector<16xf32>
        %mul3A_1153 = arith.mulf %gather3A_1124, %get3A_7 : vector<16xf32>
        %add3A_1154 = arith.addf %add3A_1152, %mul3A_1153 : vector<16xf32>
        %max3A_1155 = arith.constant 0.000000e+00 : f32
        %max3A_1156 = vector.broadcast %max3A_1155 : f32 to vector<16xf32>
        %max3A_1157 = arith.maximumf %add3A_1154, %max3A_1156 : vector<16xf32>
        %swap3A_1158 = arith.index_cast %add3A_1120 : i32 to index
        %swap3A_1159 = arith.constant 32 : index
        %swap3A_1160 = tpu.vector_load %arg16[%swap3A_1158, %swap3A_1159] {strides = array<i32>} : memref<128x256xf32, #tpu.memory_space<vmem>>, vector<16xf32>,
        tpu.vector_store %arg16[%swap3A_1158, %swap3A_1159], %max3A_1157 {strides = array<i32>} : memref<128x256xf32, #tpu.memory_space<vmem>>, vector<16xf32>,
        %get3A_1161 = arith.index_cast %add3A_1120 : i32 to index
        %get3A_1162 = arith.constant 48 : index
        %get3A_1163 = tpu.vector_load %arg16[%get3A_1161, %get3A_1162] {strides = array<i32>} : memref<128x256xf32, #tpu.memory_space<vmem>>, vector<16xf32>,
        %add3A_1164 = arith.addf %get3A_1163, %get3A_170 : vector<16xf32>
        %mul3A_1165 = arith.mulf %gather3A_1124, %get3A_9 : vector<16xf32>
        %add3A_1166 = arith.addf %add3A_1164, %mul3A_1165 : vector<16xf32>
        %max3A_1167 = arith.constant 0.000000e+00 : f32
        %max3A_1168 = vector.broadcast %max3A_1167 : f32 to vector<16xf32>
        %max3A_1169 = arith.maximumf %add3A_1166, %max3A_1168 : vector<16xf32>
        %swap3A_1170 = arith.index_cast %add3A_1120 : i32 to index
        %swap3A_1171 = arith.constant 48 : index
        %swap3A_1172 = tpu.vector_load %arg16[%swap3A_1170, %swap3A_1171] {strides = array<i32>} : memref<128x256xf32, #tpu.memory_space<vmem>>, vector<16xf32>,
        tpu.vector_store %arg16[%swap3A_1170, %swap3A_1171], %max3A_1169 {strides = array<i32>} : memref<128x256xf32, #tpu.memory_space<vmem>>, vector<16xf32>,
        %get3A_1173 = arith.index_cast %add3A_1120 : i32 to index
        %get3A_1174 = arith.constant 64 : index
        %get3A_1175 = tpu.vector_load %arg16[%get3A_1173, %get3A_1174] {strides = array<i32>} : memref<128x256xf32, #tpu.memory_space<vmem>>, vector<16xf32>,
        %add3A_1176 = arith.addf %get3A_1175, %get3A_173 : vector<16xf32>
        %mul3A_1177 = arith.mulf %gather3A_1124, %get3A_11 : vector<16xf32>
        %add3A_1178 = arith.addf %add3A_1176, %mul3A_1177 : vector<16xf32>
        %max3A_1179 = arith.constant 0.000000e+00 : f32
        %max3A_1180 = vector.broadcast %max3A_1179 : f32 to vector<16xf32>
        %max3A_1181 = arith.maximumf %add3A_1178, %max3A_1180 : vector<16xf32>
        %swap3A_1182 = arith.index_cast %add3A_1120 : i32 to index
        %swap3A_1183 = arith.constant 64 : index
        %swap3A_1184 = tpu.vector_load %arg16[%swap3A_1182, %swap3A_1183] {strides = array<i32>} : memref<128x256xf32, #tpu.memory_space<vmem>>, vector<16xf32>,
        tpu.vector_store %arg16[%swap3A_1182, %swap3A_1183], %max3A_1181 {strides = array<i32>} : memref<128x256xf32, #tpu.memory_space<vmem>>, vector<16xf32>,
        %get3A_1185 = arith.index_cast %add3A_1120 : i32 to index
        %get3A_1186 = arith.constant 80 : index
        %get3A_1187 = tpu.vector_load %arg16[%get3A_1185, %get3A_1186] {strides = array<i32>} : memref<128x256xf32, #tpu.memory_space<vmem>>, vector<16xf32>,
        %add3A_1188 = arith.addf %get3A_1187, %get3A_176 : vector<16xf32>
        %mul3A_1189 = arith.mulf %gather3A_1124, %get3A_13 : vector<16xf32>
        %add3A_1190 = arith.addf %add3A_1188, %mul3A_1189 : vector<16xf32>
        %max3A_1191 = arith.constant 0.000000e+00 : f32
        %max3A_1192 = vector.broadcast %max3A_1191 : f32 to vector<16xf32>
        %max3A_1193 = arith.maximumf %add3A_1190, %max3A_1192 : vector<16xf32>
        %swap3A_1194 = arith.index_cast %add3A_1120 : i32 to index
        %swap3A_1195 = arith.constant 80 : index
        %swap3A_1196 = tpu.vector_load %arg16[%swap3A_1194, %swap3A_1195] {strides = array<i32>} : memref<128x256xf32, #tpu.memory_space<vmem>>, vector<16xf32>,
        tpu.vector_store %arg16[%swap3A_1194, %swap3A_1195], %max3A_1193 {strides = array<i32>} : memref<128x256xf32, #tpu.memory_space<vmem>>, vector<16xf32>,
        %get3A_1197 = arith.index_cast %add3A_1120 : i32 to index
        %get3A_1198 = arith.constant 96 : index
        %get3A_1199 = tpu.vector_load %arg16[%get3A_1197, %get3A_1198] {strides = array<i32>} : memref<128x256xf32, #tpu.memory_space<vmem>>, vector<16xf32>,
        %add3A_1200 = arith.addf %get3A_1199, %get3A_179 : vector<16xf32>
        %mul3A_1201 = arith.mulf %gather3A_1124, %get3A_15 : vector<16xf32>
        %add3A_1202 = arith.addf %add3A_1200, %mul3A_1201 : vector<16xf32>
        %max3A_1203 = arith.constant 0.000000e+00 : f32
        %max3A_1204 = vector.broadcast %max3A_1203 : f32 to vector<16xf32>
        %max3A_1205 = arith.maximumf %add3A_1202, %max3A_1204 : vector<16xf32>
        %swap3A_1206 = arith.index_cast %add3A_1120 : i32 to index
        %swap3A_1207 = arith.constant 96 : index
        %swap3A_1208 = tpu.vector_load %arg16[%swap3A_1206, %swap3A_1207] {strides = array<i32>} : memref<128x256xf32, #tpu.memory_space<vmem>>, vector<16xf32>,
        tpu.vector_store %arg16[%swap3A_1206, %swap3A_1207], %max3A_1205 {strides = array<i32>} : memref<128x256xf32, #tpu.memory_space<vmem>>, vector<16xf32>,
        %get3A_1209 = arith.index_cast %add3A_1120 : i32 to index
        %get3A_1210 = arith.constant 112 : index
        %get3A_1211 = tpu.vector_load %arg16[%get3A_1209, %get3A_1210] {strides = array<i32>} : memref<128x256xf32, #tpu.memory_space<vmem>>, vector<16xf32>,
        %add3A_1212 = arith.addf %get3A_1211, %get3A_182 : vector<16xf32>
        %mul3A_1213 = arith.mulf %gather3A_1124, %get3A_17 : vector<16xf32>
        %add3A_1214 = arith.addf %add3A_1212, %mul3A_1213 : vector<16xf32>
        %max3A_1215 = arith.constant 0.000000e+00 : f32
        %max3A_1216 = vector.broadcast %max3A_1215 : f32 to vector<16xf32>
        %max3A_1217 = arith.maximumf %add3A_1214, %max3A_1216 : vector<16xf32>
        %swap3A_1218 = arith.index_cast %add3A_1120 : i32 to index
        %swap3A_1219 = arith.constant 112 : index
        %swap3A_1220 = tpu.vector_load %arg16[%swap3A_1218, %swap3A_1219] {strides = array<i32>} : memref<128x256xf32, #tpu.memory_space<vmem>>, vector<16xf32>,
        tpu.vector_store %arg16[%swap3A_1218, %swap3A_1219], %max3A_1217 {strides = array<i32>} : memref<128x256xf32, #tpu.memory_space<vmem>>, vector<16xf32>,
        %mul3A_1221 = arith.constant 16 : i32
        %mul3A_1222 = arith.muli %scan3A_124, %mul3A_1221 : i32
        %add3A_1223 = arith.constant 10 : i32
        %add3A_1224 = arith.addi %mul3A_1222, %add3A_1223 : i32
        %broadcast_in_dim3A_1225 = arith.constant 10 : i32
        %broadcast_in_dim3A_1226 = vector.broadcast %broadcast_in_dim3A_1225 : i32 to vector<16x1xi32>
        %gather3A_1227 = vector.shape_cast %broadcast_in_dim3A_1226 : vector<16x1xi32> to vector<16xi32>
        %gather3A_1228 = tpu.dynamic_gather %mul3A_158[%gather3A_1227] in [0] : vector<16xf32>, vector<16xi32> -> vector<16xf32>
        %get3A_1229 = arith.index_cast %add3A_1224 : i32 to index
        %get3A_1230 = arith.constant 0 : index
        %get3A_1231 = tpu.vector_load %arg16[%get3A_1229, %get3A_1230] {strides = array<i32>} : memref<128x256xf32, #tpu.memory_space<vmem>>, vector<16xf32>,
        %add3A_1232 = arith.addf %get3A_1231, %get3A_161 : vector<16xf32>
        %mul3A_1233 = arith.mulf %gather3A_1228, %get3A_3 : vector<16xf32>
        %add3A_1234 = arith.addf %add3A_1232, %mul3A_1233 : vector<16xf32>
        %max3A_1235 = arith.constant 0.000000e+00 : f32
        %max3A_1236 = vector.broadcast %max3A_1235 : f32 to vector<16xf32>
        %max3A_1237 = arith.maximumf %add3A_1234, %max3A_1236 : vector<16xf32>
        %swap3A_1238 = arith.index_cast %add3A_1224 : i32 to index
        %swap3A_1239 = arith.constant 0 : index
        %swap3A_1240 = tpu.vector_load %arg16[%swap3A_1238, %swap3A_1239] {strides = array<i32>} : memref<128x256xf32, #tpu.memory_space<vmem>>, vector<16xf32>,
        tpu.vector_store %arg16[%swap3A_1238, %swap3A_1239], %max3A_1237 {strides = array<i32>} : memref<128x256xf32, #tpu.memory_space<vmem>>, vector<16xf32>,
        %get3A_1241 = arith.index_cast %add3A_1224 : i32 to index
        %get3A_1242 = arith.constant 16 : index
        %get3A_1243 = tpu.vector_load %arg16[%get3A_1241, %get3A_1242] {strides = array<i32>} : memref<128x256xf32, #tpu.memory_space<vmem>>, vector<16xf32>,
        %add3A_1244 = arith.addf %get3A_1243, %get3A_164 : vector<16xf32>
        %mul3A_1245 = arith.mulf %gather3A_1228, %get3A_5 : vector<16xf32>
        %add3A_1246 = arith.addf %add3A_1244, %mul3A_1245 : vector<16xf32>
        %max3A_1247 = arith.constant 0.000000e+00 : f32
        %max3A_1248 = vector.broadcast %max3A_1247 : f32 to vector<16xf32>
        %max3A_1249 = arith.maximumf %add3A_1246, %max3A_1248 : vector<16xf32>
        %swap3A_1250 = arith.index_cast %add3A_1224 : i32 to index
        %swap3A_1251 = arith.constant 16 : index
        %swap3A_1252 = tpu.vector_load %arg16[%swap3A_1250, %swap3A_1251] {strides = array<i32>} : memref<128x256xf32, #tpu.memory_space<vmem>>, vector<16xf32>,
        tpu.vector_store %arg16[%swap3A_1250, %swap3A_1251], %max3A_1249 {strides = array<i32>} : memref<128x256xf32, #tpu.memory_space<vmem>>, vector<16xf32>,
        %get3A_1253 = arith.index_cast %add3A_1224 : i32 to index
        %get3A_1254 = arith.constant 32 : index
        %get3A_1255 = tpu.vector_load %arg16[%get3A_1253, %get3A_1254] {strides = array<i32>} : memref<128x256xf32, #tpu.memory_space<vmem>>, vector<16xf32>,
        %add3A_1256 = arith.addf %get3A_1255, %get3A_167 : vector<16xf32>
        %mul3A_1257 = arith.mulf %gather3A_1228, %get3A_7 : vector<16xf32>
        %add3A_1258 = arith.addf %add3A_1256, %mul3A_1257 : vector<16xf32>
        %max3A_1259 = arith.constant 0.000000e+00 : f32
        %max3A_1260 = vector.broadcast %max3A_1259 : f32 to vector<16xf32>
        %max3A_1261 = arith.maximumf %add3A_1258, %max3A_1260 : vector<16xf32>
        %swap3A_1262 = arith.index_cast %add3A_1224 : i32 to index
        %swap3A_1263 = arith.constant 32 : index
        %swap3A_1264 = tpu.vector_load %arg16[%swap3A_1262, %swap3A_1263] {strides = array<i32>} : memref<128x256xf32, #tpu.memory_space<vmem>>, vector<16xf32>,
        tpu.vector_store %arg16[%swap3A_1262, %swap3A_1263], %max3A_1261 {strides = array<i32>} : memref<128x256xf32, #tpu.memory_space<vmem>>, vector<16xf32>,
        %get3A_1265 = arith.index_cast %add3A_1224 : i32 to index
        %get3A_1266 = arith.constant 48 : index
        %get3A_1267 = tpu.vector_load %arg16[%get3A_1265, %get3A_1266] {strides = array<i32>} : memref<128x256xf32, #tpu.memory_space<vmem>>, vector<16xf32>,
        %add3A_1268 = arith.addf %get3A_1267, %get3A_170 : vector<16xf32>
        %mul3A_1269 = arith.mulf %gather3A_1228, %get3A_9 : vector<16xf32>
        %add3A_1270 = arith.addf %add3A_1268, %mul3A_1269 : vector<16xf32>
        %max3A_1271 = arith.constant 0.000000e+00 : f32
        %max3A_1272 = vector.broadcast %max3A_1271 : f32 to vector<16xf32>
        %max3A_1273 = arith.maximumf %add3A_1270, %max3A_1272 : vector<16xf32>
        %swap3A_1274 = arith.index_cast %add3A_1224 : i32 to index
        %swap3A_1275 = arith.constant 48 : index
        %swap3A_1276 = tpu.vector_load %arg16[%swap3A_1274, %swap3A_1275] {strides = array<i32>} : memref<128x256xf32, #tpu.memory_space<vmem>>, vector<16xf32>,
        tpu.vector_store %arg16[%swap3A_1274, %swap3A_1275], %max3A_1273 {strides = array<i32>} : memref<128x256xf32, #tpu.memory_space<vmem>>, vector<16xf32>,
        %get3A_1277 = arith.index_cast %add3A_1224 : i32 to index
        %get3A_1278 = arith.constant 64 : index
        %get3A_1279 = tpu.vector_load %arg16[%get3A_1277, %get3A_1278] {strides = array<i32>} : memref<128x256xf32, #tpu.memory_space<vmem>>, vector<16xf32>,
        %add3A_1280 = arith.addf %get3A_1279, %get3A_173 : vector<16xf32>
        %mul3A_1281 = arith.mulf %gather3A_1228, %get3A_11 : vector<16xf32>
        %add3A_1282 = arith.addf %add3A_1280, %mul3A_1281 : vector<16xf32>
        %max3A_1283 = arith.constant 0.000000e+00 : f32
        %max3A_1284 = vector.broadcast %max3A_1283 : f32 to vector<16xf32>
        %max3A_1285 = arith.maximumf %add3A_1282, %max3A_1284 : vector<16xf32>
        %swap3A_1286 = arith.index_cast %add3A_1224 : i32 to index
        %swap3A_1287 = arith.constant 64 : index
        %swap3A_1288 = tpu.vector_load %arg16[%swap3A_1286, %swap3A_1287] {strides = array<i32>} : memref<128x256xf32, #tpu.memory_space<vmem>>, vector<16xf32>,
        tpu.vector_store %arg16[%swap3A_1286, %swap3A_1287], %max3A_1285 {strides = array<i32>} : memref<128x256xf32, #tpu.memory_space<vmem>>, vector<16xf32>,
        %get3A_1289 = arith.index_cast %add3A_1224 : i32 to index
        %get3A_1290 = arith.constant 80 : index
        %get3A_1291 = tpu.vector_load %arg16[%get3A_1289, %get3A_1290] {strides = array<i32>} : memref<128x256xf32, #tpu.memory_space<vmem>>, vector<16xf32>,
        %add3A_1292 = arith.addf %get3A_1291, %get3A_176 : vector<16xf32>
        %mul3A_1293 = arith.mulf %gather3A_1228, %get3A_13 : vector<16xf32>
        %add3A_1294 = arith.addf %add3A_1292, %mul3A_1293 : vector<16xf32>
        %max3A_1295 = arith.constant 0.000000e+00 : f32
        %max3A_1296 = vector.broadcast %max3A_1295 : f32 to vector<16xf32>
        %max3A_1297 = arith.maximumf %add3A_1294, %max3A_1296 : vector<16xf32>
        %swap3A_1298 = arith.index_cast %add3A_1224 : i32 to index
        %swap3A_1299 = arith.constant 80 : index
        %swap3A_1300 = tpu.vector_load %arg16[%swap3A_1298, %swap3A_1299] {strides = array<i32>} : memref<128x256xf32, #tpu.memory_space<vmem>>, vector<16xf32>,
        tpu.vector_store %arg16[%swap3A_1298, %swap3A_1299], %max3A_1297 {strides = array<i32>} : memref<128x256xf32, #tpu.memory_space<vmem>>, vector<16xf32>,
        %get3A_1301 = arith.index_cast %add3A_1224 : i32 to index
        %get3A_1302 = arith.constant 96 : index
        %get3A_1303 = tpu.vector_load %arg16[%get3A_1301, %get3A_1302] {strides = array<i32>} : memref<128x256xf32, #tpu.memory_space<vmem>>, vector<16xf32>,
        %add3A_1304 = arith.addf %get3A_1303, %get3A_179 : vector<16xf32>
        %mul3A_1305 = arith.mulf %gather3A_1228, %get3A_15 : vector<16xf32>
        %add3A_1306 = arith.addf %add3A_1304, %mul3A_1305 : vector<16xf32>
        %max3A_1307 = arith.constant 0.000000e+00 : f32
        %max3A_1308 = vector.broadcast %max3A_1307 : f32 to vector<16xf32>
        %max3A_1309 = arith.maximumf %add3A_1306, %max3A_1308 : vector<16xf32>
        %swap3A_1310 = arith.index_cast %add3A_1224 : i32 to index
        %swap3A_1311 = arith.constant 96 : index
        %swap3A_1312 = tpu.vector_load %arg16[%swap3A_1310, %swap3A_1311] {strides = array<i32>} : memref<128x256xf32, #tpu.memory_space<vmem>>, vector<16xf32>,
        tpu.vector_store %arg16[%swap3A_1310, %swap3A_1311], %max3A_1309 {strides = array<i32>} : memref<128x256xf32, #tpu.memory_space<vmem>>, vector<16xf32>,
        %get3A_1313 = arith.index_cast %add3A_1224 : i32 to index
        %get3A_1314 = arith.constant 112 : index
        %get3A_1315 = tpu.vector_load %arg16[%get3A_1313, %get3A_1314] {strides = array<i32>} : memref<128x256xf32, #tpu.memory_space<vmem>>, vector<16xf32>,
        %add3A_1316 = arith.addf %get3A_1315, %get3A_182 : vector<16xf32>
        %mul3A_1317 = arith.mulf %gather3A_1228, %get3A_17 : vector<16xf32>
        %add3A_1318 = arith.addf %add3A_1316, %mul3A_1317 : vector<16xf32>
        %max3A_1319 = arith.constant 0.000000e+00 : f32
        %max3A_1320 = vector.broadcast %max3A_1319 : f32 to vector<16xf32>
        %max3A_1321 = arith.maximumf %add3A_1318, %max3A_1320 : vector<16xf32>
        %swap3A_1322 = arith.index_cast %add3A_1224 : i32 to index
        %swap3A_1323 = arith.constant 112 : index
        %swap3A_1324 = tpu.vector_load %arg16[%swap3A_1322, %swap3A_1323] {strides = array<i32>} : memref<128x256xf32, #tpu.memory_space<vmem>>, vector<16xf32>,
        tpu.vector_store %arg16[%swap3A_1322, %swap3A_1323], %max3A_1321 {strides = array<i32>} : memref<128x256xf32, #tpu.memory_space<vmem>>, vector<16xf32>,
        %mul3A_1325 = arith.constant 16 : i32
        %mul3A_1326 = arith.muli %scan3A_124, %mul3A_1325 : i32
        %add3A_1327 = arith.constant 11 : i32
        %add3A_1328 = arith.addi %mul3A_1326, %add3A_1327 : i32
        %broadcast_in_dim3A_1329 = arith.constant 11 : i32
        %broadcast_in_dim3A_1330 = vector.broadcast %broadcast_in_dim3A_1329 : i32 to vector<16x1xi32>
        %gather3A_1331 = vector.shape_cast %broadcast_in_dim3A_1330 : vector<16x1xi32> to vector<16xi32>
        %gather3A_1332 = tpu.dynamic_gather %mul3A_158[%gather3A_1331] in [0] : vector<16xf32>, vector<16xi32> -> vector<16xf32>
        %get3A_1333 = arith.index_cast %add3A_1328 : i32 to index
        %get3A_1334 = arith.constant 0 : index
        %get3A_1335 = tpu.vector_load %arg16[%get3A_1333, %get3A_1334] {strides = array<i32>} : memref<128x256xf32, #tpu.memory_space<vmem>>, vector<16xf32>,
        %add3A_1336 = arith.addf %get3A_1335, %get3A_161 : vector<16xf32>
        %mul3A_1337 = arith.mulf %gather3A_1332, %get3A_3 : vector<16xf32>
        %add3A_1338 = arith.addf %add3A_1336, %mul3A_1337 : vector<16xf32>
        %max3A_1339 = arith.constant 0.000000e+00 : f32
        %max3A_1340 = vector.broadcast %max3A_1339 : f32 to vector<16xf32>
        %max3A_1341 = arith.maximumf %add3A_1338, %max3A_1340 : vector<16xf32>
        %swap3A_1342 = arith.index_cast %add3A_1328 : i32 to index
        %swap3A_1343 = arith.constant 0 : index
        %swap3A_1344 = tpu.vector_load %arg16[%swap3A_1342, %swap3A_1343] {strides = array<i32>} : memref<128x256xf32, #tpu.memory_space<vmem>>, vector<16xf32>,
        tpu.vector_store %arg16[%swap3A_1342, %swap3A_1343], %max3A_1341 {strides = array<i32>} : memref<128x256xf32, #tpu.memory_space<vmem>>, vector<16xf32>,
        %get3A_1345 = arith.index_cast %add3A_1328 : i32 to index
        %get3A_1346 = arith.constant 16 : index
        %get3A_1347 = tpu.vector_load %arg16[%get3A_1345, %get3A_1346] {strides = array<i32>} : memref<128x256xf32, #tpu.memory_space<vmem>>, vector<16xf32>,
        %add3A_1348 = arith.addf %get3A_1347, %get3A_164 : vector<16xf32>
        %mul3A_1349 = arith.mulf %gather3A_1332, %get3A_5 : vector<16xf32>
        %add3A_1350 = arith.addf %add3A_1348, %mul3A_1349 : vector<16xf32>
        %max3A_1351 = arith.constant 0.000000e+00 : f32
        %max3A_1352 = vector.broadcast %max3A_1351 : f32 to vector<16xf32>
        %max3A_1353 = arith.maximumf %add3A_1350, %max3A_1352 : vector<16xf32>
        %swap3A_1354 = arith.index_cast %add3A_1328 : i32 to index
        %swap3A_1355 = arith.constant 16 : index
        %swap3A_1356 = tpu.vector_load %arg16[%swap3A_1354, %swap3A_1355] {strides = array<i32>} : memref<128x256xf32, #tpu.memory_space<vmem>>, vector<16xf32>,
        tpu.vector_store %arg16[%swap3A_1354, %swap3A_1355], %max3A_1353 {strides = array<i32>} : memref<128x256xf32, #tpu.memory_space<vmem>>, vector<16xf32>,
        %get3A_1357 = arith.index_cast %add3A_1328 : i32 to index
        %get3A_1358 = arith.constant 32 : index
        %get3A_1359 = tpu.vector_load %arg16[%get3A_1357, %get3A_1358] {strides = array<i32>} : memref<128x256xf32, #tpu.memory_space<vmem>>, vector<16xf32>,
        %add3A_1360 = arith.addf %get3A_1359, %get3A_167 : vector<16xf32>
        %mul3A_1361 = arith.mulf %gather3A_1332, %get3A_7 : vector<16xf32>
        %add3A_1362 = arith.addf %add3A_1360, %mul3A_1361 : vector<16xf32>
        %max3A_1363 = arith.constant 0.000000e+00 : f32
        %max3A_1364 = vector.broadcast %max3A_1363 : f32 to vector<16xf32>
        %max3A_1365 = arith.maximumf %add3A_1362, %max3A_1364 : vector<16xf32>
        %swap3A_1366 = arith.index_cast %add3A_1328 : i32 to index
        %swap3A_1367 = arith.constant 32 : index
        %swap3A_1368 = tpu.vector_load %arg16[%swap3A_1366, %swap3A_1367] {strides = array<i32>} : memref<128x256xf32, #tpu.memory_space<vmem>>, vector<16xf32>,
        tpu.vector_store %arg16[%swap3A_1366, %swap3A_1367], %max3A_1365 {strides = array<i32>} : memref<128x256xf32, #tpu.memory_space<vmem>>, vector<16xf32>,
        %get3A_1369 = arith.index_cast %add3A_1328 : i32 to index
        %get3A_1370 = arith.constant 48 : index
        %get3A_1371 = tpu.vector_load %arg16[%get3A_1369, %get3A_1370] {strides = array<i32>} : memref<128x256xf32, #tpu.memory_space<vmem>>, vector<16xf32>,
        %add3A_1372 = arith.addf %get3A_1371, %get3A_170 : vector<16xf32>
        %mul3A_1373 = arith.mulf %gather3A_1332, %get3A_9 : vector<16xf32>
        %add3A_1374 = arith.addf %add3A_1372, %mul3A_1373 : vector<16xf32>
        %max3A_1375 = arith.constant 0.000000e+00 : f32
        %max3A_1376 = vector.broadcast %max3A_1375 : f32 to vector<16xf32>
        %max3A_1377 = arith.maximumf %add3A_1374, %max3A_1376 : vector<16xf32>
        %swap3A_1378 = arith.index_cast %add3A_1328 : i32 to index
        %swap3A_1379 = arith.constant 48 : index
        %swap3A_1380 = tpu.vector_load %arg16[%swap3A_1378, %swap3A_1379] {strides = array<i32>} : memref<128x256xf32, #tpu.memory_space<vmem>>, vector<16xf32>,
        tpu.vector_store %arg16[%swap3A_1378, %swap3A_1379], %max3A_1377 {strides = array<i32>} : memref<128x256xf32, #tpu.memory_space<vmem>>, vector<16xf32>,
        %get3A_1381 = arith.index_cast %add3A_1328 : i32 to index
        %get3A_1382 = arith.constant 64 : index
        %get3A_1383 = tpu.vector_load %arg16[%get3A_1381, %get3A_1382] {strides = array<i32>} : memref<128x256xf32, #tpu.memory_space<vmem>>, vector<16xf32>,
        %add3A_1384 = arith.addf %get3A_1383, %get3A_173 : vector<16xf32>
        %mul3A_1385 = arith.mulf %gather3A_1332, %get3A_11 : vector<16xf32>
        %add3A_1386 = arith.addf %add3A_1384, %mul3A_1385 : vector<16xf32>
        %max3A_1387 = arith.constant 0.000000e+00 : f32
        %max3A_1388 = vector.broadcast %max3A_1387 : f32 to vector<16xf32>
        %max3A_1389 = arith.maximumf %add3A_1386, %max3A_1388 : vector<16xf32>
        %swap3A_1390 = arith.index_cast %add3A_1328 : i32 to index
        %swap3A_1391 = arith.constant 64 : index
        %swap3A_1392 = tpu.vector_load %arg16[%swap3A_1390, %swap3A_1391] {strides = array<i32>} : memref<128x256xf32, #tpu.memory_space<vmem>>, vector<16xf32>,
        tpu.vector_store %arg16[%swap3A_1390, %swap3A_1391], %max3A_1389 {strides = array<i32>} : memref<128x256xf32, #tpu.memory_space<vmem>>, vector<16xf32>,
        %get3A_1393 = arith.index_cast %add3A_1328 : i32 to index
        %get3A_1394 = arith.constant 80 : index
        %get3A_1395 = tpu.vector_load %arg16[%get3A_1393, %get3A_1394] {strides = array<i32>} : memref<128x256xf32, #tpu.memory_space<vmem>>, vector<16xf32>,
        %add3A_1396 = arith.addf %get3A_1395, %get3A_176 : vector<16xf32>
        %mul3A_1397 = arith.mulf %gather3A_1332, %get3A_13 : vector<16xf32>
        %add3A_1398 = arith.addf %add3A_1396, %mul3A_1397 : vector<16xf32>
        %max3A_1399 = arith.constant 0.000000e+00 : f32
        %max3A_1400 = vector.broadcast %max3A_1399 : f32 to vector<16xf32>
        %max3A_1401 = arith.maximumf %add3A_1398, %max3A_1400 : vector<16xf32>
        %swap3A_1402 = arith.index_cast %add3A_1328 : i32 to index
        %swap3A_1403 = arith.constant 80 : index
        %swap3A_1404 = tpu.vector_load %arg16[%swap3A_1402, %swap3A_1403] {strides = array<i32>} : memref<128x256xf32, #tpu.memory_space<vmem>>, vector<16xf32>,
        tpu.vector_store %arg16[%swap3A_1402, %swap3A_1403], %max3A_1401 {strides = array<i32>} : memref<128x256xf32, #tpu.memory_space<vmem>>, vector<16xf32>,
        %get3A_1405 = arith.index_cast %add3A_1328 : i32 to index
        %get3A_1406 = arith.constant 96 : index
        %get3A_1407 = tpu.vector_load %arg16[%get3A_1405, %get3A_1406] {strides = array<i32>} : memref<128x256xf32, #tpu.memory_space<vmem>>, vector<16xf32>,
        %add3A_1408 = arith.addf %get3A_1407, %get3A_179 : vector<16xf32>
        %mul3A_1409 = arith.mulf %gather3A_1332, %get3A_15 : vector<16xf32>
        %add3A_1410 = arith.addf %add3A_1408, %mul3A_1409 : vector<16xf32>
        %max3A_1411 = arith.constant 0.000000e+00 : f32
        %max3A_1412 = vector.broadcast %max3A_1411 : f32 to vector<16xf32>
        %max3A_1413 = arith.maximumf %add3A_1410, %max3A_1412 : vector<16xf32>
        %swap3A_1414 = arith.index_cast %add3A_1328 : i32 to index
        %swap3A_1415 = arith.constant 96 : index
        %swap3A_1416 = tpu.vector_load %arg16[%swap3A_1414, %swap3A_1415] {strides = array<i32>} : memref<128x256xf32, #tpu.memory_space<vmem>>, vector<16xf32>,
        tpu.vector_store %arg16[%swap3A_1414, %swap3A_1415], %max3A_1413 {strides = array<i32>} : memref<128x256xf32, #tpu.memory_space<vmem>>, vector<16xf32>,
        %get3A_1417 = arith.index_cast %add3A_1328 : i32 to index
        %get3A_1418 = arith.constant 112 : index
        %get3A_1419 = tpu.vector_load %arg16[%get3A_1417, %get3A_1418] {strides = array<i32>} : memref<128x256xf32, #tpu.memory_space<vmem>>, vector<16xf32>,
        %add3A_1420 = arith.addf %get3A_1419, %get3A_182 : vector<16xf32>
        %mul3A_1421 = arith.mulf %gather3A_1332, %get3A_17 : vector<16xf32>
        %add3A_1422 = arith.addf %add3A_1420, %mul3A_1421 : vector<16xf32>
        %max3A_1423 = arith.constant 0.000000e+00 : f32
        %max3A_1424 = vector.broadcast %max3A_1423 : f32 to vector<16xf32>
        %max3A_1425 = arith.maximumf %add3A_1422, %max3A_1424 : vector<16xf32>
        %swap3A_1426 = arith.index_cast %add3A_1328 : i32 to index
        %swap3A_1427 = arith.constant 112 : index
        %swap3A_1428 = tpu.vector_load %arg16[%swap3A_1426, %swap3A_1427] {strides = array<i32>} : memref<128x256xf32, #tpu.memory_space<vmem>>, vector<16xf32>,
        tpu.vector_store %arg16[%swap3A_1426, %swap3A_1427], %max3A_1425 {strides = array<i32>} : memref<128x256xf32, #tpu.memory_space<vmem>>, vector<16xf32>,
        %mul3A_1429 = arith.constant 16 : i32
        %mul3A_1430 = arith.muli %scan3A_124, %mul3A_1429 : i32
        %add3A_1431 = arith.constant 12 : i32
        %add3A_1432 = arith.addi %mul3A_1430, %add3A_1431 : i32
        %broadcast_in_dim3A_1433 = arith.constant 12 : i32
        %broadcast_in_dim3A_1434 = vector.broadcast %broadcast_in_dim3A_1433 : i32 to vector<16x1xi32>
        %gather3A_1435 = vector.shape_cast %broadcast_in_dim3A_1434 : vector<16x1xi32> to vector<16xi32>
        %gather3A_1436 = tpu.dynamic_gather %mul3A_158[%gather3A_1435] in [0] : vector<16xf32>, vector<16xi32> -> vector<16xf32>
        %get3A_1437 = arith.index_cast %add3A_1432 : i32 to index
        %get3A_1438 = arith.constant 0 : index
        %get3A_1439 = tpu.vector_load %arg16[%get3A_1437, %get3A_1438] {strides = array<i32>} : memref<128x256xf32, #tpu.memory_space<vmem>>, vector<16xf32>,
        %add3A_1440 = arith.addf %get3A_1439, %get3A_161 : vector<16xf32>
        %mul3A_1441 = arith.mulf %gather3A_1436, %get3A_3 : vector<16xf32>
        %add3A_1442 = arith.addf %add3A_1440, %mul3A_1441 : vector<16xf32>
        %max3A_1443 = arith.constant 0.000000e+00 : f32
        %max3A_1444 = vector.broadcast %max3A_1443 : f32 to vector<16xf32>
        %max3A_1445 = arith.maximumf %add3A_1442, %max3A_1444 : vector<16xf32>
        %swap3A_1446 = arith.index_cast %add3A_1432 : i32 to index
        %swap3A_1447 = arith.constant 0 : index
        %swap3A_1448 = tpu.vector_load %arg16[%swap3A_1446, %swap3A_1447] {strides = array<i32>} : memref<128x256xf32, #tpu.memory_space<vmem>>, vector<16xf32>,
        tpu.vector_store %arg16[%swap3A_1446, %swap3A_1447], %max3A_1445 {strides = array<i32>} : memref<128x256xf32, #tpu.memory_space<vmem>>, vector<16xf32>,
        %get3A_1449 = arith.index_cast %add3A_1432 : i32 to index
        %get3A_1450 = arith.constant 16 : index
        %get3A_1451 = tpu.vector_load %arg16[%get3A_1449, %get3A_1450] {strides = array<i32>} : memref<128x256xf32, #tpu.memory_space<vmem>>, vector<16xf32>,
        %add3A_1452 = arith.addf %get3A_1451, %get3A_164 : vector<16xf32>
        %mul3A_1453 = arith.mulf %gather3A_1436, %get3A_5 : vector<16xf32>
        %add3A_1454 = arith.addf %add3A_1452, %mul3A_1453 : vector<16xf32>
        %max3A_1455 = arith.constant 0.000000e+00 : f32
        %max3A_1456 = vector.broadcast %max3A_1455 : f32 to vector<16xf32>
        %max3A_1457 = arith.maximumf %add3A_1454, %max3A_1456 : vector<16xf32>
        %swap3A_1458 = arith.index_cast %add3A_1432 : i32 to index
        %swap3A_1459 = arith.constant 16 : index
        %swap3A_1460 = tpu.vector_load %arg16[%swap3A_1458, %swap3A_1459] {strides = array<i32>} : memref<128x256xf32, #tpu.memory_space<vmem>>, vector<16xf32>,
        tpu.vector_store %arg16[%swap3A_1458, %swap3A_1459], %max3A_1457 {strides = array<i32>} : memref<128x256xf32, #tpu.memory_space<vmem>>, vector<16xf32>,
        %get3A_1461 = arith.index_cast %add3A_1432 : i32 to index
        %get3A_1462 = arith.constant 32 : index
        %get3A_1463 = tpu.vector_load %arg16[%get3A_1461, %get3A_1462] {strides = array<i32>} : memref<128x256xf32, #tpu.memory_space<vmem>>, vector<16xf32>,
        %add3A_1464 = arith.addf %get3A_1463, %get3A_167 : vector<16xf32>
        %mul3A_1465 = arith.mulf %gather3A_1436, %get3A_7 : vector<16xf32>
        %add3A_1466 = arith.addf %add3A_1464, %mul3A_1465 : vector<16xf32>
        %max3A_1467 = arith.constant 0.000000e+00 : f32
        %max3A_1468 = vector.broadcast %max3A_1467 : f32 to vector<16xf32>
        %max3A_1469 = arith.maximumf %add3A_1466, %max3A_1468 : vector<16xf32>
        %swap3A_1470 = arith.index_cast %add3A_1432 : i32 to index
        %swap3A_1471 = arith.constant 32 : index
        %swap3A_1472 = tpu.vector_load %arg16[%swap3A_1470, %swap3A_1471] {strides = array<i32>} : memref<128x256xf32, #tpu.memory_space<vmem>>, vector<16xf32>,
        tpu.vector_store %arg16[%swap3A_1470, %swap3A_1471], %max3A_1469 {strides = array<i32>} : memref<128x256xf32, #tpu.memory_space<vmem>>, vector<16xf32>,
        %get3A_1473 = arith.index_cast %add3A_1432 : i32 to index
        %get3A_1474 = arith.constant 48 : index
        %get3A_1475 = tpu.vector_load %arg16[%get3A_1473, %get3A_1474] {strides = array<i32>} : memref<128x256xf32, #tpu.memory_space<vmem>>, vector<16xf32>,
        %add3A_1476 = arith.addf %get3A_1475, %get3A_170 : vector<16xf32>
        %mul3A_1477 = arith.mulf %gather3A_1436, %get3A_9 : vector<16xf32>
        %add3A_1478 = arith.addf %add3A_1476, %mul3A_1477 : vector<16xf32>
        %max3A_1479 = arith.constant 0.000000e+00 : f32
        %max3A_1480 = vector.broadcast %max3A_1479 : f32 to vector<16xf32>
        %max3A_1481 = arith.maximumf %add3A_1478, %max3A_1480 : vector<16xf32>
        %swap3A_1482 = arith.index_cast %add3A_1432 : i32 to index
        %swap3A_1483 = arith.constant 48 : index
        %swap3A_1484 = tpu.vector_load %arg16[%swap3A_1482, %swap3A_1483] {strides = array<i32>} : memref<128x256xf32, #tpu.memory_space<vmem>>, vector<16xf32>,
        tpu.vector_store %arg16[%swap3A_1482, %swap3A_1483], %max3A_1481 {strides = array<i32>} : memref<128x256xf32, #tpu.memory_space<vmem>>, vector<16xf32>,
        %get3A_1485 = arith.index_cast %add3A_1432 : i32 to index
        %get3A_1486 = arith.constant 64 : index
        %get3A_1487 = tpu.vector_load %arg16[%get3A_1485, %get3A_1486] {strides = array<i32>} : memref<128x256xf32, #tpu.memory_space<vmem>>, vector<16xf32>,
        %add3A_1488 = arith.addf %get3A_1487, %get3A_173 : vector<16xf32>
        %mul3A_1489 = arith.mulf %gather3A_1436, %get3A_11 : vector<16xf32>
        %add3A_1490 = arith.addf %add3A_1488, %mul3A_1489 : vector<16xf32>
        %max3A_1491 = arith.constant 0.000000e+00 : f32
        %max3A_1492 = vector.broadcast %max3A_1491 : f32 to vector<16xf32>
        %max3A_1493 = arith.maximumf %add3A_1490, %max3A_1492 : vector<16xf32>
        %swap3A_1494 = arith.index_cast %add3A_1432 : i32 to index
        %swap3A_1495 = arith.constant 64 : index
        %swap3A_1496 = tpu.vector_load %arg16[%swap3A_1494, %swap3A_1495] {strides = array<i32>} : memref<128x256xf32, #tpu.memory_space<vmem>>, vector<16xf32>,
        tpu.vector_store %arg16[%swap3A_1494, %swap3A_1495], %max3A_1493 {strides = array<i32>} : memref<128x256xf32, #tpu.memory_space<vmem>>, vector<16xf32>,
        %get3A_1497 = arith.index_cast %add3A_1432 : i32 to index
        %get3A_1498 = arith.constant 80 : index
        %get3A_1499 = tpu.vector_load %arg16[%get3A_1497, %get3A_1498] {strides = array<i32>} : memref<128x256xf32, #tpu.memory_space<vmem>>, vector<16xf32>,
        %add3A_1500 = arith.addf %get3A_1499, %get3A_176 : vector<16xf32>
        %mul3A_1501 = arith.mulf %gather3A_1436, %get3A_13 : vector<16xf32>
        %add3A_1502 = arith.addf %add3A_1500, %mul3A_1501 : vector<16xf32>
        %max3A_1503 = arith.constant 0.000000e+00 : f32
        %max3A_1504 = vector.broadcast %max3A_1503 : f32 to vector<16xf32>
        %max3A_1505 = arith.maximumf %add3A_1502, %max3A_1504 : vector<16xf32>
        %swap3A_1506 = arith.index_cast %add3A_1432 : i32 to index
        %swap3A_1507 = arith.constant 80 : index
        %swap3A_1508 = tpu.vector_load %arg16[%swap3A_1506, %swap3A_1507] {strides = array<i32>} : memref<128x256xf32, #tpu.memory_space<vmem>>, vector<16xf32>,
        tpu.vector_store %arg16[%swap3A_1506, %swap3A_1507], %max3A_1505 {strides = array<i32>} : memref<128x256xf32, #tpu.memory_space<vmem>>, vector<16xf32>,
        %get3A_1509 = arith.index_cast %add3A_1432 : i32 to index
        %get3A_1510 = arith.constant 96 : index
        %get3A_1511 = tpu.vector_load %arg16[%get3A_1509, %get3A_1510] {strides = array<i32>} : memref<128x256xf32, #tpu.memory_space<vmem>>, vector<16xf32>,
        %add3A_1512 = arith.addf %get3A_1511, %get3A_179 : vector<16xf32>
        %mul3A_1513 = arith.mulf %gather3A_1436, %get3A_15 : vector<16xf32>
        %add3A_1514 = arith.addf %add3A_1512, %mul3A_1513 : vector<16xf32>
        %max3A_1515 = arith.constant 0.000000e+00 : f32
        %max3A_1516 = vector.broadcast %max3A_1515 : f32 to vector<16xf32>
        %max3A_1517 = arith.maximumf %add3A_1514, %max3A_1516 : vector<16xf32>
        %swap3A_1518 = arith.index_cast %add3A_1432 : i32 to index
        %swap3A_1519 = arith.constant 96 : index
        %swap3A_1520 = tpu.vector_load %arg16[%swap3A_1518, %swap3A_1519] {strides = array<i32>} : memref<128x256xf32, #tpu.memory_space<vmem>>, vector<16xf32>,
        tpu.vector_store %arg16[%swap3A_1518, %swap3A_1519], %max3A_1517 {strides = array<i32>} : memref<128x256xf32, #tpu.memory_space<vmem>>, vector<16xf32>,
        %get3A_1521 = arith.index_cast %add3A_1432 : i32 to index
        %get3A_1522 = arith.constant 112 : index
        %get3A_1523 = tpu.vector_load %arg16[%get3A_1521, %get3A_1522] {strides = array<i32>} : memref<128x256xf32, #tpu.memory_space<vmem>>, vector<16xf32>,
        %add3A_1524 = arith.addf %get3A_1523, %get3A_182 : vector<16xf32>
        %mul3A_1525 = arith.mulf %gather3A_1436, %get3A_17 : vector<16xf32>
        %add3A_1526 = arith.addf %add3A_1524, %mul3A_1525 : vector<16xf32>
        %max3A_1527 = arith.constant 0.000000e+00 : f32
        %max3A_1528 = vector.broadcast %max3A_1527 : f32 to vector<16xf32>
        %max3A_1529 = arith.maximumf %add3A_1526, %max3A_1528 : vector<16xf32>
        %swap3A_1530 = arith.index_cast %add3A_1432 : i32 to index
        %swap3A_1531 = arith.constant 112 : index
        %swap3A_1532 = tpu.vector_load %arg16[%swap3A_1530, %swap3A_1531] {strides = array<i32>} : memref<128x256xf32, #tpu.memory_space<vmem>>, vector<16xf32>,
        tpu.vector_store %arg16[%swap3A_1530, %swap3A_1531], %max3A_1529 {strides = array<i32>} : memref<128x256xf32, #tpu.memory_space<vmem>>, vector<16xf32>,
        %mul3A_1533 = arith.constant 16 : i32
        %mul3A_1534 = arith.muli %scan3A_124, %mul3A_1533 : i32
        %add3A_1535 = arith.constant 13 : i32
        %add3A_1536 = arith.addi %mul3A_1534, %add3A_1535 : i32
        %broadcast_in_dim3A_1537 = arith.constant 13 : i32
        %broadcast_in_dim3A_1538 = vector.broadcast %broadcast_in_dim3A_1537 : i32 to vector<16x1xi32>
        %gather3A_1539 = vector.shape_cast %broadcast_in_dim3A_1538 : vector<16x1xi32> to vector<16xi32>
        %gather3A_1540 = tpu.dynamic_gather %mul3A_158[%gather3A_1539] in [0] : vector<16xf32>, vector<16xi32> -> vector<16xf32>
        %get3A_1541 = arith.index_cast %add3A_1536 : i32 to index
        %get3A_1542 = arith.constant 0 : index
        %get3A_1543 = tpu.vector_load %arg16[%get3A_1541, %get3A_1542] {strides = array<i32>} : memref<128x256xf32, #tpu.memory_space<vmem>>, vector<16xf32>,
        %add3A_1544 = arith.addf %get3A_1543, %get3A_161 : vector<16xf32>
        %mul3A_1545 = arith.mulf %gather3A_1540, %get3A_3 : vector<16xf32>
        %add3A_1546 = arith.addf %add3A_1544, %mul3A_1545 : vector<16xf32>
        %max3A_1547 = arith.constant 0.000000e+00 : f32
        %max3A_1548 = vector.broadcast %max3A_1547 : f32 to vector<16xf32>
        %max3A_1549 = arith.maximumf %add3A_1546, %max3A_1548 : vector<16xf32>
        %swap3A_1550 = arith.index_cast %add3A_1536 : i32 to index
        %swap3A_1551 = arith.constant 0 : index
        %swap3A_1552 = tpu.vector_load %arg16[%swap3A_1550, %swap3A_1551] {strides = array<i32>} : memref<128x256xf32, #tpu.memory_space<vmem>>, vector<16xf32>,
        tpu.vector_store %arg16[%swap3A_1550, %swap3A_1551], %max3A_1549 {strides = array<i32>} : memref<128x256xf32, #tpu.memory_space<vmem>>, vector<16xf32>,
        %get3A_1553 = arith.index_cast %add3A_1536 : i32 to index
        %get3A_1554 = arith.constant 16 : index
        %get3A_1555 = tpu.vector_load %arg16[%get3A_1553, %get3A_1554] {strides = array<i32>} : memref<128x256xf32, #tpu.memory_space<vmem>>, vector<16xf32>,
        %add3A_1556 = arith.addf %get3A_1555, %get3A_164 : vector<16xf32>
        %mul3A_1557 = arith.mulf %gather3A_1540, %get3A_5 : vector<16xf32>
        %add3A_1558 = arith.addf %add3A_1556, %mul3A_1557 : vector<16xf32>
        %max3A_1559 = arith.constant 0.000000e+00 : f32
        %max3A_1560 = vector.broadcast %max3A_1559 : f32 to vector<16xf32>
        %max3A_1561 = arith.maximumf %add3A_1558, %max3A_1560 : vector<16xf32>
        %swap3A_1562 = arith.index_cast %add3A_1536 : i32 to index
        %swap3A_1563 = arith.constant 16 : index
        %swap3A_1564 = tpu.vector_load %arg16[%swap3A_1562, %swap3A_1563] {strides = array<i32>} : memref<128x256xf32, #tpu.memory_space<vmem>>, vector<16xf32>,
        tpu.vector_store %arg16[%swap3A_1562, %swap3A_1563], %max3A_1561 {strides = array<i32>} : memref<128x256xf32, #tpu.memory_space<vmem>>, vector<16xf32>,
        %get3A_1565 = arith.index_cast %add3A_1536 : i32 to index
        %get3A_1566 = arith.constant 32 : index
        %get3A_1567 = tpu.vector_load %arg16[%get3A_1565, %get3A_1566] {strides = array<i32>} : memref<128x256xf32, #tpu.memory_space<vmem>>, vector<16xf32>,
        %add3A_1568 = arith.addf %get3A_1567, %get3A_167 : vector<16xf32>
        %mul3A_1569 = arith.mulf %gather3A_1540, %get3A_7 : vector<16xf32>
        %add3A_1570 = arith.addf %add3A_1568, %mul3A_1569 : vector<16xf32>
        %max3A_1571 = arith.constant 0.000000e+00 : f32
        %max3A_1572 = vector.broadcast %max3A_1571 : f32 to vector<16xf32>
        %max3A_1573 = arith.maximumf %add3A_1570, %max3A_1572 : vector<16xf32>
        %swap3A_1574 = arith.index_cast %add3A_1536 : i32 to index
        %swap3A_1575 = arith.constant 32 : index
        %swap3A_1576 = tpu.vector_load %arg16[%swap3A_1574, %swap3A_1575] {strides = array<i32>} : memref<128x256xf32, #tpu.memory_space<vmem>>, vector<16xf32>,
        tpu.vector_store %arg16[%swap3A_1574, %swap3A_1575], %max3A_1573 {strides = array<i32>} : memref<128x256xf32, #tpu.memory_space<vmem>>, vector<16xf32>,
        %get3A_1577 = arith.index_cast %add3A_1536 : i32 to index
        %get3A_1578 = arith.constant 48 : index
        %get3A_1579 = tpu.vector_load %arg16[%get3A_1577, %get3A_1578] {strides = array<i32>} : memref<128x256xf32, #tpu.memory_space<vmem>>, vector<16xf32>,
        %add3A_1580 = arith.addf %get3A_1579, %get3A_170 : vector<16xf32>
        %mul3A_1581 = arith.mulf %gather3A_1540, %get3A_9 : vector<16xf32>
        %add3A_1582 = arith.addf %add3A_1580, %mul3A_1581 : vector<16xf32>
        %max3A_1583 = arith.constant 0.000000e+00 : f32
        %max3A_1584 = vector.broadcast %max3A_1583 : f32 to vector<16xf32>
        %max3A_1585 = arith.maximumf %add3A_1582, %max3A_1584 : vector<16xf32>
        %swap3A_1586 = arith.index_cast %add3A_1536 : i32 to index
        %swap3A_1587 = arith.constant 48 : index
        %swap3A_1588 = tpu.vector_load %arg16[%swap3A_1586, %swap3A_1587] {strides = array<i32>} : memref<128x256xf32, #tpu.memory_space<vmem>>, vector<16xf32>,
        tpu.vector_store %arg16[%swap3A_1586, %swap3A_1587], %max3A_1585 {strides = array<i32>} : memref<128x256xf32, #tpu.memory_space<vmem>>, vector<16xf32>,
        %get3A_1589 = arith.index_cast %add3A_1536 : i32 to index
        %get3A_1590 = arith.constant 64 : index
        %get3A_1591 = tpu.vector_load %arg16[%get3A_1589, %get3A_1590] {strides = array<i32>} : memref<128x256xf32, #tpu.memory_space<vmem>>, vector<16xf32>,
        %add3A_1592 = arith.addf %get3A_1591, %get3A_173 : vector<16xf32>
        %mul3A_1593 = arith.mulf %gather3A_1540, %get3A_11 : vector<16xf32>
        %add3A_1594 = arith.addf %add3A_1592, %mul3A_1593 : vector<16xf32>
        %max3A_1595 = arith.constant 0.000000e+00 : f32
        %max3A_1596 = vector.broadcast %max3A_1595 : f32 to vector<16xf32>
        %max3A_1597 = arith.maximumf %add3A_1594, %max3A_1596 : vector<16xf32>
        %swap3A_1598 = arith.index_cast %add3A_1536 : i32 to index
        %swap3A_1599 = arith.constant 64 : index
        %swap3A_1600 = tpu.vector_load %arg16[%swap3A_1598, %swap3A_1599] {strides = array<i32>} : memref<128x256xf32, #tpu.memory_space<vmem>>, vector<16xf32>,
        tpu.vector_store %arg16[%swap3A_1598, %swap3A_1599], %max3A_1597 {strides = array<i32>} : memref<128x256xf32, #tpu.memory_space<vmem>>, vector<16xf32>,
        %get3A_1601 = arith.index_cast %add3A_1536 : i32 to index
        %get3A_1602 = arith.constant 80 : index
        %get3A_1603 = tpu.vector_load %arg16[%get3A_1601, %get3A_1602] {strides = array<i32>} : memref<128x256xf32, #tpu.memory_space<vmem>>, vector<16xf32>,
        %add3A_1604 = arith.addf %get3A_1603, %get3A_176 : vector<16xf32>
        %mul3A_1605 = arith.mulf %gather3A_1540, %get3A_13 : vector<16xf32>
        %add3A_1606 = arith.addf %add3A_1604, %mul3A_1605 : vector<16xf32>
        %max3A_1607 = arith.constant 0.000000e+00 : f32
        %max3A_1608 = vector.broadcast %max3A_1607 : f32 to vector<16xf32>
        %max3A_1609 = arith.maximumf %add3A_1606, %max3A_1608 : vector<16xf32>
        %swap3A_1610 = arith.index_cast %add3A_1536 : i32 to index
        %swap3A_1611 = arith.constant 80 : index
        %swap3A_1612 = tpu.vector_load %arg16[%swap3A_1610, %swap3A_1611] {strides = array<i32>} : memref<128x256xf32, #tpu.memory_space<vmem>>, vector<16xf32>,
        tpu.vector_store %arg16[%swap3A_1610, %swap3A_1611], %max3A_1609 {strides = array<i32>} : memref<128x256xf32, #tpu.memory_space<vmem>>, vector<16xf32>,
        %get3A_1613 = arith.index_cast %add3A_1536 : i32 to index
        %get3A_1614 = arith.constant 96 : index
        %get3A_1615 = tpu.vector_load %arg16[%get3A_1613, %get3A_1614] {strides = array<i32>} : memref<128x256xf32, #tpu.memory_space<vmem>>, vector<16xf32>,
        %add3A_1616 = arith.addf %get3A_1615, %get3A_179 : vector<16xf32>
        %mul3A_1617 = arith.mulf %gather3A_1540, %get3A_15 : vector<16xf32>
        %add3A_1618 = arith.addf %add3A_1616, %mul3A_1617 : vector<16xf32>
        %max3A_1619 = arith.constant 0.000000e+00 : f32
        %max3A_1620 = vector.broadcast %max3A_1619 : f32 to vector<16xf32>
        %max3A_1621 = arith.maximumf %add3A_1618, %max3A_1620 : vector<16xf32>
        %swap3A_1622 = arith.index_cast %add3A_1536 : i32 to index
        %swap3A_1623 = arith.constant 96 : index
        %swap3A_1624 = tpu.vector_load %arg16[%swap3A_1622, %swap3A_1623] {strides = array<i32>} : memref<128x256xf32, #tpu.memory_space<vmem>>, vector<16xf32>,
        tpu.vector_store %arg16[%swap3A_1622, %swap3A_1623], %max3A_1621 {strides = array<i32>} : memref<128x256xf32, #tpu.memory_space<vmem>>, vector<16xf32>,
        %get3A_1625 = arith.index_cast %add3A_1536 : i32 to index
        %get3A_1626 = arith.constant 112 : index
        %get3A_1627 = tpu.vector_load %arg16[%get3A_1625, %get3A_1626] {strides = array<i32>} : memref<128x256xf32, #tpu.memory_space<vmem>>, vector<16xf32>,
        %add3A_1628 = arith.addf %get3A_1627, %get3A_182 : vector<16xf32>
        %mul3A_1629 = arith.mulf %gather3A_1540, %get3A_17 : vector<16xf32>
        %add3A_1630 = arith.addf %add3A_1628, %mul3A_1629 : vector<16xf32>
        %max3A_1631 = arith.constant 0.000000e+00 : f32
        %max3A_1632 = vector.broadcast %max3A_1631 : f32 to vector<16xf32>
        %max3A_1633 = arith.maximumf %add3A_1630, %max3A_1632 : vector<16xf32>
        %swap3A_1634 = arith.index_cast %add3A_1536 : i32 to index
        %swap3A_1635 = arith.constant 112 : index
        %swap3A_1636 = tpu.vector_load %arg16[%swap3A_1634, %swap3A_1635] {strides = array<i32>} : memref<128x256xf32, #tpu.memory_space<vmem>>, vector<16xf32>,
        tpu.vector_store %arg16[%swap3A_1634, %swap3A_1635], %max3A_1633 {strides = array<i32>} : memref<128x256xf32, #tpu.memory_space<vmem>>, vector<16xf32>,
        %mul3A_1637 = arith.constant 16 : i32
        %mul3A_1638 = arith.muli %scan3A_124, %mul3A_1637 : i32
        %add3A_1639 = arith.constant 14 : i32
        %add3A_1640 = arith.addi %mul3A_1638, %add3A_1639 : i32
        %broadcast_in_dim3A_1641 = arith.constant 14 : i32
        %broadcast_in_dim3A_1642 = vector.broadcast %broadcast_in_dim3A_1641 : i32 to vector<16x1xi32>
        %gather3A_1643 = vector.shape_cast %broadcast_in_dim3A_1642 : vector<16x1xi32> to vector<16xi32>
        %gather3A_1644 = tpu.dynamic_gather %mul3A_158[%gather3A_1643] in [0] : vector<16xf32>, vector<16xi32> -> vector<16xf32>
        %get3A_1645 = arith.index_cast %add3A_1640 : i32 to index
        %get3A_1646 = arith.constant 0 : index
        %get3A_1647 = tpu.vector_load %arg16[%get3A_1645, %get3A_1646] {strides = array<i32>} : memref<128x256xf32, #tpu.memory_space<vmem>>, vector<16xf32>,
        %add3A_1648 = arith.addf %get3A_1647, %get3A_161 : vector<16xf32>
        %mul3A_1649 = arith.mulf %gather3A_1644, %get3A_3 : vector<16xf32>
        %add3A_1650 = arith.addf %add3A_1648, %mul3A_1649 : vector<16xf32>
        %max3A_1651 = arith.constant 0.000000e+00 : f32
        %max3A_1652 = vector.broadcast %max3A_1651 : f32 to vector<16xf32>
        %max3A_1653 = arith.maximumf %add3A_1650, %max3A_1652 : vector<16xf32>
        %swap3A_1654 = arith.index_cast %add3A_1640 : i32 to index
        %swap3A_1655 = arith.constant 0 : index
        %swap3A_1656 = tpu.vector_load %arg16[%swap3A_1654, %swap3A_1655] {strides = array<i32>} : memref<128x256xf32, #tpu.memory_space<vmem>>, vector<16xf32>,
        tpu.vector_store %arg16[%swap3A_1654, %swap3A_1655], %max3A_1653 {strides = array<i32>} : memref<128x256xf32, #tpu.memory_space<vmem>>, vector<16xf32>,
        %get3A_1657 = arith.index_cast %add3A_1640 : i32 to index
        %get3A_1658 = arith.constant 16 : index
        %get3A_1659 = tpu.vector_load %arg16[%get3A_1657, %get3A_1658] {strides = array<i32>} : memref<128x256xf32, #tpu.memory_space<vmem>>, vector<16xf32>,
        %add3A_1660 = arith.addf %get3A_1659, %get3A_164 : vector<16xf32>
        %mul3A_1661 = arith.mulf %gather3A_1644, %get3A_5 : vector<16xf32>
        %add3A_1662 = arith.addf %add3A_1660, %mul3A_1661 : vector<16xf32>
        %max3A_1663 = arith.constant 0.000000e+00 : f32
        %max3A_1664 = vector.broadcast %max3A_1663 : f32 to vector<16xf32>
        %max3A_1665 = arith.maximumf %add3A_1662, %max3A_1664 : vector<16xf32>
        %swap3A_1666 = arith.index_cast %add3A_1640 : i32 to index
        %swap3A_1667 = arith.constant 16 : index
        %swap3A_1668 = tpu.vector_load %arg16[%swap3A_1666, %swap3A_1667] {strides = array<i32>} : memref<128x256xf32, #tpu.memory_space<vmem>>, vector<16xf32>,
        tpu.vector_store %arg16[%swap3A_1666, %swap3A_1667], %max3A_1665 {strides = array<i32>} : memref<128x256xf32, #tpu.memory_space<vmem>>, vector<16xf32>,
        %get3A_1669 = arith.index_cast %add3A_1640 : i32 to index
        %get3A_1670 = arith.constant 32 : index
        %get3A_1671 = tpu.vector_load %arg16[%get3A_1669, %get3A_1670] {strides = array<i32>} : memref<128x256xf32, #tpu.memory_space<vmem>>, vector<16xf32>,
        %add3A_1672 = arith.addf %get3A_1671, %get3A_167 : vector<16xf32>
        %mul3A_1673 = arith.mulf %gather3A_1644, %get3A_7 : vector<16xf32>
        %add3A_1674 = arith.addf %add3A_1672, %mul3A_1673 : vector<16xf32>
        %max3A_1675 = arith.constant 0.000000e+00 : f32
        %max3A_1676 = vector.broadcast %max3A_1675 : f32 to vector<16xf32>
        %max3A_1677 = arith.maximumf %add3A_1674, %max3A_1676 : vector<16xf32>
        %swap3A_1678 = arith.index_cast %add3A_1640 : i32 to index
        %swap3A_1679 = arith.constant 32 : index
        %swap3A_1680 = tpu.vector_load %arg16[%swap3A_1678, %swap3A_1679] {strides = array<i32>} : memref<128x256xf32, #tpu.memory_space<vmem>>, vector<16xf32>,
        tpu.vector_store %arg16[%swap3A_1678, %swap3A_1679], %max3A_1677 {strides = array<i32>} : memref<128x256xf32, #tpu.memory_space<vmem>>, vector<16xf32>,
        %get3A_1681 = arith.index_cast %add3A_1640 : i32 to index
        %get3A_1682 = arith.constant 48 : index
        %get3A_1683 = tpu.vector_load %arg16[%get3A_1681, %get3A_1682] {strides = array<i32>} : memref<128x256xf32, #tpu.memory_space<vmem>>, vector<16xf32>,
        %add3A_1684 = arith.addf %get3A_1683, %get3A_170 : vector<16xf32>
        %mul3A_1685 = arith.mulf %gather3A_1644, %get3A_9 : vector<16xf32>
        %add3A_1686 = arith.addf %add3A_1684, %mul3A_1685 : vector<16xf32>
        %max3A_1687 = arith.constant 0.000000e+00 : f32
        %max3A_1688 = vector.broadcast %max3A_1687 : f32 to vector<16xf32>
        %max3A_1689 = arith.maximumf %add3A_1686, %max3A_1688 : vector<16xf32>
        %swap3A_1690 = arith.index_cast %add3A_1640 : i32 to index
        %swap3A_1691 = arith.constant 48 : index
        %swap3A_1692 = tpu.vector_load %arg16[%swap3A_1690, %swap3A_1691] {strides = array<i32>} : memref<128x256xf32, #tpu.memory_space<vmem>>, vector<16xf32>,
        tpu.vector_store %arg16[%swap3A_1690, %swap3A_1691], %max3A_1689 {strides = array<i32>} : memref<128x256xf32, #tpu.memory_space<vmem>>, vector<16xf32>,
        %get3A_1693 = arith.index_cast %add3A_1640 : i32 to index
        %get3A_1694 = arith.constant 64 : index
        %get3A_1695 = tpu.vector_load %arg16[%get3A_1693, %get3A_1694] {strides = array<i32>} : memref<128x256xf32, #tpu.memory_space<vmem>>, vector<16xf32>,
        %add3A_1696 = arith.addf %get3A_1695, %get3A_173 : vector<16xf32>
        %mul3A_1697 = arith.mulf %gather3A_1644, %get3A_11 : vector<16xf32>
        %add3A_1698 = arith.addf %add3A_1696, %mul3A_1697 : vector<16xf32>
        %max3A_1699 = arith.constant 0.000000e+00 : f32
        %max3A_1700 = vector.broadcast %max3A_1699 : f32 to vector<16xf32>
        %max3A_1701 = arith.maximumf %add3A_1698, %max3A_1700 : vector<16xf32>
        %swap3A_1702 = arith.index_cast %add3A_1640 : i32 to index
        %swap3A_1703 = arith.constant 64 : index
        %swap3A_1704 = tpu.vector_load %arg16[%swap3A_1702, %swap3A_1703] {strides = array<i32>} : memref<128x256xf32, #tpu.memory_space<vmem>>, vector<16xf32>,
        tpu.vector_store %arg16[%swap3A_1702, %swap3A_1703], %max3A_1701 {strides = array<i32>} : memref<128x256xf32, #tpu.memory_space<vmem>>, vector<16xf32>,
        %get3A_1705 = arith.index_cast %add3A_1640 : i32 to index
        %get3A_1706 = arith.constant 80 : index
        %get3A_1707 = tpu.vector_load %arg16[%get3A_1705, %get3A_1706] {strides = array<i32>} : memref<128x256xf32, #tpu.memory_space<vmem>>, vector<16xf32>,
        %add3A_1708 = arith.addf %get3A_1707, %get3A_176 : vector<16xf32>
        %mul3A_1709 = arith.mulf %gather3A_1644, %get3A_13 : vector<16xf32>
        %add3A_1710 = arith.addf %add3A_1708, %mul3A_1709 : vector<16xf32>
        %max3A_1711 = arith.constant 0.000000e+00 : f32
        %max3A_1712 = vector.broadcast %max3A_1711 : f32 to vector<16xf32>
        %max3A_1713 = arith.maximumf %add3A_1710, %max3A_1712 : vector<16xf32>
        %swap3A_1714 = arith.index_cast %add3A_1640 : i32 to index
        %swap3A_1715 = arith.constant 80 : index
        %swap3A_1716 = tpu.vector_load %arg16[%swap3A_1714, %swap3A_1715] {strides = array<i32>} : memref<128x256xf32, #tpu.memory_space<vmem>>, vector<16xf32>,
        tpu.vector_store %arg16[%swap3A_1714, %swap3A_1715], %max3A_1713 {strides = array<i32>} : memref<128x256xf32, #tpu.memory_space<vmem>>, vector<16xf32>,
        %get3A_1717 = arith.index_cast %add3A_1640 : i32 to index
        %get3A_1718 = arith.constant 96 : index
        %get3A_1719 = tpu.vector_load %arg16[%get3A_1717, %get3A_1718] {strides = array<i32>} : memref<128x256xf32, #tpu.memory_space<vmem>>, vector<16xf32>,
        %add3A_1720 = arith.addf %get3A_1719, %get3A_179 : vector<16xf32>
        %mul3A_1721 = arith.mulf %gather3A_1644, %get3A_15 : vector<16xf32>
        %add3A_1722 = arith.addf %add3A_1720, %mul3A_1721 : vector<16xf32>
        %max3A_1723 = arith.constant 0.000000e+00 : f32
        %max3A_1724 = vector.broadcast %max3A_1723 : f32 to vector<16xf32>
        %max3A_1725 = arith.maximumf %add3A_1722, %max3A_1724 : vector<16xf32>
        %swap3A_1726 = arith.index_cast %add3A_1640 : i32 to index
        %swap3A_1727 = arith.constant 96 : index
        %swap3A_1728 = tpu.vector_load %arg16[%swap3A_1726, %swap3A_1727] {strides = array<i32>} : memref<128x256xf32, #tpu.memory_space<vmem>>, vector<16xf32>,
        tpu.vector_store %arg16[%swap3A_1726, %swap3A_1727], %max3A_1725 {strides = array<i32>} : memref<128x256xf32, #tpu.memory_space<vmem>>, vector<16xf32>,
        %get3A_1729 = arith.index_cast %add3A_1640 : i32 to index
        %get3A_1730 = arith.constant 112 : index
        %get3A_1731 = tpu.vector_load %arg16[%get3A_1729, %get3A_1730] {strides = array<i32>} : memref<128x256xf32, #tpu.memory_space<vmem>>, vector<16xf32>,
        %add3A_1732 = arith.addf %get3A_1731, %get3A_182 : vector<16xf32>
        %mul3A_1733 = arith.mulf %gather3A_1644, %get3A_17 : vector<16xf32>
        %add3A_1734 = arith.addf %add3A_1732, %mul3A_1733 : vector<16xf32>
        %max3A_1735 = arith.constant 0.000000e+00 : f32
        %max3A_1736 = vector.broadcast %max3A_1735 : f32 to vector<16xf32>
        %max3A_1737 = arith.maximumf %add3A_1734, %max3A_1736 : vector<16xf32>
        %swap3A_1738 = arith.index_cast %add3A_1640 : i32 to index
        %swap3A_1739 = arith.constant 112 : index
        %swap3A_1740 = tpu.vector_load %arg16[%swap3A_1738, %swap3A_1739] {strides = array<i32>} : memref<128x256xf32, #tpu.memory_space<vmem>>, vector<16xf32>,
        tpu.vector_store %arg16[%swap3A_1738, %swap3A_1739], %max3A_1737 {strides = array<i32>} : memref<128x256xf32, #tpu.memory_space<vmem>>, vector<16xf32>,
        %mul3A_1741 = arith.constant 16 : i32
        %mul3A_1742 = arith.muli %scan3A_124, %mul3A_1741 : i32
        %add3A_1743 = arith.constant 15 : i32
        %add3A_1744 = arith.addi %mul3A_1742, %add3A_1743 : i32
        %broadcast_in_dim3A_1745 = arith.constant 15 : i32
        %broadcast_in_dim3A_1746 = vector.broadcast %broadcast_in_dim3A_1745 : i32 to vector<16x1xi32>
        %gather3A_1747 = vector.shape_cast %broadcast_in_dim3A_1746 : vector<16x1xi32> to vector<16xi32>
        %gather3A_1748 = tpu.dynamic_gather %mul3A_158[%gather3A_1747] in [0] : vector<16xf32>, vector<16xi32> -> vector<16xf32>
        %get3A_1749 = arith.index_cast %add3A_1744 : i32 to index
        %get3A_1750 = arith.constant 0 : index
        %get3A_1751 = tpu.vector_load %arg16[%get3A_1749, %get3A_1750] {strides = array<i32>} : memref<128x256xf32, #tpu.memory_space<vmem>>, vector<16xf32>,
        %add3A_1752 = arith.addf %get3A_1751, %get3A_161 : vector<16xf32>
        %mul3A_1753 = arith.mulf %gather3A_1748, %get3A_3 : vector<16xf32>
        %add3A_1754 = arith.addf %add3A_1752, %mul3A_1753 : vector<16xf32>
        %max3A_1755 = arith.constant 0.000000e+00 : f32
        %max3A_1756 = vector.broadcast %max3A_1755 : f32 to vector<16xf32>
        %max3A_1757 = arith.maximumf %add3A_1754, %max3A_1756 : vector<16xf32>
        %swap3A_1758 = arith.index_cast %add3A_1744 : i32 to index
        %swap3A_1759 = arith.constant 0 : index
        %swap3A_1760 = tpu.vector_load %arg16[%swap3A_1758, %swap3A_1759] {strides = array<i32>} : memref<128x256xf32, #tpu.memory_space<vmem>>, vector<16xf32>,
        tpu.vector_store %arg16[%swap3A_1758, %swap3A_1759], %max3A_1757 {strides = array<i32>} : memref<128x256xf32, #tpu.memory_space<vmem>>, vector<16xf32>,
        %get3A_1761 = arith.index_cast %add3A_1744 : i32 to index
        %get3A_1762 = arith.constant 16 : index
        %get3A_1763 = tpu.vector_load %arg16[%get3A_1761, %get3A_1762] {strides = array<i32>} : memref<128x256xf32, #tpu.memory_space<vmem>>, vector<16xf32>,
        %add3A_1764 = arith.addf %get3A_1763, %get3A_164 : vector<16xf32>
        %mul3A_1765 = arith.mulf %gather3A_1748, %get3A_5 : vector<16xf32>
        %add3A_1766 = arith.addf %add3A_1764, %mul3A_1765 : vector<16xf32>
        %max3A_1767 = arith.constant 0.000000e+00 : f32
        %max3A_1768 = vector.broadcast %max3A_1767 : f32 to vector<16xf32>
        %max3A_1769 = arith.maximumf %add3A_1766, %max3A_1768 : vector<16xf32>
        %swap3A_1770 = arith.index_cast %add3A_1744 : i32 to index
        %swap3A_1771 = arith.constant 16 : index
        %swap3A_1772 = tpu.vector_load %arg16[%swap3A_1770, %swap3A_1771] {strides = array<i32>} : memref<128x256xf32, #tpu.memory_space<vmem>>, vector<16xf32>,
        tpu.vector_store %arg16[%swap3A_1770, %swap3A_1771], %max3A_1769 {strides = array<i32>} : memref<128x256xf32, #tpu.memory_space<vmem>>, vector<16xf32>,
        %get3A_1773 = arith.index_cast %add3A_1744 : i32 to index
        %get3A_1774 = arith.constant 32 : index
        %get3A_1775 = tpu.vector_load %arg16[%get3A_1773, %get3A_1774] {strides = array<i32>} : memref<128x256xf32, #tpu.memory_space<vmem>>, vector<16xf32>,
        %add3A_1776 = arith.addf %get3A_1775, %get3A_167 : vector<16xf32>
        %mul3A_1777 = arith.mulf %gather3A_1748, %get3A_7 : vector<16xf32>
        %add3A_1778 = arith.addf %add3A_1776, %mul3A_1777 : vector<16xf32>
        %max3A_1779 = arith.constant 0.000000e+00 : f32
        %max3A_1780 = vector.broadcast %max3A_1779 : f32 to vector<16xf32>
        %max3A_1781 = arith.maximumf %add3A_1778, %max3A_1780 : vector<16xf32>
        %swap3A_1782 = arith.index_cast %add3A_1744 : i32 to index
        %swap3A_1783 = arith.constant 32 : index
        %swap3A_1784 = tpu.vector_load %arg16[%swap3A_1782, %swap3A_1783] {strides = array<i32>} : memref<128x256xf32, #tpu.memory_space<vmem>>, vector<16xf32>,
        tpu.vector_store %arg16[%swap3A_1782, %swap3A_1783], %max3A_1781 {strides = array<i32>} : memref<128x256xf32, #tpu.memory_space<vmem>>, vector<16xf32>,
        %get3A_1785 = arith.index_cast %add3A_1744 : i32 to index
        %get3A_1786 = arith.constant 48 : index
        %get3A_1787 = tpu.vector_load %arg16[%get3A_1785, %get3A_1786] {strides = array<i32>} : memref<128x256xf32, #tpu.memory_space<vmem>>, vector<16xf32>,
        %add3A_1788 = arith.addf %get3A_1787, %get3A_170 : vector<16xf32>
        %mul3A_1789 = arith.mulf %gather3A_1748, %get3A_9 : vector<16xf32>
        %add3A_1790 = arith.addf %add3A_1788, %mul3A_1789 : vector<16xf32>
        %max3A_1791 = arith.constant 0.000000e+00 : f32
        %max3A_1792 = vector.broadcast %max3A_1791 : f32 to vector<16xf32>
        %max3A_1793 = arith.maximumf %add3A_1790, %max3A_1792 : vector<16xf32>
        %swap3A_1794 = arith.index_cast %add3A_1744 : i32 to index
        %swap3A_1795 = arith.constant 48 : index
        %swap3A_1796 = tpu.vector_load %arg16[%swap3A_1794, %swap3A_1795] {strides = array<i32>} : memref<128x256xf32, #tpu.memory_space<vmem>>, vector<16xf32>,
        tpu.vector_store %arg16[%swap3A_1794, %swap3A_1795], %max3A_1793 {strides = array<i32>} : memref<128x256xf32, #tpu.memory_space<vmem>>, vector<16xf32>,
        %get3A_1797 = arith.index_cast %add3A_1744 : i32 to index
        %get3A_1798 = arith.constant 64 : index
        %get3A_1799 = tpu.vector_load %arg16[%get3A_1797, %get3A_1798] {strides = array<i32>} : memref<128x256xf32, #tpu.memory_space<vmem>>, vector<16xf32>,
        %add3A_1800 = arith.addf %get3A_1799, %get3A_173 : vector<16xf32>
        %mul3A_1801 = arith.mulf %gather3A_1748, %get3A_11 : vector<16xf32>
        %add3A_1802 = arith.addf %add3A_1800, %mul3A_1801 : vector<16xf32>
        %max3A_1803 = arith.constant 0.000000e+00 : f32
        %max3A_1804 = vector.broadcast %max3A_1803 : f32 to vector<16xf32>
        %max3A_1805 = arith.maximumf %add3A_1802, %max3A_1804 : vector<16xf32>
        %swap3A_1806 = arith.index_cast %add3A_1744 : i32 to index
        %swap3A_1807 = arith.constant 64 : index
        %swap3A_1808 = tpu.vector_load %arg16[%swap3A_1806, %swap3A_1807] {strides = array<i32>} : memref<128x256xf32, #tpu.memory_space<vmem>>, vector<16xf32>,
        tpu.vector_store %arg16[%swap3A_1806, %swap3A_1807], %max3A_1805 {strides = array<i32>} : memref<128x256xf32, #tpu.memory_space<vmem>>, vector<16xf32>,
        %get3A_1809 = arith.index_cast %add3A_1744 : i32 to index
        %get3A_1810 = arith.constant 80 : index
        %get3A_1811 = tpu.vector_load %arg16[%get3A_1809, %get3A_1810] {strides = array<i32>} : memref<128x256xf32, #tpu.memory_space<vmem>>, vector<16xf32>,
        %add3A_1812 = arith.addf %get3A_1811, %get3A_176 : vector<16xf32>
        %mul3A_1813 = arith.mulf %gather3A_1748, %get3A_13 : vector<16xf32>
        %add3A_1814 = arith.addf %add3A_1812, %mul3A_1813 : vector<16xf32>
        %max3A_1815 = arith.constant 0.000000e+00 : f32
        %max3A_1816 = vector.broadcast %max3A_1815 : f32 to vector<16xf32>
        %max3A_1817 = arith.maximumf %add3A_1814, %max3A_1816 : vector<16xf32>
        %swap3A_1818 = arith.index_cast %add3A_1744 : i32 to index
        %swap3A_1819 = arith.constant 80 : index
        %swap3A_1820 = tpu.vector_load %arg16[%swap3A_1818, %swap3A_1819] {strides = array<i32>} : memref<128x256xf32, #tpu.memory_space<vmem>>, vector<16xf32>,
        tpu.vector_store %arg16[%swap3A_1818, %swap3A_1819], %max3A_1817 {strides = array<i32>} : memref<128x256xf32, #tpu.memory_space<vmem>>, vector<16xf32>,
        %get3A_1821 = arith.index_cast %add3A_1744 : i32 to index
        %get3A_1822 = arith.constant 96 : index
        %get3A_1823 = tpu.vector_load %arg16[%get3A_1821, %get3A_1822] {strides = array<i32>} : memref<128x256xf32, #tpu.memory_space<vmem>>, vector<16xf32>,
        %add3A_1824 = arith.addf %get3A_1823, %get3A_179 : vector<16xf32>
        %mul3A_1825 = arith.mulf %gather3A_1748, %get3A_15 : vector<16xf32>
        %add3A_1826 = arith.addf %add3A_1824, %mul3A_1825 : vector<16xf32>
        %max3A_1827 = arith.constant 0.000000e+00 : f32
        %max3A_1828 = vector.broadcast %max3A_1827 : f32 to vector<16xf32>
        %max3A_1829 = arith.maximumf %add3A_1826, %max3A_1828 : vector<16xf32>
        %swap3A_1830 = arith.index_cast %add3A_1744 : i32 to index
        %swap3A_1831 = arith.constant 96 : index
        %swap3A_1832 = tpu.vector_load %arg16[%swap3A_1830, %swap3A_1831] {strides = array<i32>} : memref<128x256xf32, #tpu.memory_space<vmem>>, vector<16xf32>,
        tpu.vector_store %arg16[%swap3A_1830, %swap3A_1831], %max3A_1829 {strides = array<i32>} : memref<128x256xf32, #tpu.memory_space<vmem>>, vector<16xf32>,
        %get3A_1833 = arith.index_cast %add3A_1744 : i32 to index
        %get3A_1834 = arith.constant 112 : index
        %get3A_1835 = tpu.vector_load %arg16[%get3A_1833, %get3A_1834] {strides = array<i32>} : memref<128x256xf32, #tpu.memory_space<vmem>>, vector<16xf32>,
        %add3A_1836 = arith.addf %get3A_1835, %get3A_182 : vector<16xf32>
        %mul3A_1837 = arith.mulf %gather3A_1748, %get3A_17 : vector<16xf32>
        %add3A_1838 = arith.addf %add3A_1836, %mul3A_1837 : vector<16xf32>
        %max3A_1839 = arith.constant 0.000000e+00 : f32
        %max3A_1840 = vector.broadcast %max3A_1839 : f32 to vector<16xf32>
        %max3A_1841 = arith.maximumf %add3A_1838, %max3A_1840 : vector<16xf32>
        %swap3A_1842 = arith.index_cast %add3A_1744 : i32 to index
        %swap3A_1843 = arith.constant 112 : index
        %swap3A_1844 = tpu.vector_load %arg16[%swap3A_1842, %swap3A_1843] {strides = array<i32>} : memref<128x256xf32, #tpu.memory_space<vmem>>, vector<16xf32>,
        tpu.vector_store %arg16[%swap3A_1842, %swap3A_1843], %max3A_1841 {strides = array<i32>} : memref<128x256xf32, #tpu.memory_space<vmem>>, vector<16xf32>,
      }
      %scan3A_115 = arith.constant 8 : i32
      %dma_start3A_116 = arith.constant 0 : i32
      %dma_start3A_117 = tpu.memref_slice %arg9[%add3A_52, %dma_start3A_116] : memref<262144x256xf32, #tpu.memory_space<hbm>> -> memref<128x256xf32, #tpu.memory_space<hbm>>
      %dma_start3A_118 = arith.constant 0 : i32
      %dma_start3A_119 = tpu.memref_slice %arg9[%add3A_52, %dma_start3A_118] : memref<262144x256xf32, #tpu.memory_space<hbm>> -> memref<128x256xf32, #tpu.memory_space<hbm>>
      tpu.enqueue_dma source(%arg16 : memref<128x256xf32, #tpu.memory_space<vmem>>) target(%dma_start3A_119 : memref<128x256xf32, #tpu.memory_space<hbm>>) target_semaphore(%arg24 : memref<!tpu.dma_semaphore, #tpu.memory_space<semaphore_mem>>)
      %add3A_120 = arith.constant 1 : i32
      %add3A_121 = arith.addi %scan3A_45, %add3A_120 : i32
      %lt3A = arith.constant 32 : i32
      %lt3A_122 = arith.cmpi slt, %add3A_121, %lt3A : i32
      %convert_element_type3A = arith.extui %lt3A_122 : i1 to i32
      %cond3A = arith.constant 0 : i32
      %cond3A_123 = arith.cmpi ne, %convert_element_type3A, %cond3A : i32
      scf.if %cond3A_123 {
        %add3A_124 = arith.constant 128 : i32
        %add3A_125 = arith.addi %add3A_52, %add3A_124 : i32
        %add3A_126 = arith.constant 128 : i32
        %add3A_127 = arith.addi %add3A_125, %add3A_126 : i32
        %dma_start3A_128 = tpu.memref_slice %arg8[%add3A_125] : memref<262144xi32, #tpu.memory_space<hbm>> -> memref<128xi32, #tpu.memory_space<hbm>>
        %dma_start3A_129 = tpu.memref_slice %arg8[%add3A_125] : memref<262144xi32, #tpu.memory_space<hbm>> -> memref<128xi32, #tpu.memory_space<hbm>>
        tpu.enqueue_dma source(%dma_start3A_129 : memref<128xi32, #tpu.memory_space<hbm>>) target(%arg13 : memref<128xi32, #tpu.memory_space<vmem>>) target_semaphore(%arg20 : memref<!tpu.dma_semaphore, #tpu.memory_space<semaphore_mem>>)
        %dma_wait3A_130 = tpu.memref_slice %arg8[%add3A_125] : memref<262144xi32, #tpu.memory_space<hbm>> -> memref<128xi32, #tpu.memory_space<hbm>>
        %dma_wait3A_131 = tpu.memref_slice %arg8[%add3A_125] : memref<262144xi32, #tpu.memory_space<hbm>> -> memref<128xi32, #tpu.memory_space<hbm>>
        tpu.wait_dma2 semaphore(%arg20 : memref<!tpu.dma_semaphore, #tpu.memory_space<semaphore_mem>>) src(%dma_wait3A_131 : memref<128xi32, #tpu.memory_space<hbm>>) dst(%arg13 : memref<128xi32, #tpu.memory_space<vmem>>)
        %dma_wait3A_132 = arith.constant 0 : i32
        %dma_wait3A_133 = tpu.memref_slice %arg9[%add3A_50, %dma_wait3A_132] : memref<262144x256xf32, #tpu.memory_space<hbm>> -> memref<128x256xf32, #tpu.memory_space<hbm>>
        %dma_wait3A_134 = arith.constant 0 : i32
        %dma_wait3A_135 = tpu.memref_slice %arg9[%add3A_50, %dma_wait3A_134] : memref<262144x256xf32, #tpu.memory_space<hbm>> -> memref<128x256xf32, #tpu.memory_space<hbm>>
        tpu.wait_dma2 semaphore(%arg23 : memref<!tpu.dma_semaphore, #tpu.memory_space<semaphore_mem>>) src(%arg15 : memref<128x256xf32, #tpu.memory_space<vmem>>) dst(%dma_wait3A_135 : memref<128x256xf32, #tpu.memory_space<hbm>>)
        %dma_start3A_136 = arith.constant 0 : i32
        %dma_start3A_137 = arith.constant 0 : i32
        %dma_start3A_138 = tpu.memref_slice %arg2[%dma_start3A_136, %dma_start3A_137] : memref<16384x256xf32, #tpu.memory_space<hbm>> -> memref<16384x256xf32, #tpu.memory_space<hbm>>
        tpu.enqueue_indirect_dma source(%dma_start3A_138 : memref<16384x256xf32, #tpu.memory_space<hbm>>) target(%arg15 : memref<128x256xf32, #tpu.memory_space<vmem>>) offsets(%arg13 : memref<128xi32, #tpu.memory_space<vmem>>) semaphore(%arg21 : memref<!tpu.dma_semaphore, #tpu.memory_space<semaphore_mem>>)
        %dma_start3A_139 = tpu.memref_slice %arg8[%add3A_127] : memref<262144xi32, #tpu.memory_space<hbm>> -> memref<128xi32, #tpu.memory_space<hbm>>
        %dma_start3A_140 = tpu.memref_slice %arg8[%add3A_127] : memref<262144xi32, #tpu.memory_space<hbm>> -> memref<128xi32, #tpu.memory_space<hbm>>
        tpu.enqueue_dma source(%dma_start3A_140 : memref<128xi32, #tpu.memory_space<hbm>>) target(%arg14 : memref<128xi32, #tpu.memory_space<vmem>>) target_semaphore(%arg20 : memref<!tpu.dma_semaphore, #tpu.memory_space<semaphore_mem>>)
        %dma_wait3A_141 = tpu.memref_slice %arg8[%add3A_127] : memref<262144xi32, #tpu.memory_space<hbm>> -> memref<128xi32, #tpu.memory_space<hbm>>
        %dma_wait3A_142 = tpu.memref_slice %arg8[%add3A_127] : memref<262144xi32, #tpu.memory_space<hbm>> -> memref<128xi32, #tpu.memory_space<hbm>>
        tpu.wait_dma2 semaphore(%arg20 : memref<!tpu.dma_semaphore, #tpu.memory_space<semaphore_mem>>) src(%dma_wait3A_142 : memref<128xi32, #tpu.memory_space<hbm>>) dst(%arg14 : memref<128xi32, #tpu.memory_space<vmem>>)
        %dma_wait3A_143 = arith.constant 0 : i32
        %dma_wait3A_144 = tpu.memref_slice %arg9[%add3A_52, %dma_wait3A_143] : memref<262144x256xf32, #tpu.memory_space<hbm>> -> memref<128x256xf32, #tpu.memory_space<hbm>>
        %dma_wait3A_145 = arith.constant 0 : i32
        %dma_wait3A_146 = tpu.memref_slice %arg9[%add3A_52, %dma_wait3A_145] : memref<262144x256xf32, #tpu.memory_space<hbm>> -> memref<128x256xf32, #tpu.memory_space<hbm>>
        tpu.wait_dma2 semaphore(%arg24 : memref<!tpu.dma_semaphore, #tpu.memory_space<semaphore_mem>>) src(%arg16 : memref<128x256xf32, #tpu.memory_space<vmem>>) dst(%dma_wait3A_146 : memref<128x256xf32, #tpu.memory_space<hbm>>)
        %dma_start3A_147 = arith.constant 0 : i32
        %dma_start3A_148 = arith.constant 0 : i32
        %dma_start3A_149 = tpu.memref_slice %arg2[%dma_start3A_147, %dma_start3A_148] : memref<16384x256xf32, #tpu.memory_space<hbm>> -> memref<16384x256xf32, #tpu.memory_space<hbm>>
        tpu.enqueue_indirect_dma source(%dma_start3A_149 : memref<16384x256xf32, #tpu.memory_space<hbm>>) target(%arg16 : memref<128x256xf32, #tpu.memory_space<vmem>>) offsets(%arg14 : memref<128xi32, #tpu.memory_space<vmem>>) semaphore(%arg22 : memref<!tpu.dma_semaphore, #tpu.memory_space<semaphore_mem>>)
      } else {
      }
    }
    %scan3A_36 = arith.constant 32 : i32
    %dma_wait3A_37 = arith.constant 0 : i32
    %dma_wait3A_38 = tpu.memref_slice %arg9[%mul3A_2, %dma_wait3A_37] : memref<262144x256xf32, #tpu.memory_space<hbm>> -> memref<128x256xf32, #tpu.memory_space<hbm>>
    %dma_wait3A_39 = arith.constant 0 : i32
    %dma_wait3A_40 = tpu.memref_slice %arg9[%mul3A_2, %dma_wait3A_39] : memref<262144x256xf32, #tpu.memory_space<hbm>> -> memref<128x256xf32, #tpu.memory_space<hbm>>
    tpu.wait_dma2 semaphore(%arg23 : memref<!tpu.dma_semaphore, #tpu.memory_space<semaphore_mem>>) src(%arg15 : memref<128x256xf32, #tpu.memory_space<vmem>>) dst(%dma_wait3A_40 : memref<128x256xf32, #tpu.memory_space<hbm>>)
    %dma_wait3A_41 = arith.constant 0 : i32
    %dma_wait3A_42 = tpu.memref_slice %arg9[%mul3A_2, %dma_wait3A_41] : memref<262144x256xf32, #tpu.memory_space<hbm>> -> memref<128x256xf32, #tpu.memory_space<hbm>>
    %dma_wait3A_43 = arith.constant 0 : i32
    %dma_wait3A_44 = tpu.memref_slice %arg9[%mul3A_2, %dma_wait3A_43] : memref<262144x256xf32, #tpu.memory_space<hbm>> -> memref<128x256xf32, #tpu.memory_space<hbm>>
    tpu.wait_dma2 semaphore(%arg24 : memref<!tpu.dma_semaphore, #tpu.memory_space<semaphore_mem>>) src(%arg16 : memref<128x256xf32, #tpu.memory_space<vmem>>) dst(%dma_wait3A_44 : memref<128x256xf32, #tpu.memory_space<hbm>>)
    return
  }
}

module attributes {stable_mosaic.version = 14 : i64} {
  func.func @_tc_body(%arg0: i32, %arg1: memref<1024x16xf32, #tpu.memory_space<vmem>>, %arg2: memref<1024x128xf32, #tpu.memory_space<vmem>>, %arg3: memref<10x128xf32, #tpu.memory_space<vmem>>, %arg4: memref<1x128xf32, #tpu.memory_space<vmem>>, %arg5: memref<1024x256xf32, #tpu.memory_space<vmem>>, %arg6: memref<1024x128xf32, #tpu.memory_space<vmem>>) attributes {dimension_semantics = [#tpu.dimension_semantics<arbitrary>], iteration_bounds = array<i64: 16>, scalar_prefetch = 0 : i64, scratch_operands = 0 : i64, tpu.core_type = #tpu.core_type<tc>, window_params = [{transform_indices = @transform_0, window_bounds = array<i64: 1024, 16>}, {transform_indices = @transform_1, window_bounds = array<i64: 1024, 128>}, {pipeline_mode = #tpu.pipeline_mode<synchronous>, transform_indices = @transform_2, window_bounds = array<i64: 10, 128>}, {pipeline_mode = #tpu.pipeline_mode<synchronous>, transform_indices = @transform_3, window_bounds = array<i64: 1, 128>}, {transform_indices = @transform_4, window_bounds = array<i64: 1024, 256>}, {transform_indices = @transform_5, window_bounds = array<i64: 1024, 128>}]} {
    %get3A = arith.constant 0 : index
    %get3A_0 = arith.constant 0 : index
    %get3A_1 = vector.load %arg3[%get3A, %get3A_0] : memref<10x128xf32, #tpu.memory_space<vmem>>, vector<10x128xf32>
    %slice3A = vector.extract_strided_slice %get3A_1 {offsets = [0, 0], sizes = [3, 128], strides = [1, 1]} : vector<10x128xf32> to vector<3x128xf32>
    %slice3A_2 = vector.extract_strided_slice %get3A_1 {offsets = [6, 0], sizes = [3, 128], strides = [1, 1]} : vector<10x128xf32> to vector<3x128xf32>
    %sub3A = arith.subf %slice3A, %slice3A_2 : vector<3x128xf32>
    %slice3A_3 = vector.extract_strided_slice %get3A_1 {offsets = [3, 0], sizes = [3, 128], strides = [1, 1]} : vector<10x128xf32> to vector<3x128xf32>
    %slice3A_4 = vector.extract_strided_slice %get3A_1 {offsets = [6, 0], sizes = [3, 128], strides = [1, 1]} : vector<10x128xf32> to vector<3x128xf32>
    %add3A = arith.addf %slice3A_3, %slice3A_4 : vector<3x128xf32>
    %get3A_5 = arith.constant 0 : index
    %get3A_6 = arith.constant 0 : index
    %get3A_7 = vector.load %arg4[%get3A_5, %get3A_6] : memref<1x128xf32, #tpu.memory_space<vmem>>, vector<1x128xf32>
    %broadcast_in_dim3A = arith.constant 0.000000e+00 : f32
    %broadcast_in_dim3A_8 = vector.broadcast %broadcast_in_dim3A : f32 to vector<13x128xf32>
    %concatenate3A = tpu.concatenate %sub3A, %broadcast_in_dim3A_8 in 0 : vector<3x128xf32>, vector<13x128xf32> -> vector<16x128xf32>
    %concatenate3A_9 = tpu.concatenate %add3A, %broadcast_in_dim3A_8 in 0 : vector<3x128xf32>, vector<13x128xf32> -> vector<16x128xf32>
    %get3A_10 = arith.constant 0 : index
    %get3A_11 = arith.constant 0 : index
    %get3A_12 = vector.load %arg1[%get3A_10, %get3A_11] : memref<1024x16xf32, #tpu.memory_space<vmem>>, vector<1024x16xf32>
    %dot_general3A = arith.constant dense<0.000000e+00> : vector<1024x128xf32>
    %dot_general3A_13 = tpu.matmul %get3A_12, %concatenate3A_9, %dot_general3A {dimension_numbers = #tpu.dot_dimension_numbers<[1], [0], [0], [1], [0, 0, 1, 1], [], []>, precision = #tpu.contract_precision<fp32>, transpose_lhs_hint = false} : vector<1024x16xf32>, vector<16x128xf32>, vector<1024x128xf32> -> vector<1024x128xf32>
    %dot_general3A_14 = arith.constant dense<0.000000e+00> : vector<1024x128xf32>
    %dot_general3A_15 = tpu.matmul %get3A_12, %concatenate3A, %dot_general3A_14 {dimension_numbers = #tpu.dot_dimension_numbers<[1], [0], [0], [1], [0, 0, 1, 1], [], []>, precision = #tpu.contract_precision<fp32>, transpose_lhs_hint = false} : vector<1024x16xf32>, vector<16x128xf32>, vector<1024x128xf32> -> vector<1024x128xf32>
    %add3A_16 = vector.broadcast %get3A_7 : vector<1x128xf32> to vector<1024x128xf32>
    %add3A_17 = arith.addf %dot_general3A_15, %add3A_16 : vector<1024x128xf32>
    %swap3A = arith.constant 0 : index
    %swap3A_18 = arith.constant 0 : index
    %swap3A_19 = vector.load %arg5[%swap3A, %swap3A_18] : memref<1024x256xf32, #tpu.memory_space<vmem>>, vector<1024x128xf32>
    tpu.vector_store %arg5[%swap3A, %swap3A_18], %dot_general3A_13 {strides = array<i32>} : memref<1024x256xf32, #tpu.memory_space<vmem>>, vector<1024x128xf32>,
    %get3A_20 = arith.constant 0 : index
    %get3A_21 = arith.constant 0 : index
    %get3A_22 = vector.load %arg2[%get3A_20, %get3A_21] : memref<1024x128xf32, #tpu.memory_space<vmem>>, vector<1024x128xf32>
    %swap3A_23 = arith.constant 0 : index
    %swap3A_24 = arith.constant 128 : index
    %swap3A_25 = vector.load %arg5[%swap3A_23, %swap3A_24] : memref<1024x256xf32, #tpu.memory_space<vmem>>, vector<1024x128xf32>
    tpu.vector_store %arg5[%swap3A_23, %swap3A_24], %get3A_22 {strides = array<i32>} : memref<1024x256xf32, #tpu.memory_space<vmem>>, vector<1024x128xf32>,
    %swap3A_26 = arith.constant 0 : index
    %swap3A_27 = arith.constant 0 : index
    %swap3A_28 = vector.load %arg6[%swap3A_26, %swap3A_27] : memref<1024x128xf32, #tpu.memory_space<vmem>>, vector<1024x128xf32>
    tpu.vector_store %arg6[%swap3A_26, %swap3A_27], %add3A_17 {strides = array<i32>} : memref<1024x128xf32, #tpu.memory_space<vmem>>, vector<1024x128xf32>,
    return
  }
  func.func @transform_0(%arg0: i32) -> (i32, i32) {
    %c0_i32 = arith.constant 0 : i32
    %c0_i32_0 = arith.constant 0 : i32
    return %arg0, %c0_i32 : i32, i32
  }
  func.func @transform_1(%arg0: i32) -> (i32, i32) {
    %c0_i32 = arith.constant 0 : i32
    %c0_i32_0 = arith.constant 0 : i32
    return %arg0, %c0_i32 : i32, i32
  }
  func.func @transform_2(%arg0: i32) -> (i32, i32) {
    %c0_i32 = arith.constant 0 : i32
    %c0_i32_0 = arith.constant 0 : i32
    %c0_i32_1 = arith.constant 0 : i32
    return %c0_i32, %c0_i32_0 : i32, i32
  }
  func.func @transform_3(%arg0: i32) -> (i32, i32) {
    %c0_i32 = arith.constant 0 : i32
    %c0_i32_0 = arith.constant 0 : i32
    %c0_i32_1 = arith.constant 0 : i32
    return %c0_i32, %c0_i32_0 : i32, i32
  }
  func.func @transform_4(%arg0: i32) -> (i32, i32) {
    %c0_i32 = arith.constant 0 : i32
    %c0_i32_0 = arith.constant 0 : i32
    return %arg0, %c0_i32 : i32, i32
  }
  func.func @transform_5(%arg0: i32) -> (i32, i32) {
    %c0_i32 = arith.constant 0 : i32
    %c0_i32_0 = arith.constant 0 : i32
    return %arg0, %c0_i32 : i32, i32
  }
}

</mosaic_0001>

<sc_bundles>
// kernel: kernel.4.cloned.1.call-start
scs
__scs_entry_jumppad:
0x0: {  	(pc) =	sbr.rel $0x88, $3  }
0x1: {  	(tag) =	ssettag $0x0;
	lr =	simm.s32 $0x1  }
0x2: {  	[smem:$0x3F9C] =	sst lr;
	_ =	strace $0xD0000000  }
0x3: {  	_ = 	snop  }
0x4: {  	_ = 	snop  }
0x5: {  	_ = 	snop  }
0x6: {  	_ = 	snop  }
0x7: {  	_ = 	snop  }
__scs_overlays_trampoline_lowered:
0x8: {  	[smem:$0x3FAB] =	sst s0  }
0x9: {  	[smem:$0x3FAC] =	sst s1  }
0xa: {  	[smem:$0x3FAD] =	sst s2  }
0xb: {  	[smem:$0x3FAE] =	sst s3  }
0xc: {  	[smem:$0x3FAF] =	sst s4  }
0xd: {  	[smem:$0x3FB0] =	sst s5  }
0xe: {  	[smem:$0x3FB1] =	sst s6  }
0xf: {  	[smem:$0x3FB2] =	sst s7  }
0x10: {  	[smem:$0x3FB3] =	sst s8  }
0x11: {  	[smem:$0x3FB4] =	sst s9;
	s0 =	simm.s32 @!p0 $0x0  }
0x12: {  	s1 =	sld [smem:$0x3F9A];
	s0 =	simm.s32 @p0 $0x1  }
0x13: {  	[smem:$0x3FB5] =	sst s0;
	s0 =	simm.s32 @!p1 $0x0  }
0x14: {  	s2 =	sld [smem:$0x3F99];
	s0 =	simm.s32 @p1 $0x1  }
0x15: {  	[smem:$0x3FB6] =	sst s0;
	s0 =	simm.s32 @!p2 $0x0  }
0x16: {  	s3 =	sld [smem:$0x3FDB];
	s0 =	simm.s32 @p2 $0x1  }
0x17: {  	s4 =	simm.s32 $0x1BF5;
	[smem:$0x3FB8] =	sst s0  }
0x18: {  	s0 =	sld [smem:$0x3F9B];
	_ =	swait.ge [sflag:s4], $0x0  }
0x19: {  	s7 =	sld [smem:$0x3F9C]  }
0x1a: {  	s8 =	sadd.s32 $0xFFFFE003, lr  }
0x1b: {  	s9 =	sadd.s32 $0xFFFFFEF7, lr;
	s5 =	simm.s32 $0xFFFFFFFF;
	p2 =	slt.u32 s8, $0xFFFFF086  }
0x1c: {  	p1 =	slt.u32 s9, $0xF7A;
	s5 =	simm.s32 @!p2 $0x0  }
0x1d: {  	s5 =	simm.s32 @p1 $0x1;
	p0 =	seq.s32 s7, s2  }
0x1e: {  	s7 =	smul.u32 @!p0 $0xF7A, s2;
	p2 =	seq.s32 @!p0 s5, $0x0  }
0x1f: {  	s9 =	smul.u32 $0xF7A, s1;
	s8 =	simm.s32 @!p0 $0x1BF5;
	p2 =	por !p2, p0  }
0x20: {  	[sflag:s8] =	ssyncset.s32 @!p0 $0xFFFFF086;
	s6 =	sadd.s32 @!p0 s3, s7;
	s7 =	simm.s32 @!p0 $0x108  }
0x21: {  	s3 =	sadd.s32 s3, s9;
	s6 =	sadd.s32 @!p0 $0x88, s6;
	s7 =	simm.s32 @p2 $0x1082  }
0x22: {  	[simem:s7], [sflag:s8] =	dma.local @!p0 [hbm:s6], $0xF7A  }
0x23: {  	s9 =	sor.u32 $0xD0000000, s2;
	s6 =	simm.s32 $0x108;
	_ =	swait.ge @!p0 [sflag:s8], $0x0  }
0x24: {  	s3 =	sadd.s32 $0x88, s3;
	s6 =	simm.s32 @!p1 $0x1082;
	[sflag:s4] =	ssyncset.s32 $0xFFFFF086  }
0x25: {  	[simem:s6], [sflag:s4] =	dma.local [hbm:s3], $0xF7A  }
0x26: {  	[smem:$0x3F9C] =	sst s1;
	(tag) =	ssettag s2;
	_ =	strace s9  }
0x27: {  	s1 =	sld [smem:$0x3FAC]  }
0x28: {  	s2 =	sld [smem:$0x3FAD]  }
0x29: {  	s4 =	sld [smem:$0x3FAF]  }
0x2a: {  	p0 =	seq.s32 s5, $0x0;
	s5 =	sld [smem:$0x3FB0]  }
0x2b: {  	s6 =	sld [smem:$0x3FB1]  }
0x2c: {  	s7 =	sld [smem:$0x3FB2]  }
0x2d: {  	s3 =	simm.s32 $0x108;
	s8 =	sld [smem:$0x3FB3]  }
0x2e: {  	s3 =	simm.s32 @!p0 $0x1082;
	s9 =	sld [smem:$0x3FB4]  }
0x2f: {  	lr =	sadd.s32 s0, s3;
	s0 =	sld [smem:$0x3FAB]  }
0x30: {  	s3 =	sld [smem:$0x3FAE]  }
0x31: {  	[smem:$0x3FB7] =	sst s10  }
0x32: {  	s10 =	sld [smem:$0x3FB5];
	_ =	sdelay $0x3  }
0x33: {  	p0 =	seq.s32 s10, $0x1;
	s10 =	sld [smem:$0x3FB7];
	_ =	sdelay $0x3  }
0x34: {  	[smem:$0x3FB7] =	sst s10  }
0x35: {  	s10 =	sld [smem:$0x3FB6];
	_ =	sdelay $0x3  }
0x36: {  	p1 =	seq.s32 s10, $0x1;
	s10 =	sld [smem:$0x3FB7];
	_ =	sdelay $0x3  }
0x37: {  	[smem:$0x3FB7] =	sst s10  }
0x38: {  	s10 =	sld [smem:$0x3FB8]  }
0x39: {  	_ = 	snop;
	(pc) =	sbr.ind lr, $3  }
0x3a: {  	_ = 	snop  }
0x3b: {  	_ = 	snop  }
0x3c: {  	p2 =	seq.s32 s10, $0x1;
	s10 =	sld [smem:$0x3FB7]  }
0x3d: {  	_ =	shalt  }
0x3e: {  	_ =	shalt  }
0x3f: {  	_ =	shalt  }
0x40: {  	_ =	shalt  }
0x41: {  	_ =	shalt  }
0x42: {  	_ =	shalt  }
0x43: {  	_ =	shalt  }
0x44: {  	_ =	shalt  }
0x45: {  	_ =	shalt  }
0x46: {  	_ =	shalt  }
0x47: {  	_ =	shalt  }
0x48: {  	_ =	shalt  }
0x49: {  	_ =	shalt  }
0x4a: {  	_ =	shalt  }
0x4b: {  	_ =	shalt  }
0x4c: {  	_ =	shalt  }
0x4d: {  	_ =	shalt  }
0x4e: {  	_ =	shalt  }
0x4f: {  	_ =	shalt  }
0x50: {  	_ =	shalt  }
0x51: {  	_ =	shalt  }
0x52: {  	_ =	shalt  }
0x53: {  	_ =	shalt  }
0x54: {  	_ =	shalt  }
0x55: {  	_ =	shalt  }
0x56: {  	_ =	shalt  }
0x57: {  	_ =	shalt  }
0x58: {  	_ =	shalt  }
0x59: {  	_ =	shalt  }
0x5a: {  	_ =	shalt  }
0x5b: {  	_ =	shalt  }
0x5c: {  	_ =	shalt  }
0x5d: {  	_ =	shalt  }
0x5e: {  	_ =	shalt  }
0x5f: {  	_ =	shalt  }
0x60: {  	_ =	shalt  }
0x61: {  	_ =	shalt  }
0x62: {  	_ =	shalt  }
0x63: {  	_ =	shalt  }
0x64: {  	_ =	shalt  }
0x65: {  	_ =	shalt  }
0x66: {  	_ =	shalt  }
0x67: {  	_ =	shalt  }
0x68: {  	_ =	shalt  }
0x69: {  	_ =	shalt  }
0x6a: {  	_ =	shalt  }
0x6b: {  	_ =	shalt  }
0x6c: {  	_ =	shalt  }
0x6d: {  	_ =	shalt  }
0x6e: {  	_ =	shalt  }
0x6f: {  	_ =	shalt  }
0x70: {  	_ =	shalt  }
0x71: {  	_ =	shalt  }
0x72: {  	_ =	shalt  }
0x73: {  	_ =	shalt  }
0x74: {  	_ =	shalt  }
0x75: {  	_ =	shalt  }
0x76: {  	_ =	shalt  }
0x77: {  	_ =	shalt  }
0x78: {  	_ =	shalt  }
0x79: {  	_ =	shalt  }
0x7a: {  	_ =	shalt  }
0x7b: {  	_ =	shalt  }
0x7c: {  	_ =	shalt  }
0x7d: {  	_ =	shalt  }
0x7e: {  	_ =	shalt  }
0x7f: {  	_ =	shalt  }
0x80: {  	_ =	shalt  }
0x81: {  	_ =	shalt  }
0x82: {  	_ =	shalt  }
0x83: {  	_ =	shalt  }
0x84: {  	_ =	shalt  }
0x85: {  	_ =	shalt  }
0x86: {  	_ =	shalt  }
0x87: {  	_ =	shalt  }
.Lfunc_end0:
.L_simem_size_0:
called_computation_lowered:
.L_overlay_start_0:
0x88: {  	s2 =	sld [smem:$0x3FD9]  }
0x89: {  	s3 =	sld [smem:$0x3FFE];
	_ =	sdelay $0x1  }
0x8a: {  	s1 =	srdreg.scid  }
0x8b: {  	s0 =	sand.u32 $0x1, s1  }
0x8c: {  	s17 =	sshll.u32 s0, $0xA;
	s2 =	sadd.s32 s3, s2  }
0x8d: {  	s2 =	sadd.s32 s2, s17  }
0x8e: {  	[smem:$0x3FC3] =	sst s2  }
0x8f: {  	_ = 	snop  }
0x90: {  	s2 =	sld [smem:$0x3FD0];
	(tm) =	ssettm $0x1  }
0x91: {  	s18 =	sld [smem:$0x3FFB];
	_ =	sdelay $0x3  }
0x92: {  	_ =	strace s18  }
0x93: {  	s3 =	sld [smem:$0x3FFC];
	_ =	sdelay $0x3  }
0x94: {  	_ =	strace s3  }
0x95: {  	s3 =	sld [smem:$0x3FFD];
	_ =	sdelay $0x3  }
0x96: {  	_ =	strace s3  }
0x97: {  	_ =	strace $0x8FFFFFFF  }
0x98: {  	s19 =	sld [smem:$0x3FDB];
	_ =	sdelay $0x1  }
0x99: {  	s4 =	simm.s32 $_scs_section_size  }
0x9a: {  	s5 =	simm.s32 $_size__tile_overlayer_lowered;
	s6 =	simm.s32 $_tile_overlayer_lowered  }
0x9b: {  	s22 =	simm.s32 $0x1BFF;
	s21 =	sshll.u32 s6, $0x1;
	s3 =	sadd.s32 s4, s19  }
0x9c: {  	s7 =	simm.s32 $0x0;
	s20 =	sshll.u32 s5, $0x1;
	s5 =	sadd.s32 s21, s3  }
0x9d: {  	[timem:s7], [sflag:s22] =	dma.local [hbm:s5], s20  }
0x9e: {  	_ =	swait.ge [sflag:s22], s20  }
0x9f: {  	s4 =	ssub.s32 $0x0, s20;
	[sflag:s22] =	ssyncset.done $0x0  }
0xa0: {  	[sflag:s22] =	ssyncadd.s32 s4;
	_ =	sdelay $0x1  }
0xa1: {  	s23 =	simm.s32 $0x1B8B  }
0xa2: {  	_ =	swait.ge [sflag:s23], $0x1  }
0xa3: {  	[sflag:s23] =	ssyncset.done $0x0  }
0xa4: {  	s25 =	simm.s32 $0x1B8E;
	s24 =	sld [smem:$0x3FFE];
	[sflag:s23] =	ssyncadd.s32 $0xFFFFFFFF  }
0xa5: {  	s26 =	simm.s32 $execute0_lowered;
	[smem:$0x3FD2] =	sst s25  }
0xa6: {  	s5 =	sshll.u32 s26, $0x1;
	_ =	strace $0x80000046;
	[dreg:$0x1] =	wrdreg $0xFFFFFFFF  }
0xa7: {  	s28 =	simm.s32 $_size_execute0_lowered;
	s3 =	sadd.s32 s3, s5;
	[dreg:$0x0] =	wrdreg $0x0  }
0xa8: {  	s5 =	sshll.u32 s28, $0x1;
	[dreg:$0x2] =	wrdreg s3  }
0xa9: {  	[dreg:$0x3] =	wrdreg s5  }
0xaa: {  	[dreg:$0x4] =	wrdreg $0xC0  }
0xab: {  	_ =	task [dreg:s7], $0x5FFFF  }
0xac: {  	[dreg:$0x1] =	wrdreg $0xFFFFFFFF  }
0xad: {  	[dreg:$0x0] =	wrdreg $0x60  }
0xae: {  	[dreg:$0x2] =	wrdreg s24  }
0xaf: {  	[dreg:$0x3] =	wrdreg s2  }
0xb0: {  	[dreg:$0x4] =	wrdreg $0x9  }
0xb1: {  	_ =	task.clear_ibuf [dreg:s7], $0x5FFFF;
	_ =	strace $0x90000046  }
0xb2: {  	s29 =	simm.s32 $0x9;
	_ =	strace $0x80000048  }
0xb3: {  	_ =	swait.ge [sflag:s29], $0x1  }
0xb4: {  	[sflag:s29] =	ssyncadd.s32 $0xFFFFFFFF  }
0xb5: {  	_ =	strace $0x90000048  }
0xb6: {  	_ =	sfence  }
0xb7: {  	s30 =	sld [smem:$0x0];
	_ =	sdelay $0x2  }
0xb8: {  	s31 =	sshll.u32 s1, $0xD;
	s1 =	sshrl.u32 s1, $0x2  }
0xb9: {  	s3 =	sand.u32 $0x4000, s31;
	s1 =	sadd.s32 s1, s30  }
0xba: {  	s0 =	sor.u32 s3, s0;
	s1 =	sshll.u32 s1, $0x11  }
0xbb: {  	s0 =	sor.u32 s1, s0  }
0xbc: {  	s0 =	sadd.s32 $0x8F2B, s0  }
0xbd: {  	[sflag:s0] =	ssyncadd.remote.s32 $0x1  }
0xbe: {  	_ =	sfence.sel $0xFFFF  }
0xbf: {  	[dreg:$0x0] =	wrdreg $0xFFFFFFFF;
	(pc) =	sbr.abs _section_cstart, $3  }
0xc0: {  	[dreg:$0x1] =	wrdreg $0xFFFFFFFF  }
0xc1: {  	_ =	task.clear_ibuf [dreg:s7], $0x2FFFF;
	_ =	strace $0x9FFFFFFF  }
0xc2: {  	(tm) =	ssettm $0x7FFFFFFF  }
0xc3: {  	_ =	shalt  }
tec
execute0_lowered:
.L_overlay_start_1:
0x0: {  	(tag) =	ssettag $0x1  }
0x1: {  	s7 =	rddreg [dreg:$0x0]  }
0x2: {  	s2 =	rddreg [dreg:$0x1]  }
0x3: {  	s3 =	simm.s32 $0x0;
	s0 =	srdreg.scid;
	s1 =	stileid.u32  }
0x4: {  	s15 =	simm.s32 $0x6;
	s16 =	simm.s32 $0x4000;
	s17 =	simm.s32 $0x8000  }
0x5: {  	s20 =	simm.s32 $0x1;
	s21 =	simm.s32 $0xC100;
	s13 =	simm.s32 $0x14100  }
0x6: {  	s28 =	simm.s32 $0x18900;
	s29 =	simm.s32 $0x19100;
	s30 =	simm.s32 $0x19900  }
0x7: {  	s31 =	simm.s32 $0x1A100;
	s18 =	simm.s32 $0x1B900;
	s12 =	simm.s32 $0x4  }
0x8: {  	s14 =	simm.s32 $0x5;
	s19 =	simm.s32 $0x0;
	[smem:$0x7FF] =	sst s3  }
0x9: {  	s5 =	sadd.s32 $0x9A00, s7;
	s0 =	sand.u32 $0x1, s0;
	s6 =	sadd.s32 $0x89A00, s7  }
0xa: {  	s1 =	sshll.u32 s1, $0xE;
	s8 =	sadd.s32 $0x9200, s7;
	s9 =	sadd.s32 $0x200, s7  }
0xb: {  	s10 =	sadd.s32 $0x8A00, s7;
	s26 =	sadd.s32 $0x8200, s7;
	s7 =	simm.s32 $0x1C100  }
0xc: {  	_ =	strace $0x80000047;
	s4 =	sshll.u32 s0, $0xD;
	[dreg:$0x3] =	wrdreg s8  }
0xd: {  	s0 =	ssub.s32 $0x2, s0;
	[dreg:$0x4] =	wrdreg s10;
	s8 =	sor.u32 s4, s1  }
.Ltmp0:
0xe: {  	v0 =	vlaneseq.u32;
	s24 =	sshrl.u32 s0, $0x1;
	s4 =	sshrl.u32 s8, $0x3;
	(pc) =	sbr.rel .LBB2_1-.Ltmp0, $4  }
0xf: {  	v1 =	vshrl.u32 v0, $0x3;
	v2 =	vand.u32 $0x7, v0;
	[dreg:$0x6] =	wrdreg s26;
	s0 =	ssub.s32 s0, s24;
	s25 =	sadd.s32 s9, s4  }
0x10: {  	v0 =	vor.u32 $0x8, v0;
	[tilespmem:$0x1FFD0] =	vst v2;
	v1 =	vmul.u32 $0x8, v1;
	s10 =	simm.s32 $0x3;
	s0 =	smax.u32 s0, $0x1;
	[dreg:$0x5] =	wrdreg s25  }
0x11: {  	vm0 =	vmmov $0xffff;
	v12 =	vimm.s32 $0x1;
	v7 =	vimm.s32 $0x0;
	[tilespmem:$0x1FFF0] =	vst v0;
	s4 =	simm.s32 $0x1B100;
	s1 =	sadd.s32 $0x10, s25;
	[dreg:$0x8] =	wrdreg s0  }
0x12: {  	v13 =	vimm.s32 $0x2;
	v14 =	vimm.s32 $0x3;
	v15 =	vimm.s32 $0x4;
	[tilespmem:$0x1FFE0] =	vst v1;
	s0 =	simm.s32 $0x1A900;
	[dreg:$0x7] =	wrdreg s1;
	s1 =	simm.s32 $0x2  }
.LBB2_8:
0x13: {  	_ =	swait.ge [sflag:s12], $0x8000  }
0x14: {  	[sflag:s12] =	ssyncset.done $0x0  }
0x15: {  	[sflag:s12] =	ssyncadd.s32 $0xFFFF8000  }
0x16: {  	_ =	swait.ge [sflag:s14], $0x8000  }
0x17: {  	s19 =	rddreg [dreg:$0x9]  }
0x18: {  	s11 =	rddreg [dreg:$0x8];
	s19 =	sadd.s32 $0x1, s19  }
0x19: {  	p0 =	sne.s32 s19, s11  }
.Ltmp1:
0x1a: {  	_ = 	snop;
	(pc) =	sbr.rel @!p0 .LBB2_9-.Ltmp1, $3  }
0x1b: {  	_ =	sdelay $0x1  }
0x1c: {  	[sflag:s14] =	ssyncset.done $0x0  }
0x1d: {  	[sflag:s14] =	ssyncadd.s32 $0xFFFF8000  }
.LBB2_1:
0x1e: {  	[dreg:$0x9] =	wrdreg s19  }
0x1f: {  	s11 =	rddreg [dreg:$0x3]  }
0x20: {  	[tilespmem:s3], [sflag:$0x6] =	stream.linear.gather [hbm4b:s11+s3], $0x4000, $0x38;
	[tilespmem:$0x1C580] =	vst v63  }
0x21: {  	_ =	swait.ge [sflag:s15], $0x4000  }
0x22: {  	[sflag:s15] =	ssyncset.done $0x0  }
0x23: {  	s26 =	rddreg [dreg:$0x4];
	[sflag:s15] =	ssyncadd.s32 $0xFFFFC000  }
0x24: {  	[tilespmem:s16], [sflag:$0x6] =	stream.linear.gather [hbm4b:s26+s3], $0x4000, $0x38;
	[tilespmem:$0x1C580] =	vst v63  }
0x25: {  	_ =	swait.ge [sflag:s15], $0x4000  }
0x26: {  	[sflag:s15] =	ssyncset.done $0x0  }
0x27: {  	s19 =	rddreg [dreg:$0x6];
	[sflag:s15] =	ssyncadd.s32 $0xFFFFC000  }
0x28: {  	[tilespmem:s17], [sflag:$0x6] =	stream.linear.gather [hbm4b:s19+s3], $0x4000, $0x38;
	[tilespmem:$0x1C580] =	vst v63  }
0x29: {  	_ =	swait.ge [sflag:s15], $0x4000  }
0x2a: {  	[sflag:s15] =	ssyncset.done $0x0  }
0x2b: {  	[sflag:s15] =	ssyncadd.s32 $0xFFFFC000  }
0x2c: {  	s23 =	simm.s32 $0x1C500;
	s22 =	rddreg [dreg:$0x0]  }
0x2d: {  	[tilespmem:s23], [sflag:$0x6] =	stream.linear.gather [hbm4b:s22+s3], $0x80, $0x38;
	[tilespmem:$0x1C580] =	vst v63  }
0x2e: {  	_ =	swait.ge [sflag:s15], $0x80  }
0x2f: {  	[sflag:s15] =	ssyncset.done $0x0  }
0x30: {  	[sflag:s15] =	ssyncadd.s32 $0xFFFFFF80  }
0x31: {  	v19 =	vld [tilespmem:$0x1C500]  }
0x32: {  	v20 =	vld [tilespmem:$0x1C510]  }
0x33: {  	v21 =	vld [tilespmem:$0x1C520]  }
0x34: {  	v22 =	vld [tilespmem:$0x1C530]  }
0x35: {  	v23 =	vld [tilespmem:$0x1C540]  }
0x36: {  	v24 =	vld [tilespmem:$0x1C550]  }
0x37: {  	s25 =	simm.s32 $0xC000;
	s24 =	rddreg [dreg:$0x5];
	v25 =	vld [tilespmem:$0x1C560]  }
0x38: {  	v26 =	vld [tilespmem:$0x1C570];
	[tilespmem:s25], [sflag:$0x1] =	stream.linear.gather [hbm4b:s24+s3], $0x80, $0x38  }
0x39: {  	_ =	swait.ge [sflag:s20], $0x80  }
0x3a: {  	[sflag:s20] =	ssyncset.done $0x0  }
0x3b: {  	[sflag:s20] =	ssyncadd.s32 $0xFFFFFF80  }
0x3c: {  	v0 =	vld [tilespmem:$0xC000];
	_ =	sdelay $0x2  }
0x3d: {  	v1 =	vld [tilespmem:$0x1FFD0]  }
0x3e: {  	v3 =	vld [tilespmem:$0x1FFE0]  }
0x3f: {  	v4 =	vld [tilespmem:$0x1FFF0];
	v2 =	vshll.u32 v0, $0x1  }
0x40: {  	v0 =	vand.u32 $0x7, v0;
	v2 =	vand.u32 $0xFFFFFFF0, v2  }
0x41: {  	v0 =	vor.u32 v0, v2  }
0x42: {  	v2 =	vperm.xlane v0, v1;
	_ =	sdelay $0x1  }
0x43: {  	v0 =	vperm.xlane v0, v4;
	v2 =	vadd.s32 v3, v2;
	_ =	sdelay $0x1  }
0x44: {  	v0 =	vadd.s32 v3, v0;
	_ =	sdelay $0x2  }
0x45: {  	[tilespmem:s21], [sflag:$0x2] =	stream.indirect_vreg.gather [hbm4b:s5+s3], $0x80, v2, vm0, $0xb8;
	[tilespmem:$0x1C580] =	vst v63  }
0x46: {  	s26 =	simm.s32 $0xC900  }
0x47: {  	[tilespmem:s26], [sflag:$0x2] =	stream.indirect_vreg.gather [hbm4b:s5+s3], $0x80, v0, vm0, $0xb8;
	[tilespmem:$0x1C580] =	vst v63  }
0x48: {  	v0 =	vld [tilespmem:$0xC010];
	_ =	sdelay $0x4  }
0x49: {  	v48 =	vshll.u32 v0, $0x1  }
0x4a: {  	v0 =	vand.u32 $0x7, v0;
	v2 =	vand.u32 $0xFFFFFFF0, v48  }
0x4b: {  	v0 =	vor.u32 v0, v2  }
0x4c: {  	v2 =	vperm.xlane v0, v1;
	_ =	sdelay $0x1  }
0x4d: {  	v0 =	vperm.xlane v0, v4;
	v2 =	vadd.s32 v3, v2;
	_ =	sdelay $0x1  }
0x4e: {  	v0 =	vadd.s32 v3, v0;
	_ =	sdelay $0x1  }
0x4f: {  	s19 =	simm.s32 $0xD100  }
0x50: {  	[tilespmem:s19], [sflag:$0x2] =	stream.indirect_vreg.gather [hbm4b:s5+s3], $0x80, v2, vm0, $0xb8;
	[tilespmem:$0x1C580] =	vst v63  }
0x51: {  	s22 =	simm.s32 $0xD900  }
0x52: {  	[tilespmem:s22], [sflag:$0x2] =	stream.indirect_vreg.gather [hbm4b:s5+s3], $0x80, v0, vm0, $0xb8;
	[tilespmem:$0x1C580] =	vst v63  }
0x53: {  	v0 =	vld [tilespmem:$0xC020];
	_ =	sdelay $0x4  }
0x54: {  	v49 =	vshll.u32 v0, $0x1  }
0x55: {  	v0 =	vand.u32 $0x7, v0;
	v2 =	vand.u32 $0xFFFFFFF0, v49  }
0x56: {  	v0 =	vor.u32 v0, v2  }
0x57: {  	v2 =	vperm.xlane v0, v1;
	_ =	sdelay $0x1  }
0x58: {  	v0 =	vperm.xlane v0, v4;
	v2 =	vadd.s32 v3, v2;
	_ =	sdelay $0x1  }
0x59: {  	v0 =	vadd.s32 v3, v0;
	_ =	sdelay $0x1  }
0x5a: {  	s23 =	simm.s32 $0xE100  }
0x5b: {  	[tilespmem:s23], [sflag:$0x2] =	stream.indirect_vreg.gather [hbm4b:s5+s3], $0x80, v2, vm0, $0xb8;
	[tilespmem:$0x1C580] =	vst v63  }
0x5c: {  	s24 =	simm.s32 $0xE900  }
0x5d: {  	[tilespmem:s24], [sflag:$0x2] =	stream.indirect_vreg.gather [hbm4b:s5+s3], $0x80, v0, vm0, $0xb8;
	[tilespmem:$0x1C580] =	vst v63  }
0x5e: {  	v0 =	vld [tilespmem:$0xC030];
	_ =	sdelay $0x4  }
0x5f: {  	v50 =	vshll.u32 v0, $0x1  }
0x60: {  	v0 =	vand.u32 $0x7, v0;
	v2 =	vand.u32 $0xFFFFFFF0, v50  }
0x61: {  	v0 =	vor.u32 v0, v2  }
0x62: {  	v2 =	vperm.xlane v0, v1;
	_ =	sdelay $0x1  }
0x63: {  	v0 =	vperm.xlane v0, v4;
	v2 =	vadd.s32 v3, v2;
	_ =	sdelay $0x1  }
0x64: {  	v0 =	vadd.s32 v3, v0;
	_ =	sdelay $0x1  }
0x65: {  	s25 =	simm.s32 $0xF100  }
0x66: {  	[tilespmem:s25], [sflag:$0x2] =	stream.indirect_vreg.gather [hbm4b:s5+s3], $0x80, v2, vm0, $0xb8;
	[tilespmem:$0x1C580] =	vst v63  }
0x67: {  	s26 =	simm.s32 $0xF900  }
0x68: {  	[tilespmem:s26], [sflag:$0x2] =	stream.indirect_vreg.gather [hbm4b:s5+s3], $0x80, v0, vm0, $0xb8;
	[tilespmem:$0x1C580] =	vst v63  }
0x69: {  	v0 =	vld [tilespmem:$0xC040];
	_ =	sdelay $0x4  }
0x6a: {  	v51 =	vshll.u32 v0, $0x1  }
0x6b: {  	v0 =	vand.u32 $0x7, v0;
	v2 =	vand.u32 $0xFFFFFFF0, v51  }
0x6c: {  	v0 =	vor.u32 v0, v2  }
0x6d: {  	v2 =	vperm.xlane v0, v1;
	_ =	sdelay $0x1  }
0x6e: {  	v0 =	vperm.xlane v0, v4;
	v2 =	vadd.s32 v3, v2;
	_ =	sdelay $0x1  }
0x6f: {  	v0 =	vadd.s32 v3, v0;
	_ =	sdelay $0x1  }
0x70: {  	s19 =	simm.s32 $0x10100  }
0x71: {  	[tilespmem:s19], [sflag:$0x2] =	stream.indirect_vreg.gather [hbm4b:s5+s3], $0x80, v2, vm0, $0xb8;
	[tilespmem:$0x1C580] =	vst v63  }
0x72: {  	s22 =	simm.s32 $0x10900  }
0x73: {  	[tilespmem:s22], [sflag:$0x2] =	stream.indirect_vreg.gather [hbm4b:s5+s3], $0x80, v0, vm0, $0xb8;
	[tilespmem:$0x1C580] =	vst v63  }
0x74: {  	v0 =	vld [tilespmem:$0xC050];
	_ =	sdelay $0x4  }
0x75: {  	v52 =	vshll.u32 v0, $0x1  }
0x76: {  	v0 =	vand.u32 $0x7, v0;
	v2 =	vand.u32 $0xFFFFFFF0, v52  }
0x77: {  	v0 =	vor.u32 v0, v2  }
0x78: {  	v2 =	vperm.xlane v0, v1;
	_ =	sdelay $0x1  }
0x79: {  	v0 =	vperm.xlane v0, v4;
	v2 =	vadd.s32 v3, v2;
	_ =	sdelay $0x1  }
0x7a: {  	v0 =	vadd.s32 v3, v0;
	_ =	sdelay $0x1  }
0x7b: {  	s23 =	simm.s32 $0x11100  }
0x7c: {  	[tilespmem:s23], [sflag:$0x2] =	stream.indirect_vreg.gather [hbm4b:s5+s3], $0x80, v2, vm0, $0xb8;
	[tilespmem:$0x1C580] =	vst v63  }
0x7d: {  	s24 =	simm.s32 $0x11900  }
0x7e: {  	[tilespmem:s24], [sflag:$0x2] =	stream.indirect_vreg.gather [hbm4b:s5+s3], $0x80, v0, vm0, $0xb8;
	[tilespmem:$0x1C580] =	vst v63  }
0x7f: {  	v0 =	vld [tilespmem:$0xC060];
	_ =	sdelay $0x4  }
0x80: {  	v53 =	vshll.u32 v0, $0x1  }
0x81: {  	v0 =	vand.u32 $0x7, v0;
	v2 =	vand.u32 $0xFFFFFFF0, v53  }
0x82: {  	v0 =	vor.u32 v0, v2  }
0x83: {  	v2 =	vperm.xlane v0, v1;
	_ =	sdelay $0x1  }
0x84: {  	v0 =	vperm.xlane v0, v4;
	v2 =	vadd.s32 v3, v2;
	_ =	sdelay $0x1  }
0x85: {  	v0 =	vadd.s32 v3, v0;
	_ =	sdelay $0x1  }
0x86: {  	s25 =	simm.s32 $0x12100  }
0x87: {  	[tilespmem:s25], [sflag:$0x2] =	stream.indirect_vreg.gather [hbm4b:s5+s3], $0x80, v2, vm0, $0xb8;
	[tilespmem:$0x1C580] =	vst v63  }
0x88: {  	s26 =	simm.s32 $0x12900  }
0x89: {  	[tilespmem:s26], [sflag:$0x2] =	stream.indirect_vreg.gather [hbm4b:s5+s3], $0x80, v0, vm0, $0xb8;
	[tilespmem:$0x1C580] =	vst v63  }
0x8a: {  	v0 =	vld [tilespmem:$0xC070];
	_ =	sdelay $0x4  }
0x8b: {  	v54 =	vshll.u32 v0, $0x1  }
0x8c: {  	v0 =	vand.u32 $0x7, v0;
	v2 =	vand.u32 $0xFFFFFFF0, v54  }
0x8d: {  	v0 =	vor.u32 v0, v2  }
0x8e: {  	v2 =	vperm.xlane v0, v1;
	_ =	sdelay $0x1  }
0x8f: {  	v0 =	vperm.xlane v0, v4;
	v2 =	vadd.s32 v3, v2;
	_ =	sdelay $0x1  }
0x90: {  	v0 =	vadd.s32 v3, v0;
	_ =	sdelay $0x1  }
0x91: {  	s19 =	simm.s32 $0x13100  }
0x92: {  	[tilespmem:s19], [sflag:$0x2] =	stream.indirect_vreg.gather [hbm4b:s5+s3], $0x80, v2, vm0, $0xb8;
	[tilespmem:$0x1C580] =	vst v63  }
0x93: {  	s22 =	simm.s32 $0x13900  }
0x94: {  	[tilespmem:s22], [sflag:$0x2] =	stream.indirect_vreg.gather [hbm4b:s5+s3], $0x80, v0, vm0, $0xb8;
	[tilespmem:$0x1C580] =	vst v63  }
0x95: {  	s23 =	rddreg [dreg:$0x7];
	s24 =	simm.s32 $0xC080  }
0x96: {  	[tilespmem:s24], [sflag:$0x1] =	stream.linear.gather [hbm4b:s23+s3], $0x80, $0x38;
	[tilespmem:$0x1C580] =	vst v63  }
0x97: {  	_ =	swait.ge [sflag:s20], $0x80  }
0x98: {  	[sflag:s20] =	ssyncset.done $0x0  }
0x99: {  	[sflag:s20] =	ssyncadd.s32 $0xFFFFFF80  }
0x9a: {  	v55 =	vld [tilespmem:$0xC080];
	_ =	sdelay $0x4  }
0x9b: {  	v56 =	vshll.u32 v55, $0x1  }
0x9c: {  	v0 =	vand.u32 $0x7, v55;
	v2 =	vand.u32 $0xFFFFFFF0, v56  }
0x9d: {  	v0 =	vor.u32 v0, v2  }
0x9e: {  	v2 =	vperm.xlane v0, v1;
	_ =	sdelay $0x1  }
0x9f: {  	v0 =	vperm.xlane v0, v4;
	v2 =	vadd.s32 v3, v2;
	_ =	sdelay $0x1  }
0xa0: {  	v0 =	vadd.s32 v3, v0;
	_ =	sdelay $0x2  }
0xa1: {  	[tilespmem:s13], [sflag:$0x3] =	stream.indirect_vreg.gather [hbm4b:s5+s3], $0x80, v2, vm0, $0xb8;
	[tilespmem:$0x1C580] =	vst v63  }
0xa2: {  	s25 =	simm.s32 $0x14900  }
0xa3: {  	[tilespmem:s25], [sflag:$0x3] =	stream.indirect_vreg.gather [hbm4b:s5+s3], $0x80, v0, vm0, $0xb8;
	[tilespmem:$0x1C580] =	vst v63  }
0xa4: {  	v0 =	vld [tilespmem:$0xC090];
	_ =	sdelay $0x4  }
0xa5: {  	v57 =	vshll.u32 v0, $0x1  }
0xa6: {  	v0 =	vand.u32 $0x7, v0;
	v2 =	vand.u32 $0xFFFFFFF0, v57  }
0xa7: {  	v0 =	vor.u32 v0, v2  }
0xa8: {  	v2 =	vperm.xlane v0, v1;
	_ =	sdelay $0x1  }
0xa9: {  	v0 =	vperm.xlane v0, v4;
	v2 =	vadd.s32 v3, v2;
	_ =	sdelay $0x1  }
0xaa: {  	v0 =	vadd.s32 v3, v0;
	_ =	sdelay $0x1  }
0xab: {  	s26 =	simm.s32 $0x15100  }
0xac: {  	[tilespmem:s26], [sflag:$0x3] =	stream.indirect_vreg.gather [hbm4b:s5+s3], $0x80, v2, vm0, $0xb8;
	[tilespmem:$0x1C580] =	vst v63  }
0xad: {  	s19 =	simm.s32 $0x15900  }
0xae: {  	[tilespmem:s19], [sflag:$0x3] =	stream.indirect_vreg.gather [hbm4b:s5+s3], $0x80, v0, vm0, $0xb8;
	[tilespmem:$0x1C580] =	vst v63  }
0xaf: {  	v0 =	vld [tilespmem:$0xC0A0];
	_ =	sdelay $0x4  }
0xb0: {  	v58 =	vshll.u32 v0, $0x1  }
0xb1: {  	v0 =	vand.u32 $0x7, v0;
	v2 =	vand.u32 $0xFFFFFFF0, v58  }
0xb2: {  	v0 =	vor.u32 v0, v2  }
0xb3: {  	v2 =	vperm.xlane v0, v1;
	_ =	sdelay $0x1  }
0xb4: {  	v0 =	vperm.xlane v0, v4;
	v2 =	vadd.s32 v3, v2;
	_ =	sdelay $0x1  }
0xb5: {  	v0 =	vadd.s32 v3, v0;
	_ =	sdelay $0x1  }
0xb6: {  	s22 =	simm.s32 $0x16100  }
0xb7: {  	[tilespmem:s22], [sflag:$0x3] =	stream.indirect_vreg.gather [hbm4b:s5+s3], $0x80, v2, vm0, $0xb8;
	[tilespmem:$0x1C580] =	vst v63  }
0xb8: {  	s23 =	simm.s32 $0x16900  }
0xb9: {  	[tilespmem:s23], [sflag:$0x3] =	stream.indirect_vreg.gather [hbm4b:s5+s3], $0x80, v0, vm0, $0xb8;
	[tilespmem:$0x1C580] =	vst v63  }
0xba: {  	v0 =	vld [tilespmem:$0xC0B0];
	_ =	sdelay $0x4  }
0xbb: {  	v59 =	vshll.u32 v0, $0x1  }
0xbc: {  	v0 =	vand.u32 $0x7, v0;
	v2 =	vand.u32 $0xFFFFFFF0, v59  }
0xbd: {  	v0 =	vor.u32 v0, v2  }
0xbe: {  	v2 =	vperm.xlane v0, v1;
	_ =	sdelay $0x1  }
0xbf: {  	v0 =	vperm.xlane v0, v4;
	v2 =	vadd.s32 v3, v2;
	_ =	sdelay $0x1  }
0xc0: {  	v0 =	vadd.s32 v3, v0;
	_ =	sdelay $0x1  }
0xc1: {  	s24 =	simm.s32 $0x17100  }
0xc2: {  	[tilespmem:s24], [sflag:$0x3] =	stream.indirect_vreg.gather [hbm4b:s5+s3], $0x80, v2, vm0, $0xb8;
	[tilespmem:$0x1C580] =	vst v63  }
0xc3: {  	s25 =	simm.s32 $0x17900  }
0xc4: {  	[tilespmem:s25], [sflag:$0x3] =	stream.indirect_vreg.gather [hbm4b:s5+s3], $0x80, v0, vm0, $0xb8;
	[tilespmem:$0x1C580] =	vst v63  }
0xc5: {  	v0 =	vld [tilespmem:$0xC0C0];
	_ =	sdelay $0x4  }
0xc6: {  	v60 =	vshll.u32 v0, $0x1  }
0xc7: {  	v0 =	vand.u32 $0x7, v0;
	v2 =	vand.u32 $0xFFFFFFF0, v60  }
0xc8: {  	v0 =	vor.u32 v0, v2  }
0xc9: {  	v2 =	vperm.xlane v0, v1;
	_ =	sdelay $0x1  }
0xca: {  	v0 =	vperm.xlane v0, v4;
	v2 =	vadd.s32 v3, v2;
	_ =	sdelay $0x1  }
0xcb: {  	v0 =	vadd.s32 v3, v0;
	_ =	sdelay $0x1  }
0xcc: {  	s26 =	simm.s32 $0x18100  }
0xcd: {  	[tilespmem:s26], [sflag:$0x3] =	stream.indirect_vreg.gather [hbm4b:s5+s3], $0x80, v2, vm0, $0xb8;
	[tilespmem:$0x1C580] =	vst v63  }
0xce: {  	_ = 	snop  }
0xcf: {  	[tilespmem:s28], [sflag:$0x3] =	stream.indirect_vreg.gather [hbm4b:s5+s3], $0x80, v0, vm0, $0xb8;
	[tilespmem:$0x1C580] =	vst v63  }
0xd0: {  	v0 =	vld [tilespmem:$0xC0D0];
	_ =	sdelay $0x4  }
0xd1: {  	v61 =	vshll.u32 v0, $0x1  }
0xd2: {  	v0 =	vand.u32 $0x7, v0;
	v2 =	vand.u32 $0xFFFFFFF0, v61  }
0xd3: {  	v0 =	vor.u32 v0, v2  }
0xd4: {  	v2 =	vperm.xlane v0, v1;
	_ =	sdelay $0x1  }
0xd5: {  	v0 =	vperm.xlane v0, v4;
	v2 =	vadd.s32 v3, v2;
	_ =	sdelay $0x1  }
0xd6: {  	v0 =	vadd.s32 v3, v0;
	_ =	sdelay $0x2  }
0xd7: {  	[tilespmem:s29], [sflag:$0x3] =	stream.indirect_vreg.gather [hbm4b:s5+s3], $0x80, v2, vm0, $0xb8;
	[tilespmem:$0x1C580] =	vst v63  }
0xd8: {  	_ = 	snop  }
0xd9: {  	[tilespmem:s30], [sflag:$0x3] =	stream.indirect_vreg.gather [hbm4b:s5+s3], $0x80, v0, vm0, $0xb8;
	[tilespmem:$0x1C580] =	vst v63  }
0xda: {  	v0 =	vld [tilespmem:$0xC0E0];
	_ =	sdelay $0x4  }
0xdb: {  	v62 =	vshll.u32 v0, $0x1  }
0xdc: {  	v0 =	vand.u32 $0x7, v0;
	v2 =	vand.u32 $0xFFFFFFF0, v62  }
0xdd: {  	v0 =	vor.u32 v0, v2  }
0xde: {  	v2 =	vperm.xlane v0, v1;
	_ =	sdelay $0x1  }
0xdf: {  	v0 =	vperm.xlane v0, v4;
	v2 =	vadd.s32 v3, v2;
	_ =	sdelay $0x1  }
0xe0: {  	v0 =	vadd.s32 v3, v0;
	_ =	sdelay $0x2  }
0xe1: {  	[tilespmem:s31], [sflag:$0x3] =	stream.indirect_vreg.gather [hbm4b:s5+s3], $0x80, v2, vm0, $0xb8;
	[tilespmem:$0x1C580] =	vst v63  }
0xe2: {  	_ = 	snop  }
0xe3: {  	[tilespmem:s0], [sflag:$0x3] =	stream.indirect_vreg.gather [hbm4b:s5+s3], $0x80, v0, vm0, $0xb8;
	[tilespmem:$0x1C580] =	vst v63  }
0xe4: {  	v0 =	vld [tilespmem:$0xC0F0];
	_ =	sdelay $0x4  }
0xe5: {  	v63 =	vshll.u32 v0, $0x1  }
0xe6: {  	v0 =	vand.u32 $0x7, v0;
	v2 =	vand.u32 $0xFFFFFFF0, v63  }
0xe7: {  	v0 =	vor.u32 v0, v2  }
0xe8: {  	v2 =	vperm.xlane v0, v1;
	_ =	sdelay $0x1  }
0xe9: {  	v0 =	vperm.xlane v0, v4;
	v2 =	vadd.s32 v3, v2;
	_ =	sdelay $0x1  }
0xea: {  	v0 =	vadd.s32 v3, v0;
	_ =	sdelay $0x2  }
0xeb: {  	[tilespmem:s4], [sflag:$0x3] =	stream.indirect_vreg.gather [hbm4b:s5+s3], $0x80, v2, vm0, $0xb8;
	[tilespmem:$0x1C580] =	vst v63  }
0xec: {  	s11 =	simm.s32 $0x0  }
0xed: {  	[tilespmem:s18], [sflag:$0x3] =	stream.indirect_vreg.gather [hbm4b:s5+s3], $0x80, v0, vm0, $0xb8;
	[tilespmem:$0x1C580] =	vst v63  }
.LBB2_2:
0xee: {  	s19 =	sshll.u32 s11, $0x8;
	_ =	swait.ge [sflag:s1], $0x8000  }
0xef: {  	s19 =	sadd.s32 s8, s19;
	[sflag:s1] =	ssyncset.done $0x0  }
0xf0: {  	s22 =	simm.s32 $0x0;
	[sflag:s1] =	ssyncadd.s32 $0xFFFF8000;
	s23 =	sadd.s32 s6, s19  }
0xf1: {  	[tilespmem:s7], [sflag:$0x6] =	stream.linear.gather [hbm4b:s23+s22], $0x400, $0x38;
	[tilespmem:$0x1C580] =	vst v63  }
0xf2: {  	_ =	swait.ge [sflag:s15], $0x400  }
0xf3: {  	[sflag:s15] =	ssyncset.done $0x0  }
0xf4: {  	s23 =	sshrl.u32 s19, $0x4;
	[sflag:s15] =	ssyncadd.s32 $0xFFFFFC00  }
.LBB2_3:
0xf5: {  	s24 =	sshll.u32 s22, $0x4  }
0xf6: {  	s24 =	sand.u32 $0x3FFFFFF0, s24  }
0xf7: {  	s26 =	sor.u32 s23, s22;
	v0 =	vld [tilespmem:s24+$0xC000]  }
0xf8: {  	v2 =	vmov s26;
	_ =	sdelay $0x4  }
0xf9: {  	v5 =	vld.idx.msk [tilespmem:v2+s3+$0x0], $0xffff  }
0xfa: {  	v6 =	vld.idx.msk [tilespmem:v2+s16+$0x0], $0xffff  }
0xfb: {  	v3 =	vld.idx.msk [tilespmem:v0+s3+$0x0], $0xffff  }
0xfc: {  	v4 =	vld.idx.msk [tilespmem:v0+s16+$0x0], $0xffff  }
0xfd: {  	v2 =	vld.idx.msk [tilespmem:v2+s17+$0x0], $0xffff  }
0xfe: {  	v0 =	vld.idx.msk [tilespmem:v0+s17+$0x0], $0xffff;
	_ =	sdelay $0x2  }
0xff: {  	v3 =	vsub.f32 v3, v5;
	v4 =	vsub.f32 v4, v6;
	_ =	sdelay $0x1  }
0x100: {  	v0 =	vsub.f32 v0, v2;
	v41 =	vmul.f32 v3, v3;
	v42 =	vmul.f32 v4, v4;
	_ =	sdelay $0x1  }
0x101: {  	v0 =	vmul.f32 v0, v0;
	v2 =	vadd.f32 v42, v41;
	_ =	sdelay $0x1  }
0x102: {  	v0 =	vadd.f32 v0, v2;
	_ =	sdelay $0x1  }
0x103: {  	v2 =	vshra.s32 v0, $0x1  }
0x104: {  	v2 =	vadd.s32 $0x1FBD1DF5, v2  }
0x105: {  	(erf) = vrcp.f32 v2;
	_ =	sdelay $0x8  }
0x106: {  	v43 =	vpop (erf)  }
0x107: {  	v3 =	vmul.f32 v43, v0;
	_ =	sdelay $0x1  }
0x108: {  	v2 =	vadd.f32 v2, v3;
	_ =	sdelay $0x1  }
0x109: {  	v2 =	vmul.f32 $5.000000000e-01, v2;
	_ =	sdelay $0x1  }
0x10a: {  	(erf) = vrcp.f32 v2  }
0x10b: {  	s25 =	sshll.u32 s22, $0x7  }
0x10c: {  	s25 =	sand.u32 $0x3FFFFF80, s25  }
0x10d: {  	v34 =	vld [tilespmem:s25+$0x1C100]  }
0x10e: {  	v32 =	vld [tilespmem:s25+$0x1C110]  }
0x10f: {  	v33 =	vld [tilespmem:s25+$0x1C120]  }
0x110: {  	v31 =	vld [tilespmem:s25+$0x1C130]  }
0x111: {  	v27 =	vld [tilespmem:s25+$0x1C140]  }
0x112: {  	s26 =	sshll.u32 s22, $0xC;
	v28 =	vld [tilespmem:s25+$0x1C160]  }
0x113: {  	s24 =	sand.u32 $0x3FFFF000, s26;
	v30 =	vld [tilespmem:s25+$0x1C170];
	v44 =	vpop (erf)  }
0x114: {  	v52 =	vld [tilespmem:s24+$0xC290];
	v0 =	vmul.f32 v44, v0  }
0x115: {  	v8 =	vld [tilespmem:s24+$0xC2F0]  }
0x116: {  	v16 =	vld [tilespmem:s24+$0xC360];
	v0 =	vadd.f32 v0, v2  }
0x117: {  	v45 =	vld [tilespmem:s24+$0xC100]  }
0x118: {  	v46 =	vld [tilespmem:s24+$0xC110];
	v35 =	vmul.f32 $5.000000000e-01, v0  }
0x119: {  	v4 =	vld [tilespmem:s24+$0xC120]  }
0x11a: {  	v38 =	vld [tilespmem:s24+$0xC140];
	v52 =	vadd.f32 v52, v32;
	v47 =	vperm.xlane v35, v7  }
0x11b: {  	v18 =	vld [tilespmem:s24+$0xC3A0];
	v8 =	vadd.f32 v8, v30;
	v16 =	vadd.f32 v16, v28;
	v43 =	vperm.xlane v35, v12  }
0x11c: {  	v49 =	vld [tilespmem:s24+$0xC170];
	v2 =	vadd.f32 v45, v34;
	v5 =	vmul.f32 v47, v19;
	v7 =	vmul.f32 v47, v20  }
0x11d: {  	v6 =	vld [tilespmem:s24+$0xC130];
	v0 =	vadd.f32 v46, v32;
	v40 =	vmul.f32 v47, v23;
	v41 =	vmul.f32 v47, v24  }
0x11e: {  	v50 =	vld [tilespmem:s24+$0xC180];
	v4 =	vadd.f32 v4, v33;
	v56 =	vmul.f32 v47, v25;
	v3 =	vmul.f32 v47, v26  }
0x11f: {  	v39 =	vld [tilespmem:s24+$0xC160];
	v2 =	vadd.f32 v2, v5;
	v0 =	vadd.f32 v0, v7;
	v7 =	vmul.f32 v47, v21  }
0x120: {  	v29 =	vld [tilespmem:s25+$0x1C150];
	v18 =	vadd.f32 v18, v33;
	v59 =	vmul.f32 v43, v19;
	v46 =	vmul.f32 v43, v21  }
0x121: {  	v51 =	vmul.f32 v43, v24;
	v5 =	vld [tilespmem:s24+$0xC150];
	v37 =	vmax.f32 v2, $0.0e+00;
	v48 =	vadd.f32 v4, v7  }
0x122: {  	v11 =	vld [tilespmem:s24+$0xC1D0];
	v4 =	vadd.f32 v6, v31;
	v6 =	vmul.f32 v47, v22;
	v7 =	vadd.f32 v38, v27  }
0x123: {  	v57 =	vld [tilespmem:s24+$0xC1A0];
	v36 =	vmax.f32 v0, $0.0e+00;
	v2 =	vadd.f32 v49, v30;
	v38 =	vadd.f32 v50, v34  }
0x124: {  	v42 =	vld [tilespmem:s24+$0xC190];
	v47 =	vmul.f32 v43, v22;
	v4 =	vadd.f32 v4, v6;
	v6 =	vadd.f32 v39, v28  }
0x125: {  	v49 =	vmul.f32 v43, v23;
	v7 =	vadd.f32 v7, v40;
	v9 =	vadd.f32 v2, v3  }
0x126: {  	v53 =	vmax.f32 v48, $0.0e+00;
	v5 =	vadd.f32 v5, v29;
	v58 =	vadd.f32 v6, v56;
	v6 =	vld [tilespmem:s24+$0xC1B0]  }
0x127: {  	v45 =	vld [tilespmem:s24+$0xC1C0];
	v10 =	vadd.f32 v38, v59;
	v3 =	vadd.f32 v11, v29;
	v61 =	vmax.f32 v4, $0.0e+00  }
0x128: {  	v48 =	vmax.f32 v7, $0.0e+00;
	v7 =	vadd.f32 v57, v33;
	v5 =	vadd.f32 v5, v41  }
0x129: {  	v4 =	vadd.f32 v42, v32;
	v54 =	vmax.f32 v9, $0.0e+00;
	v0 =	vmax.f32 v10, $0.0e+00;
	v57 =	vld [tilespmem:s24+$0xC210]  }
0x12a: {  	v7 =	vadd.f32 v7, v46;
	v46 =	vld [tilespmem:s24+$0xC1F0];
	v44 =	vmax.f32 v5, $0.0e+00;
	v5 =	vmul.f32 v43, v20  }
0x12b: {  	v50 =	vld [tilespmem:s24+$0xC1E0];
	v3 =	vadd.f32 v3, v51;
	[tilespmem:s24+$0xC170] =	vst v54;
	v54 =	vimm.s32 $0x6;
	v6 =	vadd.f32 v6, v31  }
0x12c: {  	v39 =	vmax.f32 v58, $0.0e+00;
	v58 =	vld [tilespmem:s24+$0xC230];
	v4 =	vadd.f32 v4, v5;
	v5 =	vadd.f32 v45, v27  }
0x12d: {  	v40 =	vmax.f32 v3, $0.0e+00;
	v45 =	vmax.f32 v7, $0.0e+00;
	v6 =	vadd.f32 v6, v47;
	v47 =	vld [tilespmem:s24+$0xC200]  }
0x12e: {  	v7 =	vperm.xlane v35, v13;
	v5 =	vadd.f32 v5, v49;
	v55 =	vmax.f32 v4, $0.0e+00;
	v4 =	vld [tilespmem:s24+$0xC220]  }
0x12f: {  	v2 =	vadd.f32 v57, v32;
	v59 =	vadd.f32 v46, v30;
	v41 =	vmax.f32 v6, $0.0e+00  }
0x130: {  	v38 =	vmax.f32 v5, $0.0e+00;
	v5 =	vadd.f32 v50, v28;
	v6 =	vmul.f32 v43, v25  }
0x131: {  	v60 =	vmul.f32 v7, v19;
	v62 =	vmul.f32 v7, v20;
	v42 =	vadd.f32 v58, v31  }
0x132: {  	v63 =	vld [tilespmem:s24+$0xC240];
	v43 =	vmul.f32 v43, v26;
	v5 =	vadd.f32 v5, v6;
	v6 =	vadd.f32 v47, v34  }
0x133: {  	v9 =	vmul.f32 v7, v21;
	v49 =	vld [tilespmem:s24+$0xC250];
	v2 =	vadd.f32 v2, v62;
	v4 =	vadd.f32 v4, v33  }
0x134: {  	v51 =	vld [tilespmem:s24+$0xC260];
	v50 =	vmul.f32 v7, v22;
	v43 =	vadd.f32 v59, v43;
	v6 =	vadd.f32 v6, v60  }
0x135: {  	v62 =	vmul.f32 v7, v24;
	v3 =	vmax.f32 v5, $0.0e+00;
	v5 =	vld [tilespmem:s24+$0xC270];
	v4 =	vadd.f32 v4, v9  }
0x136: {  	v46 =	vmax.f32 v2, $0.0e+00;
	v58 =	vmax.f32 v43, $0.0e+00;
	v56 =	vmax.f32 v6, $0.0e+00  }
0x137: {  	v9 =	vld [tilespmem:s24+$0xC2B0];
	v43 =	vmax.f32 v4, $0.0e+00;
	v4 =	vadd.f32 v63, v27;
	v6 =	vmul.f32 v7, v23  }
0x138: {  	v11 =	vld [tilespmem:s24+$0xC280];
	v10 =	vadd.f32 v42, v50;
	[tilespmem:s24+$0xC210] =	vst v46;
	v46 =	vimm.s32 $0xA;
	v60 =	vadd.f32 v49, v29  }
0x139: {  	v57 =	vld [tilespmem:s24+$0xC2A0];
	v63 =	vmul.f32 v7, v25;
	v4 =	vadd.f32 v4, v6;
	v6 =	vadd.f32 v51, v28  }
0x13a: {  	v2 =	vadd.f32 v60, v62;
	v7 =	vmul.f32 v7, v26;
	v5 =	vadd.f32 v5, v30  }
0x13b: {  	v49 =	vmax.f32 v4, $0.0e+00;
	v4 =	vadd.f32 v6, v63;
	v6 =	vperm.xlane v35, v14  }
0x13c: {  	v42 =	vmax.f32 v10, $0.0e+00;
	v51 =	vadd.f32 v9, v31;
	v10 =	vadd.f32 v5, v7;
	v7 =	vld [tilespmem:s24+$0xC2C0]  }
0x13d: {  	[tilespmem:s24+$0xC200] =	vst v56;
	v56 =	vld [tilespmem:s24+$0xC480];
	v5 =	vadd.f32 v11, v34;
	v11 =	vmul.f32 v6, v19;
	v60 =	vmul.f32 v6, v20  }
0x13e: {  	v63 =	vld [tilespmem:s24+$0xC2D0];
	v59 =	vmax.f32 v4, $0.0e+00;
	v4 =	vadd.f32 v57, v33;
	v62 =	vmul.f32 v6, v21  }
0x13f: {  	v47 =	vmax.f32 v2, $0.0e+00;
	v2 =	vadd.f32 v5, v11;
	v5 =	vadd.f32 v52, v60;
	v52 =	vld [tilespmem:s24+$0xC2E0]  }
0x140: {  	v57 =	vmax.f32 v10, $0.0e+00;
	v4 =	vadd.f32 v4, v62;
	v60 =	vmul.f32 v6, v22  }
0x141: {  	v9 =	vmul.f32 v6, v23;
	v10 =	vld [tilespmem:s24+$0xC300];
	v1 =	vmul.f32 v6, v25;
	v7 =	vadd.f32 v7, v27  }
0x142: {  	[tilespmem:s24+$0xC240] =	vst v49;
	v49 =	vadd.f32 v56, v34;
	v11 =	vld [tilespmem:s24+$0xC320];
	v50 =	vmax.f32 v4, $0.0e+00;
	v4 =	vadd.f32 v51, v60  }
0x143: {  	v7 =	vadd.f32 v7, v9;
	v9 =	vadd.f32 v63, v29;
	v63 =	vmul.f32 v6, v24  }
0x144: {  	v62 =	vmax.f32 v5, $0.0e+00;
	v5 =	vld [tilespmem:s24+$0xC310];
	v60 =	vmax.f32 v4, $0.0e+00;
	v4 =	vadd.f32 v52, v28  }
0x145: {  	v12 =	vld [tilespmem:s24+$0xC340];
	v51 =	vmax.f32 v7, $0.0e+00;
	v7 =	vadd.f32 v9, v63;
	v9 =	vperm.xlane v35, v15  }
0x146: {  	[tilespmem:s24+$0xC270] =	vst v57;
	v57 =	vimm.s32 $0x8;
	v6 =	vmul.f32 v6, v26;
	v10 =	vadd.f32 v10, v34;
	v52 =	vld [tilespmem:s24+$0xC330]  }
0x147: {  	v11 =	vadd.f32 v11, v33;
	v15 =	vld [tilespmem:s24+$0xC350];
	v4 =	vadd.f32 v4, v1;
	v1 =	vmul.f32 v9, v19  }
0x148: {  	v8 =	vadd.f32 v8, v6;
	v13 =	vmul.f32 v9, v20;
	v14 =	vmul.f32 v9, v21  }
0x149: {  	[tilespmem:s24+$0xC100] =	vst v37;
	v5 =	vadd.f32 v5, v32;
	v17 =	vmul.f32 v9, v22;
	v37 =	vmul.f32 v9, v25  }
0x14a: {  	v10 =	vadd.f32 v10, v1;
	v6 =	vmax.f32 v4, $0.0e+00;
	v11 =	vadd.f32 v11, v14;
	v14 =	vld [tilespmem:s24+$0xC370]  }
0x14b: {  	v13 =	vadd.f32 v5, v13;
	v5 =	vmax.f32 v8, $0.0e+00;
	v1 =	vadd.f32 v12, v27  }
0x14c: {  	v12 =	vmul.f32 v9, v23;
	v8 =	vadd.f32 v52, v31;
	v15 =	vadd.f32 v15, v29  }
0x14d: {  	v4 =	vmax.f32 v10, $0.0e+00;
	v63 =	vmax.f32 v13, $0.0e+00;
	v52 =	vmax.f32 v11, $0.0e+00;
	v10 =	vld [tilespmem:s24+$0xC380]  }
0x14e: {  	v13 =	vld [tilespmem:s24+$0xC390];
	v11 =	vadd.f32 v1, v12;
	v8 =	vadd.f32 v8, v17;
	v17 =	vmul.f32 v9, v24  }
0x14f: {  	[tilespmem:s24+$0xC110] =	vst v36;
	v1 =	vimm.s32 $0x5;
	v9 =	vmul.f32 v9, v26;
	v14 =	vadd.f32 v14, v30  }
0x150: {  	[tilespmem:s24+$0xC130] =	vst v61;
	v61 =	vmax.f32 v11, $0.0e+00;
	v11 =	vld [tilespmem:s24+$0xC3E0];
	v12 =	vadd.f32 v15, v17;
	v15 =	vperm.xlane v35, v1  }
0x151: {  	[tilespmem:s24+$0xC120] =	vst v53;
	v36 =	vmax.f32 v8, $0.0e+00;
	v8 =	vadd.f32 v16, v37;
	v17 =	vld [tilespmem:s24+$0xC3C0];
	v9 =	vadd.f32 v14, v9  }
0x152: {  	[tilespmem:s24+$0xC140] =	vst v48;
	v14 =	vld [tilespmem:s24+$0xC3B0];
	v10 =	vadd.f32 v10, v34;
	v16 =	vmul.f32 v15, v19;
	v53 =	vmul.f32 v15, v21  }
0x153: {  	[tilespmem:s24+$0xC150] =	vst v44;
	v1 =	vld [tilespmem:s24+$0xC3D0];
	v13 =	vadd.f32 v13, v32;
	v37 =	vmul.f32 v15, v20;
	v44 =	vmax.f32 v12, $0.0e+00  }
0x154: {  	[tilespmem:s24+$0xC160] =	vst v39;
	v39 =	vmax.f32 v8, $0.0e+00;
	v10 =	vadd.f32 v10, v16;
	v12 =	vadd.f32 v18, v53  }
0x155: {  	[tilespmem:s24+$0xC180] =	vst v0;
	v8 =	vadd.f32 v13, v37;
	v13 =	vld [tilespmem:s24+$0xC3F0];
	v48 =	vmax.f32 v9, $0.0e+00;
	v16 =	vmul.f32 v15, v24  }
0x156: {  	[tilespmem:s24+$0xC190] =	vst v55;
	v11 =	vadd.f32 v11, v28;
	v55 =	vadd.f32 v17, v27;
	v17 =	vld [tilespmem:s24+$0xC420];
	v0 =	vmax.f32 v12, $0.0e+00  }
0x157: {  	v12 =	vmul.f32 v15, v23;
	v9 =	vadd.f32 v14, v31;
	v14 =	vmul.f32 v15, v22  }
0x158: {  	v18 =	vmul.f32 v15, v25;
	v1 =	vadd.f32 v1, v29;
	v37 =	vmax.f32 v8, $0.0e+00;
	v8 =	vld [tilespmem:s24+$0xC400]  }
0x159: {  	v53 =	vmax.f32 v10, $0.0e+00;
	v10 =	vadd.f32 v55, v12;
	v9 =	vadd.f32 v9, v14;
	v14 =	vld [tilespmem:s24+$0xC410]  }
0x15a: {  	v15 =	vmul.f32 v15, v26;
	v1 =	vadd.f32 v1, v16;
	v16 =	vld [tilespmem:s24+$0xC430];
	v13 =	vadd.f32 v13, v30  }
0x15b: {  	[tilespmem:s24+$0xC1B0] =	vst v41;
	v12 =	vperm.xlane v35, v54;
	v17 =	vadd.f32 v17, v33;
	v41 =	vmax.f32 v10, $0.0e+00;
	v10 =	vld [tilespmem:s24+$0xC460]  }
0x15c: {  	[tilespmem:s24+$0xC1C0] =	vst v38;
	v38 =	vmax.f32 v9, $0.0e+00;
	v9 =	vadd.f32 v11, v18;
	v11 =	vadd.f32 v13, v15;
	v13 =	vld [tilespmem:s24+$0xC440]  }
0x15d: {  	[tilespmem:s24+$0xC1E0] =	vst v3;
	v55 =	vmul.f32 v12, v21;
	v3 =	vadd.f32 v8, v34;
	v8 =	vmul.f32 v12, v19;
	v15 =	vld [tilespmem:s24+$0xC450]  }
0x15e: {  	v54 =	vimm.s32 $0x7;
	v18 =	vmul.f32 v12, v20;
	v14 =	vadd.f32 v14, v32  }
0x15f: {  	[tilespmem:s24+$0xC1F0] =	vst v58;
	v58 =	vadd.f32 v3, v8;
	v3 =	vmax.f32 v9, $0.0e+00;
	v9 =	vadd.f32 v17, v55  }
0x160: {  	v17 =	vld [tilespmem:s24+$0xC470];
	v55 =	vmul.f32 v12, v24;
	v8 =	vadd.f32 v14, v18;
	v14 =	vadd.f32 v16, v31  }
0x161: {  	v16 =	vmul.f32 v12, v22;
	v13 =	vadd.f32 v13, v27;
	v18 =	vmul.f32 v12, v23  }
0x162: {  	[tilespmem:s24+$0xC220] =	vst v43;
	v43 =	vmax.f32 v58, $0.0e+00;
	v10 =	vadd.f32 v10, v28;
	v15 =	vadd.f32 v15, v29  }
0x163: {  	[tilespmem:s24+$0xC230] =	vst v42;
	v58 =	vadd.f32 v14, v16;
	v42 =	vmax.f32 v8, $0.0e+00;
	v8 =	vadd.f32 v13, v18  }
0x164: {  	v14 =	vld [tilespmem:s24+$0xC490];
	v13 =	vadd.f32 v15, v55;
	v15 =	vmul.f32 v12, v25;
	v16 =	vperm.xlane v35, v54  }
0x165: {  	[tilespmem:s24+$0xC1D0] =	vst v40;
	v2 =	vmax.f32 v2, $0.0e+00;
	v7 =	vmax.f32 v7, $0.0e+00;
	v18 =	vld [tilespmem:s24+$0xC4A0];
	v17 =	vadd.f32 v17, v30  }
0x166: {  	[tilespmem:s24+$0xC260] =	vst v59;
	v12 =	vmul.f32 v12, v26;
	v54 =	vld [tilespmem:s24+$0xC4B0];
	v59 =	vadd.f32 v10, v15;
	v15 =	vmul.f32 v16, v19  }
0x167: {  	[tilespmem:s24+$0xC280] =	vst v2;
	v40 =	vmax.f32 v1, $0.0e+00;
	v11 =	vmax.f32 v11, $0.0e+00;
	v9 =	vmax.f32 v9, $0.0e+00;
	v55 =	vld [tilespmem:s24+$0xC4C0]  }
0x168: {  	[tilespmem:s24+$0xC290] =	vst v62;
	v12 =	vadd.f32 v17, v12;
	v17 =	vmul.f32 v16, v20;
	v10 =	vadd.f32 v49, v15;
	v15 =	vld [tilespmem:s24+$0xC4D0]  }
0x169: {  	[tilespmem:s24+$0xC2F0] =	vst v5;
	v1 =	vmax.f32 v58, $0.0e+00;
	v49 =	vmax.f32 v59, $0.0e+00;
	v59 =	vld [tilespmem:s24+$0xC900];
	v14 =	vadd.f32 v14, v32  }
0x16a: {  	[tilespmem:s24+$0xC310] =	vst v63;
	v63 =	vld [tilespmem:s24+$0xC920];
	v8 =	vmax.f32 v8, $0.0e+00;
	v13 =	vmax.f32 v13, $0.0e+00;
	v5 =	vmul.f32 v16, v23  }
0x16b: {  	v56 =	vld [tilespmem:s24+$0xC4E0];
	[tilespmem:s24+$0xC2B0] =	vst v60;
	v14 =	vadd.f32 v14, v17;
	v17 =	vadd.f32 v18, v33;
	v18 =	vmul.f32 v16, v21  }
0x16c: {  	[tilespmem:s24+$0xC2E0] =	vst v6;
	v60 =	vmul.f32 v16, v24;
	v12 =	vmax.f32 v12, $0.0e+00;
	v6 =	vadd.f32 v54, v31  }
0x16d: {  	v62 =	vld [tilespmem:s24+$0xC910];
	[tilespmem:s24+$0xC2D0] =	vst v7;
	v58 =	vadd.f32 v17, v18;
	v17 =	vmul.f32 v16, v22;
	v18 =	vadd.f32 v55, v27  }
0x16e: {  	[tilespmem:s24+$0xC320] =	vst v52;
	v7 =	vmax.f32 v10, $0.0e+00;
	v15 =	vadd.f32 v15, v29;
	v52 =	vadd.f32 v59, v34  }
0x16f: {  	[tilespmem:s24+$0xC300] =	vst v4;
	v2 =	vmax.f32 v14, $0.0e+00;
	v59 =	vadd.f32 v63, v33;
	v4 =	vadd.f32 v6, v17  }
0x170: {  	[tilespmem:s24+$0xC1A0] =	vst v45;
	v14 =	vld [tilespmem:s24+$0xC4F0];
	v6 =	vadd.f32 v56, v28;
	v17 =	vmul.f32 v16, v25;
	v5 =	vadd.f32 v18, v5  }
0x171: {  	[tilespmem:s24+$0xC250] =	vst v47;
	v55 =	vld [tilespmem:s24+$0xC940];
	v15 =	vadd.f32 v15, v60;
	v18 =	vperm.xlane v35, v57;
	v10 =	vmax.f32 v58, $0.0e+00  }
0x172: {  	[tilespmem:s24+$0xC2A0] =	vst v50;
	v16 =	vmul.f32 v16, v26;
	v57 =	vadd.f32 v62, v32;
	v6 =	vadd.f32 v6, v17  }
0x173: {  	[tilespmem:s24+$0xC2C0] =	vst v51;
	v56 =	vld [tilespmem:s24+$0xC950];
	v54 =	vmul.f32 v18, v19;
	v4 =	vmax.f32 v4, $0.0e+00;
	v58 =	vmul.f32 v18, v20  }
0x174: {  	[tilespmem:s24+$0xC340] =	vst v61;
	v17 =	vld [tilespmem:s24+$0xC930];
	v5 =	vmax.f32 v5, $0.0e+00;
	v15 =	vmax.f32 v15, $0.0e+00;
	v60 =	vmul.f32 v18, v21  }
0x175: {  	[tilespmem:s24+$0xC360] =	vst v39;
	v61 =	vmul.f32 v18, v22;
	v14 =	vadd.f32 v14, v30;
	v39 =	vadd.f32 v57, v58;
	v57 =	vld [tilespmem:s24+$0xC980]  }
0x176: {  	[tilespmem:s24+$0xC380] =	vst v53;
	v63 =	vmul.f32 v18, v23;
	v62 =	vadd.f32 v55, v27;
	v53 =	vadd.f32 v59, v60;
	v59 =	vld [tilespmem:s24+$0xC9A0]  }
0x177: {  	[tilespmem:s24+$0xC330] =	vst v36;
	v6 =	vmax.f32 v6, $0.0e+00;
	v14 =	vadd.f32 v14, v16;
	v16 =	vadd.f32 v52, v54;
	v52 =	vld [tilespmem:s24+$0xC960]  }
0x178: {  	[tilespmem:s24+$0xC390] =	vst v37;
	v54 =	vld [tilespmem:s24+$0xC970];
	v55 =	vadd.f32 v62, v63;
	v36 =	vadd.f32 v56, v29;
	v56 =	vmul.f32 v18, v24  }
0x179: {  	[tilespmem:s24+$0xC3B0] =	vst v38;
	v58 =	vld [tilespmem:s24+$0xC990];
	v62 =	vmul.f32 v18, v25;
	v18 =	vmul.f32 v18, v26;
	v38 =	vmax.f32 v39, $0.0e+00  }
0x17a: {  	[tilespmem:s24+$0xC3A0] =	vst v0;
	v37 =	vmax.f32 v53, $0.0e+00;
	v17 =	vadd.f32 v17, v31;
	v14 =	vmax.f32 v14, $0.0e+00  }
0x17b: {  	[tilespmem:s24+$0xC3C0] =	vst v41;
	v63 =	vld [tilespmem:s24+$0xC9B0];
	v16 =	vmax.f32 v16, $0.0e+00;
	v0 =	vmax.f32 v55, $0.0e+00;
	v36 =	vadd.f32 v36, v56  }
0x17c: {  	[tilespmem:s24+$0xC900] =	vst v16;
	v16 =	vld [tilespmem:s24+$0xCA90];
	v17 =	vadd.f32 v17, v61;
	v61 =	vimm.s32 $0x9;
	v41 =	vadd.f32 v59, v33  }
0x17d: {  	[tilespmem:s24+$0xC350] =	vst v44;
	v60 =	vadd.f32 v52, v28;
	v47 =	vperm.xlane v35, v61;
	v50 =	vadd.f32 v54, v30  }
0x17e: {  	[tilespmem:s24+$0xC3E0] =	vst v3;
	v3 =	vmax.f32 v36, $0.0e+00;
	v52 =	vadd.f32 v57, v34;
	v54 =	vadd.f32 v58, v32  }
0x17f: {  	[tilespmem:s24+$0xC370] =	vst v48;
	v58 =	vld [tilespmem:s24+$0xC9D0];
	v17 =	vmax.f32 v17, $0.0e+00;
	v51 =	vadd.f32 v60, v62;
	v53 =	vmul.f32 v47, v19  }
0x180: {  	[tilespmem:s24+$0xC3D0] =	vst v40;
	v56 =	vld [tilespmem:s24+$0xC9C0];
	v18 =	vadd.f32 v50, v18;
	v55 =	vmul.f32 v47, v20;
	v57 =	vmul.f32 v47, v21  }
0x181: {  	[tilespmem:s24+$0xC3F0] =	vst v11;
	v60 =	vadd.f32 v63, v31;
	v61 =	vmul.f32 v47, v22;
	v62 =	vld [tilespmem:s24+$0xC9E0];
	v16 =	vadd.f32 v16, v32  }
0x182: {  	[tilespmem:s24+$0xC420] =	vst v9;
	v63 =	vld [tilespmem:s24+$0xC9F0];
	v48 =	vmul.f32 v47, v23;
	v40 =	vadd.f32 v52, v53;
	v59 =	vadd.f32 v54, v55  }
0x183: {  	[tilespmem:s24+$0xC430] =	vst v1;
	v50 =	vld [tilespmem:s24+$0xCA00];
	v1 =	vmax.f32 v51, $0.0e+00;
	v11 =	vmax.f32 v18, $0.0e+00;
	v18 =	vadd.f32 v41, v57  }
0x184: {  	[tilespmem:s24+$0xC440] =	vst v8;
	v36 =	vadd.f32 v60, v61;
	v52 =	vmul.f32 v47, v24;
	v51 =	vadd.f32 v58, v29  }
0x185: {  	[tilespmem:s24+$0xC450] =	vst v13;
	v53 =	vld [tilespmem:s24+$0xCA10];
	v54 =	vmul.f32 v47, v25;
	v13 =	vmax.f32 v18, $0.0e+00;
	v18 =	vadd.f32 v56, v27  }
0x186: {  	[tilespmem:s24+$0xC480] =	vst v7;
	v55 =	vld [tilespmem:s24+$0xCA20];
	v8 =	vmax.f32 v40, $0.0e+00;
	v9 =	vmax.f32 v59, $0.0e+00;
	v7 =	vadd.f32 v51, v52  }
0x187: {  	[tilespmem:s24+$0xC470] =	vst v12;
	v56 =	vmul.f32 v47, v26;
	v59 =	vld [tilespmem:s24+$0xCA40];
	v41 =	vadd.f32 v63, v30;
	v12 =	vadd.f32 v18, v48  }
0x188: {  	[tilespmem:s24+$0xC400] =	vst v43;
	v36 =	vmax.f32 v36, $0.0e+00;
	v40 =	vadd.f32 v50, v34;
	v63 =	vld [tilespmem:s24+$0xCA50];
	v18 =	vadd.f32 v62, v28  }
0x189: {  	[tilespmem:s24+$0xC490] =	vst v2;
	v50 =	vld [tilespmem:s24+$0xCA70];
	v7 =	vmax.f32 v7, $0.0e+00;
	v58 =	vadd.f32 v41, v56;
	v2 =	vmax.f32 v12, $0.0e+00  }
0x18a: {  	[tilespmem:s24+$0xC4A0] =	vst v10;
	v52 =	vld [tilespmem:s24+$0xCA80];
	v12 =	vadd.f32 v18, v54;
	v18 =	vperm.xlane v35, v46;
	v54 =	vimm.s32 $0xB  }
0x18b: {  	[tilespmem:s24+$0xC4B0] =	vst v4;
	v48 =	vld [tilespmem:s24+$0xCA60];
	v60 =	vadd.f32 v53, v32;
	v10 =	vmax.f32 v58, $0.0e+00;
	v41 =	vperm.xlane v35, v54  }
0x18c: {  	[tilespmem:s24+$0xC4F0] =	vst v14;
	v14 =	vadd.f32 v59, v27;
	v4 =	vmul.f32 v18, v19;
	v61 =	vmul.f32 v18, v20  }
0x18d: {  	[tilespmem:s24+$0xC4C0] =	vst v5;
	v57 =	vld [tilespmem:s24+$0xCA30];
	v5 =	vmax.f32 v12, $0.0e+00;
	v12 =	vadd.f32 v55, v33;
	v62 =	vmul.f32 v18, v21  }
0x18e: {  	[tilespmem:s24+$0xC460] =	vst v49;
	v49 =	vmul.f32 v18, v22;
	v51 =	vmul.f32 v18, v23;
	v53 =	vadd.f32 v63, v29  }
0x18f: {  	[tilespmem:s24+$0xC4D0] =	vst v15;
	v47 =	vld [tilespmem:s24+$0xCAC0];
	v55 =	vmul.f32 v18, v24;
	v59 =	vadd.f32 v50, v30;
	v63 =	vadd.f32 v52, v34  }
0x190: {  	[tilespmem:s24+$0xC4E0] =	vst v6;
	v56 =	vadd.f32 v48, v28;
	v45 =	vmul.f32 v41, v19;
	v4 =	vadd.f32 v40, v4  }
0x191: {  	[tilespmem:s24+$0xC980] =	vst v8;
	v8 =	vmul.f32 v41, v21;
	v15 =	vadd.f32 v60, v61;
	v6 =	vadd.f32 v12, v62  }
0x192: {  	[tilespmem:s24+$0xC410] =	vst v42;
	v58 =	vld [tilespmem:s24+$0xCAA0];
	v54 =	vmul.f32 v41, v23;
	v12 =	vadd.f32 v57, v31;
	v14 =	vadd.f32 v14, v51  }
0x193: {  	[tilespmem:s24+$0xC930] =	vst v17;
	v57 =	vmul.f32 v18, v25;
	v17 =	vadd.f32 v53, v55;
	v60 =	vimm.s32 $0xC  }
0x194: {  	[tilespmem:s24+$0xC910] =	vst v38;
	v18 =	vmul.f32 v18, v26;
	v61 =	vld [tilespmem:s24+$0xCAB0];
	v51 =	vmul.f32 v41, v22;
	v53 =	vadd.f32 v47, v27  }
0x195: {  	[tilespmem:s24+$0xC920] =	vst v37;
	v55 =	vld [tilespmem:s24+$0xCB10];
	v47 =	vimm.s32 $0xD;
	v4 =	vmax.f32 v4, $0.0e+00;
	v15 =	vmax.f32 v15, $0.0e+00  }
0x196: {  	[tilespmem:s24+$0xC940] =	vst v0;
	v6 =	vmax.f32 v6, $0.0e+00;
	v12 =	vadd.f32 v12, v49;
	v46 =	vadd.f32 v59, v18;
	v49 =	vld [tilespmem:s24+$0xCAD0]  }
0x197: {  	[tilespmem:s24+$0xC950] =	vst v3;
	v18 =	vmul.f32 v41, v20;
	v50 =	vmax.f32 v17, $0.0e+00;
	v17 =	vadd.f32 v58, v33;
	v58 =	vld [tilespmem:s24+$0xCB20]  }
0x198: {  	[tilespmem:s24+$0xC960] =	vst v1;
	v62 =	vadd.f32 v56, v57;
	v56 =	vmul.f32 v41, v24;
	v59 =	vld [tilespmem:s24+$0xCB30];
	v48 =	vmax.f32 v12, $0.0e+00  }
0x199: {  	[tilespmem:s24+$0xC970] =	vst v11;
	v12 =	vmax.f32 v14, $0.0e+00;
	v14 =	vadd.f32 v63, v45;
	v16 =	vadd.f32 v16, v18;
	v18 =	vld [tilespmem:s24+$0xCAE0]  }
0x19a: {  	v43 =	vld [tilespmem:s24+$0xCB70];
	[tilespmem:s24+$0xC990] =	vst v9;
	v57 =	vmul.f32 v41, v25;
	v0 =	vmax.f32 v62, $0.0e+00;
	v39 =	vadd.f32 v61, v31  }
0x19b: {  	[tilespmem:s24+$0xC9A0] =	vst v13;
	v3 =	vmax.f32 v46, $0.0e+00;
	v8 =	vadd.f32 v17, v8;
	v17 =	vld [tilespmem:s24+$0xCB00];
	v52 =	vmax.f32 v14, $0.0e+00  }
0x19c: {  	[tilespmem:s24+$0xC9B0] =	vst v36;
	v61 =	vld [tilespmem:s24+$0xCB40];
	v13 =	vmax.f32 v16, $0.0e+00;
	v16 =	vadd.f32 v39, v51;
	v37 =	vadd.f32 v49, v29  }
0x19d: {  	[tilespmem:s24+$0xC9D0] =	vst v7;
	v45 =	vld [tilespmem:s24+$0xCB80];
	v7 =	vmax.f32 v8, $0.0e+00;
	v39 =	vadd.f32 v55, v32;
	v63 =	vadd.f32 v58, v33  }
0x19e: {  	v14 =	vld [tilespmem:s24+$0xCAF0];
	v42 =	vadd.f32 v59, v31;
	[tilespmem:s24+$0xCA90] =	vst v13;
	v13 =	vperm.xlane v35, v47;
	v18 =	vadd.f32 v18, v28  }
0x19f: {  	[tilespmem:s24+$0xC9C0] =	vst v2;
	v8 =	vmax.f32 v16, $0.0e+00;
	v16 =	vadd.f32 v53, v54;
	v2 =	vadd.f32 v37, v56  }
0x1a0: {  	[tilespmem:s24+$0xC9F0] =	vst v10;
	v51 =	vld [tilespmem:s24+$0xCBB0];
	v58 =	vimm.s32 $0xE;
	v17 =	vadd.f32 v17, v34;
	v37 =	vadd.f32 v43, v30  }
0x1a1: {  	[tilespmem:s24+$0xC9E0] =	vst v5;
	v53 =	vmul.f32 v13, v19;
	v54 =	vmul.f32 v13, v21;
	v38 =	vadd.f32 v61, v27  }
0x1a2: {  	v56 =	vmul.f32 v13, v22;
	[tilespmem:s24+$0xCAB0] =	vst v8;
	v8 =	vadd.f32 v45, v34;
	v5 =	vadd.f32 v18, v57  }
0x1a3: {  	[tilespmem:s24+$0xCA10] =	vst v15;
	v18 =	vperm.xlane v35, v60;
	v60 =	vadd.f32 v14, v30;
	v15 =	vmax.f32 v16, $0.0e+00  }
0x1a4: {  	v14 =	vmul.f32 v41, v26;
	v2 =	vmax.f32 v2, $0.0e+00;
	v16 =	vld [tilespmem:s24+$0xCB60];
	[tilespmem:s24+$0xCAC0] =	vst v15;
	v15 =	vmul.f32 v13, v20  }
0x1a5: {  	v36 =	vld [tilespmem:s24+$0xCC20];
	[tilespmem:s24+$0xCA00] =	vst v4;
	v55 =	vadd.f32 v8, v53;
	v8 =	vadd.f32 v51, v31;
	v4 =	vmul.f32 v18, v19  }
0x1a6: {  	[tilespmem:s24+$0xCA40] =	vst v12;
	v62 =	vmul.f32 v18, v20;
	v10 =	vadd.f32 v60, v14;
	v12 =	vmul.f32 v18, v22  }
0x1a7: {  	[tilespmem:s24+$0xCA50] =	vst v50;
	v14 =	vld [tilespmem:s24+$0xCB50];
	v5 =	vmax.f32 v5, $0.0e+00;
	v44 =	vmul.f32 v18, v23;
	v50 =	vmul.f32 v18, v25  }
0x1a8: {  	[tilespmem:s24+$0xCA20] =	vst v6;
	v8 =	vadd.f32 v8, v56;
	v4 =	vadd.f32 v17, v4;
	v17 =	vmul.f32 v18, v21  }
0x1a9: {  	[tilespmem:s24+$0xCAD0] =	vst v2;
	v60 =	vld [tilespmem:s24+$0xCC00];
	v6 =	vadd.f32 v39, v62;
	v10 =	vmax.f32 v10, $0.0e+00;
	v16 =	vadd.f32 v16, v28  }
0x1aa: {  	v2 =	vmax.f32 v55, $0.0e+00;
	[tilespmem:s24+$0xCAF0] =	vst v10;
	v10 =	vadd.f32 v36, v33;
	v1 =	vadd.f32 v63, v17;
	v17 =	vld [tilespmem:s24+$0xCB90]  }
0x1ab: {  	[tilespmem:s24+$0xCA30] =	vst v48;
	v40 =	vmax.f32 v8, $0.0e+00;
	v4 =	vmax.f32 v4, $0.0e+00;
	v46 =	vmax.f32 v6, $0.0e+00  }
0x1ac: {  	[tilespmem:s24+$0xCA70] =	vst v3;
	v49 =	vld [tilespmem:s24+$0xCBA0];
	v6 =	vadd.f32 v42, v12;
	v48 =	vadd.f32 v14, v29;
	v14 =	vmul.f32 v18, v24  }
0x1ad: {  	[tilespmem:s24+$0xCAA0] =	vst v7;
	v57 =	vld [tilespmem:s24+$0xCBE0];
	v12 =	vadd.f32 v38, v44;
	v63 =	vperm.xlane v35, v58;
	v18 =	vmul.f32 v18, v26  }
0x1ae: {  	v7 =	vadd.f32 v16, v50;
	[tilespmem:s24+$0xCB00] =	vst v4;
	v4 =	vmul.f32 v13, v23;
	v3 =	vadd.f32 v48, v14;
	v14 =	vld [tilespmem:s24+$0xCBC0]  }
0x1af: {  	[tilespmem:s24+$0xCA60] =	vst v0;
	v11 =	vadd.f32 v60, v34;
	v1 =	vmax.f32 v1, $0.0e+00;
	v16 =	vadd.f32 v17, v32;
	v17 =	vld [tilespmem:s24+$0xCBD0]  }
0x1b0: {  	[tilespmem:s24+$0xCAE0] =	vst v5;
	v6 =	vmax.f32 v6, $0.0e+00;
	v5 =	vmax.f32 v12, $0.0e+00;
	v39 =	vmul.f32 v63, v21  }
0x1b1: {  	[tilespmem:s24+$0xCA80] =	vst v52;
	v44 =	vld [tilespmem:s24+$0xCCA0];
	v8 =	vmul.f32 v63, v23;
	v52 =	vadd.f32 v37, v18;
	v18 =	vadd.f32 v49, v33  }
0x1b2: {  	v43 =	vmul.f32 v63, v24;
	v61 =	vmax.f32 v7, $0.0e+00;
	[tilespmem:s24+$0xCB30] =	vst v6;
	v12 =	vadd.f32 v16, v15;
	v16 =	vld [tilespmem:s24+$0xCBF0]  }
0x1b3: {  	v6 =	vadd.f32 v57, v28;
	[tilespmem:s24+$0xCB40] =	vst v5;
	v5 =	vmul.f32 v13, v26;
	v15 =	vadd.f32 v18, v54;
	v18 =	vld [tilespmem:s24+$0xCC10]  }
0x1b4: {  	[tilespmem:s24+$0xCB10] =	vst v46;
	v46 =	vld [tilespmem:s24+$0xCCB0];
	v59 =	vadd.f32 v14, v27;
	v14 =	vadd.f32 v17, v29;
	v17 =	vmul.f32 v13, v24  }
0x1b5: {  	[tilespmem:s24+$0xCB80] =	vst v2;
	v2 =	vadd.f32 v10, v39;
	v3 =	vmax.f32 v3, $0.0e+00;
	v38 =	vmax.f32 v12, $0.0e+00;
	v12 =	vld [tilespmem:s24+$0xCC50]  }
0x1b6: {  	[tilespmem:s24+$0xCBB0] =	vst v40;
	v62 =	vadd.f32 v59, v4;
	v4 =	vadd.f32 v14, v17;
	v14 =	vmul.f32 v13, v25  }
0x1b7: {  	[tilespmem:s24+$0xCB20] =	vst v1;
	v7 =	vmax.f32 v52, $0.0e+00;
	v9 =	vadd.f32 v44, v33;
	v16 =	vadd.f32 v16, v30;
	v17 =	vld [tilespmem:s24+$0xCC30]  }
0x1b8: {  	[tilespmem:s24+$0xCB60] =	vst v61;
	v2 =	vmax.f32 v2, $0.0e+00;
	v37 =	vadd.f32 v6, v14;
	v6 =	vadd.f32 v18, v32;
	v18 =	vld [tilespmem:s24+$0xCC40]  }
0x1b9: {  	[tilespmem:s24+$0xCB50] =	vst v3;
	v10 =	vadd.f32 v46, v31;
	v13 =	vmul.f32 v63, v19;
	v14 =	vmul.f32 v63, v20  }
0x1ba: {  	[tilespmem:s24+$0xCB70] =	vst v7;
	v7 =	vmax.f32 v15, $0.0e+00;
	v5 =	vadd.f32 v16, v5;
	v16 =	vld [tilespmem:s24+$0xCC70];
	v42 =	vadd.f32 v12, v29  }
0x1bb: {  	[tilespmem:s24+$0xCC20] =	vst v2;
	v1 =	vmax.f32 v62, $0.0e+00;
	v11 =	vadd.f32 v11, v13;
	v13 =	vld [tilespmem:s24+$0xCC60];
	v6 =	vadd.f32 v6, v14  }
0x1bc: {  	v15 =	vmul.f32 v63, v22;
	[tilespmem:s24+$0xCBC0] =	vst v1;
	v1 =	vadd.f32 v42, v43;
	v14 =	vadd.f32 v17, v31  }
0x1bd: {  	[tilespmem:s24+$0xCB90] =	vst v38;
	v4 =	vmax.f32 v4, $0.0e+00;
	v3 =	vmax.f32 v37, $0.0e+00;
	v41 =	vadd.f32 v18, v27  }
0x1be: {  	[tilespmem:s24+$0xCBA0] =	vst v7;
	v12 =	vld [tilespmem:s24+$0xCC80];
	v45 =	vmax.f32 v5, $0.0e+00;
	v1 =	vmax.f32 v1, $0.0e+00;
	v7 =	vadd.f32 v14, v15  }
0x1bf: {  	[tilespmem:s24+$0xCBD0] =	vst v4;
	v4 =	vadd.f32 v16, v30;
	v0 =	vadd.f32 v41, v8;
	v8 =	vmul.f32 v63, v26  }
0x1c0: {  	[tilespmem:s24+$0xCBE0] =	vst v3;
	v13 =	vadd.f32 v13, v28;
	v14 =	vmul.f32 v63, v25;
	v15 =	vld [tilespmem:s24+$0xCC90];
	v16 =	vimm.s32 $0xF  }
0x1c1: {  	[tilespmem:s24+$0xCBF0] =	vst v45;
	v47 =	vadd.f32 v4, v8;
	v4 =	vmax.f32 v11, $0.0e+00;
	v8 =	vperm.xlane v35, v16  }
0x1c2: {  	v5 =	vadd.f32 v13, v14;
	v0 =	vmax.f32 v0, $0.0e+00;
	[tilespmem:s24+$0xCC00] =	vst v4;
	v4 =	vmax.f32 v6, $0.0e+00  }
0x1c3: {  	v14 =	vld [tilespmem:s24+$0xCCD0];
	v6 =	vmax.f32 v7, $0.0e+00;
	[tilespmem:s24+$0xCC10] =	vst v4;
	v4 =	vadd.f32 v12, v34;
	v7 =	vmul.f32 v8, v19  }
0x1c4: {  	v5 =	vmax.f32 v5, $0.0e+00;
	v12 =	vld [tilespmem:s24+$0xCCC0];
	[tilespmem:s24+$0xCC30] =	vst v6;
	v6 =	vmul.f32 v8, v21;
	v13 =	vmul.f32 v8, v22  }
0x1c5: {  	[tilespmem:s24+$0xCC50] =	vst v1;
	v48 =	vadd.f32 v15, v32;
	v49 =	vmul.f32 v8, v20;
	v50 =	vadd.f32 v4, v7;
	v4 =	vld [tilespmem:s24+$0xCCE0]  }
0x1c6: {  	[tilespmem:s24+$0xCC40] =	vst v0;
	v3 =	vmax.f32 v47, $0.0e+00;
	v51 =	vadd.f32 v9, v6;
	v6 =	vadd.f32 v10, v13;
	v7 =	vld [tilespmem:s24+$0xCCF0]  }
0x1c7: {  	[tilespmem:s24+$0xCC60] =	vst v5;
	v5 =	vmul.f32 v8, v23;
	v54 =	vmul.f32 v8, v24;
	v2 =	vadd.f32 v48, v49  }
0x1c8: {  	[tilespmem:s24+$0xCC70] =	vst v3;
	v0 =	vmax.f32 v50, $0.0e+00;
	v53 =	vmax.f32 v6, $0.0e+00;
	v6 =	vadd.f32 v14, v29  }
0x1c9: {  	v2 =	vmax.f32 v2, $0.0e+00;
	v1 =	vmax.f32 v51, $0.0e+00;
	v52 =	vadd.f32 v12, v27;
	[tilespmem:s24+$0xCC80] =	vst v0  }
0x1ca: {  	[tilespmem:s24+$0xCC90] =	vst v2;
	v57 =	vadd.f32 v6, v54;
	v56 =	vadd.f32 v4, v28;
	v4 =	vmul.f32 v8, v25  }
0x1cb: {  	p0 =	sne.s32 s22, $0x7;
	[tilespmem:s24+$0xCCA0] =	vst v1;
	v6 =	vmul.f32 v8, v26;
	v55 =	vadd.f32 v52, v5;
	v5 =	vadd.f32 v7, v30  }
.Ltmp2:
0x1cc: {  	[tilespmem:s24+$0xCCB0] =	vst v53;
	v60 =	vmax.f32 v57, $0.0e+00;
	v59 =	vadd.f32 v56, v4;
	(pc) =	sbr.rel @p0 .LBB2_3-.Ltmp2, $4  }
0x1cd: {  	v58 =	vmax.f32 v55, $0.0e+00;
	v61 =	vadd.f32 v5, v6;
	[tilespmem:s24+$0xCCD0] =	vst v60  }
0x1ce: {  	[tilespmem:s24+$0xCCC0] =	vst v58;
	v62 =	vmax.f32 v59, $0.0e+00  }
0x1cf: {  	v15 =	vimm.s32 $0x4;
	v13 =	vimm.s32 $0x2;
	v63 =	vmax.f32 v61, $0.0e+00;
	[tilespmem:s24+$0xCCE0] =	vst v62  }
0x1d0: {  	s22 =	sadd.s32 $0x1, s22;
	v14 =	vimm.s32 $0x3;
	v12 =	vimm.s32 $0x1;
	v7 =	vimm.s32 $0x0;
	[tilespmem:s24+$0xCCF0] =	vst v63  }
0x1d1: {  	s22 =	sshll.u32 s19, $0x5  }
0x1d2: {  	s23 =	sadd.s32 s2, s22;
	s22 =	simm.s32 $0x0  }
0x1d3: {  	[hbm4b:s23+s22] =	stream.linear.scatter [tilespmem:s21], [sflag:$0x4], $0x8000, $0x38;
	[tilespmem:$0x1C580] =	vst v63  }
0x1d4: {  	_ =	swait.ge [sflag:s10], $0x8000  }
0x1d5: {  	s23 =	sor.u32 $0x80, s19;
	[sflag:s10] =	ssyncset.done $0x0  }
0x1d6: {  	s24 =	sadd.s32 s6, s23;
	[sflag:s10] =	ssyncadd.s32 $0xFFFF8000  }
0x1d7: {  	[tilespmem:s7], [sflag:$0x6] =	stream.linear.gather [hbm4b:s24+s22], $0x400, $0x38;
	[tilespmem:$0x1C580] =	vst v63  }
0x1d8: {  	_ =	swait.ge [sflag:s15], $0x400  }
0x1d9: {  	[sflag:s15] =	ssyncset.done $0x0  }
0x1da: {  	s24 =	sshrl.u32 s23, $0x4;
	[sflag:s15] =	ssyncadd.s32 $0xFFFFFC00  }
.LBB2_5:
0x1db: {  	s25 =	sshll.u32 s22, $0x4  }
0x1dc: {  	s25 =	sand.u32 $0x3FFFFFF0, s25  }
0x1dd: {  	s26 =	sor.u32 s24, s22;
	v0 =	vld [tilespmem:s25+$0xC080]  }
0x1de: {  	v1 =	vmov s26;
	_ =	sdelay $0x4  }
0x1df: {  	v4 =	vld.idx.msk [tilespmem:v1+s3+$0x0], $0xffff  }
0x1e0: {  	v5 =	vld.idx.msk [tilespmem:v1+s16+$0x0], $0xffff  }
0x1e1: {  	v2 =	vld.idx.msk [tilespmem:v0+s3+$0x0], $0xffff  }
0x1e2: {  	v3 =	vld.idx.msk [tilespmem:v0+s16+$0x0], $0xffff  }
0x1e3: {  	v1 =	vld.idx.msk [tilespmem:v1+s17+$0x0], $0xffff  }
0x1e4: {  	v0 =	vld.idx.msk [tilespmem:v0+s17+$0x0], $0xffff;
	_ =	sdelay $0x2  }
0x1e5: {  	v2 =	vsub.f32 v2, v4;
	v3 =	vsub.f32 v3, v5;
	_ =	sdelay $0x1  }
0x1e6: {  	v0 =	vsub.f32 v0, v1;
	v44 =	vmul.f32 v2, v2;
	v45 =	vmul.f32 v3, v3;
	_ =	sdelay $0x1  }
0x1e7: {  	v0 =	vmul.f32 v0, v0;
	v1 =	vadd.f32 v45, v44;
	_ =	sdelay $0x1  }
0x1e8: {  	v0 =	vadd.f32 v0, v1;
	_ =	sdelay $0x1  }
0x1e9: {  	v1 =	vshra.s32 v0, $0x1  }
0x1ea: {  	v1 =	vadd.s32 $0x1FBD1DF5, v1  }
0x1eb: {  	(erf) = vrcp.f32 v1;
	_ =	sdelay $0x8  }
0x1ec: {  	v46 =	vpop (erf)  }
0x1ed: {  	v2 =	vmul.f32 v46, v0;
	_ =	sdelay $0x1  }
0x1ee: {  	v1 =	vadd.f32 v1, v2;
	_ =	sdelay $0x1  }
0x1ef: {  	v1 =	vmul.f32 $5.000000000e-01, v1;
	_ =	sdelay $0x1  }
0x1f0: {  	(erf) = vrcp.f32 v1;
	_ =	sdelay $0x1  }
0x1f1: {  	s26 =	sshll.u32 s22, $0x7  }
0x1f2: {  	s26 =	sand.u32 $0x3FFFFF80, s26  }
0x1f3: {  	v34 =	vld [tilespmem:s26+$0x1C100]  }
0x1f4: {  	v32 =	vld [tilespmem:s26+$0x1C110]  }
0x1f5: {  	v33 =	vld [tilespmem:s26+$0x1C120]  }
0x1f6: {  	v31 =	vld [tilespmem:s26+$0x1C130]  }
0x1f7: {  	v27 =	vld [tilespmem:s26+$0x1C140]  }
0x1f8: {  	s25 =	sshll.u32 s22, $0xC;
	v29 =	vld [tilespmem:s26+$0x1C150];
	v47 =	vpop (erf)  }
0x1f9: {  	s25 =	sand.u32 $0x3FFFF000, s25;
	v28 =	vld [tilespmem:s26+$0x1C160];
	v0 =	vmul.f32 v47, v0  }
0x1fa: {  	v48 =	vld [tilespmem:s25+$0x14100]  }
0x1fb: {  	v49 =	vld [tilespmem:s25+$0x14110];
	v0 =	vadd.f32 v0, v1  }
0x1fc: {  	v55 =	vld [tilespmem:s25+$0x14120]  }
0x1fd: {  	v5 =	vld [tilespmem:s25+$0x14130];
	v35 =	vmul.f32 $5.000000000e-01, v0  }
0x1fe: {  	v30 =	vld [tilespmem:s26+$0x1C170]  }
0x1ff: {  	v11 =	vld [tilespmem:s25+$0x14190];
	v50 =	vperm.xlane v35, v7  }
0x200: {  	v8 =	vld [tilespmem:s25+$0x14160];
	v1 =	vadd.f32 v48, v34  }
0x201: {  	v0 =	vadd.f32 v49, v32;
	v7 =	vld [tilespmem:s25+$0x14140];
	v4 =	vmul.f32 v50, v19;
	v6 =	vmul.f32 v50, v20  }
0x202: {  	v57 =	vld [tilespmem:s25+$0x14170];
	v3 =	vadd.f32 v55, v33;
	v58 =	vadd.f32 v5, v31;
	v5 =	vmul.f32 v50, v22  }
0x203: {  	v59 =	vld [tilespmem:s25+$0x141A0];
	v1 =	vadd.f32 v1, v4;
	v0 =	vadd.f32 v0, v6;
	v6 =	vmul.f32 v50, v21  }
0x204: {  	v46 =	vld [tilespmem:s25+$0x141D0];
	v47 =	vadd.f32 v11, v32;
	v9 =	vmul.f32 v50, v23;
	v10 =	vmul.f32 v50, v24  }
0x205: {  	v2 =	vmul.f32 v50, v26;
	v4 =	vld [tilespmem:s25+$0x14150];
	v37 =	vmax.f32 v1, $0.0e+00;
	v56 =	vadd.f32 v3, v6  }
0x206: {  	v63 =	vld [tilespmem:s25+$0x14240];
	v36 =	vmax.f32 v0, $0.0e+00;
	v6 =	vadd.f32 v7, v27;
	v3 =	vadd.f32 v58, v5  }
0x207: {  	v7 =	vld [tilespmem:s25+$0x14180];
	v5 =	vadd.f32 v8, v28;
	v8 =	vmul.f32 v50, v25;
	v1 =	vadd.f32 v57, v30  }
0x208: {  	v57 =	vld [tilespmem:s25+$0x14210];
	[tilespmem:s25+$0x14100] =	vst v37;
	v37 =	vimm.s32 $0x5;
	v6 =	vadd.f32 v6, v9;
	v9 =	vperm.xlane v35, v12  }
0x209: {  	v53 =	vmax.f32 v56, $0.0e+00;
	v41 =	vadd.f32 v5, v8;
	v43 =	vadd.f32 v1, v2  }
0x20a: {  	v5 =	vld [tilespmem:s25+$0x141B0];
	v61 =	vmax.f32 v3, $0.0e+00;
	v2 =	vadd.f32 v46, v29;
	v4 =	vadd.f32 v4, v29  }
0x20b: {  	v12 =	vld [tilespmem:s25+$0x141C0];
	v8 =	vmul.f32 v9, v19;
	v48 =	vmax.f32 v6, $0.0e+00;
	v6 =	vadd.f32 v59, v33  }
0x20c: {  	v39 =	vmax.f32 v41, $0.0e+00;
	v4 =	vadd.f32 v4, v10;
	v7 =	vadd.f32 v7, v34  }
0x20d: {  	v49 =	vmul.f32 v9, v23;
	v1 =	vadd.f32 v57, v32;
	v57 =	vadd.f32 v63, v27  }
0x20e: {  	v44 =	vmax.f32 v4, $0.0e+00;
	v45 =	vadd.f32 v7, v8;
	v4 =	vmul.f32 v9, v20  }
0x20f: {  	v50 =	vld [tilespmem:s25+$0x141E0];
	v7 =	vmul.f32 v9, v21;
	v5 =	vadd.f32 v5, v31;
	v8 =	vmul.f32 v9, v22  }
0x210: {  	v54 =	vmax.f32 v43, $0.0e+00;
	v59 =	vld [tilespmem:s25+$0x14220];
	v3 =	vadd.f32 v47, v4;
	v4 =	vadd.f32 v12, v27  }
0x211: {  	[tilespmem:s25+$0x14170] =	vst v54;
	v54 =	vimm.s32 $0x6;
	v6 =	vadd.f32 v6, v7;
	v5 =	vadd.f32 v5, v8;
	v7 =	vld [tilespmem:s25+$0x141F0]  }
0x212: {  	v51 =	vld [tilespmem:s25+$0x14200];
	v8 =	vmul.f32 v9, v24;
	v38 =	vmax.f32 v45, $0.0e+00;
	v4 =	vadd.f32 v4, v49  }
0x213: {  	v12 =	vld [tilespmem:s25+$0x14250];
	v55 =	vmax.f32 v3, $0.0e+00;
	v45 =	vmax.f32 v6, $0.0e+00;
	v41 =	vmax.f32 v5, $0.0e+00  }
0x214: {  	v2 =	vadd.f32 v2, v8;
	v5 =	vmul.f32 v9, v25;
	v6 =	vperm.xlane v35, v13  }
0x215: {  	v49 =	vadd.f32 v59, v33;
	v58 =	vmax.f32 v4, $0.0e+00;
	v4 =	vadd.f32 v50, v28  }
0x216: {  	v8 =	vld [tilespmem:s25+$0x14230];
	v62 =	vmul.f32 v6, v19;
	v50 =	vmul.f32 v6, v21;
	v60 =	vadd.f32 v7, v30  }
0x217: {  	v7 =	vmul.f32 v9, v26;
	v4 =	vadd.f32 v4, v5;
	v5 =	vadd.f32 v51, v34  }
0x218: {  	v40 =	vmax.f32 v2, $0.0e+00;
	v59 =	vadd.f32 v12, v29;
	v51 =	vadd.f32 v49, v50  }
0x219: {  	v13 =	vld [tilespmem:s25+$0x14260];
	v2 =	vadd.f32 v60, v7;
	v7 =	vmul.f32 v6, v20;
	v5 =	vadd.f32 v5, v62  }
0x21a: {  	v60 =	vld [tilespmem:s25+$0x14290];
	v3 =	vmax.f32 v4, $0.0e+00;
	v43 =	vmax.f32 v51, $0.0e+00;
	v62 =	vmul.f32 v6, v25  }
0x21b: {  	v4 =	vld [tilespmem:s25+$0x14270];
	v1 =	vadd.f32 v1, v7;
	v7 =	vadd.f32 v8, v31;
	v8 =	vmul.f32 v6, v22  }
0x21c: {  	v63 =	vld [tilespmem:s25+$0x142A0];
	[tilespmem:$0x1FFC0] =	vst v58;
	v58 =	vmax.f32 v2, $0.0e+00;
	v56 =	vmax.f32 v5, $0.0e+00;
	v5 =	vmul.f32 v6, v23  }
0x21d: {  	v46 =	vmax.f32 v1, $0.0e+00;
	v52 =	vadd.f32 v7, v8;
	v7 =	vld [tilespmem:s25+$0x14280];
	v8 =	vmul.f32 v6, v24  }
0x21e: {  	v6 =	vmul.f32 v6, v26;
	[tilespmem:s25+$0x14200] =	vst v56;
	v2 =	vadd.f32 v57, v5;
	v5 =	vadd.f32 v13, v28  }
0x21f: {  	v56 =	vld [tilespmem:s25+$0x14480];
	v9 =	vadd.f32 v60, v32;
	[tilespmem:s25+$0x14210] =	vst v46;
	v46 =	vimm.s32 $0xA;
	v42 =	vmax.f32 v52, $0.0e+00  }
0x220: {  	v1 =	vadd.f32 v59, v8;
	v4 =	vadd.f32 v4, v30;
	v49 =	vmax.f32 v2, $0.0e+00  }
0x221: {  	v8 =	vld [tilespmem:s25+$0x142B0];
	v51 =	vadd.f32 v5, v62;
	v5 =	vperm.xlane v35, v14;
	v62 =	vadd.f32 v63, v33  }
0x222: {  	v47 =	vmax.f32 v1, $0.0e+00;
	v52 =	vadd.f32 v4, v6;
	v6 =	vld [tilespmem:s25+$0x142C0];
	v4 =	vadd.f32 v7, v34  }
0x223: {  	v7 =	vmul.f32 v5, v19;
	v60 =	vmul.f32 v5, v20;
	v59 =	vmax.f32 v51, $0.0e+00  }
0x224: {  	[tilespmem:s25+$0x14240] =	vst v49;
	v63 =	vmul.f32 v5, v21;
	v10 =	vmul.f32 v5, v22;
	v49 =	vadd.f32 v56, v34  }
0x225: {  	v12 =	vld [tilespmem:s25+$0x142D0];
	v0 =	vmul.f32 v5, v24;
	v50 =	vadd.f32 v4, v7;
	v4 =	vadd.f32 v9, v60  }
0x226: {  	v13 =	vld [tilespmem:s25+$0x14300];
	v57 =	vmax.f32 v52, $0.0e+00;
	v51 =	vadd.f32 v62, v63;
	v8 =	vadd.f32 v8, v31  }
0x227: {  	v7 =	vld [tilespmem:s25+$0x142E0];
	v9 =	vperm.xlane v35, v15;
	v2 =	vmax.f32 v50, $0.0e+00;
	v52 =	vadd.f32 v6, v27  }
0x228: {  	v11 =	vld [tilespmem:s25+$0x142F0];
	v6 =	vmul.f32 v5, v23;
	v62 =	vmax.f32 v4, $0.0e+00;
	v50 =	vmax.f32 v51, $0.0e+00  }
0x229: {  	v4 =	vadd.f32 v8, v10;
	v10 =	vld [tilespmem:s25+$0x14320];
	v15 =	vmul.f32 v9, v20;
	v16 =	vmul.f32 v9, v21  }
0x22a: {  	v8 =	vld [tilespmem:s25+$0x14310];
	v18 =	vmul.f32 v9, v25;
	v1 =	vadd.f32 v52, v6;
	v6 =	vadd.f32 v12, v29  }
0x22b: {  	v60 =	vmax.f32 v4, $0.0e+00;
	v52 =	vld [tilespmem:s25+$0x14330];
	v12 =	vadd.f32 v13, v34;
	v13 =	vmul.f32 v9, v19  }
0x22c: {  	v4 =	vadd.f32 v7, v28;
	v7 =	vmul.f32 v5, v25;
	v63 =	vadd.f32 v6, v0  }
0x22d: {  	v17 =	vld [tilespmem:s25+$0x14350];
	v5 =	vmul.f32 v5, v26;
	v6 =	vadd.f32 v11, v30;
	v12 =	vadd.f32 v12, v13  }
0x22e: {  	v14 =	vld [tilespmem:s25+$0x14340];
	v51 =	vmax.f32 v1, $0.0e+00;
	v4 =	vadd.f32 v4, v7;
	v10 =	vadd.f32 v10, v33  }
0x22f: {  	v13 =	vld [tilespmem:s25+$0x14360];
	v8 =	vadd.f32 v8, v32;
	v7 =	vmax.f32 v63, $0.0e+00;
	v63 =	vadd.f32 v6, v5  }
0x230: {  	v0 =	vmul.f32 v9, v22;
	v10 =	vadd.f32 v10, v16;
	v1 =	vadd.f32 v52, v31  }
0x231: {  	v6 =	vmax.f32 v4, $0.0e+00;
	v8 =	vadd.f32 v8, v15;
	v15 =	vld [tilespmem:s25+$0x14370];
	v4 =	vmax.f32 v12, $0.0e+00  }
0x232: {  	v12 =	vld [tilespmem:s25+$0x14390];
	v16 =	vmul.f32 v9, v24;
	v52 =	vmax.f32 v10, $0.0e+00;
	v1 =	vadd.f32 v1, v0  }
0x233: {  	v10 =	vadd.f32 v14, v27;
	v0 =	vmul.f32 v9, v23;
	v14 =	vadd.f32 v17, v29  }
0x234: {  	v5 =	vmax.f32 v63, $0.0e+00;
	v63 =	vmax.f32 v8, $0.0e+00;
	v8 =	vld [tilespmem:s25+$0x14380];
	v13 =	vadd.f32 v13, v28  }
0x235: {  	[tilespmem:s25+$0x14270] =	vst v57;
	v57 =	vimm.s32 $0x8;
	v17 =	vld [tilespmem:s25+$0x143A0];
	v10 =	vadd.f32 v10, v0;
	v11 =	vadd.f32 v14, v16  }
0x236: {  	[tilespmem:s25+$0x14110] =	vst v36;
	v14 =	vperm.xlane v35, v37;
	v36 =	vmax.f32 v1, $0.0e+00;
	v1 =	vadd.f32 v13, v18;
	v13 =	vld [tilespmem:s25+$0x143B0]  }
0x237: {  	[tilespmem:s25+$0x14120] =	vst v53;
	v9 =	vmul.f32 v9, v26;
	v16 =	vld [tilespmem:s25+$0x143C0];
	v15 =	vadd.f32 v15, v30;
	v12 =	vadd.f32 v12, v32  }
0x238: {  	[tilespmem:s25+$0x14130] =	vst v61;
	v0 =	vld [tilespmem:s25+$0x143D0];
	v18 =	vmul.f32 v14, v20;
	v53 =	vmul.f32 v14, v21;
	v61 =	vmax.f32 v10, $0.0e+00  }
0x239: {  	[tilespmem:s25+$0x14160] =	vst v39;
	v9 =	vadd.f32 v15, v9;
	v8 =	vadd.f32 v8, v34;
	v15 =	vmul.f32 v14, v19  }
0x23a: {  	[tilespmem:s25+$0x14150] =	vst v44;
	v44 =	vmax.f32 v11, $0.0e+00;
	v39 =	vmax.f32 v1, $0.0e+00;
	v17 =	vadd.f32 v17, v33  }
0x23b: {  	v10 =	vld [tilespmem:s25+$0x143E0];
	v1 =	vadd.f32 v12, v18;
	v18 =	vmul.f32 v14, v25;
	v8 =	vadd.f32 v8, v15  }
0x23c: {  	[tilespmem:s25+$0x14140] =	vst v48;
	v12 =	vld [tilespmem:s25+$0x143F0];
	v11 =	vadd.f32 v17, v53;
	v48 =	vmax.f32 v9, $0.0e+00;
	v9 =	vadd.f32 v13, v31  }
0x23d: {  	[tilespmem:s25+$0x14190] =	vst v55;
	v13 =	vmul.f32 v14, v22;
	v55 =	vadd.f32 v16, v27;
	v0 =	vadd.f32 v0, v29  }
0x23e: {  	v15 =	vld [tilespmem:s25+$0x14410];
	v16 =	vmul.f32 v14, v24;
	v37 =	vmax.f32 v1, $0.0e+00;
	v53 =	vmax.f32 v8, $0.0e+00  }
0x23f: {  	v1 =	vmax.f32 v11, $0.0e+00;
	v8 =	vld [tilespmem:s25+$0x14400];
	v9 =	vadd.f32 v9, v13;
	v13 =	vmul.f32 v14, v23  }
0x240: {  	v17 =	vld [tilespmem:s25+$0x14420];
	v10 =	vadd.f32 v10, v28;
	v14 =	vmul.f32 v14, v26;
	v0 =	vadd.f32 v0, v16  }
0x241: {  	[tilespmem:s25+$0x14180] =	vst v38;
	v12 =	vadd.f32 v12, v30;
	v11 =	vadd.f32 v55, v13;
	v13 =	vperm.xlane v35, v54  }
0x242: {  	[tilespmem:s25+$0x141A0] =	vst v45;
	v16 =	vld [tilespmem:s25+$0x14430];
	v54 =	vimm.s32 $0x7;
	v38 =	vmax.f32 v9, $0.0e+00;
	v9 =	vadd.f32 v10, v18  }
0x243: {  	[tilespmem:s25+$0x141D0] =	vst v40;
	v40 =	vmax.f32 v0, $0.0e+00;
	v10 =	vadd.f32 v12, v14;
	v12 =	vld [tilespmem:s25+$0x14440];
	v14 =	vadd.f32 v15, v32  }
0x244: {  	[tilespmem:s25+$0x141E0] =	vst v3;
	v15 =	vld [tilespmem:s25+$0x14450];
	v18 =	vmul.f32 v13, v20;
	v3 =	vadd.f32 v8, v34;
	v8 =	vmul.f32 v13, v19  }
0x245: {  	[tilespmem:s25+$0x141B0] =	vst v41;
	v17 =	vadd.f32 v17, v33;
	v55 =	vmul.f32 v13, v21;
	v41 =	vmax.f32 v11, $0.0e+00;
	v11 =	vld [tilespmem:s25+$0x14460]  }
0x246: {  	v45 =	vld [tilespmem:$0x1FFC0];
	[tilespmem:s25+$0x141F0] =	vst v58;
	v58 =	vadd.f32 v3, v8;
	v3 =	vmax.f32 v9, $0.0e+00;
	v8 =	vadd.f32 v14, v18  }
0x247: {  	v9 =	vadd.f32 v17, v55;
	v14 =	vadd.f32 v16, v31;
	v16 =	vmul.f32 v13, v22;
	v17 =	vld [tilespmem:s25+$0x14470]  }
0x248: {  	v18 =	vmul.f32 v13, v23;
	v55 =	vmul.f32 v13, v24;
	v12 =	vadd.f32 v12, v27  }
0x249: {  	[tilespmem:s25+$0x14220] =	vst v43;
	v15 =	vadd.f32 v15, v29;
	v43 =	vmax.f32 v58, $0.0e+00;
	v58 =	vadd.f32 v14, v16  }
0x24a: {  	[tilespmem:s25+$0x14230] =	vst v42;
	v14 =	vld [tilespmem:s25+$0x14490];
	v42 =	vmax.f32 v8, $0.0e+00;
	v11 =	vadd.f32 v11, v28;
	v16 =	vperm.xlane v35, v54  }
0x24b: {  	[tilespmem:s25+$0x141C0] =	vst v45;
	v56 =	vld [tilespmem:s25+$0x144E0];
	v8 =	vadd.f32 v12, v18;
	v12 =	vadd.f32 v15, v55;
	v15 =	vmul.f32 v13, v25  }
0x24c: {  	[tilespmem:s25+$0x14250] =	vst v47;
	v10 =	vmax.f32 v10, $0.0e+00;
	v18 =	vld [tilespmem:s25+$0x144A0];
	v13 =	vmul.f32 v13, v26;
	v17 =	vadd.f32 v17, v30  }
0x24d: {  	[tilespmem:s25+$0x14260] =	vst v59;
	v9 =	vmax.f32 v9, $0.0e+00;
	v54 =	vld [tilespmem:s25+$0x144B0];
	v59 =	vadd.f32 v11, v15;
	v15 =	vmul.f32 v16, v19  }
0x24e: {  	[tilespmem:s25+$0x142F0] =	vst v5;
	v55 =	vld [tilespmem:s25+$0x144C0];
	v0 =	vmax.f32 v58, $0.0e+00;
	v5 =	vmul.f32 v16, v23;
	v13 =	vadd.f32 v17, v13  }
0x24f: {  	[tilespmem:s25+$0x14290] =	vst v62;
	v14 =	vadd.f32 v14, v32;
	v17 =	vmul.f32 v16, v20;
	v11 =	vadd.f32 v49, v15;
	v15 =	vld [tilespmem:s25+$0x144D0]  }
0x250: {  	v62 =	vld [tilespmem:s25+$0x14910];
	[tilespmem:s25+$0x142B0] =	vst v60;
	v60 =	vmul.f32 v16, v24;
	v8 =	vmax.f32 v8, $0.0e+00;
	v49 =	vmax.f32 v59, $0.0e+00  }
0x251: {  	[tilespmem:s25+$0x142E0] =	vst v6;
	v59 =	vld [tilespmem:s25+$0x14900];
	v14 =	vadd.f32 v14, v17;
	v17 =	vadd.f32 v18, v33;
	v18 =	vmul.f32 v16, v21  }
0x252: {  	[tilespmem:s25+$0x14310] =	vst v63;
	v63 =	vld [tilespmem:s25+$0x14920];
	v12 =	vmax.f32 v12, $0.0e+00;
	v6 =	vadd.f32 v54, v31;
	v13 =	vmax.f32 v13, $0.0e+00  }
0x253: {  	[tilespmem:s25+$0x142D0] =	vst v7;
	v7 =	vmax.f32 v11, $0.0e+00;
	v58 =	vadd.f32 v17, v18;
	v17 =	vmul.f32 v16, v22  }
0x254: {  	[tilespmem:s25+$0x14280] =	vst v2;
	v2 =	vmax.f32 v14, $0.0e+00;
	v18 =	vadd.f32 v55, v27;
	v15 =	vadd.f32 v15, v29  }
0x255: {  	[tilespmem:s25+$0x14300] =	vst v4;
	v4 =	vadd.f32 v6, v17;
	v6 =	vadd.f32 v56, v28;
	v17 =	vmul.f32 v16, v25  }
0x256: {  	[tilespmem:s25+$0x14320] =	vst v52;
	v14 =	vld [tilespmem:s25+$0x144F0];
	v5 =	vadd.f32 v18, v5;
	v18 =	vperm.xlane v35, v57;
	v52 =	vadd.f32 v59, v34  }
0x257: {  	[tilespmem:s25+$0x142A0] =	vst v50;
	v55 =	vld [tilespmem:s25+$0x14940];
	v11 =	vmax.f32 v58, $0.0e+00;
	v57 =	vadd.f32 v62, v32;
	v59 =	vadd.f32 v63, v33  }
0x258: {  	[tilespmem:s25+$0x142C0] =	vst v51;
	v16 =	vmul.f32 v16, v26;
	v15 =	vadd.f32 v15, v60;
	v6 =	vadd.f32 v6, v17  }
0x259: {  	[tilespmem:s25+$0x14330] =	vst v36;
	v56 =	vld [tilespmem:s25+$0x14950];
	v54 =	vmul.f32 v18, v19;
	v4 =	vmax.f32 v4, $0.0e+00;
	v58 =	vmul.f32 v18, v20  }
0x25a: {  	[tilespmem:s25+$0x14340] =	vst v61;
	v17 =	vld [tilespmem:s25+$0x14930];
	v5 =	vmax.f32 v5, $0.0e+00;
	v60 =	vmul.f32 v18, v21;
	v61 =	vmul.f32 v18, v22  }
0x25b: {  	[tilespmem:s25+$0x14360] =	vst v39;
	v63 =	vmul.f32 v18, v23;
	v14 =	vadd.f32 v14, v30;
	v39 =	vadd.f32 v57, v58;
	v57 =	vld [tilespmem:s25+$0x14980]  }
0x25c: {  	[tilespmem:s25+$0x14380] =	vst v53;
	v62 =	vadd.f32 v55, v27;
	v15 =	vmax.f32 v15, $0.0e+00;
	v53 =	vadd.f32 v59, v60;
	v59 =	vld [tilespmem:s25+$0x149A0]  }
0x25d: {  	[tilespmem:s25+$0x14350] =	vst v44;
	v6 =	vmax.f32 v6, $0.0e+00;
	v14 =	vadd.f32 v14, v16;
	v16 =	vadd.f32 v52, v54;
	v52 =	vld [tilespmem:s25+$0x14960]  }
0x25e: {  	[tilespmem:s25+$0x14390] =	vst v37;
	v54 =	vld [tilespmem:s25+$0x14970];
	v55 =	vadd.f32 v62, v63;
	v36 =	vadd.f32 v56, v29;
	v56 =	vmul.f32 v18, v24  }
0x25f: {  	[tilespmem:s25+$0x143B0] =	vst v38;
	v58 =	vld [tilespmem:s25+$0x14990];
	v62 =	vmul.f32 v18, v25;
	v18 =	vmul.f32 v18, v26;
	v38 =	vmax.f32 v39, $0.0e+00  }
0x260: {  	[tilespmem:s25+$0x143A0] =	vst v1;
	v37 =	vmax.f32 v53, $0.0e+00;
	v17 =	vadd.f32 v17, v31;
	v14 =	vmax.f32 v14, $0.0e+00  }
0x261: {  	[tilespmem:s25+$0x143C0] =	vst v41;
	v63 =	vld [tilespmem:s25+$0x149B0];
	v16 =	vmax.f32 v16, $0.0e+00;
	v1 =	vmax.f32 v55, $0.0e+00;
	v36 =	vadd.f32 v36, v56  }
0x262: {  	[tilespmem:s25+$0x14900] =	vst v16;
	v16 =	vld [tilespmem:s25+$0x14A90];
	v17 =	vadd.f32 v17, v61;
	v61 =	vimm.s32 $0x9;
	v41 =	vadd.f32 v59, v33  }
0x263: {  	[tilespmem:s25+$0x14370] =	vst v48;
	v60 =	vadd.f32 v52, v28;
	v47 =	vperm.xlane v35, v61;
	v50 =	vadd.f32 v54, v30  }
0x264: {  	[tilespmem:s25+$0x143E0] =	vst v3;
	v3 =	vmax.f32 v36, $0.0e+00;
	v52 =	vadd.f32 v57, v34;
	v54 =	vadd.f32 v58, v32  }
0x265: {  	[tilespmem:s25+$0x143D0] =	vst v40;
	v58 =	vld [tilespmem:s25+$0x149D0];
	v17 =	vmax.f32 v17, $0.0e+00;
	v51 =	vadd.f32 v60, v62;
	v53 =	vmul.f32 v47, v19  }
0x266: {  	[tilespmem:s25+$0x143F0] =	vst v10;
	v56 =	vld [tilespmem:s25+$0x149C0];
	v18 =	vadd.f32 v50, v18;
	v55 =	vmul.f32 v47, v20;
	v57 =	vmul.f32 v47, v21  }
0x267: {  	[tilespmem:s25+$0x14420] =	vst v9;
	v60 =	vadd.f32 v63, v31;
	v61 =	vmul.f32 v47, v22;
	v63 =	vld [tilespmem:s25+$0x149F0];
	v16 =	vadd.f32 v16, v32  }
0x268: {  	[tilespmem:s25+$0x14430] =	vst v0;
	v48 =	vmul.f32 v47, v23;
	v50 =	vld [tilespmem:s25+$0x14A00];
	v40 =	vadd.f32 v52, v53;
	v59 =	vadd.f32 v54, v55  }
0x269: {  	[tilespmem:s25+$0x14440] =	vst v8;
	v62 =	vld [tilespmem:s25+$0x149E0];
	v0 =	vmax.f32 v51, $0.0e+00;
	v10 =	vmax.f32 v18, $0.0e+00;
	v18 =	vadd.f32 v41, v57  }
0x26a: {  	[tilespmem:s25+$0x14450] =	vst v12;
	v36 =	vadd.f32 v60, v61;
	v52 =	vmul.f32 v47, v24;
	v53 =	vld [tilespmem:s25+$0x14A10];
	v51 =	vadd.f32 v58, v29  }
0x26b: {  	[tilespmem:s25+$0x14460] =	vst v49;
	v54 =	vmul.f32 v47, v25;
	v8 =	vmax.f32 v40, $0.0e+00;
	v9 =	vmax.f32 v59, $0.0e+00  }
0x26c: {  	v49 =	vld [tilespmem:s25+$0x14A70];
	[tilespmem:s25+$0x14480] =	vst v7;
	v12 =	vmax.f32 v18, $0.0e+00;
	v18 =	vadd.f32 v56, v27;
	v7 =	vadd.f32 v51, v52  }
0x26d: {  	[tilespmem:s25+$0x14470] =	vst v13;
	v56 =	vmul.f32 v47, v26;
	v59 =	vld [tilespmem:s25+$0x14A40];
	v41 =	vadd.f32 v63, v30;
	v40 =	vadd.f32 v50, v34  }
0x26e: {  	[tilespmem:s25+$0x14490] =	vst v2;
	v55 =	vld [tilespmem:s25+$0x14A20];
	v36 =	vmax.f32 v36, $0.0e+00;
	v13 =	vadd.f32 v18, v48;
	v18 =	vadd.f32 v62, v28  }
0x26f: {  	[tilespmem:s25+$0x144A0] =	vst v11;
	v47 =	vld [tilespmem:s25+$0x14A60];
	v7 =	vmax.f32 v7, $0.0e+00;
	v58 =	vadd.f32 v41, v56;
	v60 =	vadd.f32 v53, v32  }
0x270: {  	[tilespmem:s25+$0x144B0] =	vst v4;
	v63 =	vld [tilespmem:s25+$0x14A50];
	v53 =	vimm.s32 $0xB;
	v2 =	vmax.f32 v13, $0.0e+00;
	v13 =	vadd.f32 v18, v54  }
0x271: {  	[tilespmem:s25+$0x149B0] =	vst v36;
	v36 =	vld [tilespmem:s25+$0x14C20];
	v18 =	vperm.xlane v35, v46;
	v41 =	vperm.xlane v35, v53;
	v11 =	vmax.f32 v58, $0.0e+00  }
0x272: {  	[tilespmem:s25+$0x144F0] =	vst v14;
	v14 =	vadd.f32 v59, v27;
	v58 =	vadd.f32 v49, v30;
	v59 =	vimm.s32 $0xC  }
0x273: {  	[tilespmem:s25+$0x144C0] =	vst v5;
	v57 =	vld [tilespmem:s25+$0x14A30];
	v4 =	vmul.f32 v18, v19;
	v61 =	vmul.f32 v18, v20;
	v5 =	vmax.f32 v13, $0.0e+00  }
0x274: {  	v13 =	vadd.f32 v55, v33;
	v62 =	vmul.f32 v18, v21;
	v48 =	vmul.f32 v18, v22  }
0x275: {  	[tilespmem:s25+$0x144D0] =	vst v15;
	v51 =	vld [tilespmem:s25+$0x14A80];
	v50 =	vmul.f32 v18, v23;
	v52 =	vadd.f32 v63, v29;
	v54 =	vmul.f32 v18, v24  }
0x276: {  	[tilespmem:s25+$0x14970] =	vst v10;
	v55 =	vadd.f32 v47, v28;
	v56 =	vmul.f32 v18, v25;
	v10 =	vadd.f32 v36, v33  }
0x277: {  	[tilespmem:s25+$0x144E0] =	vst v6;
	v46 =	vld [tilespmem:s25+$0x14AC0];
	v18 =	vmul.f32 v18, v26;
	v4 =	vadd.f32 v40, v4;
	v15 =	vadd.f32 v60, v61  }
0x278: {  	[tilespmem:s25+$0x14930] =	vst v17;
	v63 =	vmul.f32 v41, v19;
	v6 =	vadd.f32 v13, v62;
	v13 =	vadd.f32 v57, v31  }
0x279: {  	[tilespmem:s25+$0x14980] =	vst v8;
	v8 =	vmul.f32 v41, v21;
	v14 =	vadd.f32 v14, v50;
	v17 =	vadd.f32 v52, v54  }
0x27a: {  	[tilespmem:s25+$0x14400] =	vst v43;
	v53 =	vmul.f32 v41, v23;
	v57 =	vld [tilespmem:s25+$0x14AA0];
	v61 =	vadd.f32 v55, v56;
	v62 =	vadd.f32 v51, v34  }
0x27b: {  	[tilespmem:s25+$0x14410] =	vst v42;
	v60 =	vld [tilespmem:s25+$0x14AB0];
	v45 =	vadd.f32 v58, v18;
	v18 =	vmul.f32 v41, v20;
	v50 =	vmul.f32 v41, v22  }
0x27c: {  	[tilespmem:s25+$0x14910] =	vst v38;
	v55 =	vmul.f32 v41, v24;
	v56 =	vmul.f32 v41, v25;
	v58 =	vld [tilespmem:s25+$0x14B30];
	v52 =	vadd.f32 v46, v27  }
0x27d: {  	[tilespmem:s25+$0x14920] =	vst v37;
	v54 =	vld [tilespmem:s25+$0x14B10];
	v4 =	vmax.f32 v4, $0.0e+00;
	v15 =	vmax.f32 v15, $0.0e+00;
	v13 =	vadd.f32 v13, v48  }
0x27e: {  	[tilespmem:s25+$0x14940] =	vst v1;
	v6 =	vmax.f32 v6, $0.0e+00;
	v48 =	vld [tilespmem:s25+$0x14AD0];
	v49 =	vmax.f32 v17, $0.0e+00;
	v16 =	vadd.f32 v16, v18  }
0x27f: {  	[tilespmem:s25+$0x14950] =	vst v3;
	v18 =	vld [tilespmem:s25+$0x14AE0];
	v1 =	vmax.f32 v61, $0.0e+00;
	v3 =	vmax.f32 v45, $0.0e+00;
	v47 =	vmax.f32 v13, $0.0e+00  }
0x280: {  	v42 =	vld [tilespmem:s25+$0x14B70];
	[tilespmem:s25+$0x14960] =	vst v0;
	v13 =	vmax.f32 v14, $0.0e+00;
	v14 =	vadd.f32 v62, v63;
	v17 =	vadd.f32 v57, v33  }
0x281: {  	[tilespmem:s25+$0x149A0] =	vst v12;
	v45 =	vld [tilespmem:s25+$0x14B80];
	v12 =	vmax.f32 v16, $0.0e+00;
	v39 =	vadd.f32 v60, v31;
	v63 =	vadd.f32 v58, v31  }
0x282: {  	v57 =	vld [tilespmem:s25+$0x14B20];
	[tilespmem:s25+$0x14A30] =	vst v47;
	v47 =	vimm.s32 $0xD;
	v58 =	vimm.s32 $0xE;
	v8 =	vadd.f32 v17, v8  }
0x283: {  	[tilespmem:s25+$0x149D0] =	vst v7;
	v60 =	vld [tilespmem:s25+$0x14B40];
	v51 =	vmax.f32 v14, $0.0e+00;
	v16 =	vadd.f32 v39, v50;
	v37 =	vadd.f32 v48, v29  }
0x284: {  	[tilespmem:s25+$0x14A90] =	vst v12;
	v14 =	vld [tilespmem:s25+$0x14AF0];
	v12 =	vperm.xlane v35, v47;
	v18 =	vadd.f32 v18, v28;
	v39 =	vadd.f32 v54, v32  }
0x285: {  	[tilespmem:s25+$0x149C0] =	vst v2;
	v7 =	vmax.f32 v8, $0.0e+00;
	v8 =	vmax.f32 v16, $0.0e+00;
	v16 =	vadd.f32 v52, v53  }
0x286: {  	[tilespmem:s25+$0x149E0] =	vst v5;
	v54 =	vmul.f32 v12, v21;
	v2 =	vadd.f32 v37, v55;
	v5 =	vadd.f32 v18, v56  }
0x287: {  	[tilespmem:s25+$0x14A00] =	vst v4;
	v17 =	vld [tilespmem:s25+$0x14B00];
	v18 =	vperm.xlane v35, v59;
	v37 =	vadd.f32 v42, v30;
	v53 =	vmul.f32 v12, v19  }
0x288: {  	[tilespmem:s25+$0x14A80] =	vst v51;
	v51 =	vld [tilespmem:s25+$0x14BB0];
	v56 =	vmul.f32 v12, v22;
	v62 =	vadd.f32 v57, v33;
	v38 =	vadd.f32 v60, v27  }
0x289: {  	[tilespmem:s25+$0x14AB0] =	vst v8;
	v8 =	vadd.f32 v45, v34;
	v59 =	vadd.f32 v14, v30;
	v14 =	vmul.f32 v41, v26  }
0x28a: {  	[tilespmem:s25+$0x14A10] =	vst v15;
	v4 =	vmul.f32 v18, v19;
	v61 =	vmul.f32 v18, v20;
	v15 =	vmax.f32 v16, $0.0e+00  }
0x28b: {  	[tilespmem:s25+$0x14A40] =	vst v13;
	v60 =	vld [tilespmem:s25+$0x14C00];
	v2 =	vmax.f32 v2, $0.0e+00;
	v5 =	vmax.f32 v5, $0.0e+00;
	v13 =	vmul.f32 v18, v22  }
0x28c: {  	[tilespmem:s25+$0x149F0] =	vst v11;
	v45 =	vld [tilespmem:s25+$0x14CA0];
	v43 =	vmul.f32 v18, v23;
	v17 =	vadd.f32 v17, v34;
	v55 =	vadd.f32 v8, v53  }
0x28d: {  	[tilespmem:s25+$0x14A20] =	vst v6;
	v50 =	vmul.f32 v18, v25;
	v8 =	vadd.f32 v51, v31;
	v11 =	vadd.f32 v59, v14;
	v14 =	vld [tilespmem:s25+$0x14B50]  }
0x28e: {  	v16 =	vld [tilespmem:s25+$0x14B60];
	[tilespmem:s25+$0x14AC0] =	vst v15;
	v6 =	vadd.f32 v39, v61;
	v4 =	vadd.f32 v17, v4;
	v17 =	vmul.f32 v18, v21  }
0x28f: {  	v15 =	vmul.f32 v12, v20;
	[tilespmem:s25+$0x14AD0] =	vst v2;
	v8 =	vadd.f32 v8, v56;
	v2 =	vmax.f32 v55, $0.0e+00  }
0x290: {  	[tilespmem:s25+$0x14990] =	vst v9;
	v44 =	vmax.f32 v11, $0.0e+00;
	v46 =	vmax.f32 v6, $0.0e+00;
	v0 =	vadd.f32 v62, v17;
	v17 =	vld [tilespmem:s25+$0x14B90]  }
0x291: {  	[tilespmem:s25+$0x14A50] =	vst v49;
	v6 =	vadd.f32 v63, v13;
	v13 =	vadd.f32 v38, v43;
	v63 =	vperm.xlane v35, v58  }
0x292: {  	[tilespmem:s25+$0x14A60] =	vst v1;
	v49 =	vld [tilespmem:s25+$0x14BA0];
	v11 =	vadd.f32 v60, v34;
	v48 =	vadd.f32 v14, v29;
	v14 =	vmul.f32 v18, v24  }
0x293: {  	[tilespmem:s25+$0x14A70] =	vst v3;
	v57 =	vld [tilespmem:s25+$0x14BE0];
	v9 =	vadd.f32 v45, v33;
	v4 =	vmax.f32 v4, $0.0e+00;
	v16 =	vadd.f32 v16, v28  }
0x294: {  	[tilespmem:s25+$0x14AA0] =	vst v7;
	v41 =	vmax.f32 v8, $0.0e+00;
	v6 =	vmax.f32 v6, $0.0e+00;
	v3 =	vadd.f32 v48, v14;
	v14 =	vld [tilespmem:s25+$0x14BC0]  }
0x295: {  	[tilespmem:s25+$0x14AE0] =	vst v5;
	v18 =	vmul.f32 v18, v26;
	v7 =	vadd.f32 v16, v50;
	v16 =	vadd.f32 v17, v32;
	v17 =	vld [tilespmem:s25+$0x14BD0]  }
0x296: {  	v47 =	vld [tilespmem:s25+$0x14CB0];
	v5 =	vmax.f32 v13, $0.0e+00;
	[tilespmem:s25+$0x14B00] =	vst v4;
	v4 =	vmul.f32 v12, v23;
	v40 =	vmul.f32 v63, v21  }
0x297: {  	[tilespmem:s25+$0x14AF0] =	vst v44;
	v8 =	vmul.f32 v63, v23;
	v52 =	vadd.f32 v37, v18;
	v18 =	vadd.f32 v49, v33  }
0x298: {  	v44 =	vmul.f32 v63, v24;
	v0 =	vmax.f32 v0, $0.0e+00;
	[tilespmem:s25+$0x14B30] =	vst v6;
	v13 =	vadd.f32 v16, v15;
	v16 =	vld [tilespmem:s25+$0x14BF0]  }
0x299: {  	v6 =	vadd.f32 v57, v28;
	[tilespmem:s25+$0x14B40] =	vst v5;
	v5 =	vmul.f32 v12, v26;
	v15 =	vadd.f32 v18, v54;
	v18 =	vld [tilespmem:s25+$0x14C10]  }
0x29a: {  	[tilespmem:s25+$0x14B80] =	vst v2;
	v59 =	vadd.f32 v14, v27;
	v14 =	vadd.f32 v17, v29;
	v17 =	vmul.f32 v12, v24  }
0x29b: {  	[tilespmem:s25+$0x14B10] =	vst v46;
	v2 =	vadd.f32 v10, v40;
	v10 =	vadd.f32 v47, v31;
	v39 =	vmax.f32 v13, $0.0e+00  }
0x29c: {  	[tilespmem:s25+$0x14BB0] =	vst v41;
	v13 =	vld [tilespmem:s25+$0x14C60];
	v62 =	vadd.f32 v59, v4;
	v4 =	vadd.f32 v14, v17;
	v14 =	vmul.f32 v12, v25  }
0x29d: {  	[tilespmem:s25+$0x14B20] =	vst v0;
	v61 =	vmax.f32 v7, $0.0e+00;
	v16 =	vadd.f32 v16, v30;
	v17 =	vld [tilespmem:s25+$0x14C30];
	v12 =	vmul.f32 v63, v19  }
0x29e: {  	[tilespmem:s25+$0x14B60] =	vst v61;
	v2 =	vmax.f32 v2, $0.0e+00;
	v38 =	vadd.f32 v6, v14;
	v6 =	vadd.f32 v18, v32;
	v18 =	vld [tilespmem:s25+$0x14C40]  }
0x29f: {  	v3 =	vmax.f32 v3, $0.0e+00;
	v7 =	vmax.f32 v52, $0.0e+00;
	[tilespmem:s25+$0x14C20] =	vst v2;
	v11 =	vadd.f32 v11, v12;
	v12 =	vld [tilespmem:s25+$0x14C50]  }
0x2a0: {  	[tilespmem:s25+$0x14B70] =	vst v7;
	v7 =	vmax.f32 v15, $0.0e+00;
	v14 =	vmul.f32 v63, v20;
	v5 =	vadd.f32 v16, v5;
	v16 =	vld [tilespmem:s25+$0x14C70]  }
0x2a1: {  	[tilespmem:s25+$0x14B50] =	vst v3;
	v15 =	vmul.f32 v63, v22;
	v0 =	vmax.f32 v62, $0.0e+00;
	v13 =	vadd.f32 v13, v28  }
0x2a2: {  	[tilespmem:s25+$0x14B90] =	vst v39;
	v4 =	vmax.f32 v4, $0.0e+00;
	v6 =	vadd.f32 v6, v14;
	v14 =	vadd.f32 v17, v31  }
0x2a3: {  	[tilespmem:s25+$0x14BA0] =	vst v7;
	v3 =	vmax.f32 v38, $0.0e+00;
	v46 =	vmax.f32 v5, $0.0e+00;
	v42 =	vadd.f32 v18, v27  }
0x2a4: {  	[tilespmem:s25+$0x14BC0] =	vst v0;
	v7 =	vadd.f32 v14, v15;
	v43 =	vadd.f32 v12, v29;
	v12 =	vld [tilespmem:s25+$0x14C80];
	v14 =	vmul.f32 v63, v25  }
0x2a5: {  	[tilespmem:s25+$0x14BD0] =	vst v4;
	v4 =	vadd.f32 v16, v30;
	v1 =	vadd.f32 v42, v8;
	v8 =	vmul.f32 v63, v26  }
0x2a6: {  	[tilespmem:s25+$0x14BE0] =	vst v3;
	v15 =	vld [tilespmem:s25+$0x14C90];
	v16 =	vimm.s32 $0xF;
	v0 =	vadd.f32 v43, v44;
	v5 =	vadd.f32 v13, v14  }
0x2a7: {  	[tilespmem:s25+$0x14BF0] =	vst v46;
	v48 =	vadd.f32 v4, v8;
	v4 =	vmax.f32 v11, $0.0e+00;
	v8 =	vperm.xlane v35, v16  }
0x2a8: {  	v1 =	vmax.f32 v1, $0.0e+00;
	v0 =	vmax.f32 v0, $0.0e+00;
	[tilespmem:s25+$0x14C00] =	vst v4;
	v4 =	vmax.f32 v6, $0.0e+00  }
0x2a9: {  	v14 =	vld [tilespmem:s25+$0x14CD0];
	v6 =	vmax.f32 v7, $0.0e+00;
	[tilespmem:s25+$0x14C10] =	vst v4;
	v4 =	vadd.f32 v12, v34;
	v7 =	vmul.f32 v8, v19  }
0x2aa: {  	v5 =	vmax.f32 v5, $0.0e+00;
	v12 =	vld [tilespmem:s25+$0x14CC0];
	[tilespmem:s25+$0x14C30] =	vst v6;
	v6 =	vmul.f32 v8, v21;
	v13 =	vmul.f32 v8, v22  }
0x2ab: {  	v49 =	vadd.f32 v15, v32;
	[tilespmem:s25+$0x14C40] =	vst v1;
	v50 =	vmul.f32 v8, v20;
	v51 =	vadd.f32 v4, v7;
	v4 =	vld [tilespmem:s25+$0x14CE0]  }
0x2ac: {  	[tilespmem:s25+$0x14C50] =	vst v0;
	v3 =	vmax.f32 v48, $0.0e+00;
	v52 =	vadd.f32 v9, v6;
	v6 =	vadd.f32 v10, v13;
	v7 =	vld [tilespmem:s25+$0x14CF0]  }
0x2ad: {  	[tilespmem:s25+$0x14C60] =	vst v5;
	v5 =	vmul.f32 v8, v23;
	v55 =	vmul.f32 v8, v24;
	v2 =	vadd.f32 v49, v50  }
0x2ae: {  	[tilespmem:s25+$0x14C70] =	vst v3;
	v1 =	vmax.f32 v51, $0.0e+00;
	v54 =	vmax.f32 v6, $0.0e+00;
	v6 =	vadd.f32 v14, v29  }
0x2af: {  	v2 =	vmax.f32 v2, $0.0e+00;
	v0 =	vmax.f32 v52, $0.0e+00;
	v53 =	vadd.f32 v12, v27;
	[tilespmem:s25+$0x14C80] =	vst v1  }
0x2b0: {  	[tilespmem:s25+$0x14C90] =	vst v2;
	v58 =	vadd.f32 v6, v55;
	v57 =	vadd.f32 v4, v28;
	v4 =	vmul.f32 v8, v25  }
0x2b1: {  	p0 =	sne.s32 s22, $0x7;
	[tilespmem:s25+$0x14CA0] =	vst v0;
	v6 =	vmul.f32 v8, v26;
	v56 =	vadd.f32 v53, v5;
	v5 =	vadd.f32 v7, v30  }
.Ltmp3:
0x2b2: {  	[tilespmem:s25+$0x14CB0] =	vst v54;
	v0 =	vmax.f32 v58, $0.0e+00;
	v60 =	vadd.f32 v57, v4;
	(pc) =	sbr.rel @p0 .LBB2_5-.Ltmp3, $4  }
0x2b3: {  	v59 =	vmax.f32 v56, $0.0e+00;
	v61 =	vadd.f32 v5, v6;
	[tilespmem:s25+$0x14CD0] =	vst v0  }
0x2b4: {  	[tilespmem:s25+$0x14CC0] =	vst v59;
	v62 =	vmax.f32 v60, $0.0e+00  }
0x2b5: {  	v15 =	vimm.s32 $0x4;
	v13 =	vimm.s32 $0x2;
	v63 =	vmax.f32 v61, $0.0e+00;
	[tilespmem:s25+$0x14CE0] =	vst v62  }
0x2b6: {  	s22 =	sadd.s32 $0x1, s22;
	v14 =	vimm.s32 $0x3;
	v12 =	vimm.s32 $0x1;
	v7 =	vimm.s32 $0x0;
	[tilespmem:s25+$0x14CF0] =	vst v63  }
0x2b7: {  	p0 =	seq.s32 s11, $0x1F  }
.Ltmp4:
0x2b8: {  	_ = 	snop;
	(pc) =	sbr.rel @p0 .LBB2_8-.Ltmp4, $4  }
0x2b9: {  	_ = 	snop  }
0x2ba: {  	s22 =	sshll.u32 s23, $0x5  }
0x2bb: {  	s22 =	sadd.s32 s2, s22  }
0x2bc: {  	[hbm4b:s22+s3] =	stream.linear.scatter [tilespmem:s13], [sflag:$0x5], $0x8000, $0x38;
	[tilespmem:$0x1C580] =	vst v63  }
0x2bd: {  	s19 =	sshrl.u32 s19, $0x3  }
0x2be: {  	s19 =	sadd.s32 s9, s19  }
0x2bf: {  	s23 =	simm.s32 $0xC000;
	s22 =	sadd.s32 $0x20, s19  }
0x2c0: {  	[tilespmem:s23], [sflag:$0x1] =	stream.linear.gather [hbm4b:s22+s3], $0x80, $0x38;
	[tilespmem:$0x1C580] =	vst v63  }
0x2c1: {  	_ =	swait.ge [sflag:s20], $0x80  }
0x2c2: {  	[sflag:s20] =	ssyncset.done $0x0  }
0x2c3: {  	[sflag:s20] =	ssyncadd.s32 $0xFFFFFF80  }
0x2c4: {  	_ =	swait.ge [sflag:s12], $0x8000  }
0x2c5: {  	[sflag:s12] =	ssyncset.done $0x0  }
0x2c6: {  	[sflag:s12] =	ssyncadd.s32 $0xFFFF8000  }
0x2c7: {  	v0 =	vld [tilespmem:$0xC000];
	_ =	sdelay $0x2  }
0x2c8: {  	v2 =	vld [tilespmem:$0x1FFD0]  }
0x2c9: {  	v3 =	vld [tilespmem:$0x1FFE0]  }
0x2ca: {  	v4 =	vld [tilespmem:$0x1FFF0];
	v1 =	vshll.u32 v0, $0x1  }
0x2cb: {  	v0 =	vand.u32 $0x7, v0;
	v1 =	vand.u32 $0xFFFFFFF0, v1  }
0x2cc: {  	v0 =	vor.u32 v0, v1  }
0x2cd: {  	v1 =	vperm.xlane v0, v2;
	_ =	sdelay $0x1  }
0x2ce: {  	v0 =	vperm.xlane v0, v4;
	v1 =	vadd.s32 v3, v1;
	_ =	sdelay $0x1  }
0x2cf: {  	v0 =	vadd.s32 v3, v0;
	_ =	sdelay $0x2  }
0x2d0: {  	[tilespmem:s21], [sflag:$0x2] =	stream.indirect_vreg.gather [hbm4b:s5+s3], $0x80, v1, vm0, $0xb8;
	[tilespmem:$0x1C580] =	vst v63  }
0x2d1: {  	s24 =	simm.s32 $0xC900  }
0x2d2: {  	[tilespmem:s24], [sflag:$0x2] =	stream.indirect_vreg.gather [hbm4b:s5+s3], $0x80, v0, vm0, $0xb8;
	[tilespmem:$0x1C580] =	vst v63  }
0x2d3: {  	v0 =	vld [tilespmem:$0xC010];
	_ =	sdelay $0x4  }
0x2d4: {  	v48 =	vshll.u32 v0, $0x1  }
0x2d5: {  	v0 =	vand.u32 $0x7, v0;
	v1 =	vand.u32 $0xFFFFFFF0, v48  }
0x2d6: {  	v0 =	vor.u32 v0, v1  }
0x2d7: {  	v1 =	vperm.xlane v0, v2;
	_ =	sdelay $0x1  }
0x2d8: {  	v0 =	vperm.xlane v0, v4;
	v1 =	vadd.s32 v3, v1;
	_ =	sdelay $0x1  }
0x2d9: {  	v0 =	vadd.s32 v3, v0;
	_ =	sdelay $0x1  }
0x2da: {  	s25 =	simm.s32 $0xD100  }
0x2db: {  	[tilespmem:s25], [sflag:$0x2] =	stream.indirect_vreg.gather [hbm4b:s5+s3], $0x80, v1, vm0, $0xb8;
	[tilespmem:$0x1C580] =	vst v63  }
0x2dc: {  	s26 =	simm.s32 $0xD900  }
0x2dd: {  	[tilespmem:s26], [sflag:$0x2] =	stream.indirect_vreg.gather [hbm4b:s5+s3], $0x80, v0, vm0, $0xb8;
	[tilespmem:$0x1C580] =	vst v63  }
0x2de: {  	v0 =	vld [tilespmem:$0xC020];
	_ =	sdelay $0x4  }
0x2df: {  	v49 =	vshll.u32 v0, $0x1  }
0x2e0: {  	v0 =	vand.u32 $0x7, v0;
	v1 =	vand.u32 $0xFFFFFFF0, v49  }
0x2e1: {  	v0 =	vor.u32 v0, v1  }
0x2e2: {  	v1 =	vperm.xlane v0, v2;
	_ =	sdelay $0x1  }
0x2e3: {  	v0 =	vperm.xlane v0, v4;
	v1 =	vadd.s32 v3, v1;
	_ =	sdelay $0x1  }
0x2e4: {  	v0 =	vadd.s32 v3, v0;
	_ =	sdelay $0x1  }
0x2e5: {  	s23 =	simm.s32 $0xE100  }
0x2e6: {  	[tilespmem:s23], [sflag:$0x2] =	stream.indirect_vreg.gather [hbm4b:s5+s3], $0x80, v1, vm0, $0xb8;
	[tilespmem:$0x1C580] =	vst v63  }
0x2e7: {  	s24 =	simm.s32 $0xE900  }
0x2e8: {  	[tilespmem:s24], [sflag:$0x2] =	stream.indirect_vreg.gather [hbm4b:s5+s3], $0x80, v0, vm0, $0xb8;
	[tilespmem:$0x1C580] =	vst v63  }
0x2e9: {  	v0 =	vld [tilespmem:$0xC030];
	_ =	sdelay $0x4  }
0x2ea: {  	v50 =	vshll.u32 v0, $0x1  }
0x2eb: {  	v0 =	vand.u32 $0x7, v0;
	v1 =	vand.u32 $0xFFFFFFF0, v50  }
0x2ec: {  	v0 =	vor.u32 v0, v1  }
0x2ed: {  	v1 =	vperm.xlane v0, v2;
	_ =	sdelay $0x1  }
0x2ee: {  	v0 =	vperm.xlane v0, v4;
	v1 =	vadd.s32 v3, v1;
	_ =	sdelay $0x1  }
0x2ef: {  	v0 =	vadd.s32 v3, v0;
	_ =	sdelay $0x1  }
0x2f0: {  	s25 =	simm.s32 $0xF100  }
0x2f1: {  	[tilespmem:s25], [sflag:$0x2] =	stream.indirect_vreg.gather [hbm4b:s5+s3], $0x80, v1, vm0, $0xb8;
	[tilespmem:$0x1C580] =	vst v63  }
0x2f2: {  	s26 =	simm.s32 $0xF900  }
0x2f3: {  	[tilespmem:s26], [sflag:$0x2] =	stream.indirect_vreg.gather [hbm4b:s5+s3], $0x80, v0, vm0, $0xb8;
	[tilespmem:$0x1C580] =	vst v63  }
0x2f4: {  	v0 =	vld [tilespmem:$0xC040];
	_ =	sdelay $0x4  }
0x2f5: {  	v51 =	vshll.u32 v0, $0x1  }
0x2f6: {  	v0 =	vand.u32 $0x7, v0;
	v1 =	vand.u32 $0xFFFFFFF0, v51  }
0x2f7: {  	v0 =	vor.u32 v0, v1  }
0x2f8: {  	v1 =	vperm.xlane v0, v2;
	_ =	sdelay $0x1  }
0x2f9: {  	v0 =	vperm.xlane v0, v4;
	v1 =	vadd.s32 v3, v1;
	_ =	sdelay $0x1  }
0x2fa: {  	v0 =	vadd.s32 v3, v0;
	_ =	sdelay $0x1  }
0x2fb: {  	s23 =	simm.s32 $0x10100  }
0x2fc: {  	[tilespmem:s23], [sflag:$0x2] =	stream.indirect_vreg.gather [hbm4b:s5+s3], $0x80, v1, vm0, $0xb8;
	[tilespmem:$0x1C580] =	vst v63  }
0x2fd: {  	s24 =	simm.s32 $0x10900  }
0x2fe: {  	[tilespmem:s24], [sflag:$0x2] =	stream.indirect_vreg.gather [hbm4b:s5+s3], $0x80, v0, vm0, $0xb8;
	[tilespmem:$0x1C580] =	vst v63  }
0x2ff: {  	v0 =	vld [tilespmem:$0xC050];
	_ =	sdelay $0x4  }
0x300: {  	v52 =	vshll.u32 v0, $0x1  }
0x301: {  	v0 =	vand.u32 $0x7, v0;
	v1 =	vand.u32 $0xFFFFFFF0, v52  }
0x302: {  	v0 =	vor.u32 v0, v1  }
0x303: {  	v1 =	vperm.xlane v0, v2;
	_ =	sdelay $0x1  }
0x304: {  	v0 =	vperm.xlane v0, v4;
	v1 =	vadd.s32 v3, v1;
	_ =	sdelay $0x1  }
0x305: {  	v0 =	vadd.s32 v3, v0;
	_ =	sdelay $0x1  }
0x306: {  	s25 =	simm.s32 $0x11100  }
0x307: {  	[tilespmem:s25], [sflag:$0x2] =	stream.indirect_vreg.gather [hbm4b:s5+s3], $0x80, v1, vm0, $0xb8;
	[tilespmem:$0x1C580] =	vst v63  }
0x308: {  	s26 =	simm.s32 $0x11900  }
0x309: {  	[tilespmem:s26], [sflag:$0x2] =	stream.indirect_vreg.gather [hbm4b:s5+s3], $0x80, v0, vm0, $0xb8;
	[tilespmem:$0x1C580] =	vst v63  }
0x30a: {  	v0 =	vld [tilespmem:$0xC060];
	_ =	sdelay $0x4  }
0x30b: {  	v53 =	vshll.u32 v0, $0x1  }
0x30c: {  	v0 =	vand.u32 $0x7, v0;
	v1 =	vand.u32 $0xFFFFFFF0, v53  }
0x30d: {  	v0 =	vor.u32 v0, v1  }
0x30e: {  	v1 =	vperm.xlane v0, v2;
	_ =	sdelay $0x1  }
0x30f: {  	v0 =	vperm.xlane v0, v4;
	v1 =	vadd.s32 v3, v1;
	_ =	sdelay $0x1  }
0x310: {  	v0 =	vadd.s32 v3, v0;
	_ =	sdelay $0x1  }
0x311: {  	s23 =	simm.s32 $0x12100  }
0x312: {  	[tilespmem:s23], [sflag:$0x2] =	stream.indirect_vreg.gather [hbm4b:s5+s3], $0x80, v1, vm0, $0xb8;
	[tilespmem:$0x1C580] =	vst v63  }
0x313: {  	s24 =	simm.s32 $0x12900  }
0x314: {  	[tilespmem:s24], [sflag:$0x2] =	stream.indirect_vreg.gather [hbm4b:s5+s3], $0x80, v0, vm0, $0xb8;
	[tilespmem:$0x1C580] =	vst v63  }
0x315: {  	v0 =	vld [tilespmem:$0xC070];
	_ =	sdelay $0x4  }
0x316: {  	v54 =	vshll.u32 v0, $0x1  }
0x317: {  	v0 =	vand.u32 $0x7, v0;
	v1 =	vand.u32 $0xFFFFFFF0, v54  }
0x318: {  	v0 =	vor.u32 v0, v1  }
0x319: {  	v1 =	vperm.xlane v0, v2;
	_ =	sdelay $0x1  }
0x31a: {  	v0 =	vperm.xlane v0, v4;
	v1 =	vadd.s32 v3, v1;
	_ =	sdelay $0x1  }
0x31b: {  	v0 =	vadd.s32 v3, v0;
	_ =	sdelay $0x1  }
0x31c: {  	s25 =	simm.s32 $0x13100  }
0x31d: {  	[tilespmem:s25], [sflag:$0x2] =	stream.indirect_vreg.gather [hbm4b:s5+s3], $0x80, v1, vm0, $0xb8;
	[tilespmem:$0x1C580] =	vst v63  }
0x31e: {  	s26 =	simm.s32 $0x13900  }
0x31f: {  	[tilespmem:s26], [sflag:$0x2] =	stream.indirect_vreg.gather [hbm4b:s5+s3], $0x80, v0, vm0, $0xb8;
	[tilespmem:$0x1C580] =	vst v63  }
0x320: {  	s19 =	sadd.s32 $0x30, s19;
	s23 =	simm.s32 $0xC080  }
0x321: {  	[tilespmem:s23], [sflag:$0x1] =	stream.linear.gather [hbm4b:s19+s3], $0x80, $0x38;
	[tilespmem:$0x1C580] =	vst v63  }
0x322: {  	_ =	swait.ge [sflag:s20], $0x80  }
0x323: {  	[sflag:s20] =	ssyncset.done $0x0  }
0x324: {  	[sflag:s20] =	ssyncadd.s32 $0xFFFFFF80  }
0x325: {  	_ =	swait.ge [sflag:s14], $0x8000  }
0x326: {  	[sflag:s14] =	ssyncset.done $0x0  }
0x327: {  	[sflag:s14] =	ssyncadd.s32 $0xFFFF8000  }
0x328: {  	v55 =	vld [tilespmem:$0xC080];
	_ =	sdelay $0x4  }
0x329: {  	v56 =	vshll.u32 v55, $0x1  }
0x32a: {  	v0 =	vand.u32 $0x7, v55;
	v1 =	vand.u32 $0xFFFFFFF0, v56  }
0x32b: {  	v0 =	vor.u32 v0, v1  }
0x32c: {  	v1 =	vperm.xlane v0, v2;
	_ =	sdelay $0x1  }
0x32d: {  	v0 =	vperm.xlane v0, v4;
	v1 =	vadd.s32 v3, v1;
	_ =	sdelay $0x1  }
0x32e: {  	v0 =	vadd.s32 v3, v0;
	_ =	sdelay $0x2  }
0x32f: {  	[tilespmem:s13], [sflag:$0x3] =	stream.indirect_vreg.gather [hbm4b:s5+s3], $0x80, v1, vm0, $0xb8;
	[tilespmem:$0x1C580] =	vst v63  }
0x330: {  	s24 =	simm.s32 $0x14900  }
0x331: {  	[tilespmem:s24], [sflag:$0x3] =	stream.indirect_vreg.gather [hbm4b:s5+s3], $0x80, v0, vm0, $0xb8;
	[tilespmem:$0x1C580] =	vst v63  }
0x332: {  	v0 =	vld [tilespmem:$0xC090];
	_ =	sdelay $0x4  }
0x333: {  	v57 =	vshll.u32 v0, $0x1  }
0x334: {  	v0 =	vand.u32 $0x7, v0;
	v1 =	vand.u32 $0xFFFFFFF0, v57  }
0x335: {  	v0 =	vor.u32 v0, v1  }
0x336: {  	v1 =	vperm.xlane v0, v2;
	_ =	sdelay $0x1  }
0x337: {  	v0 =	vperm.xlane v0, v4;
	v1 =	vadd.s32 v3, v1;
	_ =	sdelay $0x1  }
0x338: {  	v0 =	vadd.s32 v3, v0;
	_ =	sdelay $0x1  }
0x339: {  	s25 =	simm.s32 $0x15100  }
0x33a: {  	[tilespmem:s25], [sflag:$0x3] =	stream.indirect_vreg.gather [hbm4b:s5+s3], $0x80, v1, vm0, $0xb8;
	[tilespmem:$0x1C580] =	vst v63  }
0x33b: {  	s26 =	simm.s32 $0x15900  }
0x33c: {  	[tilespmem:s26], [sflag:$0x3] =	stream.indirect_vreg.gather [hbm4b:s5+s3], $0x80, v0, vm0, $0xb8;
	[tilespmem:$0x1C580] =	vst v63  }
0x33d: {  	v0 =	vld [tilespmem:$0xC0A0];
	_ =	sdelay $0x4  }
0x33e: {  	v58 =	vshll.u32 v0, $0x1  }
0x33f: {  	v0 =	vand.u32 $0x7, v0;
	v1 =	vand.u32 $0xFFFFFFF0, v58  }
0x340: {  	v0 =	vor.u32 v0, v1  }
0x341: {  	v1 =	vperm.xlane v0, v2;
	_ =	sdelay $0x1  }
0x342: {  	v0 =	vperm.xlane v0, v4;
	v1 =	vadd.s32 v3, v1;
	_ =	sdelay $0x1  }
0x343: {  	v0 =	vadd.s32 v3, v0;
	_ =	sdelay $0x1  }
0x344: {  	s22 =	simm.s32 $0x16100  }
0x345: {  	[tilespmem:s22], [sflag:$0x3] =	stream.indirect_vreg.gather [hbm4b:s5+s3], $0x80, v1, vm0, $0xb8;
	[tilespmem:$0x1C580] =	vst v63  }
0x346: {  	s23 =	simm.s32 $0x16900  }
0x347: {  	[tilespmem:s23], [sflag:$0x3] =	stream.indirect_vreg.gather [hbm4b:s5+s3], $0x80, v0, vm0, $0xb8;
	[tilespmem:$0x1C580] =	vst v63  }
0x348: {  	v0 =	vld [tilespmem:$0xC0B0];
	_ =	sdelay $0x4  }
0x349: {  	v59 =	vshll.u32 v0, $0x1  }
0x34a: {  	v0 =	vand.u32 $0x7, v0;
	v1 =	vand.u32 $0xFFFFFFF0, v59  }
0x34b: {  	v0 =	vor.u32 v0, v1  }
0x34c: {  	v1 =	vperm.xlane v0, v2;
	_ =	sdelay $0x1  }
0x34d: {  	v0 =	vperm.xlane v0, v4;
	v1 =	vadd.s32 v3, v1;
	_ =	sdelay $0x1  }
0x34e: {  	v0 =	vadd.s32 v3, v0;
	_ =	sdelay $0x1  }
0x34f: {  	s24 =	simm.s32 $0x17100  }
0x350: {  	[tilespmem:s24], [sflag:$0x3] =	stream.indirect_vreg.gather [hbm4b:s5+s3], $0x80, v1, vm0, $0xb8;
	[tilespmem:$0x1C580] =	vst v63  }
0x351: {  	s25 =	simm.s32 $0x17900  }
0x352: {  	[tilespmem:s25], [sflag:$0x3] =	stream.indirect_vreg.gather [hbm4b:s5+s3], $0x80, v0, vm0, $0xb8;
	[tilespmem:$0x1C580] =	vst v63  }
0x353: {  	v0 =	vld [tilespmem:$0xC0C0];
	_ =	sdelay $0x4  }
0x354: {  	v60 =	vshll.u32 v0, $0x1  }
0x355: {  	v0 =	vand.u32 $0x7, v0;
	v1 =	vand.u32 $0xFFFFFFF0, v60  }
0x356: {  	v0 =	vor.u32 v0, v1  }
0x357: {  	v1 =	vperm.xlane v0, v2;
	_ =	sdelay $0x1  }
0x358: {  	v0 =	vperm.xlane v0, v4;
	v1 =	vadd.s32 v3, v1;
	_ =	sdelay $0x1  }
0x359: {  	v0 =	vadd.s32 v3, v0;
	_ =	sdelay $0x1  }
0x35a: {  	s26 =	simm.s32 $0x18100  }
0x35b: {  	[tilespmem:s26], [sflag:$0x3] =	stream.indirect_vreg.gather [hbm4b:s5+s3], $0x80, v1, vm0, $0xb8;
	[tilespmem:$0x1C580] =	vst v63  }
0x35c: {  	_ = 	snop  }
0x35d: {  	[tilespmem:s28], [sflag:$0x3] =	stream.indirect_vreg.gather [hbm4b:s5+s3], $0x80, v0, vm0, $0xb8;
	[tilespmem:$0x1C580] =	vst v63  }
0x35e: {  	v0 =	vld [tilespmem:$0xC0D0];
	_ =	sdelay $0x4  }
0x35f: {  	v61 =	vshll.u32 v0, $0x1  }
0x360: {  	v0 =	vand.u32 $0x7, v0;
	v1 =	vand.u32 $0xFFFFFFF0, v61  }
0x361: {  	v0 =	vor.u32 v0, v1  }
0x362: {  	v1 =	vperm.xlane v0, v2;
	_ =	sdelay $0x1  }
0x363: {  	v0 =	vperm.xlane v0, v4;
	v1 =	vadd.s32 v3, v1;
	_ =	sdelay $0x1  }
0x364: {  	v0 =	vadd.s32 v3, v0;
	_ =	sdelay $0x2  }
0x365: {  	[tilespmem:s29], [sflag:$0x3] =	stream.indirect_vreg.gather [hbm4b:s5+s3], $0x80, v1, vm0, $0xb8;
	[tilespmem:$0x1C580] =	vst v63  }
0x366: {  	_ = 	snop  }
0x367: {  	[tilespmem:s30], [sflag:$0x3] =	stream.indirect_vreg.gather [hbm4b:s5+s3], $0x80, v0, vm0, $0xb8;
	[tilespmem:$0x1C580] =	vst v63  }
0x368: {  	v0 =	vld [tilespmem:$0xC0E0];
	_ =	sdelay $0x4  }
0x369: {  	v62 =	vshll.u32 v0, $0x1  }
0x36a: {  	v0 =	vand.u32 $0x7, v0;
	v1 =	vand.u32 $0xFFFFFFF0, v62  }
0x36b: {  	v0 =	vor.u32 v0, v1  }
0x36c: {  	v1 =	vperm.xlane v0, v2;
	_ =	sdelay $0x1  }
0x36d: {  	v0 =	vperm.xlane v0, v4;
	v1 =	vadd.s32 v3, v1;
	_ =	sdelay $0x1  }
0x36e: {  	v0 =	vadd.s32 v3, v0;
	_ =	sdelay $0x2  }
0x36f: {  	[tilespmem:s31], [sflag:$0x3] =	stream.indirect_vreg.gather [hbm4b:s5+s3], $0x80, v1, vm0, $0xb8;
	[tilespmem:$0x1C580] =	vst v63  }
0x370: {  	_ = 	snop  }
0x371: {  	[tilespmem:s0], [sflag:$0x3] =	stream.indirect_vreg.gather [hbm4b:s5+s3], $0x80, v0, vm0, $0xb8;
	[tilespmem:$0x1C580] =	vst v63  }
0x372: {  	v0 =	vld [tilespmem:$0xC0F0];
	_ =	sdelay $0x4  }
0x373: {  	v63 =	vshll.u32 v0, $0x1  }
0x374: {  	v0 =	vand.u32 $0x7, v0;
	v1 =	vand.u32 $0xFFFFFFF0, v63  }
0x375: {  	v0 =	vor.u32 v0, v1  }
0x376: {  	v1 =	vperm.xlane v0, v2;
	_ =	sdelay $0x1  }
0x377: {  	v0 =	vperm.xlane v0, v4;
	v1 =	vadd.s32 v3, v1  }
0x378: {  	s11 =	sadd.s32 $0x1, s11  }
0x379: {  	p0 =	sne.s32 s11, $0x20;
	v0 =	vadd.s32 v3, v0  }
.Ltmp5:
0x37a: {  	_ = 	snop;
	(pc) =	sbr.rel @p0 .LBB2_2-.Ltmp5, $4  }
.Ltmp6:
0x37b: {  	_ = 	snop;
	(pc) =	sbr.rel @!p0 .LBB2_8-.Ltmp6, $4  }
0x37c: {  	[tilespmem:s4], [sflag:$0x3] =	stream.indirect_vreg.gather [hbm4b:s5+s3], $0x80, v1, vm0, $0xb8;
	[tilespmem:$0x1C580] =	vst v63  }
0x37d: {  	_ = 	snop  }
0x37e: {  	[tilespmem:s18], [sflag:$0x3] =	stream.indirect_vreg.gather [hbm4b:s5+s3], $0x80, v0, vm0, $0xb8;
	[tilespmem:$0x1C580] =	vst v63  }
0x37f: {  	_ = 	snop  }
.LBB2_9:
0x380: {  	_ =	sfence.sel $0x180000  }
0x381: {  	[bflag:$0x0] =	sbarrier.arrive $0xFFFF  }
0x382: {  	_ =	strace $0x90000047  }
0x383: {  	s0 =	stileid.u32;
	[bflag:$0x2] =	sbarrier.arrive $0xFFFF  }
0x384: {  	p0 =	sne.s32 s0, $0x0;
	s0 =	rddreg [dreg:$0x2]  }
0x385: {  	s0 =	sadd.s32 @!p0 $0x100000, s0  }
0x386: {  	[sflag:s0] =	ssyncadd.tile.s32 @!p0 $0x1;
	_ =	shalt  }
.Lfunc_end2:
_tile_overlayer_lowered:
.L_overlay_start_2:
0x387: {  	(tag) =	ssettag $0x2  }
0x388: {  	s0 =	rddreg [dreg:$0x0];
	s2 =	stileid.u32  }
0x389: {  	s1 =	rddreg [dreg:$0x1];
	p0 =	sne.s32 s2, $0x0  }
0x38a: {  	s3 =	rddreg [dreg:$0x2];
	[bflag:$0x3] =	sbarrier.arrive $0xFFFF;
	s2 =	simm.s32 @!p0 $0x1C06  }
0x38b: {  	[timem:s3], [sflag:s2] =	dma.local @!p0 [hbm:s0], s1  }
0x38c: {  	s0 =	simm.s32 @!p0 $0x6  }
0x38d: {  	_ =	swait.ge @!p0 [sflag:s0], s1  }
0x38e: {  	s1 =	ssub.s32 @!p0 $0x0, s1;
	[sflag:s0] =	ssyncset.done @!p0 $0x0  }
0x38f: {  	[sflag:s0] =	ssyncadd.s32 @!p0 s1  }
0x390: {  	[bflag:$0x3] =	sbarrier.arrive $0xFFFF  }
0x391: {  	_ =	shalt  }

</sc_bundles>
